<compile_context>
chip_gen: v7x
topology: tpu7x:2x2x1
jax: 0.10.2.dev20260603
libtpu: 0.0.44.dev20260713+nightly
codegen_flags: <defaults>
</compile_context>

<pallas_src>
import functools
import jax
import jax.numpy as jnp
from jax import lax
from jax.experimental import pallas as pl
from jax.experimental.pallas import tpu as pltpu
from jax.experimental.pallas import tpu_sc as plsc

K = 10
R_BLK = 200
C = 128
NSC = 2
NTILE = 16


def _pad_rows(n):
    return ((n + 1 + NTILE * 8 - 1) // (NTILE * 8)) * (NTILE * 8)



def _sc_hop(g, srcp, dstp, zeros, nc, acc_rows, d):
    rpt = acc_rows // NTILE

    mesh = plsc.VectorSubcoreMesh(core_axis_name="c", subcore_axis_name="s")

    @functools.partial(
        pl.kernel,
        mesh=mesh,
        out_type=jax.ShapeDtypeStruct((NSC, acc_rows, d), jnp.float32),
        scratch_types=[
            pltpu.VMEM((C,), jnp.int32),
            pltpu.VMEM((C,), jnp.int32),
            pltpu.VMEM((C, d), jnp.float32),
            pltpu.VMEM_SHARED((acc_rows, d), jnp.float32),
            pltpu.SemaphoreType.DMA,
        ],
    )
    def hop(g_hbm, src_hbm, dst_hbm, z_hbm, out_hbm, src_a, dst_a, rows0,
            acc, sem0):
        c = lax.axis_index("c")
        s = lax.axis_index("s")
        row0 = s * rpt
        pltpu.sync_copy(z_hbm.at[pl.ds(row0, rpt)], acc.at[pl.ds(row0, rpt)])
        chunk0 = (c * NTILE + s) * nc
        plsc.subcore_barrier()

        def body(j, carry):
            ch = chunk0 + j
            pltpu.sync_copy(src_hbm.at[pl.ds(ch * C, C)], src_a)
            pltpu.sync_copy(dst_hbm.at[ch], dst_a)
            pltpu.async_copy(g_hbm.at[src_a], rows0, sem0).wait()
            pltpu.sync_copy(rows0, acc.at[dst_a], add=True)
            return carry

        lax.fori_loop(0, nc, body, 0)
        plsc.subcore_barrier()
        pltpu.sync_copy(acc.at[pl.ds(row0, rpt)],
                        out_hbm.at[c, pl.ds(row0, rpt)])

    return hop(g, srcp, dstp, zeros)



def _prep_body(pd_ref, x_ref, g0_ref, di_ref, sd_ref):
    dsum = pd_ref[0, :, 0:1] + pd_ref[1, :, 0:1] + 1.0
    di_ref[...] = 1.0 / dsum
    sd = jnp.sqrt(dsum)
    sd_ref[...] = sd
    g0_ref[...] = x_ref[...] * (sd / dsum)


def _tc_prep(p_deg, x):
    n, d = x.shape
    grid = (n // R_BLK,)
    return pl.pallas_call(
        _prep_body,
        grid=grid,
        in_specs=[
            pl.BlockSpec((NSC, R_BLK, d), lambda i: (0, i, 0)),
            pl.BlockSpec((R_BLK, d), lambda i: (i, 0)),
        ],
        out_specs=[
            pl.BlockSpec((R_BLK, d), lambda i: (i, 0)),
            pl.BlockSpec((R_BLK, 1), lambda i: (i, 0)),
            pl.BlockSpec((R_BLK, 1), lambda i: (i, 0)),
        ],
        out_shape=[
            jax.ShapeDtypeStruct((n, d), jnp.float32),
            jax.ShapeDtypeStruct((n, 1), jnp.float32),
            jax.ShapeDtypeStruct((n, 1), jnp.float32),
        ],
    )(p_deg, x)



def _comb_body(p_ref, g_ref, di_ref, o_ref):
    o_ref[...] = (p_ref[0] + p_ref[1] + g_ref[...]) * di_ref[...]


def _tc_combine(p, g, dinv2):
    n, d = g.shape
    grid = (n // R_BLK,)
    return pl.pallas_call(
        _comb_body,
        grid=grid,
        in_specs=[
            pl.BlockSpec((NSC, R_BLK, d), lambda i: (0, i, 0)),
            pl.BlockSpec((R_BLK, d), lambda i: (i, 0)),
            pl.BlockSpec((R_BLK, 1), lambda i: (i, 0)),
        ],
        out_specs=pl.BlockSpec((R_BLK, d), lambda i: (i, 0)),
        out_shape=jax.ShapeDtypeStruct((n, d), jnp.float32),
    )(p, g, dinv2)



def _final_body(*refs):
    gl = refs[:K + 1]
    sd_ref, w_ref, b_ref, o_ref = refs[K + 1:]
    sd = sd_ref[...]
    G = jnp.stack([g[...] for g in gl], axis=0)
    kk, r, d = G.shape
    t = jax.lax.dot_general(G.reshape(kk * r, d), w_ref[...],
                            (((1,), (0,)), ((), ())))
    t = t.reshape(kk, r, 1)
    s = jax.nn.sigmoid(t * sd[None, :, :] + b_ref[0, 0])
    o_ref[...] = jnp.sum(s * G, axis=0) * sd


def _tc_final(gs, sqrtdeg, W, b):
    n, d = gs[0].shape
    grid = (n // R_BLK,)
    gspec = pl.BlockSpec((R_BLK, d), lambda i: (i, 0))
    return pl.pallas_call(
        _final_body,
        grid=grid,
        in_specs=[gspec] * (K + 1) + [
            pl.BlockSpec((R_BLK, 1), lambda i: (i, 0)),
            pl.BlockSpec((d, 1), lambda i: (0, 0)),
            pl.BlockSpec((1, 1), lambda i: (0, 0)),
        ],
        out_specs=pl.BlockSpec((R_BLK, d), lambda i: (i, 0)),
        out_shape=jax.ShapeDtypeStruct((n, d), jnp.float32),
    )(*gs, sqrtdeg, W, b)



def kernel(x, edge_index, W, b):
    n, d = x.shape
    src = edge_index[0].astype(jnp.int32)
    dst = edge_index[1].astype(jnp.int32)
    e = src.shape[0]

    acc_rows = _pad_rows(n)
    trash = n

    nc = -(-e // (NSC * NTILE * C))
    ep = NSC * NTILE * C * nc
    srcp = jnp.concatenate([src, jnp.zeros((ep - e,), jnp.int32)])
    dstp = jnp.concatenate([dst, jnp.full((ep - e,), trash, jnp.int32)])
    dstp = dstp.reshape(NSC * NTILE * nc, C)

    zeros = jnp.zeros((acc_rows, d), jnp.float32)
    ones_nd = jnp.ones((n, d), jnp.float32)

    p_deg = _sc_hop(ones_nd, srcp, dstp, zeros, nc, acc_rows, d)
    g, dinv2, sqrtdeg = _tc_prep(p_deg, x)

    gs = [g]
    for _ in range(K):
        p = _sc_hop(g, srcp, dstp, zeros, nc, acc_rows, d)
        g = _tc_combine(p, g, dinv2)
        gs.append(g)
    return _tc_final(gs, sqrtdeg, W, b.reshape(1, 1))

# --- scband reference (transcript-rebuilt; emitter-appended) ---
"""Pipeline reference for scband-dagnnconv-27659589386300 (READ-ONLY COPY).

The authoritative reference and input builder live on the scoring server;
editing this copy changes nothing except your own understanding.
"""

import jax, jax.numpy as jnp
import numpy as np

K = 10

def setup_inputs(seed: int = 0) -> dict:
    key = jax.random.key(seed)
    k1, k2, k3 = jax.random.split(key, 3)
    N, E, D = 10000, 320000, 128
    x = jax.random.normal(k1, (N, D), dtype=jnp.float32)
    edge_index = jax.random.randint(k2, (2, E), 0, N, dtype=jnp.int64)
    # Glorot-initialized linear layer: in=D (per-hop features), out=1
    limit = float(np.sqrt(6.0 / (D + 1)))
    W = jax.random.uniform(k3, (D, 1), dtype=jnp.float32, minval=-limit, maxval=limit)
    b = jnp.zeros((1,), dtype=jnp.float32)
    return {"x": x, "edge_index": edge_index, "W": W, "b": b}

def reference(x, edge_index, W, b):
    N = x.shape[0]
    src = edge_index[0]
    dst = edge_index[1]
    # add self-loops
    loop = jnp.arange(N, dtype=edge_index.dtype)
    src = jnp.concatenate([src, loop])
    dst = jnp.concatenate([dst, loop])
    ew = jnp.ones(src.shape[0], dtype=x.dtype)
    # GCN symmetric normalization (no extra self-loops added here)
    deg = jax.ops.segment_sum(ew, dst, num_segments=N)
    dinv = jnp.where(deg > 0, deg ** -0.5, 0.0).astype(x.dtype)
    w = dinv[src] * ew * dinv[dst]
    # K-step propagation: h_i <- sum_{(j->i)} w_ji * h_j
    xs = [x]
    h = x
    for _ in range(K):
        h = jax.ops.segment_sum(h[src] * w[:, None], dst, num_segments=N)
        xs.append(h)
    H = jnp.stack(xs, axis=1)  # [N, K+1, D]
    S = jax.nn.sigmoid(H @ W + b)  # [N, K+1, 1]
    S = jnp.transpose(S, (0, 2, 1))  # [N, 1, K+1]
    out = jnp.squeeze(jnp.matmul(S, H))  # [N, D]
    return out

if __name__ == "__main__":
    import jax
    _d = setup_inputs()
    print(jax.jit(kernel)(*tuple(_d.values())))

</pallas_src>

<mosaic_0001>
#map = affine_map<(d0, d1) -> (0, 0)>
#map1 = affine_map<(d0, d1) -> (0)>
#map2 = affine_map<(d0, d1) -> (0, 0, 0)>
module attributes {stable_mosaic.version = 14 : i64} {
  func.func @hop(%arg0: i32, %arg1: i32, %arg2: memref<10000x128xf32, #tpu.memory_space<hbm>>, %arg3: memref<323584xi32, #tpu.memory_space<hbm>>, %arg4: memref<2528x128xi32, #tpu.memory_space<hbm>>, %arg5: memref<10112x128xf32, #tpu.memory_space<hbm>>, %arg6: memref<2x10112x128xf32, #tpu.memory_space<hbm>>, %arg7: memref<128xi32, #tpu.memory_space<vmem>>, %arg8: memref<128xi32, #tpu.memory_space<vmem>>, %arg9: memref<128x128xf32, #tpu.memory_space<vmem>>, %arg10: memref<10112x128xf32, #tpu.memory_space<vmem_shared>>, %arg11: memref<!tpu.dma_semaphore, #tpu.memory_space<semaphore_mem>>) attributes {dimension_semantics = [#tpu.dimension_semantics<core_parallel>, #tpu.dimension_semantics<subcore_parallel>], iteration_bounds = array<i64: 2, 16>, scalar_prefetch = 0 : i64, scratch_operands = 5 : i64, tpu.core_type = #tpu.core_type<sc_vector_subcore>, window_params = [{transform_indices = #map}, {transform_indices = #map1}, {transform_indices = #map}, {transform_indices = #map}, {transform_indices = #map2}]} {
    %mul3A = arith.constant 632 : i32
    %mul3A_0 = arith.muli %arg1, %mul3A : i32
    "tpu.region"() ({
      %run_scoped3A = tpu.sem_alloc : memref<!tpu.dma_semaphore, #tpu.memory_space<semaphore_mem>>
      %dma_start3A = arith.constant 0 : i32
      %dma_start3A_11 = tpu.memref_slice %arg10[%mul3A_0, %dma_start3A] : memref<10112x128xf32, #tpu.memory_space<vmem_shared>> -> memref<632x128xf32, #tpu.memory_space<vmem_shared>>
      %dma_start3A_12 = arith.constant 0 : i32
      %dma_start3A_13 = tpu.memref_slice %arg5[%mul3A_0, %dma_start3A_12] : memref<10112x128xf32, #tpu.memory_space<hbm>> -> memref<632x128xf32, #tpu.memory_space<hbm>>
      tpu.enqueue_dma source(%dma_start3A_13 : memref<632x128xf32, #tpu.memory_space<hbm>>) target(%dma_start3A_11 : memref<632x128xf32, #tpu.memory_space<vmem_shared>>) target_semaphore(%run_scoped3A : memref<!tpu.dma_semaphore, #tpu.memory_space<semaphore_mem>>)
      %dma_wait3A = arith.constant 0 : i32
      %dma_wait3A_14 = tpu.memref_slice %arg10[%mul3A_0, %dma_wait3A] : memref<10112x128xf32, #tpu.memory_space<vmem_shared>> -> memref<632x128xf32, #tpu.memory_space<vmem_shared>>
      %dma_wait3A_15 = arith.constant 0 : i32
      %dma_wait3A_16 = tpu.memref_slice %arg5[%mul3A_0, %dma_wait3A_15] : memref<10112x128xf32, #tpu.memory_space<hbm>> -> memref<632x128xf32, #tpu.memory_space<hbm>>
      tpu.wait_dma2 semaphore(%run_scoped3A : memref<!tpu.dma_semaphore, #tpu.memory_space<semaphore_mem>>) src(%dma_wait3A_16 : memref<632x128xf32, #tpu.memory_space<hbm>>) dst(%dma_wait3A_14 : memref<632x128xf32, #tpu.memory_space<vmem_shared>>)
      tpu.yield
    }) : () -> ()
    %mul3A_1 = arith.constant 16 : i32
    %mul3A_2 = arith.muli %arg0, %mul3A_1 : i32
    %add3A = arith.addi %mul3A_2, %arg1 : i32
    %mul3A_3 = arith.constant 79 : i32
    %mul3A_4 = arith.muli %add3A, %mul3A_3 : i32
    %barrier3A = arith.constant 0 : index
    tpu.barrier barrier_id(%barrier3A)
    %scan3A = arith.constant 0 : i32
    %scan3A_5 = arith.constant 0 : i32
    %scan3A_6 = arith.constant 79 : i32
    %scan3A_7 = arith.addi %scan3A_5, %scan3A_6 : i32
    %scan3A_8 = arith.constant 1 : i32
    scf.for %scan3A_11 = %scan3A_5 to %scan3A_7 step %scan3A_8  : i32 {
      %add3A_12 = arith.addi %mul3A_4, %scan3A_11 : i32
      %mul3A_13 = arith.constant 128 : i32
      %mul3A_14 = arith.muli %add3A_12, %mul3A_13 : i32
      "tpu.region"() ({
        %run_scoped3A = tpu.sem_alloc : memref<!tpu.dma_semaphore, #tpu.memory_space<semaphore_mem>>
        %dma_start3A_19 = tpu.memref_slice %arg3[%mul3A_14] : memref<323584xi32, #tpu.memory_space<hbm>> -> memref<128xi32, #tpu.memory_space<hbm>>
        %dma_start3A_20 = tpu.memref_slice %arg3[%mul3A_14] : memref<323584xi32, #tpu.memory_space<hbm>> -> memref<128xi32, #tpu.memory_space<hbm>>
        tpu.enqueue_dma source(%dma_start3A_20 : memref<128xi32, #tpu.memory_space<hbm>>) target(%arg7 : memref<128xi32, #tpu.memory_space<vmem>>) target_semaphore(%run_scoped3A : memref<!tpu.dma_semaphore, #tpu.memory_space<semaphore_mem>>)
        %dma_wait3A_21 = tpu.memref_slice %arg3[%mul3A_14] : memref<323584xi32, #tpu.memory_space<hbm>> -> memref<128xi32, #tpu.memory_space<hbm>>
        %dma_wait3A_22 = tpu.memref_slice %arg3[%mul3A_14] : memref<323584xi32, #tpu.memory_space<hbm>> -> memref<128xi32, #tpu.memory_space<hbm>>
        tpu.wait_dma2 semaphore(%run_scoped3A : memref<!tpu.dma_semaphore, #tpu.memory_space<semaphore_mem>>) src(%dma_wait3A_22 : memref<128xi32, #tpu.memory_space<hbm>>) dst(%arg7 : memref<128xi32, #tpu.memory_space<vmem>>)
        tpu.yield
      }) : () -> ()
      "tpu.region"() ({
        %run_scoped3A = tpu.sem_alloc : memref<!tpu.dma_semaphore, #tpu.memory_space<semaphore_mem>>
        %dma_start3A_19 = arith.constant 0 : i32
        %dma_start3A_20 = tpu.memref_slice %arg4[%add3A_12, %dma_start3A_19] : memref<2528x128xi32, #tpu.memory_space<hbm>> -> memref<1x128xi32, #tpu.memory_space<hbm>>
        %dma_start3A_21 = tpu.memref_squeeze %dma_start3A_20 : memref<1x128xi32, #tpu.memory_space<hbm>> -> memref<128xi32, #tpu.memory_space<hbm>>
        %dma_start3A_22 = arith.constant 0 : i32
        %dma_start3A_23 = tpu.memref_slice %arg4[%add3A_12, %dma_start3A_22] : memref<2528x128xi32, #tpu.memory_space<hbm>> -> memref<1x128xi32, #tpu.memory_space<hbm>>
        %dma_start3A_24 = tpu.memref_squeeze %dma_start3A_23 : memref<1x128xi32, #tpu.memory_space<hbm>> -> memref<128xi32, #tpu.memory_space<hbm>>
        tpu.enqueue_dma source(%dma_start3A_24 : memref<128xi32, #tpu.memory_space<hbm>>) target(%arg8 : memref<128xi32, #tpu.memory_space<vmem>>) target_semaphore(%run_scoped3A : memref<!tpu.dma_semaphore, #tpu.memory_space<semaphore_mem>>)
        %dma_wait3A_25 = arith.constant 0 : i32
        %dma_wait3A_26 = tpu.memref_slice %arg4[%add3A_12, %dma_wait3A_25] : memref<2528x128xi32, #tpu.memory_space<hbm>> -> memref<1x128xi32, #tpu.memory_space<hbm>>
        %dma_wait3A_27 = tpu.memref_squeeze %dma_wait3A_26 : memref<1x128xi32, #tpu.memory_space<hbm>> -> memref<128xi32, #tpu.memory_space<hbm>>
        %dma_wait3A_28 = arith.constant 0 : i32
        %dma_wait3A_29 = tpu.memref_slice %arg4[%add3A_12, %dma_wait3A_28] : memref<2528x128xi32, #tpu.memory_space<hbm>> -> memref<1x128xi32, #tpu.memory_space<hbm>>
        %dma_wait3A_30 = tpu.memref_squeeze %dma_wait3A_29 : memref<1x128xi32, #tpu.memory_space<hbm>> -> memref<128xi32, #tpu.memory_space<hbm>>
        tpu.wait_dma2 semaphore(%run_scoped3A : memref<!tpu.dma_semaphore, #tpu.memory_space<semaphore_mem>>) src(%dma_wait3A_30 : memref<128xi32, #tpu.memory_space<hbm>>) dst(%arg8 : memref<128xi32, #tpu.memory_space<vmem>>)
        tpu.yield
      }) : () -> ()
      %dma_start3A = arith.constant 0 : i32
      %dma_start3A_15 = arith.constant 0 : i32
      %dma_start3A_16 = tpu.memref_slice %arg2[%dma_start3A, %dma_start3A_15] : memref<10000x128xf32, #tpu.memory_space<hbm>> -> memref<10000x128xf32, #tpu.memory_space<hbm>>
      tpu.enqueue_indirect_dma source(%dma_start3A_16 : memref<10000x128xf32, #tpu.memory_space<hbm>>) target(%arg9 : memref<128x128xf32, #tpu.memory_space<vmem>>) offsets(%arg7 : memref<128xi32, #tpu.memory_space<vmem>>) semaphore(%arg11 : memref<!tpu.dma_semaphore, #tpu.memory_space<semaphore_mem>>)
      %dma_wait3A = arith.constant 0 : i32
      %dma_wait3A_17 = arith.constant 0 : i32
      %dma_wait3A_18 = tpu.memref_slice %arg2[%dma_wait3A, %dma_wait3A_17] : memref<10000x128xf32, #tpu.memory_space<hbm>> -> memref<10000x128xf32, #tpu.memory_space<hbm>>
      tpu.wait_indirect_dma semaphore(%arg11 : memref<!tpu.dma_semaphore, #tpu.memory_space<semaphore_mem>>) src(%dma_wait3A_18 : memref<10000x128xf32, #tpu.memory_space<hbm>>) dst(%arg9 : memref<128x128xf32, #tpu.memory_space<vmem>>)
      "tpu.region"() ({
        %run_scoped3A = tpu.sem_alloc : memref<!tpu.dma_semaphore, #tpu.memory_space<semaphore_mem>>
        %dma_start3A_19 = arith.constant 0 : i32
        %dma_start3A_20 = arith.constant 0 : i32
        %dma_start3A_21 = tpu.memref_slice %arg10[%dma_start3A_19, %dma_start3A_20] : memref<10112x128xf32, #tpu.memory_space<vmem_shared>> -> memref<10112x128xf32, #tpu.memory_space<vmem_shared>>
        tpu.enqueue_indirect_dma source(%arg9 : memref<128x128xf32, #tpu.memory_space<vmem>>) target(%dma_start3A_21 : memref<10112x128xf32, #tpu.memory_space<vmem_shared>>) offsets(%arg8 : memref<128xi32, #tpu.memory_space<vmem>>) semaphore(%run_scoped3A : memref<!tpu.dma_semaphore, #tpu.memory_space<semaphore_mem>>) {add = true}
        %dma_wait3A_22 = arith.constant 0 : i32
        %dma_wait3A_23 = arith.constant 0 : i32
        %dma_wait3A_24 = tpu.memref_slice %arg10[%dma_wait3A_22, %dma_wait3A_23] : memref<10112x128xf32, #tpu.memory_space<vmem_shared>> -> memref<10112x128xf32, #tpu.memory_space<vmem_shared>>
        tpu.wait_indirect_dma semaphore(%run_scoped3A : memref<!tpu.dma_semaphore, #tpu.memory_space<semaphore_mem>>) src(%arg9 : memref<128x128xf32, #tpu.memory_space<vmem>>) dst(%dma_wait3A_24 : memref<10112x128xf32, #tpu.memory_space<vmem_shared>>)
        tpu.yield
      }) : () -> ()
    }
    %scan3A_9 = arith.constant 79 : i32
    %barrier3A_10 = arith.constant 0 : index
    tpu.barrier barrier_id(%barrier3A_10)
    "tpu.region"() ({
      %run_scoped3A = tpu.sem_alloc : memref<!tpu.dma_semaphore, #tpu.memory_space<semaphore_mem>>
      %dma_start3A = arith.constant 0 : i32
      %dma_start3A_11 = tpu.memref_slice %arg6[%arg0, %mul3A_0, %dma_start3A] : memref<2x10112x128xf32, #tpu.memory_space<hbm>> -> memref<1x632x128xf32, #tpu.memory_space<hbm>>
      %dma_start3A_12 = tpu.memref_squeeze %dma_start3A_11 : memref<1x632x128xf32, #tpu.memory_space<hbm>> -> memref<632x128xf32, #tpu.memory_space<hbm>>
      %dma_start3A_13 = arith.constant 0 : i32
      %dma_start3A_14 = tpu.memref_slice %arg10[%mul3A_0, %dma_start3A_13] : memref<10112x128xf32, #tpu.memory_space<vmem_shared>> -> memref<632x128xf32, #tpu.memory_space<vmem_shared>>
      tpu.enqueue_dma source(%dma_start3A_14 : memref<632x128xf32, #tpu.memory_space<vmem_shared>>) target(%dma_start3A_12 : memref<632x128xf32, #tpu.memory_space<hbm>>) target_semaphore(%run_scoped3A : memref<!tpu.dma_semaphore, #tpu.memory_space<semaphore_mem>>)
      %dma_wait3A = arith.constant 0 : i32
      %dma_wait3A_15 = tpu.memref_slice %arg6[%arg0, %mul3A_0, %dma_wait3A] : memref<2x10112x128xf32, #tpu.memory_space<hbm>> -> memref<1x632x128xf32, #tpu.memory_space<hbm>>
      %dma_wait3A_16 = tpu.memref_squeeze %dma_wait3A_15 : memref<1x632x128xf32, #tpu.memory_space<hbm>> -> memref<632x128xf32, #tpu.memory_space<hbm>>
      %dma_wait3A_17 = arith.constant 0 : i32
      %dma_wait3A_18 = tpu.memref_slice %arg10[%mul3A_0, %dma_wait3A_17] : memref<10112x128xf32, #tpu.memory_space<vmem_shared>> -> memref<632x128xf32, #tpu.memory_space<vmem_shared>>
      tpu.wait_dma2 semaphore(%run_scoped3A : memref<!tpu.dma_semaphore, #tpu.memory_space<semaphore_mem>>) src(%dma_wait3A_18 : memref<632x128xf32, #tpu.memory_space<vmem_shared>>) dst(%dma_wait3A_16 : memref<632x128xf32, #tpu.memory_space<hbm>>)
      tpu.yield
    }) : () -> ()
    return
  }
}

#map = affine_map<(d0, d1) -> (0, 0)>
#map1 = affine_map<(d0, d1) -> (0)>
#map2 = affine_map<(d0, d1) -> (0, 0, 0)>
module attributes {stable_mosaic.version = 14 : i64} {
  func.func @hop(%arg0: i32, %arg1: i32, %arg2: memref<10000x128xf32, #tpu.memory_space<hbm>>, %arg3: memref<323584xi32, #tpu.memory_space<hbm>>, %arg4: memref<2528x128xi32, #tpu.memory_space<hbm>>, %arg5: memref<10112x128xf32, #tpu.memory_space<hbm>>, %arg6: memref<2x10112x128xf32, #tpu.memory_space<hbm>>, %arg7: memref<128xi32, #tpu.memory_space<vmem>>, %arg8: memref<128xi32, #tpu.memory_space<vmem>>, %arg9: memref<128x128xf32, #tpu.memory_space<vmem>>, %arg10: memref<10112x128xf32, #tpu.memory_space<vmem_shared>>, %arg11: memref<!tpu.dma_semaphore, #tpu.memory_space<semaphore_mem>>) attributes {dimension_semantics = [#tpu.dimension_semantics<core_parallel>, #tpu.dimension_semantics<subcore_parallel>], iteration_bounds = array<i64: 2, 16>, scalar_prefetch = 0 : i64, scratch_operands = 5 : i64, tpu.core_type = #tpu.core_type<sc_vector_subcore>, window_params = [{transform_indices = #map}, {transform_indices = #map1}, {transform_indices = #map}, {transform_indices = #map}, {transform_indices = #map2}]} {
    %mul3A = arith.constant 632 : i32
    %mul3A_0 = arith.muli %arg1, %mul3A : i32
    "tpu.region"() ({
      %run_scoped3A = tpu.sem_alloc : memref<!tpu.dma_semaphore, #tpu.memory_space<semaphore_mem>>
      %dma_start3A = arith.constant 0 : i32
      %dma_start3A_11 = tpu.memref_slice %arg10[%mul3A_0, %dma_start3A] : memref<10112x128xf32, #tpu.memory_space<vmem_shared>> -> memref<632x128xf32, #tpu.memory_space<vmem_shared>>
      %dma_start3A_12 = arith.constant 0 : i32
      %dma_start3A_13 = tpu.memref_slice %arg5[%mul3A_0, %dma_start3A_12] : memref<10112x128xf32, #tpu.memory_space<hbm>> -> memref<632x128xf32, #tpu.memory_space<hbm>>
      tpu.enqueue_dma source(%dma_start3A_13 : memref<632x128xf32, #tpu.memory_space<hbm>>) target(%dma_start3A_11 : memref<632x128xf32, #tpu.memory_space<vmem_shared>>) target_semaphore(%run_scoped3A : memref<!tpu.dma_semaphore, #tpu.memory_space<semaphore_mem>>)
      %dma_wait3A = arith.constant 0 : i32
      %dma_wait3A_14 = tpu.memref_slice %arg10[%mul3A_0, %dma_wait3A] : memref<10112x128xf32, #tpu.memory_space<vmem_shared>> -> memref<632x128xf32, #tpu.memory_space<vmem_shared>>
      %dma_wait3A_15 = arith.constant 0 : i32
      %dma_wait3A_16 = tpu.memref_slice %arg5[%mul3A_0, %dma_wait3A_15] : memref<10112x128xf32, #tpu.memory_space<hbm>> -> memref<632x128xf32, #tpu.memory_space<hbm>>
      tpu.wait_dma2 semaphore(%run_scoped3A : memref<!tpu.dma_semaphore, #tpu.memory_space<semaphore_mem>>) src(%dma_wait3A_16 : memref<632x128xf32, #tpu.memory_space<hbm>>) dst(%dma_wait3A_14 : memref<632x128xf32, #tpu.memory_space<vmem_shared>>)
      tpu.yield
    }) : () -> ()
    %mul3A_1 = arith.constant 16 : i32
    %mul3A_2 = arith.muli %arg0, %mul3A_1 : i32
    %add3A = arith.addi %mul3A_2, %arg1 : i32
    %mul3A_3 = arith.constant 79 : i32
    %mul3A_4 = arith.muli %add3A, %mul3A_3 : i32
    %barrier3A = arith.constant 0 : index
    tpu.barrier barrier_id(%barrier3A)
    %scan3A = arith.constant 0 : i32
    %scan3A_5 = arith.constant 0 : i32
    %scan3A_6 = arith.constant 79 : i32
    %scan3A_7 = arith.addi %scan3A_5, %scan3A_6 : i32
    %scan3A_8 = arith.constant 1 : i32
    scf.for %scan3A_11 = %scan3A_5 to %scan3A_7 step %scan3A_8  : i32 {
      %add3A_12 = arith.addi %mul3A_4, %scan3A_11 : i32
      %mul3A_13 = arith.constant 128 : i32
      %mul3A_14 = arith.muli %add3A_12, %mul3A_13 : i32
      "tpu.region"() ({
        %run_scoped3A = tpu.sem_alloc : memref<!tpu.dma_semaphore, #tpu.memory_space<semaphore_mem>>
        %dma_start3A_19 = tpu.memref_slice %arg3[%mul3A_14] : memref<323584xi32, #tpu.memory_space<hbm>> -> memref<128xi32, #tpu.memory_space<hbm>>
        %dma_start3A_20 = tpu.memref_slice %arg3[%mul3A_14] : memref<323584xi32, #tpu.memory_space<hbm>> -> memref<128xi32, #tpu.memory_space<hbm>>
        tpu.enqueue_dma source(%dma_start3A_20 : memref<128xi32, #tpu.memory_space<hbm>>) target(%arg7 : memref<128xi32, #tpu.memory_space<vmem>>) target_semaphore(%run_scoped3A : memref<!tpu.dma_semaphore, #tpu.memory_space<semaphore_mem>>)
        %dma_wait3A_21 = tpu.memref_slice %arg3[%mul3A_14] : memref<323584xi32, #tpu.memory_space<hbm>> -> memref<128xi32, #tpu.memory_space<hbm>>
        %dma_wait3A_22 = tpu.memref_slice %arg3[%mul3A_14] : memref<323584xi32, #tpu.memory_space<hbm>> -> memref<128xi32, #tpu.memory_space<hbm>>
        tpu.wait_dma2 semaphore(%run_scoped3A : memref<!tpu.dma_semaphore, #tpu.memory_space<semaphore_mem>>) src(%dma_wait3A_22 : memref<128xi32, #tpu.memory_space<hbm>>) dst(%arg7 : memref<128xi32, #tpu.memory_space<vmem>>)
        tpu.yield
      }) : () -> ()
      "tpu.region"() ({
        %run_scoped3A = tpu.sem_alloc : memref<!tpu.dma_semaphore, #tpu.memory_space<semaphore_mem>>
        %dma_start3A_19 = arith.constant 0 : i32
        %dma_start3A_20 = tpu.memref_slice %arg4[%add3A_12, %dma_start3A_19] : memref<2528x128xi32, #tpu.memory_space<hbm>> -> memref<1x128xi32, #tpu.memory_space<hbm>>
        %dma_start3A_21 = tpu.memref_squeeze %dma_start3A_20 : memref<1x128xi32, #tpu.memory_space<hbm>> -> memref<128xi32, #tpu.memory_space<hbm>>
        %dma_start3A_22 = arith.constant 0 : i32
        %dma_start3A_23 = tpu.memref_slice %arg4[%add3A_12, %dma_start3A_22] : memref<2528x128xi32, #tpu.memory_space<hbm>> -> memref<1x128xi32, #tpu.memory_space<hbm>>
        %dma_start3A_24 = tpu.memref_squeeze %dma_start3A_23 : memref<1x128xi32, #tpu.memory_space<hbm>> -> memref<128xi32, #tpu.memory_space<hbm>>
        tpu.enqueue_dma source(%dma_start3A_24 : memref<128xi32, #tpu.memory_space<hbm>>) target(%arg8 : memref<128xi32, #tpu.memory_space<vmem>>) target_semaphore(%run_scoped3A : memref<!tpu.dma_semaphore, #tpu.memory_space<semaphore_mem>>)
        %dma_wait3A_25 = arith.constant 0 : i32
        %dma_wait3A_26 = tpu.memref_slice %arg4[%add3A_12, %dma_wait3A_25] : memref<2528x128xi32, #tpu.memory_space<hbm>> -> memref<1x128xi32, #tpu.memory_space<hbm>>
        %dma_wait3A_27 = tpu.memref_squeeze %dma_wait3A_26 : memref<1x128xi32, #tpu.memory_space<hbm>> -> memref<128xi32, #tpu.memory_space<hbm>>
        %dma_wait3A_28 = arith.constant 0 : i32
        %dma_wait3A_29 = tpu.memref_slice %arg4[%add3A_12, %dma_wait3A_28] : memref<2528x128xi32, #tpu.memory_space<hbm>> -> memref<1x128xi32, #tpu.memory_space<hbm>>
        %dma_wait3A_30 = tpu.memref_squeeze %dma_wait3A_29 : memref<1x128xi32, #tpu.memory_space<hbm>> -> memref<128xi32, #tpu.memory_space<hbm>>
        tpu.wait_dma2 semaphore(%run_scoped3A : memref<!tpu.dma_semaphore, #tpu.memory_space<semaphore_mem>>) src(%dma_wait3A_30 : memref<128xi32, #tpu.memory_space<hbm>>) dst(%arg8 : memref<128xi32, #tpu.memory_space<vmem>>)
        tpu.yield
      }) : () -> ()
      %dma_start3A = arith.constant 0 : i32
      %dma_start3A_15 = arith.constant 0 : i32
      %dma_start3A_16 = tpu.memref_slice %arg2[%dma_start3A, %dma_start3A_15] : memref<10000x128xf32, #tpu.memory_space<hbm>> -> memref<10000x128xf32, #tpu.memory_space<hbm>>
      tpu.enqueue_indirect_dma source(%dma_start3A_16 : memref<10000x128xf32, #tpu.memory_space<hbm>>) target(%arg9 : memref<128x128xf32, #tpu.memory_space<vmem>>) offsets(%arg7 : memref<128xi32, #tpu.memory_space<vmem>>) semaphore(%arg11 : memref<!tpu.dma_semaphore, #tpu.memory_space<semaphore_mem>>)
      %dma_wait3A = arith.constant 0 : i32
      %dma_wait3A_17 = arith.constant 0 : i32
      %dma_wait3A_18 = tpu.memref_slice %arg2[%dma_wait3A, %dma_wait3A_17] : memref<10000x128xf32, #tpu.memory_space<hbm>> -> memref<10000x128xf32, #tpu.memory_space<hbm>>
      tpu.wait_indirect_dma semaphore(%arg11 : memref<!tpu.dma_semaphore, #tpu.memory_space<semaphore_mem>>) src(%dma_wait3A_18 : memref<10000x128xf32, #tpu.memory_space<hbm>>) dst(%arg9 : memref<128x128xf32, #tpu.memory_space<vmem>>)
      "tpu.region"() ({
        %run_scoped3A = tpu.sem_alloc : memref<!tpu.dma_semaphore, #tpu.memory_space<semaphore_mem>>
        %dma_start3A_19 = arith.constant 0 : i32
        %dma_start3A_20 = arith.constant 0 : i32
        %dma_start3A_21 = tpu.memref_slice %arg10[%dma_start3A_19, %dma_start3A_20] : memref<10112x128xf32, #tpu.memory_space<vmem_shared>> -> memref<10112x128xf32, #tpu.memory_space<vmem_shared>>
        tpu.enqueue_indirect_dma source(%arg9 : memref<128x128xf32, #tpu.memory_space<vmem>>) target(%dma_start3A_21 : memref<10112x128xf32, #tpu.memory_space<vmem_shared>>) offsets(%arg8 : memref<128xi32, #tpu.memory_space<vmem>>) semaphore(%run_scoped3A : memref<!tpu.dma_semaphore, #tpu.memory_space<semaphore_mem>>) {add = true}
        %dma_wait3A_22 = arith.constant 0 : i32
        %dma_wait3A_23 = arith.constant 0 : i32
        %dma_wait3A_24 = tpu.memref_slice %arg10[%dma_wait3A_22, %dma_wait3A_23] : memref<10112x128xf32, #tpu.memory_space<vmem_shared>> -> memref<10112x128xf32, #tpu.memory_space<vmem_shared>>
        tpu.wait_indirect_dma semaphore(%run_scoped3A : memref<!tpu.dma_semaphore, #tpu.memory_space<semaphore_mem>>) src(%arg9 : memref<128x128xf32, #tpu.memory_space<vmem>>) dst(%dma_wait3A_24 : memref<10112x128xf32, #tpu.memory_space<vmem_shared>>)
        tpu.yield
      }) : () -> ()
    }
    %scan3A_9 = arith.constant 79 : i32
    %barrier3A_10 = arith.constant 0 : index
    tpu.barrier barrier_id(%barrier3A_10)
    "tpu.region"() ({
      %run_scoped3A = tpu.sem_alloc : memref<!tpu.dma_semaphore, #tpu.memory_space<semaphore_mem>>
      %dma_start3A = arith.constant 0 : i32
      %dma_start3A_11 = tpu.memref_slice %arg6[%arg0, %mul3A_0, %dma_start3A] : memref<2x10112x128xf32, #tpu.memory_space<hbm>> -> memref<1x632x128xf32, #tpu.memory_space<hbm>>
      %dma_start3A_12 = tpu.memref_squeeze %dma_start3A_11 : memref<1x632x128xf32, #tpu.memory_space<hbm>> -> memref<632x128xf32, #tpu.memory_space<hbm>>
      %dma_start3A_13 = arith.constant 0 : i32
      %dma_start3A_14 = tpu.memref_slice %arg10[%mul3A_0, %dma_start3A_13] : memref<10112x128xf32, #tpu.memory_space<vmem_shared>> -> memref<632x128xf32, #tpu.memory_space<vmem_shared>>
      tpu.enqueue_dma source(%dma_start3A_14 : memref<632x128xf32, #tpu.memory_space<vmem_shared>>) target(%dma_start3A_12 : memref<632x128xf32, #tpu.memory_space<hbm>>) target_semaphore(%run_scoped3A : memref<!tpu.dma_semaphore, #tpu.memory_space<semaphore_mem>>)
      %dma_wait3A = arith.constant 0 : i32
      %dma_wait3A_15 = tpu.memref_slice %arg6[%arg0, %mul3A_0, %dma_wait3A] : memref<2x10112x128xf32, #tpu.memory_space<hbm>> -> memref<1x632x128xf32, #tpu.memory_space<hbm>>
      %dma_wait3A_16 = tpu.memref_squeeze %dma_wait3A_15 : memref<1x632x128xf32, #tpu.memory_space<hbm>> -> memref<632x128xf32, #tpu.memory_space<hbm>>
      %dma_wait3A_17 = arith.constant 0 : i32
      %dma_wait3A_18 = tpu.memref_slice %arg10[%mul3A_0, %dma_wait3A_17] : memref<10112x128xf32, #tpu.memory_space<vmem_shared>> -> memref<632x128xf32, #tpu.memory_space<vmem_shared>>
      tpu.wait_dma2 semaphore(%run_scoped3A : memref<!tpu.dma_semaphore, #tpu.memory_space<semaphore_mem>>) src(%dma_wait3A_18 : memref<632x128xf32, #tpu.memory_space<vmem_shared>>) dst(%dma_wait3A_16 : memref<632x128xf32, #tpu.memory_space<hbm>>)
      tpu.yield
    }) : () -> ()
    return
  }
}

#map = affine_map<(d0, d1) -> (0, 0)>
#map1 = affine_map<(d0, d1) -> (0)>
#map2 = affine_map<(d0, d1) -> (0, 0, 0)>
module attributes {stable_mosaic.version = 14 : i64} {
  func.func @hop(%arg0: i32, %arg1: i32, %arg2: memref<10000x128xf32, #tpu.memory_space<hbm>>, %arg3: memref<323584xi32, #tpu.memory_space<hbm>>, %arg4: memref<2528x128xi32, #tpu.memory_space<hbm>>, %arg5: memref<10112x128xf32, #tpu.memory_space<hbm>>, %arg6: memref<2x10112x128xf32, #tpu.memory_space<hbm>>, %arg7: memref<128xi32, #tpu.memory_space<vmem>>, %arg8: memref<128xi32, #tpu.memory_space<vmem>>, %arg9: memref<128x128xf32, #tpu.memory_space<vmem>>, %arg10: memref<10112x128xf32, #tpu.memory_space<vmem_shared>>, %arg11: memref<!tpu.dma_semaphore, #tpu.memory_space<semaphore_mem>>) attributes {dimension_semantics = [#tpu.dimension_semantics<core_parallel>, #tpu.dimension_semantics<subcore_parallel>], iteration_bounds = array<i64: 2, 16>, scalar_prefetch = 0 : i64, scratch_operands = 5 : i64, tpu.core_type = #tpu.core_type<sc_vector_subcore>, window_params = [{transform_indices = #map}, {transform_indices = #map1}, {transform_indices = #map}, {transform_indices = #map}, {transform_indices = #map2}]} {
    %mul3A = arith.constant 632 : i32
    %mul3A_0 = arith.muli %arg1, %mul3A : i32
    "tpu.region"() ({
      %run_scoped3A = tpu.sem_alloc : memref<!tpu.dma_semaphore, #tpu.memory_space<semaphore_mem>>
      %dma_start3A = arith.constant 0 : i32
      %dma_start3A_11 = tpu.memref_slice %arg10[%mul3A_0, %dma_start3A] : memref<10112x128xf32, #tpu.memory_space<vmem_shared>> -> memref<632x128xf32, #tpu.memory_space<vmem_shared>>
      %dma_start3A_12 = arith.constant 0 : i32
      %dma_start3A_13 = tpu.memref_slice %arg5[%mul3A_0, %dma_start3A_12] : memref<10112x128xf32, #tpu.memory_space<hbm>> -> memref<632x128xf32, #tpu.memory_space<hbm>>
      tpu.enqueue_dma source(%dma_start3A_13 : memref<632x128xf32, #tpu.memory_space<hbm>>) target(%dma_start3A_11 : memref<632x128xf32, #tpu.memory_space<vmem_shared>>) target_semaphore(%run_scoped3A : memref<!tpu.dma_semaphore, #tpu.memory_space<semaphore_mem>>)
      %dma_wait3A = arith.constant 0 : i32
      %dma_wait3A_14 = tpu.memref_slice %arg10[%mul3A_0, %dma_wait3A] : memref<10112x128xf32, #tpu.memory_space<vmem_shared>> -> memref<632x128xf32, #tpu.memory_space<vmem_shared>>
      %dma_wait3A_15 = arith.constant 0 : i32
      %dma_wait3A_16 = tpu.memref_slice %arg5[%mul3A_0, %dma_wait3A_15] : memref<10112x128xf32, #tpu.memory_space<hbm>> -> memref<632x128xf32, #tpu.memory_space<hbm>>
      tpu.wait_dma2 semaphore(%run_scoped3A : memref<!tpu.dma_semaphore, #tpu.memory_space<semaphore_mem>>) src(%dma_wait3A_16 : memref<632x128xf32, #tpu.memory_space<hbm>>) dst(%dma_wait3A_14 : memref<632x128xf32, #tpu.memory_space<vmem_shared>>)
      tpu.yield
    }) : () -> ()
    %mul3A_1 = arith.constant 16 : i32
    %mul3A_2 = arith.muli %arg0, %mul3A_1 : i32
    %add3A = arith.addi %mul3A_2, %arg1 : i32
    %mul3A_3 = arith.constant 79 : i32
    %mul3A_4 = arith.muli %add3A, %mul3A_3 : i32
    %barrier3A = arith.constant 0 : index
    tpu.barrier barrier_id(%barrier3A)
    %scan3A = arith.constant 0 : i32
    %scan3A_5 = arith.constant 0 : i32
    %scan3A_6 = arith.constant 79 : i32
    %scan3A_7 = arith.addi %scan3A_5, %scan3A_6 : i32
    %scan3A_8 = arith.constant 1 : i32
    scf.for %scan3A_11 = %scan3A_5 to %scan3A_7 step %scan3A_8  : i32 {
      %add3A_12 = arith.addi %mul3A_4, %scan3A_11 : i32
      %mul3A_13 = arith.constant 128 : i32
      %mul3A_14 = arith.muli %add3A_12, %mul3A_13 : i32
      "tpu.region"() ({
        %run_scoped3A = tpu.sem_alloc : memref<!tpu.dma_semaphore, #tpu.memory_space<semaphore_mem>>
        %dma_start3A_19 = tpu.memref_slice %arg3[%mul3A_14] : memref<323584xi32, #tpu.memory_space<hbm>> -> memref<128xi32, #tpu.memory_space<hbm>>
        %dma_start3A_20 = tpu.memref_slice %arg3[%mul3A_14] : memref<323584xi32, #tpu.memory_space<hbm>> -> memref<128xi32, #tpu.memory_space<hbm>>
        tpu.enqueue_dma source(%dma_start3A_20 : memref<128xi32, #tpu.memory_space<hbm>>) target(%arg7 : memref<128xi32, #tpu.memory_space<vmem>>) target_semaphore(%run_scoped3A : memref<!tpu.dma_semaphore, #tpu.memory_space<semaphore_mem>>)
        %dma_wait3A_21 = tpu.memref_slice %arg3[%mul3A_14] : memref<323584xi32, #tpu.memory_space<hbm>> -> memref<128xi32, #tpu.memory_space<hbm>>
        %dma_wait3A_22 = tpu.memref_slice %arg3[%mul3A_14] : memref<323584xi32, #tpu.memory_space<hbm>> -> memref<128xi32, #tpu.memory_space<hbm>>
        tpu.wait_dma2 semaphore(%run_scoped3A : memref<!tpu.dma_semaphore, #tpu.memory_space<semaphore_mem>>) src(%dma_wait3A_22 : memref<128xi32, #tpu.memory_space<hbm>>) dst(%arg7 : memref<128xi32, #tpu.memory_space<vmem>>)
        tpu.yield
      }) : () -> ()
      "tpu.region"() ({
        %run_scoped3A = tpu.sem_alloc : memref<!tpu.dma_semaphore, #tpu.memory_space<semaphore_mem>>
        %dma_start3A_19 = arith.constant 0 : i32
        %dma_start3A_20 = tpu.memref_slice %arg4[%add3A_12, %dma_start3A_19] : memref<2528x128xi32, #tpu.memory_space<hbm>> -> memref<1x128xi32, #tpu.memory_space<hbm>>
        %dma_start3A_21 = tpu.memref_squeeze %dma_start3A_20 : memref<1x128xi32, #tpu.memory_space<hbm>> -> memref<128xi32, #tpu.memory_space<hbm>>
        %dma_start3A_22 = arith.constant 0 : i32
        %dma_start3A_23 = tpu.memref_slice %arg4[%add3A_12, %dma_start3A_22] : memref<2528x128xi32, #tpu.memory_space<hbm>> -> memref<1x128xi32, #tpu.memory_space<hbm>>
        %dma_start3A_24 = tpu.memref_squeeze %dma_start3A_23 : memref<1x128xi32, #tpu.memory_space<hbm>> -> memref<128xi32, #tpu.memory_space<hbm>>
        tpu.enqueue_dma source(%dma_start3A_24 : memref<128xi32, #tpu.memory_space<hbm>>) target(%arg8 : memref<128xi32, #tpu.memory_space<vmem>>) target_semaphore(%run_scoped3A : memref<!tpu.dma_semaphore, #tpu.memory_space<semaphore_mem>>)
        %dma_wait3A_25 = arith.constant 0 : i32
        %dma_wait3A_26 = tpu.memref_slice %arg4[%add3A_12, %dma_wait3A_25] : memref<2528x128xi32, #tpu.memory_space<hbm>> -> memref<1x128xi32, #tpu.memory_space<hbm>>
        %dma_wait3A_27 = tpu.memref_squeeze %dma_wait3A_26 : memref<1x128xi32, #tpu.memory_space<hbm>> -> memref<128xi32, #tpu.memory_space<hbm>>
        %dma_wait3A_28 = arith.constant 0 : i32
        %dma_wait3A_29 = tpu.memref_slice %arg4[%add3A_12, %dma_wait3A_28] : memref<2528x128xi32, #tpu.memory_space<hbm>> -> memref<1x128xi32, #tpu.memory_space<hbm>>
        %dma_wait3A_30 = tpu.memref_squeeze %dma_wait3A_29 : memref<1x128xi32, #tpu.memory_space<hbm>> -> memref<128xi32, #tpu.memory_space<hbm>>
        tpu.wait_dma2 semaphore(%run_scoped3A : memref<!tpu.dma_semaphore, #tpu.memory_space<semaphore_mem>>) src(%dma_wait3A_30 : memref<128xi32, #tpu.memory_space<hbm>>) dst(%arg8 : memref<128xi32, #tpu.memory_space<vmem>>)
        tpu.yield
      }) : () -> ()
      %dma_start3A = arith.constant 0 : i32
      %dma_start3A_15 = arith.constant 0 : i32
      %dma_start3A_16 = tpu.memref_slice %arg2[%dma_start3A, %dma_start3A_15] : memref<10000x128xf32, #tpu.memory_space<hbm>> -> memref<10000x128xf32, #tpu.memory_space<hbm>>
      tpu.enqueue_indirect_dma source(%dma_start3A_16 : memref<10000x128xf32, #tpu.memory_space<hbm>>) target(%arg9 : memref<128x128xf32, #tpu.memory_space<vmem>>) offsets(%arg7 : memref<128xi32, #tpu.memory_space<vmem>>) semaphore(%arg11 : memref<!tpu.dma_semaphore, #tpu.memory_space<semaphore_mem>>)
      %dma_wait3A = arith.constant 0 : i32
      %dma_wait3A_17 = arith.constant 0 : i32
      %dma_wait3A_18 = tpu.memref_slice %arg2[%dma_wait3A, %dma_wait3A_17] : memref<10000x128xf32, #tpu.memory_space<hbm>> -> memref<10000x128xf32, #tpu.memory_space<hbm>>
      tpu.wait_indirect_dma semaphore(%arg11 : memref<!tpu.dma_semaphore, #tpu.memory_space<semaphore_mem>>) src(%dma_wait3A_18 : memref<10000x128xf32, #tpu.memory_space<hbm>>) dst(%arg9 : memref<128x128xf32, #tpu.memory_space<vmem>>)
      "tpu.region"() ({
        %run_scoped3A = tpu.sem_alloc : memref<!tpu.dma_semaphore, #tpu.memory_space<semaphore_mem>>
        %dma_start3A_19 = arith.constant 0 : i32
        %dma_start3A_20 = arith.constant 0 : i32
        %dma_start3A_21 = tpu.memref_slice %arg10[%dma_start3A_19, %dma_start3A_20] : memref<10112x128xf32, #tpu.memory_space<vmem_shared>> -> memref<10112x128xf32, #tpu.memory_space<vmem_shared>>
        tpu.enqueue_indirect_dma source(%arg9 : memref<128x128xf32, #tpu.memory_space<vmem>>) target(%dma_start3A_21 : memref<10112x128xf32, #tpu.memory_space<vmem_shared>>) offsets(%arg8 : memref<128xi32, #tpu.memory_space<vmem>>) semaphore(%run_scoped3A : memref<!tpu.dma_semaphore, #tpu.memory_space<semaphore_mem>>) {add = true}
        %dma_wait3A_22 = arith.constant 0 : i32
        %dma_wait3A_23 = arith.constant 0 : i32
        %dma_wait3A_24 = tpu.memref_slice %arg10[%dma_wait3A_22, %dma_wait3A_23] : memref<10112x128xf32, #tpu.memory_space<vmem_shared>> -> memref<10112x128xf32, #tpu.memory_space<vmem_shared>>
        tpu.wait_indirect_dma semaphore(%run_scoped3A : memref<!tpu.dma_semaphore, #tpu.memory_space<semaphore_mem>>) src(%arg9 : memref<128x128xf32, #tpu.memory_space<vmem>>) dst(%dma_wait3A_24 : memref<10112x128xf32, #tpu.memory_space<vmem_shared>>)
        tpu.yield
      }) : () -> ()
    }
    %scan3A_9 = arith.constant 79 : i32
    %barrier3A_10 = arith.constant 0 : index
    tpu.barrier barrier_id(%barrier3A_10)
    "tpu.region"() ({
      %run_scoped3A = tpu.sem_alloc : memref<!tpu.dma_semaphore, #tpu.memory_space<semaphore_mem>>
      %dma_start3A = arith.constant 0 : i32
      %dma_start3A_11 = tpu.memref_slice %arg6[%arg0, %mul3A_0, %dma_start3A] : memref<2x10112x128xf32, #tpu.memory_space<hbm>> -> memref<1x632x128xf32, #tpu.memory_space<hbm>>
      %dma_start3A_12 = tpu.memref_squeeze %dma_start3A_11 : memref<1x632x128xf32, #tpu.memory_space<hbm>> -> memref<632x128xf32, #tpu.memory_space<hbm>>
      %dma_start3A_13 = arith.constant 0 : i32
      %dma_start3A_14 = tpu.memref_slice %arg10[%mul3A_0, %dma_start3A_13] : memref<10112x128xf32, #tpu.memory_space<vmem_shared>> -> memref<632x128xf32, #tpu.memory_space<vmem_shared>>
      tpu.enqueue_dma source(%dma_start3A_14 : memref<632x128xf32, #tpu.memory_space<vmem_shared>>) target(%dma_start3A_12 : memref<632x128xf32, #tpu.memory_space<hbm>>) target_semaphore(%run_scoped3A : memref<!tpu.dma_semaphore, #tpu.memory_space<semaphore_mem>>)
      %dma_wait3A = arith.constant 0 : i32
      %dma_wait3A_15 = tpu.memref_slice %arg6[%arg0, %mul3A_0, %dma_wait3A] : memref<2x10112x128xf32, #tpu.memory_space<hbm>> -> memref<1x632x128xf32, #tpu.memory_space<hbm>>
      %dma_wait3A_16 = tpu.memref_squeeze %dma_wait3A_15 : memref<1x632x128xf32, #tpu.memory_space<hbm>> -> memref<632x128xf32, #tpu.memory_space<hbm>>
      %dma_wait3A_17 = arith.constant 0 : i32
      %dma_wait3A_18 = tpu.memref_slice %arg10[%mul3A_0, %dma_wait3A_17] : memref<10112x128xf32, #tpu.memory_space<vmem_shared>> -> memref<632x128xf32, #tpu.memory_space<vmem_shared>>
      tpu.wait_dma2 semaphore(%run_scoped3A : memref<!tpu.dma_semaphore, #tpu.memory_space<semaphore_mem>>) src(%dma_wait3A_18 : memref<632x128xf32, #tpu.memory_space<vmem_shared>>) dst(%dma_wait3A_16 : memref<632x128xf32, #tpu.memory_space<hbm>>)
      tpu.yield
    }) : () -> ()
    return
  }
}

#map = affine_map<(d0, d1) -> (0, 0)>
#map1 = affine_map<(d0, d1) -> (0)>
#map2 = affine_map<(d0, d1) -> (0, 0, 0)>
module attributes {stable_mosaic.version = 14 : i64} {
  func.func @hop(%arg0: i32, %arg1: i32, %arg2: memref<10000x128xf32, #tpu.memory_space<hbm>>, %arg3: memref<323584xi32, #tpu.memory_space<hbm>>, %arg4: memref<2528x128xi32, #tpu.memory_space<hbm>>, %arg5: memref<10112x128xf32, #tpu.memory_space<hbm>>, %arg6: memref<2x10112x128xf32, #tpu.memory_space<hbm>>, %arg7: memref<128xi32, #tpu.memory_space<vmem>>, %arg8: memref<128xi32, #tpu.memory_space<vmem>>, %arg9: memref<128x128xf32, #tpu.memory_space<vmem>>, %arg10: memref<10112x128xf32, #tpu.memory_space<vmem_shared>>, %arg11: memref<!tpu.dma_semaphore, #tpu.memory_space<semaphore_mem>>) attributes {dimension_semantics = [#tpu.dimension_semantics<core_parallel>, #tpu.dimension_semantics<subcore_parallel>], iteration_bounds = array<i64: 2, 16>, scalar_prefetch = 0 : i64, scratch_operands = 5 : i64, tpu.core_type = #tpu.core_type<sc_vector_subcore>, window_params = [{transform_indices = #map}, {transform_indices = #map1}, {transform_indices = #map}, {transform_indices = #map}, {transform_indices = #map2}]} {
    %mul3A = arith.constant 632 : i32
    %mul3A_0 = arith.muli %arg1, %mul3A : i32
    "tpu.region"() ({
      %run_scoped3A = tpu.sem_alloc : memref<!tpu.dma_semaphore, #tpu.memory_space<semaphore_mem>>
      %dma_start3A = arith.constant 0 : i32
      %dma_start3A_11 = tpu.memref_slice %arg10[%mul3A_0, %dma_start3A] : memref<10112x128xf32, #tpu.memory_space<vmem_shared>> -> memref<632x128xf32, #tpu.memory_space<vmem_shared>>
      %dma_start3A_12 = arith.constant 0 : i32
      %dma_start3A_13 = tpu.memref_slice %arg5[%mul3A_0, %dma_start3A_12] : memref<10112x128xf32, #tpu.memory_space<hbm>> -> memref<632x128xf32, #tpu.memory_space<hbm>>
      tpu.enqueue_dma source(%dma_start3A_13 : memref<632x128xf32, #tpu.memory_space<hbm>>) target(%dma_start3A_11 : memref<632x128xf32, #tpu.memory_space<vmem_shared>>) target_semaphore(%run_scoped3A : memref<!tpu.dma_semaphore, #tpu.memory_space<semaphore_mem>>)
      %dma_wait3A = arith.constant 0 : i32
      %dma_wait3A_14 = tpu.memref_slice %arg10[%mul3A_0, %dma_wait3A] : memref<10112x128xf32, #tpu.memory_space<vmem_shared>> -> memref<632x128xf32, #tpu.memory_space<vmem_shared>>
      %dma_wait3A_15 = arith.constant 0 : i32
      %dma_wait3A_16 = tpu.memref_slice %arg5[%mul3A_0, %dma_wait3A_15] : memref<10112x128xf32, #tpu.memory_space<hbm>> -> memref<632x128xf32, #tpu.memory_space<hbm>>
      tpu.wait_dma2 semaphore(%run_scoped3A : memref<!tpu.dma_semaphore, #tpu.memory_space<semaphore_mem>>) src(%dma_wait3A_16 : memref<632x128xf32, #tpu.memory_space<hbm>>) dst(%dma_wait3A_14 : memref<632x128xf32, #tpu.memory_space<vmem_shared>>)
      tpu.yield
    }) : () -> ()
    %mul3A_1 = arith.constant 16 : i32
    %mul3A_2 = arith.muli %arg0, %mul3A_1 : i32
    %add3A = arith.addi %mul3A_2, %arg1 : i32
    %mul3A_3 = arith.constant 79 : i32
    %mul3A_4 = arith.muli %add3A, %mul3A_3 : i32
    %barrier3A = arith.constant 0 : index
    tpu.barrier barrier_id(%barrier3A)
    %scan3A = arith.constant 0 : i32
    %scan3A_5 = arith.constant 0 : i32
    %scan3A_6 = arith.constant 79 : i32
    %scan3A_7 = arith.addi %scan3A_5, %scan3A_6 : i32
    %scan3A_8 = arith.constant 1 : i32
    scf.for %scan3A_11 = %scan3A_5 to %scan3A_7 step %scan3A_8  : i32 {
      %add3A_12 = arith.addi %mul3A_4, %scan3A_11 : i32
      %mul3A_13 = arith.constant 128 : i32
      %mul3A_14 = arith.muli %add3A_12, %mul3A_13 : i32
      "tpu.region"() ({
        %run_scoped3A = tpu.sem_alloc : memref<!tpu.dma_semaphore, #tpu.memory_space<semaphore_mem>>
        %dma_start3A_19 = tpu.memref_slice %arg3[%mul3A_14] : memref<323584xi32, #tpu.memory_space<hbm>> -> memref<128xi32, #tpu.memory_space<hbm>>
        %dma_start3A_20 = tpu.memref_slice %arg3[%mul3A_14] : memref<323584xi32, #tpu.memory_space<hbm>> -> memref<128xi32, #tpu.memory_space<hbm>>
        tpu.enqueue_dma source(%dma_start3A_20 : memref<128xi32, #tpu.memory_space<hbm>>) target(%arg7 : memref<128xi32, #tpu.memory_space<vmem>>) target_semaphore(%run_scoped3A : memref<!tpu.dma_semaphore, #tpu.memory_space<semaphore_mem>>)
        %dma_wait3A_21 = tpu.memref_slice %arg3[%mul3A_14] : memref<323584xi32, #tpu.memory_space<hbm>> -> memref<128xi32, #tpu.memory_space<hbm>>
        %dma_wait3A_22 = tpu.memref_slice %arg3[%mul3A_14] : memref<323584xi32, #tpu.memory_space<hbm>> -> memref<128xi32, #tpu.memory_space<hbm>>
        tpu.wait_dma2 semaphore(%run_scoped3A : memref<!tpu.dma_semaphore, #tpu.memory_space<semaphore_mem>>) src(%dma_wait3A_22 : memref<128xi32, #tpu.memory_space<hbm>>) dst(%arg7 : memref<128xi32, #tpu.memory_space<vmem>>)
        tpu.yield
      }) : () -> ()
      "tpu.region"() ({
        %run_scoped3A = tpu.sem_alloc : memref<!tpu.dma_semaphore, #tpu.memory_space<semaphore_mem>>
        %dma_start3A_19 = arith.constant 0 : i32
        %dma_start3A_20 = tpu.memref_slice %arg4[%add3A_12, %dma_start3A_19] : memref<2528x128xi32, #tpu.memory_space<hbm>> -> memref<1x128xi32, #tpu.memory_space<hbm>>
        %dma_start3A_21 = tpu.memref_squeeze %dma_start3A_20 : memref<1x128xi32, #tpu.memory_space<hbm>> -> memref<128xi32, #tpu.memory_space<hbm>>
        %dma_start3A_22 = arith.constant 0 : i32
        %dma_start3A_23 = tpu.memref_slice %arg4[%add3A_12, %dma_start3A_22] : memref<2528x128xi32, #tpu.memory_space<hbm>> -> memref<1x128xi32, #tpu.memory_space<hbm>>
        %dma_start3A_24 = tpu.memref_squeeze %dma_start3A_23 : memref<1x128xi32, #tpu.memory_space<hbm>> -> memref<128xi32, #tpu.memory_space<hbm>>
        tpu.enqueue_dma source(%dma_start3A_24 : memref<128xi32, #tpu.memory_space<hbm>>) target(%arg8 : memref<128xi32, #tpu.memory_space<vmem>>) target_semaphore(%run_scoped3A : memref<!tpu.dma_semaphore, #tpu.memory_space<semaphore_mem>>)
        %dma_wait3A_25 = arith.constant 0 : i32
        %dma_wait3A_26 = tpu.memref_slice %arg4[%add3A_12, %dma_wait3A_25] : memref<2528x128xi32, #tpu.memory_space<hbm>> -> memref<1x128xi32, #tpu.memory_space<hbm>>
        %dma_wait3A_27 = tpu.memref_squeeze %dma_wait3A_26 : memref<1x128xi32, #tpu.memory_space<hbm>> -> memref<128xi32, #tpu.memory_space<hbm>>
        %dma_wait3A_28 = arith.constant 0 : i32
        %dma_wait3A_29 = tpu.memref_slice %arg4[%add3A_12, %dma_wait3A_28] : memref<2528x128xi32, #tpu.memory_space<hbm>> -> memref<1x128xi32, #tpu.memory_space<hbm>>
        %dma_wait3A_30 = tpu.memref_squeeze %dma_wait3A_29 : memref<1x128xi32, #tpu.memory_space<hbm>> -> memref<128xi32, #tpu.memory_space<hbm>>
        tpu.wait_dma2 semaphore(%run_scoped3A : memref<!tpu.dma_semaphore, #tpu.memory_space<semaphore_mem>>) src(%dma_wait3A_30 : memref<128xi32, #tpu.memory_space<hbm>>) dst(%arg8 : memref<128xi32, #tpu.memory_space<vmem>>)
        tpu.yield
      }) : () -> ()
      %dma_start3A = arith.constant 0 : i32
      %dma_start3A_15 = arith.constant 0 : i32
      %dma_start3A_16 = tpu.memref_slice %arg2[%dma_start3A, %dma_start3A_15] : memref<10000x128xf32, #tpu.memory_space<hbm>> -> memref<10000x128xf32, #tpu.memory_space<hbm>>
      tpu.enqueue_indirect_dma source(%dma_start3A_16 : memref<10000x128xf32, #tpu.memory_space<hbm>>) target(%arg9 : memref<128x128xf32, #tpu.memory_space<vmem>>) offsets(%arg7 : memref<128xi32, #tpu.memory_space<vmem>>) semaphore(%arg11 : memref<!tpu.dma_semaphore, #tpu.memory_space<semaphore_mem>>)
      %dma_wait3A = arith.constant 0 : i32
      %dma_wait3A_17 = arith.constant 0 : i32
      %dma_wait3A_18 = tpu.memref_slice %arg2[%dma_wait3A, %dma_wait3A_17] : memref<10000x128xf32, #tpu.memory_space<hbm>> -> memref<10000x128xf32, #tpu.memory_space<hbm>>
      tpu.wait_indirect_dma semaphore(%arg11 : memref<!tpu.dma_semaphore, #tpu.memory_space<semaphore_mem>>) src(%dma_wait3A_18 : memref<10000x128xf32, #tpu.memory_space<hbm>>) dst(%arg9 : memref<128x128xf32, #tpu.memory_space<vmem>>)
      "tpu.region"() ({
        %run_scoped3A = tpu.sem_alloc : memref<!tpu.dma_semaphore, #tpu.memory_space<semaphore_mem>>
        %dma_start3A_19 = arith.constant 0 : i32
        %dma_start3A_20 = arith.constant 0 : i32
        %dma_start3A_21 = tpu.memref_slice %arg10[%dma_start3A_19, %dma_start3A_20] : memref<10112x128xf32, #tpu.memory_space<vmem_shared>> -> memref<10112x128xf32, #tpu.memory_space<vmem_shared>>
        tpu.enqueue_indirect_dma source(%arg9 : memref<128x128xf32, #tpu.memory_space<vmem>>) target(%dma_start3A_21 : memref<10112x128xf32, #tpu.memory_space<vmem_shared>>) offsets(%arg8 : memref<128xi32, #tpu.memory_space<vmem>>) semaphore(%run_scoped3A : memref<!tpu.dma_semaphore, #tpu.memory_space<semaphore_mem>>) {add = true}
        %dma_wait3A_22 = arith.constant 0 : i32
        %dma_wait3A_23 = arith.constant 0 : i32
        %dma_wait3A_24 = tpu.memref_slice %arg10[%dma_wait3A_22, %dma_wait3A_23] : memref<10112x128xf32, #tpu.memory_space<vmem_shared>> -> memref<10112x128xf32, #tpu.memory_space<vmem_shared>>
        tpu.wait_indirect_dma semaphore(%run_scoped3A : memref<!tpu.dma_semaphore, #tpu.memory_space<semaphore_mem>>) src(%arg9 : memref<128x128xf32, #tpu.memory_space<vmem>>) dst(%dma_wait3A_24 : memref<10112x128xf32, #tpu.memory_space<vmem_shared>>)
        tpu.yield
      }) : () -> ()
    }
    %scan3A_9 = arith.constant 79 : i32
    %barrier3A_10 = arith.constant 0 : index
    tpu.barrier barrier_id(%barrier3A_10)
    "tpu.region"() ({
      %run_scoped3A = tpu.sem_alloc : memref<!tpu.dma_semaphore, #tpu.memory_space<semaphore_mem>>
      %dma_start3A = arith.constant 0 : i32
      %dma_start3A_11 = tpu.memref_slice %arg6[%arg0, %mul3A_0, %dma_start3A] : memref<2x10112x128xf32, #tpu.memory_space<hbm>> -> memref<1x632x128xf32, #tpu.memory_space<hbm>>
      %dma_start3A_12 = tpu.memref_squeeze %dma_start3A_11 : memref<1x632x128xf32, #tpu.memory_space<hbm>> -> memref<632x128xf32, #tpu.memory_space<hbm>>
      %dma_start3A_13 = arith.constant 0 : i32
      %dma_start3A_14 = tpu.memref_slice %arg10[%mul3A_0, %dma_start3A_13] : memref<10112x128xf32, #tpu.memory_space<vmem_shared>> -> memref<632x128xf32, #tpu.memory_space<vmem_shared>>
      tpu.enqueue_dma source(%dma_start3A_14 : memref<632x128xf32, #tpu.memory_space<vmem_shared>>) target(%dma_start3A_12 : memref<632x128xf32, #tpu.memory_space<hbm>>) target_semaphore(%run_scoped3A : memref<!tpu.dma_semaphore, #tpu.memory_space<semaphore_mem>>)
      %dma_wait3A = arith.constant 0 : i32
      %dma_wait3A_15 = tpu.memref_slice %arg6[%arg0, %mul3A_0, %dma_wait3A] : memref<2x10112x128xf32, #tpu.memory_space<hbm>> -> memref<1x632x128xf32, #tpu.memory_space<hbm>>
      %dma_wait3A_16 = tpu.memref_squeeze %dma_wait3A_15 : memref<1x632x128xf32, #tpu.memory_space<hbm>> -> memref<632x128xf32, #tpu.memory_space<hbm>>
      %dma_wait3A_17 = arith.constant 0 : i32
      %dma_wait3A_18 = tpu.memref_slice %arg10[%mul3A_0, %dma_wait3A_17] : memref<10112x128xf32, #tpu.memory_space<vmem_shared>> -> memref<632x128xf32, #tpu.memory_space<vmem_shared>>
      tpu.wait_dma2 semaphore(%run_scoped3A : memref<!tpu.dma_semaphore, #tpu.memory_space<semaphore_mem>>) src(%dma_wait3A_18 : memref<632x128xf32, #tpu.memory_space<vmem_shared>>) dst(%dma_wait3A_16 : memref<632x128xf32, #tpu.memory_space<hbm>>)
      tpu.yield
    }) : () -> ()
    return
  }
}

#map = affine_map<(d0, d1) -> (0, 0)>
#map1 = affine_map<(d0, d1) -> (0)>
#map2 = affine_map<(d0, d1) -> (0, 0, 0)>
module attributes {stable_mosaic.version = 14 : i64} {
  func.func @hop(%arg0: i32, %arg1: i32, %arg2: memref<10000x128xf32, #tpu.memory_space<hbm>>, %arg3: memref<323584xi32, #tpu.memory_space<hbm>>, %arg4: memref<2528x128xi32, #tpu.memory_space<hbm>>, %arg5: memref<10112x128xf32, #tpu.memory_space<hbm>>, %arg6: memref<2x10112x128xf32, #tpu.memory_space<hbm>>, %arg7: memref<128xi32, #tpu.memory_space<vmem>>, %arg8: memref<128xi32, #tpu.memory_space<vmem>>, %arg9: memref<128x128xf32, #tpu.memory_space<vmem>>, %arg10: memref<10112x128xf32, #tpu.memory_space<vmem_shared>>, %arg11: memref<!tpu.dma_semaphore, #tpu.memory_space<semaphore_mem>>) attributes {dimension_semantics = [#tpu.dimension_semantics<core_parallel>, #tpu.dimension_semantics<subcore_parallel>], iteration_bounds = array<i64: 2, 16>, scalar_prefetch = 0 : i64, scratch_operands = 5 : i64, tpu.core_type = #tpu.core_type<sc_vector_subcore>, window_params = [{transform_indices = #map}, {transform_indices = #map1}, {transform_indices = #map}, {transform_indices = #map}, {transform_indices = #map2}]} {
    %mul3A = arith.constant 632 : i32
    %mul3A_0 = arith.muli %arg1, %mul3A : i32
    "tpu.region"() ({
      %run_scoped3A = tpu.sem_alloc : memref<!tpu.dma_semaphore, #tpu.memory_space<semaphore_mem>>
      %dma_start3A = arith.constant 0 : i32
      %dma_start3A_11 = tpu.memref_slice %arg10[%mul3A_0, %dma_start3A] : memref<10112x128xf32, #tpu.memory_space<vmem_shared>> -> memref<632x128xf32, #tpu.memory_space<vmem_shared>>
      %dma_start3A_12 = arith.constant 0 : i32
      %dma_start3A_13 = tpu.memref_slice %arg5[%mul3A_0, %dma_start3A_12] : memref<10112x128xf32, #tpu.memory_space<hbm>> -> memref<632x128xf32, #tpu.memory_space<hbm>>
      tpu.enqueue_dma source(%dma_start3A_13 : memref<632x128xf32, #tpu.memory_space<hbm>>) target(%dma_start3A_11 : memref<632x128xf32, #tpu.memory_space<vmem_shared>>) target_semaphore(%run_scoped3A : memref<!tpu.dma_semaphore, #tpu.memory_space<semaphore_mem>>)
      %dma_wait3A = arith.constant 0 : i32
      %dma_wait3A_14 = tpu.memref_slice %arg10[%mul3A_0, %dma_wait3A] : memref<10112x128xf32, #tpu.memory_space<vmem_shared>> -> memref<632x128xf32, #tpu.memory_space<vmem_shared>>
      %dma_wait3A_15 = arith.constant 0 : i32
      %dma_wait3A_16 = tpu.memref_slice %arg5[%mul3A_0, %dma_wait3A_15] : memref<10112x128xf32, #tpu.memory_space<hbm>> -> memref<632x128xf32, #tpu.memory_space<hbm>>
      tpu.wait_dma2 semaphore(%run_scoped3A : memref<!tpu.dma_semaphore, #tpu.memory_space<semaphore_mem>>) src(%dma_wait3A_16 : memref<632x128xf32, #tpu.memory_space<hbm>>) dst(%dma_wait3A_14 : memref<632x128xf32, #tpu.memory_space<vmem_shared>>)
      tpu.yield
    }) : () -> ()
    %mul3A_1 = arith.constant 16 : i32
    %mul3A_2 = arith.muli %arg0, %mul3A_1 : i32
    %add3A = arith.addi %mul3A_2, %arg1 : i32
    %mul3A_3 = arith.constant 79 : i32
    %mul3A_4 = arith.muli %add3A, %mul3A_3 : i32
    %barrier3A = arith.constant 0 : index
    tpu.barrier barrier_id(%barrier3A)
    %scan3A = arith.constant 0 : i32
    %scan3A_5 = arith.constant 0 : i32
    %scan3A_6 = arith.constant 79 : i32
    %scan3A_7 = arith.addi %scan3A_5, %scan3A_6 : i32
    %scan3A_8 = arith.constant 1 : i32
    scf.for %scan3A_11 = %scan3A_5 to %scan3A_7 step %scan3A_8  : i32 {
      %add3A_12 = arith.addi %mul3A_4, %scan3A_11 : i32
      %mul3A_13 = arith.constant 128 : i32
      %mul3A_14 = arith.muli %add3A_12, %mul3A_13 : i32
      "tpu.region"() ({
        %run_scoped3A = tpu.sem_alloc : memref<!tpu.dma_semaphore, #tpu.memory_space<semaphore_mem>>
        %dma_start3A_19 = tpu.memref_slice %arg3[%mul3A_14] : memref<323584xi32, #tpu.memory_space<hbm>> -> memref<128xi32, #tpu.memory_space<hbm>>
        %dma_start3A_20 = tpu.memref_slice %arg3[%mul3A_14] : memref<323584xi32, #tpu.memory_space<hbm>> -> memref<128xi32, #tpu.memory_space<hbm>>
        tpu.enqueue_dma source(%dma_start3A_20 : memref<128xi32, #tpu.memory_space<hbm>>) target(%arg7 : memref<128xi32, #tpu.memory_space<vmem>>) target_semaphore(%run_scoped3A : memref<!tpu.dma_semaphore, #tpu.memory_space<semaphore_mem>>)
        %dma_wait3A_21 = tpu.memref_slice %arg3[%mul3A_14] : memref<323584xi32, #tpu.memory_space<hbm>> -> memref<128xi32, #tpu.memory_space<hbm>>
        %dma_wait3A_22 = tpu.memref_slice %arg3[%mul3A_14] : memref<323584xi32, #tpu.memory_space<hbm>> -> memref<128xi32, #tpu.memory_space<hbm>>
        tpu.wait_dma2 semaphore(%run_scoped3A : memref<!tpu.dma_semaphore, #tpu.memory_space<semaphore_mem>>) src(%dma_wait3A_22 : memref<128xi32, #tpu.memory_space<hbm>>) dst(%arg7 : memref<128xi32, #tpu.memory_space<vmem>>)
        tpu.yield
      }) : () -> ()
      "tpu.region"() ({
        %run_scoped3A = tpu.sem_alloc : memref<!tpu.dma_semaphore, #tpu.memory_space<semaphore_mem>>
        %dma_start3A_19 = arith.constant 0 : i32
        %dma_start3A_20 = tpu.memref_slice %arg4[%add3A_12, %dma_start3A_19] : memref<2528x128xi32, #tpu.memory_space<hbm>> -> memref<1x128xi32, #tpu.memory_space<hbm>>
        %dma_start3A_21 = tpu.memref_squeeze %dma_start3A_20 : memref<1x128xi32, #tpu.memory_space<hbm>> -> memref<128xi32, #tpu.memory_space<hbm>>
        %dma_start3A_22 = arith.constant 0 : i32
        %dma_start3A_23 = tpu.memref_slice %arg4[%add3A_12, %dma_start3A_22] : memref<2528x128xi32, #tpu.memory_space<hbm>> -> memref<1x128xi32, #tpu.memory_space<hbm>>
        %dma_start3A_24 = tpu.memref_squeeze %dma_start3A_23 : memref<1x128xi32, #tpu.memory_space<hbm>> -> memref<128xi32, #tpu.memory_space<hbm>>
        tpu.enqueue_dma source(%dma_start3A_24 : memref<128xi32, #tpu.memory_space<hbm>>) target(%arg8 : memref<128xi32, #tpu.memory_space<vmem>>) target_semaphore(%run_scoped3A : memref<!tpu.dma_semaphore, #tpu.memory_space<semaphore_mem>>)
        %dma_wait3A_25 = arith.constant 0 : i32
        %dma_wait3A_26 = tpu.memref_slice %arg4[%add3A_12, %dma_wait3A_25] : memref<2528x128xi32, #tpu.memory_space<hbm>> -> memref<1x128xi32, #tpu.memory_space<hbm>>
        %dma_wait3A_27 = tpu.memref_squeeze %dma_wait3A_26 : memref<1x128xi32, #tpu.memory_space<hbm>> -> memref<128xi32, #tpu.memory_space<hbm>>
        %dma_wait3A_28 = arith.constant 0 : i32
        %dma_wait3A_29 = tpu.memref_slice %arg4[%add3A_12, %dma_wait3A_28] : memref<2528x128xi32, #tpu.memory_space<hbm>> -> memref<1x128xi32, #tpu.memory_space<hbm>>
        %dma_wait3A_30 = tpu.memref_squeeze %dma_wait3A_29 : memref<1x128xi32, #tpu.memory_space<hbm>> -> memref<128xi32, #tpu.memory_space<hbm>>
        tpu.wait_dma2 semaphore(%run_scoped3A : memref<!tpu.dma_semaphore, #tpu.memory_space<semaphore_mem>>) src(%dma_wait3A_30 : memref<128xi32, #tpu.memory_space<hbm>>) dst(%arg8 : memref<128xi32, #tpu.memory_space<vmem>>)
        tpu.yield
      }) : () -> ()
      %dma_start3A = arith.constant 0 : i32
      %dma_start3A_15 = arith.constant 0 : i32
      %dma_start3A_16 = tpu.memref_slice %arg2[%dma_start3A, %dma_start3A_15] : memref<10000x128xf32, #tpu.memory_space<hbm>> -> memref<10000x128xf32, #tpu.memory_space<hbm>>
      tpu.enqueue_indirect_dma source(%dma_start3A_16 : memref<10000x128xf32, #tpu.memory_space<hbm>>) target(%arg9 : memref<128x128xf32, #tpu.memory_space<vmem>>) offsets(%arg7 : memref<128xi32, #tpu.memory_space<vmem>>) semaphore(%arg11 : memref<!tpu.dma_semaphore, #tpu.memory_space<semaphore_mem>>)
      %dma_wait3A = arith.constant 0 : i32
      %dma_wait3A_17 = arith.constant 0 : i32
      %dma_wait3A_18 = tpu.memref_slice %arg2[%dma_wait3A, %dma_wait3A_17] : memref<10000x128xf32, #tpu.memory_space<hbm>> -> memref<10000x128xf32, #tpu.memory_space<hbm>>
      tpu.wait_indirect_dma semaphore(%arg11 : memref<!tpu.dma_semaphore, #tpu.memory_space<semaphore_mem>>) src(%dma_wait3A_18 : memref<10000x128xf32, #tpu.memory_space<hbm>>) dst(%arg9 : memref<128x128xf32, #tpu.memory_space<vmem>>)
      "tpu.region"() ({
        %run_scoped3A = tpu.sem_alloc : memref<!tpu.dma_semaphore, #tpu.memory_space<semaphore_mem>>
        %dma_start3A_19 = arith.constant 0 : i32
        %dma_start3A_20 = arith.constant 0 : i32
        %dma_start3A_21 = tpu.memref_slice %arg10[%dma_start3A_19, %dma_start3A_20] : memref<10112x128xf32, #tpu.memory_space<vmem_shared>> -> memref<10112x128xf32, #tpu.memory_space<vmem_shared>>
        tpu.enqueue_indirect_dma source(%arg9 : memref<128x128xf32, #tpu.memory_space<vmem>>) target(%dma_start3A_21 : memref<10112x128xf32, #tpu.memory_space<vmem_shared>>) offsets(%arg8 : memref<128xi32, #tpu.memory_space<vmem>>) semaphore(%run_scoped3A : memref<!tpu.dma_semaphore, #tpu.memory_space<semaphore_mem>>) {add = true}
        %dma_wait3A_22 = arith.constant 0 : i32
        %dma_wait3A_23 = arith.constant 0 : i32
        %dma_wait3A_24 = tpu.memref_slice %arg10[%dma_wait3A_22, %dma_wait3A_23] : memref<10112x128xf32, #tpu.memory_space<vmem_shared>> -> memref<10112x128xf32, #tpu.memory_space<vmem_shared>>
        tpu.wait_indirect_dma semaphore(%run_scoped3A : memref<!tpu.dma_semaphore, #tpu.memory_space<semaphore_mem>>) src(%arg9 : memref<128x128xf32, #tpu.memory_space<vmem>>) dst(%dma_wait3A_24 : memref<10112x128xf32, #tpu.memory_space<vmem_shared>>)
        tpu.yield
      }) : () -> ()
    }
    %scan3A_9 = arith.constant 79 : i32
    %barrier3A_10 = arith.constant 0 : index
    tpu.barrier barrier_id(%barrier3A_10)
    "tpu.region"() ({
      %run_scoped3A = tpu.sem_alloc : memref<!tpu.dma_semaphore, #tpu.memory_space<semaphore_mem>>
      %dma_start3A = arith.constant 0 : i32
      %dma_start3A_11 = tpu.memref_slice %arg6[%arg0, %mul3A_0, %dma_start3A] : memref<2x10112x128xf32, #tpu.memory_space<hbm>> -> memref<1x632x128xf32, #tpu.memory_space<hbm>>
      %dma_start3A_12 = tpu.memref_squeeze %dma_start3A_11 : memref<1x632x128xf32, #tpu.memory_space<hbm>> -> memref<632x128xf32, #tpu.memory_space<hbm>>
      %dma_start3A_13 = arith.constant 0 : i32
      %dma_start3A_14 = tpu.memref_slice %arg10[%mul3A_0, %dma_start3A_13] : memref<10112x128xf32, #tpu.memory_space<vmem_shared>> -> memref<632x128xf32, #tpu.memory_space<vmem_shared>>
      tpu.enqueue_dma source(%dma_start3A_14 : memref<632x128xf32, #tpu.memory_space<vmem_shared>>) target(%dma_start3A_12 : memref<632x128xf32, #tpu.memory_space<hbm>>) target_semaphore(%run_scoped3A : memref<!tpu.dma_semaphore, #tpu.memory_space<semaphore_mem>>)
      %dma_wait3A = arith.constant 0 : i32
      %dma_wait3A_15 = tpu.memref_slice %arg6[%arg0, %mul3A_0, %dma_wait3A] : memref<2x10112x128xf32, #tpu.memory_space<hbm>> -> memref<1x632x128xf32, #tpu.memory_space<hbm>>
      %dma_wait3A_16 = tpu.memref_squeeze %dma_wait3A_15 : memref<1x632x128xf32, #tpu.memory_space<hbm>> -> memref<632x128xf32, #tpu.memory_space<hbm>>
      %dma_wait3A_17 = arith.constant 0 : i32
      %dma_wait3A_18 = tpu.memref_slice %arg10[%mul3A_0, %dma_wait3A_17] : memref<10112x128xf32, #tpu.memory_space<vmem_shared>> -> memref<632x128xf32, #tpu.memory_space<vmem_shared>>
      tpu.wait_dma2 semaphore(%run_scoped3A : memref<!tpu.dma_semaphore, #tpu.memory_space<semaphore_mem>>) src(%dma_wait3A_18 : memref<632x128xf32, #tpu.memory_space<vmem_shared>>) dst(%dma_wait3A_16 : memref<632x128xf32, #tpu.memory_space<hbm>>)
      tpu.yield
    }) : () -> ()
    return
  }
}

#map = affine_map<(d0, d1) -> (0, 0)>
#map1 = affine_map<(d0, d1) -> (0)>
#map2 = affine_map<(d0, d1) -> (0, 0, 0)>
module attributes {stable_mosaic.version = 14 : i64} {
  func.func @hop(%arg0: i32, %arg1: i32, %arg2: memref<10000x128xf32, #tpu.memory_space<hbm>>, %arg3: memref<323584xi32, #tpu.memory_space<hbm>>, %arg4: memref<2528x128xi32, #tpu.memory_space<hbm>>, %arg5: memref<10112x128xf32, #tpu.memory_space<hbm>>, %arg6: memref<2x10112x128xf32, #tpu.memory_space<hbm>>, %arg7: memref<128xi32, #tpu.memory_space<vmem>>, %arg8: memref<128xi32, #tpu.memory_space<vmem>>, %arg9: memref<128x128xf32, #tpu.memory_space<vmem>>, %arg10: memref<10112x128xf32, #tpu.memory_space<vmem_shared>>, %arg11: memref<!tpu.dma_semaphore, #tpu.memory_space<semaphore_mem>>) attributes {dimension_semantics = [#tpu.dimension_semantics<core_parallel>, #tpu.dimension_semantics<subcore_parallel>], iteration_bounds = array<i64: 2, 16>, scalar_prefetch = 0 : i64, scratch_operands = 5 : i64, tpu.core_type = #tpu.core_type<sc_vector_subcore>, window_params = [{transform_indices = #map}, {transform_indices = #map1}, {transform_indices = #map}, {transform_indices = #map}, {transform_indices = #map2}]} {
    %mul3A = arith.constant 632 : i32
    %mul3A_0 = arith.muli %arg1, %mul3A : i32
    "tpu.region"() ({
      %run_scoped3A = tpu.sem_alloc : memref<!tpu.dma_semaphore, #tpu.memory_space<semaphore_mem>>
      %dma_start3A = arith.constant 0 : i32
      %dma_start3A_11 = tpu.memref_slice %arg10[%mul3A_0, %dma_start3A] : memref<10112x128xf32, #tpu.memory_space<vmem_shared>> -> memref<632x128xf32, #tpu.memory_space<vmem_shared>>
      %dma_start3A_12 = arith.constant 0 : i32
      %dma_start3A_13 = tpu.memref_slice %arg5[%mul3A_0, %dma_start3A_12] : memref<10112x128xf32, #tpu.memory_space<hbm>> -> memref<632x128xf32, #tpu.memory_space<hbm>>
      tpu.enqueue_dma source(%dma_start3A_13 : memref<632x128xf32, #tpu.memory_space<hbm>>) target(%dma_start3A_11 : memref<632x128xf32, #tpu.memory_space<vmem_shared>>) target_semaphore(%run_scoped3A : memref<!tpu.dma_semaphore, #tpu.memory_space<semaphore_mem>>)
      %dma_wait3A = arith.constant 0 : i32
      %dma_wait3A_14 = tpu.memref_slice %arg10[%mul3A_0, %dma_wait3A] : memref<10112x128xf32, #tpu.memory_space<vmem_shared>> -> memref<632x128xf32, #tpu.memory_space<vmem_shared>>
      %dma_wait3A_15 = arith.constant 0 : i32
      %dma_wait3A_16 = tpu.memref_slice %arg5[%mul3A_0, %dma_wait3A_15] : memref<10112x128xf32, #tpu.memory_space<hbm>> -> memref<632x128xf32, #tpu.memory_space<hbm>>
      tpu.wait_dma2 semaphore(%run_scoped3A : memref<!tpu.dma_semaphore, #tpu.memory_space<semaphore_mem>>) src(%dma_wait3A_16 : memref<632x128xf32, #tpu.memory_space<hbm>>) dst(%dma_wait3A_14 : memref<632x128xf32, #tpu.memory_space<vmem_shared>>)
      tpu.yield
    }) : () -> ()
    %mul3A_1 = arith.constant 16 : i32
    %mul3A_2 = arith.muli %arg0, %mul3A_1 : i32
    %add3A = arith.addi %mul3A_2, %arg1 : i32
    %mul3A_3 = arith.constant 79 : i32
    %mul3A_4 = arith.muli %add3A, %mul3A_3 : i32
    %barrier3A = arith.constant 0 : index
    tpu.barrier barrier_id(%barrier3A)
    %scan3A = arith.constant 0 : i32
    %scan3A_5 = arith.constant 0 : i32
    %scan3A_6 = arith.constant 79 : i32
    %scan3A_7 = arith.addi %scan3A_5, %scan3A_6 : i32
    %scan3A_8 = arith.constant 1 : i32
    scf.for %scan3A_11 = %scan3A_5 to %scan3A_7 step %scan3A_8  : i32 {
      %add3A_12 = arith.addi %mul3A_4, %scan3A_11 : i32
      %mul3A_13 = arith.constant 128 : i32
      %mul3A_14 = arith.muli %add3A_12, %mul3A_13 : i32
      "tpu.region"() ({
        %run_scoped3A = tpu.sem_alloc : memref<!tpu.dma_semaphore, #tpu.memory_space<semaphore_mem>>
        %dma_start3A_19 = tpu.memref_slice %arg3[%mul3A_14] : memref<323584xi32, #tpu.memory_space<hbm>> -> memref<128xi32, #tpu.memory_space<hbm>>
        %dma_start3A_20 = tpu.memref_slice %arg3[%mul3A_14] : memref<323584xi32, #tpu.memory_space<hbm>> -> memref<128xi32, #tpu.memory_space<hbm>>
        tpu.enqueue_dma source(%dma_start3A_20 : memref<128xi32, #tpu.memory_space<hbm>>) target(%arg7 : memref<128xi32, #tpu.memory_space<vmem>>) target_semaphore(%run_scoped3A : memref<!tpu.dma_semaphore, #tpu.memory_space<semaphore_mem>>)
        %dma_wait3A_21 = tpu.memref_slice %arg3[%mul3A_14] : memref<323584xi32, #tpu.memory_space<hbm>> -> memref<128xi32, #tpu.memory_space<hbm>>
        %dma_wait3A_22 = tpu.memref_slice %arg3[%mul3A_14] : memref<323584xi32, #tpu.memory_space<hbm>> -> memref<128xi32, #tpu.memory_space<hbm>>
        tpu.wait_dma2 semaphore(%run_scoped3A : memref<!tpu.dma_semaphore, #tpu.memory_space<semaphore_mem>>) src(%dma_wait3A_22 : memref<128xi32, #tpu.memory_space<hbm>>) dst(%arg7 : memref<128xi32, #tpu.memory_space<vmem>>)
        tpu.yield
      }) : () -> ()
      "tpu.region"() ({
        %run_scoped3A = tpu.sem_alloc : memref<!tpu.dma_semaphore, #tpu.memory_space<semaphore_mem>>
        %dma_start3A_19 = arith.constant 0 : i32
        %dma_start3A_20 = tpu.memref_slice %arg4[%add3A_12, %dma_start3A_19] : memref<2528x128xi32, #tpu.memory_space<hbm>> -> memref<1x128xi32, #tpu.memory_space<hbm>>
        %dma_start3A_21 = tpu.memref_squeeze %dma_start3A_20 : memref<1x128xi32, #tpu.memory_space<hbm>> -> memref<128xi32, #tpu.memory_space<hbm>>
        %dma_start3A_22 = arith.constant 0 : i32
        %dma_start3A_23 = tpu.memref_slice %arg4[%add3A_12, %dma_start3A_22] : memref<2528x128xi32, #tpu.memory_space<hbm>> -> memref<1x128xi32, #tpu.memory_space<hbm>>
        %dma_start3A_24 = tpu.memref_squeeze %dma_start3A_23 : memref<1x128xi32, #tpu.memory_space<hbm>> -> memref<128xi32, #tpu.memory_space<hbm>>
        tpu.enqueue_dma source(%dma_start3A_24 : memref<128xi32, #tpu.memory_space<hbm>>) target(%arg8 : memref<128xi32, #tpu.memory_space<vmem>>) target_semaphore(%run_scoped3A : memref<!tpu.dma_semaphore, #tpu.memory_space<semaphore_mem>>)
        %dma_wait3A_25 = arith.constant 0 : i32
        %dma_wait3A_26 = tpu.memref_slice %arg4[%add3A_12, %dma_wait3A_25] : memref<2528x128xi32, #tpu.memory_space<hbm>> -> memref<1x128xi32, #tpu.memory_space<hbm>>
        %dma_wait3A_27 = tpu.memref_squeeze %dma_wait3A_26 : memref<1x128xi32, #tpu.memory_space<hbm>> -> memref<128xi32, #tpu.memory_space<hbm>>
        %dma_wait3A_28 = arith.constant 0 : i32
        %dma_wait3A_29 = tpu.memref_slice %arg4[%add3A_12, %dma_wait3A_28] : memref<2528x128xi32, #tpu.memory_space<hbm>> -> memref<1x128xi32, #tpu.memory_space<hbm>>
        %dma_wait3A_30 = tpu.memref_squeeze %dma_wait3A_29 : memref<1x128xi32, #tpu.memory_space<hbm>> -> memref<128xi32, #tpu.memory_space<hbm>>
        tpu.wait_dma2 semaphore(%run_scoped3A : memref<!tpu.dma_semaphore, #tpu.memory_space<semaphore_mem>>) src(%dma_wait3A_30 : memref<128xi32, #tpu.memory_space<hbm>>) dst(%arg8 : memref<128xi32, #tpu.memory_space<vmem>>)
        tpu.yield
      }) : () -> ()
      %dma_start3A = arith.constant 0 : i32
      %dma_start3A_15 = arith.constant 0 : i32
      %dma_start3A_16 = tpu.memref_slice %arg2[%dma_start3A, %dma_start3A_15] : memref<10000x128xf32, #tpu.memory_space<hbm>> -> memref<10000x128xf32, #tpu.memory_space<hbm>>
      tpu.enqueue_indirect_dma source(%dma_start3A_16 : memref<10000x128xf32, #tpu.memory_space<hbm>>) target(%arg9 : memref<128x128xf32, #tpu.memory_space<vmem>>) offsets(%arg7 : memref<128xi32, #tpu.memory_space<vmem>>) semaphore(%arg11 : memref<!tpu.dma_semaphore, #tpu.memory_space<semaphore_mem>>)
      %dma_wait3A = arith.constant 0 : i32
      %dma_wait3A_17 = arith.constant 0 : i32
      %dma_wait3A_18 = tpu.memref_slice %arg2[%dma_wait3A, %dma_wait3A_17] : memref<10000x128xf32, #tpu.memory_space<hbm>> -> memref<10000x128xf32, #tpu.memory_space<hbm>>
      tpu.wait_indirect_dma semaphore(%arg11 : memref<!tpu.dma_semaphore, #tpu.memory_space<semaphore_mem>>) src(%dma_wait3A_18 : memref<10000x128xf32, #tpu.memory_space<hbm>>) dst(%arg9 : memref<128x128xf32, #tpu.memory_space<vmem>>)
      "tpu.region"() ({
        %run_scoped3A = tpu.sem_alloc : memref<!tpu.dma_semaphore, #tpu.memory_space<semaphore_mem>>
        %dma_start3A_19 = arith.constant 0 : i32
        %dma_start3A_20 = arith.constant 0 : i32
        %dma_start3A_21 = tpu.memref_slice %arg10[%dma_start3A_19, %dma_start3A_20] : memref<10112x128xf32, #tpu.memory_space<vmem_shared>> -> memref<10112x128xf32, #tpu.memory_space<vmem_shared>>
        tpu.enqueue_indirect_dma source(%arg9 : memref<128x128xf32, #tpu.memory_space<vmem>>) target(%dma_start3A_21 : memref<10112x128xf32, #tpu.memory_space<vmem_shared>>) offsets(%arg8 : memref<128xi32, #tpu.memory_space<vmem>>) semaphore(%run_scoped3A : memref<!tpu.dma_semaphore, #tpu.memory_space<semaphore_mem>>) {add = true}
        %dma_wait3A_22 = arith.constant 0 : i32
        %dma_wait3A_23 = arith.constant 0 : i32
        %dma_wait3A_24 = tpu.memref_slice %arg10[%dma_wait3A_22, %dma_wait3A_23] : memref<10112x128xf32, #tpu.memory_space<vmem_shared>> -> memref<10112x128xf32, #tpu.memory_space<vmem_shared>>
        tpu.wait_indirect_dma semaphore(%run_scoped3A : memref<!tpu.dma_semaphore, #tpu.memory_space<semaphore_mem>>) src(%arg9 : memref<128x128xf32, #tpu.memory_space<vmem>>) dst(%dma_wait3A_24 : memref<10112x128xf32, #tpu.memory_space<vmem_shared>>)
        tpu.yield
      }) : () -> ()
    }
    %scan3A_9 = arith.constant 79 : i32
    %barrier3A_10 = arith.constant 0 : index
    tpu.barrier barrier_id(%barrier3A_10)
    "tpu.region"() ({
      %run_scoped3A = tpu.sem_alloc : memref<!tpu.dma_semaphore, #tpu.memory_space<semaphore_mem>>
      %dma_start3A = arith.constant 0 : i32
      %dma_start3A_11 = tpu.memref_slice %arg6[%arg0, %mul3A_0, %dma_start3A] : memref<2x10112x128xf32, #tpu.memory_space<hbm>> -> memref<1x632x128xf32, #tpu.memory_space<hbm>>
      %dma_start3A_12 = tpu.memref_squeeze %dma_start3A_11 : memref<1x632x128xf32, #tpu.memory_space<hbm>> -> memref<632x128xf32, #tpu.memory_space<hbm>>
      %dma_start3A_13 = arith.constant 0 : i32
      %dma_start3A_14 = tpu.memref_slice %arg10[%mul3A_0, %dma_start3A_13] : memref<10112x128xf32, #tpu.memory_space<vmem_shared>> -> memref<632x128xf32, #tpu.memory_space<vmem_shared>>
      tpu.enqueue_dma source(%dma_start3A_14 : memref<632x128xf32, #tpu.memory_space<vmem_shared>>) target(%dma_start3A_12 : memref<632x128xf32, #tpu.memory_space<hbm>>) target_semaphore(%run_scoped3A : memref<!tpu.dma_semaphore, #tpu.memory_space<semaphore_mem>>)
      %dma_wait3A = arith.constant 0 : i32
      %dma_wait3A_15 = tpu.memref_slice %arg6[%arg0, %mul3A_0, %dma_wait3A] : memref<2x10112x128xf32, #tpu.memory_space<hbm>> -> memref<1x632x128xf32, #tpu.memory_space<hbm>>
      %dma_wait3A_16 = tpu.memref_squeeze %dma_wait3A_15 : memref<1x632x128xf32, #tpu.memory_space<hbm>> -> memref<632x128xf32, #tpu.memory_space<hbm>>
      %dma_wait3A_17 = arith.constant 0 : i32
      %dma_wait3A_18 = tpu.memref_slice %arg10[%mul3A_0, %dma_wait3A_17] : memref<10112x128xf32, #tpu.memory_space<vmem_shared>> -> memref<632x128xf32, #tpu.memory_space<vmem_shared>>
      tpu.wait_dma2 semaphore(%run_scoped3A : memref<!tpu.dma_semaphore, #tpu.memory_space<semaphore_mem>>) src(%dma_wait3A_18 : memref<632x128xf32, #tpu.memory_space<vmem_shared>>) dst(%dma_wait3A_16 : memref<632x128xf32, #tpu.memory_space<hbm>>)
      tpu.yield
    }) : () -> ()
    return
  }
}

#map = affine_map<(d0, d1) -> (0, 0)>
#map1 = affine_map<(d0, d1) -> (0)>
#map2 = affine_map<(d0, d1) -> (0, 0, 0)>
module attributes {stable_mosaic.version = 14 : i64} {
  func.func @hop(%arg0: i32, %arg1: i32, %arg2: memref<10000x128xf32, #tpu.memory_space<hbm>>, %arg3: memref<323584xi32, #tpu.memory_space<hbm>>, %arg4: memref<2528x128xi32, #tpu.memory_space<hbm>>, %arg5: memref<10112x128xf32, #tpu.memory_space<hbm>>, %arg6: memref<2x10112x128xf32, #tpu.memory_space<hbm>>, %arg7: memref<128xi32, #tpu.memory_space<vmem>>, %arg8: memref<128xi32, #tpu.memory_space<vmem>>, %arg9: memref<128x128xf32, #tpu.memory_space<vmem>>, %arg10: memref<10112x128xf32, #tpu.memory_space<vmem_shared>>, %arg11: memref<!tpu.dma_semaphore, #tpu.memory_space<semaphore_mem>>) attributes {dimension_semantics = [#tpu.dimension_semantics<core_parallel>, #tpu.dimension_semantics<subcore_parallel>], iteration_bounds = array<i64: 2, 16>, scalar_prefetch = 0 : i64, scratch_operands = 5 : i64, tpu.core_type = #tpu.core_type<sc_vector_subcore>, window_params = [{transform_indices = #map}, {transform_indices = #map1}, {transform_indices = #map}, {transform_indices = #map}, {transform_indices = #map2}]} {
    %mul3A = arith.constant 632 : i32
    %mul3A_0 = arith.muli %arg1, %mul3A : i32
    "tpu.region"() ({
      %run_scoped3A = tpu.sem_alloc : memref<!tpu.dma_semaphore, #tpu.memory_space<semaphore_mem>>
      %dma_start3A = arith.constant 0 : i32
      %dma_start3A_11 = tpu.memref_slice %arg10[%mul3A_0, %dma_start3A] : memref<10112x128xf32, #tpu.memory_space<vmem_shared>> -> memref<632x128xf32, #tpu.memory_space<vmem_shared>>
      %dma_start3A_12 = arith.constant 0 : i32
      %dma_start3A_13 = tpu.memref_slice %arg5[%mul3A_0, %dma_start3A_12] : memref<10112x128xf32, #tpu.memory_space<hbm>> -> memref<632x128xf32, #tpu.memory_space<hbm>>
      tpu.enqueue_dma source(%dma_start3A_13 : memref<632x128xf32, #tpu.memory_space<hbm>>) target(%dma_start3A_11 : memref<632x128xf32, #tpu.memory_space<vmem_shared>>) target_semaphore(%run_scoped3A : memref<!tpu.dma_semaphore, #tpu.memory_space<semaphore_mem>>)
      %dma_wait3A = arith.constant 0 : i32
      %dma_wait3A_14 = tpu.memref_slice %arg10[%mul3A_0, %dma_wait3A] : memref<10112x128xf32, #tpu.memory_space<vmem_shared>> -> memref<632x128xf32, #tpu.memory_space<vmem_shared>>
      %dma_wait3A_15 = arith.constant 0 : i32
      %dma_wait3A_16 = tpu.memref_slice %arg5[%mul3A_0, %dma_wait3A_15] : memref<10112x128xf32, #tpu.memory_space<hbm>> -> memref<632x128xf32, #tpu.memory_space<hbm>>
      tpu.wait_dma2 semaphore(%run_scoped3A : memref<!tpu.dma_semaphore, #tpu.memory_space<semaphore_mem>>) src(%dma_wait3A_16 : memref<632x128xf32, #tpu.memory_space<hbm>>) dst(%dma_wait3A_14 : memref<632x128xf32, #tpu.memory_space<vmem_shared>>)
      tpu.yield
    }) : () -> ()
    %mul3A_1 = arith.constant 16 : i32
    %mul3A_2 = arith.muli %arg0, %mul3A_1 : i32
    %add3A = arith.addi %mul3A_2, %arg1 : i32
    %mul3A_3 = arith.constant 79 : i32
    %mul3A_4 = arith.muli %add3A, %mul3A_3 : i32
    %barrier3A = arith.constant 0 : index
    tpu.barrier barrier_id(%barrier3A)
    %scan3A = arith.constant 0 : i32
    %scan3A_5 = arith.constant 0 : i32
    %scan3A_6 = arith.constant 79 : i32
    %scan3A_7 = arith.addi %scan3A_5, %scan3A_6 : i32
    %scan3A_8 = arith.constant 1 : i32
    scf.for %scan3A_11 = %scan3A_5 to %scan3A_7 step %scan3A_8  : i32 {
      %add3A_12 = arith.addi %mul3A_4, %scan3A_11 : i32
      %mul3A_13 = arith.constant 128 : i32
      %mul3A_14 = arith.muli %add3A_12, %mul3A_13 : i32
      "tpu.region"() ({
        %run_scoped3A = tpu.sem_alloc : memref<!tpu.dma_semaphore, #tpu.memory_space<semaphore_mem>>
        %dma_start3A_19 = tpu.memref_slice %arg3[%mul3A_14] : memref<323584xi32, #tpu.memory_space<hbm>> -> memref<128xi32, #tpu.memory_space<hbm>>
        %dma_start3A_20 = tpu.memref_slice %arg3[%mul3A_14] : memref<323584xi32, #tpu.memory_space<hbm>> -> memref<128xi32, #tpu.memory_space<hbm>>
        tpu.enqueue_dma source(%dma_start3A_20 : memref<128xi32, #tpu.memory_space<hbm>>) target(%arg7 : memref<128xi32, #tpu.memory_space<vmem>>) target_semaphore(%run_scoped3A : memref<!tpu.dma_semaphore, #tpu.memory_space<semaphore_mem>>)
        %dma_wait3A_21 = tpu.memref_slice %arg3[%mul3A_14] : memref<323584xi32, #tpu.memory_space<hbm>> -> memref<128xi32, #tpu.memory_space<hbm>>
        %dma_wait3A_22 = tpu.memref_slice %arg3[%mul3A_14] : memref<323584xi32, #tpu.memory_space<hbm>> -> memref<128xi32, #tpu.memory_space<hbm>>
        tpu.wait_dma2 semaphore(%run_scoped3A : memref<!tpu.dma_semaphore, #tpu.memory_space<semaphore_mem>>) src(%dma_wait3A_22 : memref<128xi32, #tpu.memory_space<hbm>>) dst(%arg7 : memref<128xi32, #tpu.memory_space<vmem>>)
        tpu.yield
      }) : () -> ()
      "tpu.region"() ({
        %run_scoped3A = tpu.sem_alloc : memref<!tpu.dma_semaphore, #tpu.memory_space<semaphore_mem>>
        %dma_start3A_19 = arith.constant 0 : i32
        %dma_start3A_20 = tpu.memref_slice %arg4[%add3A_12, %dma_start3A_19] : memref<2528x128xi32, #tpu.memory_space<hbm>> -> memref<1x128xi32, #tpu.memory_space<hbm>>
        %dma_start3A_21 = tpu.memref_squeeze %dma_start3A_20 : memref<1x128xi32, #tpu.memory_space<hbm>> -> memref<128xi32, #tpu.memory_space<hbm>>
        %dma_start3A_22 = arith.constant 0 : i32
        %dma_start3A_23 = tpu.memref_slice %arg4[%add3A_12, %dma_start3A_22] : memref<2528x128xi32, #tpu.memory_space<hbm>> -> memref<1x128xi32, #tpu.memory_space<hbm>>
        %dma_start3A_24 = tpu.memref_squeeze %dma_start3A_23 : memref<1x128xi32, #tpu.memory_space<hbm>> -> memref<128xi32, #tpu.memory_space<hbm>>
        tpu.enqueue_dma source(%dma_start3A_24 : memref<128xi32, #tpu.memory_space<hbm>>) target(%arg8 : memref<128xi32, #tpu.memory_space<vmem>>) target_semaphore(%run_scoped3A : memref<!tpu.dma_semaphore, #tpu.memory_space<semaphore_mem>>)
        %dma_wait3A_25 = arith.constant 0 : i32
        %dma_wait3A_26 = tpu.memref_slice %arg4[%add3A_12, %dma_wait3A_25] : memref<2528x128xi32, #tpu.memory_space<hbm>> -> memref<1x128xi32, #tpu.memory_space<hbm>>
        %dma_wait3A_27 = tpu.memref_squeeze %dma_wait3A_26 : memref<1x128xi32, #tpu.memory_space<hbm>> -> memref<128xi32, #tpu.memory_space<hbm>>
        %dma_wait3A_28 = arith.constant 0 : i32
        %dma_wait3A_29 = tpu.memref_slice %arg4[%add3A_12, %dma_wait3A_28] : memref<2528x128xi32, #tpu.memory_space<hbm>> -> memref<1x128xi32, #tpu.memory_space<hbm>>
        %dma_wait3A_30 = tpu.memref_squeeze %dma_wait3A_29 : memref<1x128xi32, #tpu.memory_space<hbm>> -> memref<128xi32, #tpu.memory_space<hbm>>
        tpu.wait_dma2 semaphore(%run_scoped3A : memref<!tpu.dma_semaphore, #tpu.memory_space<semaphore_mem>>) src(%dma_wait3A_30 : memref<128xi32, #tpu.memory_space<hbm>>) dst(%arg8 : memref<128xi32, #tpu.memory_space<vmem>>)
        tpu.yield
      }) : () -> ()
      %dma_start3A = arith.constant 0 : i32
      %dma_start3A_15 = arith.constant 0 : i32
      %dma_start3A_16 = tpu.memref_slice %arg2[%dma_start3A, %dma_start3A_15] : memref<10000x128xf32, #tpu.memory_space<hbm>> -> memref<10000x128xf32, #tpu.memory_space<hbm>>
      tpu.enqueue_indirect_dma source(%dma_start3A_16 : memref<10000x128xf32, #tpu.memory_space<hbm>>) target(%arg9 : memref<128x128xf32, #tpu.memory_space<vmem>>) offsets(%arg7 : memref<128xi32, #tpu.memory_space<vmem>>) semaphore(%arg11 : memref<!tpu.dma_semaphore, #tpu.memory_space<semaphore_mem>>)
      %dma_wait3A = arith.constant 0 : i32
      %dma_wait3A_17 = arith.constant 0 : i32
      %dma_wait3A_18 = tpu.memref_slice %arg2[%dma_wait3A, %dma_wait3A_17] : memref<10000x128xf32, #tpu.memory_space<hbm>> -> memref<10000x128xf32, #tpu.memory_space<hbm>>
      tpu.wait_indirect_dma semaphore(%arg11 : memref<!tpu.dma_semaphore, #tpu.memory_space<semaphore_mem>>) src(%dma_wait3A_18 : memref<10000x128xf32, #tpu.memory_space<hbm>>) dst(%arg9 : memref<128x128xf32, #tpu.memory_space<vmem>>)
      "tpu.region"() ({
        %run_scoped3A = tpu.sem_alloc : memref<!tpu.dma_semaphore, #tpu.memory_space<semaphore_mem>>
        %dma_start3A_19 = arith.constant 0 : i32
        %dma_start3A_20 = arith.constant 0 : i32
        %dma_start3A_21 = tpu.memref_slice %arg10[%dma_start3A_19, %dma_start3A_20] : memref<10112x128xf32, #tpu.memory_space<vmem_shared>> -> memref<10112x128xf32, #tpu.memory_space<vmem_shared>>
        tpu.enqueue_indirect_dma source(%arg9 : memref<128x128xf32, #tpu.memory_space<vmem>>) target(%dma_start3A_21 : memref<10112x128xf32, #tpu.memory_space<vmem_shared>>) offsets(%arg8 : memref<128xi32, #tpu.memory_space<vmem>>) semaphore(%run_scoped3A : memref<!tpu.dma_semaphore, #tpu.memory_space<semaphore_mem>>) {add = true}
        %dma_wait3A_22 = arith.constant 0 : i32
        %dma_wait3A_23 = arith.constant 0 : i32
        %dma_wait3A_24 = tpu.memref_slice %arg10[%dma_wait3A_22, %dma_wait3A_23] : memref<10112x128xf32, #tpu.memory_space<vmem_shared>> -> memref<10112x128xf32, #tpu.memory_space<vmem_shared>>
        tpu.wait_indirect_dma semaphore(%run_scoped3A : memref<!tpu.dma_semaphore, #tpu.memory_space<semaphore_mem>>) src(%arg9 : memref<128x128xf32, #tpu.memory_space<vmem>>) dst(%dma_wait3A_24 : memref<10112x128xf32, #tpu.memory_space<vmem_shared>>)
        tpu.yield
      }) : () -> ()
    }
    %scan3A_9 = arith.constant 79 : i32
    %barrier3A_10 = arith.constant 0 : index
    tpu.barrier barrier_id(%barrier3A_10)
    "tpu.region"() ({
      %run_scoped3A = tpu.sem_alloc : memref<!tpu.dma_semaphore, #tpu.memory_space<semaphore_mem>>
      %dma_start3A = arith.constant 0 : i32
      %dma_start3A_11 = tpu.memref_slice %arg6[%arg0, %mul3A_0, %dma_start3A] : memref<2x10112x128xf32, #tpu.memory_space<hbm>> -> memref<1x632x128xf32, #tpu.memory_space<hbm>>
      %dma_start3A_12 = tpu.memref_squeeze %dma_start3A_11 : memref<1x632x128xf32, #tpu.memory_space<hbm>> -> memref<632x128xf32, #tpu.memory_space<hbm>>
      %dma_start3A_13 = arith.constant 0 : i32
      %dma_start3A_14 = tpu.memref_slice %arg10[%mul3A_0, %dma_start3A_13] : memref<10112x128xf32, #tpu.memory_space<vmem_shared>> -> memref<632x128xf32, #tpu.memory_space<vmem_shared>>
      tpu.enqueue_dma source(%dma_start3A_14 : memref<632x128xf32, #tpu.memory_space<vmem_shared>>) target(%dma_start3A_12 : memref<632x128xf32, #tpu.memory_space<hbm>>) target_semaphore(%run_scoped3A : memref<!tpu.dma_semaphore, #tpu.memory_space<semaphore_mem>>)
      %dma_wait3A = arith.constant 0 : i32
      %dma_wait3A_15 = tpu.memref_slice %arg6[%arg0, %mul3A_0, %dma_wait3A] : memref<2x10112x128xf32, #tpu.memory_space<hbm>> -> memref<1x632x128xf32, #tpu.memory_space<hbm>>
      %dma_wait3A_16 = tpu.memref_squeeze %dma_wait3A_15 : memref<1x632x128xf32, #tpu.memory_space<hbm>> -> memref<632x128xf32, #tpu.memory_space<hbm>>
      %dma_wait3A_17 = arith.constant 0 : i32
      %dma_wait3A_18 = tpu.memref_slice %arg10[%mul3A_0, %dma_wait3A_17] : memref<10112x128xf32, #tpu.memory_space<vmem_shared>> -> memref<632x128xf32, #tpu.memory_space<vmem_shared>>
      tpu.wait_dma2 semaphore(%run_scoped3A : memref<!tpu.dma_semaphore, #tpu.memory_space<semaphore_mem>>) src(%dma_wait3A_18 : memref<632x128xf32, #tpu.memory_space<vmem_shared>>) dst(%dma_wait3A_16 : memref<632x128xf32, #tpu.memory_space<hbm>>)
      tpu.yield
    }) : () -> ()
    return
  }
}

#map = affine_map<(d0, d1) -> (0, 0)>
#map1 = affine_map<(d0, d1) -> (0)>
#map2 = affine_map<(d0, d1) -> (0, 0, 0)>
module attributes {stable_mosaic.version = 14 : i64} {
  func.func @hop(%arg0: i32, %arg1: i32, %arg2: memref<10000x128xf32, #tpu.memory_space<hbm>>, %arg3: memref<323584xi32, #tpu.memory_space<hbm>>, %arg4: memref<2528x128xi32, #tpu.memory_space<hbm>>, %arg5: memref<10112x128xf32, #tpu.memory_space<hbm>>, %arg6: memref<2x10112x128xf32, #tpu.memory_space<hbm>>, %arg7: memref<128xi32, #tpu.memory_space<vmem>>, %arg8: memref<128xi32, #tpu.memory_space<vmem>>, %arg9: memref<128x128xf32, #tpu.memory_space<vmem>>, %arg10: memref<10112x128xf32, #tpu.memory_space<vmem_shared>>, %arg11: memref<!tpu.dma_semaphore, #tpu.memory_space<semaphore_mem>>) attributes {dimension_semantics = [#tpu.dimension_semantics<core_parallel>, #tpu.dimension_semantics<subcore_parallel>], iteration_bounds = array<i64: 2, 16>, scalar_prefetch = 0 : i64, scratch_operands = 5 : i64, tpu.core_type = #tpu.core_type<sc_vector_subcore>, window_params = [{transform_indices = #map}, {transform_indices = #map1}, {transform_indices = #map}, {transform_indices = #map}, {transform_indices = #map2}]} {
    %mul3A = arith.constant 632 : i32
    %mul3A_0 = arith.muli %arg1, %mul3A : i32
    "tpu.region"() ({
      %run_scoped3A = tpu.sem_alloc : memref<!tpu.dma_semaphore, #tpu.memory_space<semaphore_mem>>
      %dma_start3A = arith.constant 0 : i32
      %dma_start3A_11 = tpu.memref_slice %arg10[%mul3A_0, %dma_start3A] : memref<10112x128xf32, #tpu.memory_space<vmem_shared>> -> memref<632x128xf32, #tpu.memory_space<vmem_shared>>
      %dma_start3A_12 = arith.constant 0 : i32
      %dma_start3A_13 = tpu.memref_slice %arg5[%mul3A_0, %dma_start3A_12] : memref<10112x128xf32, #tpu.memory_space<hbm>> -> memref<632x128xf32, #tpu.memory_space<hbm>>
      tpu.enqueue_dma source(%dma_start3A_13 : memref<632x128xf32, #tpu.memory_space<hbm>>) target(%dma_start3A_11 : memref<632x128xf32, #tpu.memory_space<vmem_shared>>) target_semaphore(%run_scoped3A : memref<!tpu.dma_semaphore, #tpu.memory_space<semaphore_mem>>)
      %dma_wait3A = arith.constant 0 : i32
      %dma_wait3A_14 = tpu.memref_slice %arg10[%mul3A_0, %dma_wait3A] : memref<10112x128xf32, #tpu.memory_space<vmem_shared>> -> memref<632x128xf32, #tpu.memory_space<vmem_shared>>
      %dma_wait3A_15 = arith.constant 0 : i32
      %dma_wait3A_16 = tpu.memref_slice %arg5[%mul3A_0, %dma_wait3A_15] : memref<10112x128xf32, #tpu.memory_space<hbm>> -> memref<632x128xf32, #tpu.memory_space<hbm>>
      tpu.wait_dma2 semaphore(%run_scoped3A : memref<!tpu.dma_semaphore, #tpu.memory_space<semaphore_mem>>) src(%dma_wait3A_16 : memref<632x128xf32, #tpu.memory_space<hbm>>) dst(%dma_wait3A_14 : memref<632x128xf32, #tpu.memory_space<vmem_shared>>)
      tpu.yield
    }) : () -> ()
    %mul3A_1 = arith.constant 16 : i32
    %mul3A_2 = arith.muli %arg0, %mul3A_1 : i32
    %add3A = arith.addi %mul3A_2, %arg1 : i32
    %mul3A_3 = arith.constant 79 : i32
    %mul3A_4 = arith.muli %add3A, %mul3A_3 : i32
    %barrier3A = arith.constant 0 : index
    tpu.barrier barrier_id(%barrier3A)
    %scan3A = arith.constant 0 : i32
    %scan3A_5 = arith.constant 0 : i32
    %scan3A_6 = arith.constant 79 : i32
    %scan3A_7 = arith.addi %scan3A_5, %scan3A_6 : i32
    %scan3A_8 = arith.constant 1 : i32
    scf.for %scan3A_11 = %scan3A_5 to %scan3A_7 step %scan3A_8  : i32 {
      %add3A_12 = arith.addi %mul3A_4, %scan3A_11 : i32
      %mul3A_13 = arith.constant 128 : i32
      %mul3A_14 = arith.muli %add3A_12, %mul3A_13 : i32
      "tpu.region"() ({
        %run_scoped3A = tpu.sem_alloc : memref<!tpu.dma_semaphore, #tpu.memory_space<semaphore_mem>>
        %dma_start3A_19 = tpu.memref_slice %arg3[%mul3A_14] : memref<323584xi32, #tpu.memory_space<hbm>> -> memref<128xi32, #tpu.memory_space<hbm>>
        %dma_start3A_20 = tpu.memref_slice %arg3[%mul3A_14] : memref<323584xi32, #tpu.memory_space<hbm>> -> memref<128xi32, #tpu.memory_space<hbm>>
        tpu.enqueue_dma source(%dma_start3A_20 : memref<128xi32, #tpu.memory_space<hbm>>) target(%arg7 : memref<128xi32, #tpu.memory_space<vmem>>) target_semaphore(%run_scoped3A : memref<!tpu.dma_semaphore, #tpu.memory_space<semaphore_mem>>)
        %dma_wait3A_21 = tpu.memref_slice %arg3[%mul3A_14] : memref<323584xi32, #tpu.memory_space<hbm>> -> memref<128xi32, #tpu.memory_space<hbm>>
        %dma_wait3A_22 = tpu.memref_slice %arg3[%mul3A_14] : memref<323584xi32, #tpu.memory_space<hbm>> -> memref<128xi32, #tpu.memory_space<hbm>>
        tpu.wait_dma2 semaphore(%run_scoped3A : memref<!tpu.dma_semaphore, #tpu.memory_space<semaphore_mem>>) src(%dma_wait3A_22 : memref<128xi32, #tpu.memory_space<hbm>>) dst(%arg7 : memref<128xi32, #tpu.memory_space<vmem>>)
        tpu.yield
      }) : () -> ()
      "tpu.region"() ({
        %run_scoped3A = tpu.sem_alloc : memref<!tpu.dma_semaphore, #tpu.memory_space<semaphore_mem>>
        %dma_start3A_19 = arith.constant 0 : i32
        %dma_start3A_20 = tpu.memref_slice %arg4[%add3A_12, %dma_start3A_19] : memref<2528x128xi32, #tpu.memory_space<hbm>> -> memref<1x128xi32, #tpu.memory_space<hbm>>
        %dma_start3A_21 = tpu.memref_squeeze %dma_start3A_20 : memref<1x128xi32, #tpu.memory_space<hbm>> -> memref<128xi32, #tpu.memory_space<hbm>>
        %dma_start3A_22 = arith.constant 0 : i32
        %dma_start3A_23 = tpu.memref_slice %arg4[%add3A_12, %dma_start3A_22] : memref<2528x128xi32, #tpu.memory_space<hbm>> -> memref<1x128xi32, #tpu.memory_space<hbm>>
        %dma_start3A_24 = tpu.memref_squeeze %dma_start3A_23 : memref<1x128xi32, #tpu.memory_space<hbm>> -> memref<128xi32, #tpu.memory_space<hbm>>
        tpu.enqueue_dma source(%dma_start3A_24 : memref<128xi32, #tpu.memory_space<hbm>>) target(%arg8 : memref<128xi32, #tpu.memory_space<vmem>>) target_semaphore(%run_scoped3A : memref<!tpu.dma_semaphore, #tpu.memory_space<semaphore_mem>>)
        %dma_wait3A_25 = arith.constant 0 : i32
        %dma_wait3A_26 = tpu.memref_slice %arg4[%add3A_12, %dma_wait3A_25] : memref<2528x128xi32, #tpu.memory_space<hbm>> -> memref<1x128xi32, #tpu.memory_space<hbm>>
        %dma_wait3A_27 = tpu.memref_squeeze %dma_wait3A_26 : memref<1x128xi32, #tpu.memory_space<hbm>> -> memref<128xi32, #tpu.memory_space<hbm>>
        %dma_wait3A_28 = arith.constant 0 : i32
        %dma_wait3A_29 = tpu.memref_slice %arg4[%add3A_12, %dma_wait3A_28] : memref<2528x128xi32, #tpu.memory_space<hbm>> -> memref<1x128xi32, #tpu.memory_space<hbm>>
        %dma_wait3A_30 = tpu.memref_squeeze %dma_wait3A_29 : memref<1x128xi32, #tpu.memory_space<hbm>> -> memref<128xi32, #tpu.memory_space<hbm>>
        tpu.wait_dma2 semaphore(%run_scoped3A : memref<!tpu.dma_semaphore, #tpu.memory_space<semaphore_mem>>) src(%dma_wait3A_30 : memref<128xi32, #tpu.memory_space<hbm>>) dst(%arg8 : memref<128xi32, #tpu.memory_space<vmem>>)
        tpu.yield
      }) : () -> ()
      %dma_start3A = arith.constant 0 : i32
      %dma_start3A_15 = arith.constant 0 : i32
      %dma_start3A_16 = tpu.memref_slice %arg2[%dma_start3A, %dma_start3A_15] : memref<10000x128xf32, #tpu.memory_space<hbm>> -> memref<10000x128xf32, #tpu.memory_space<hbm>>
      tpu.enqueue_indirect_dma source(%dma_start3A_16 : memref<10000x128xf32, #tpu.memory_space<hbm>>) target(%arg9 : memref<128x128xf32, #tpu.memory_space<vmem>>) offsets(%arg7 : memref<128xi32, #tpu.memory_space<vmem>>) semaphore(%arg11 : memref<!tpu.dma_semaphore, #tpu.memory_space<semaphore_mem>>)
      %dma_wait3A = arith.constant 0 : i32
      %dma_wait3A_17 = arith.constant 0 : i32
      %dma_wait3A_18 = tpu.memref_slice %arg2[%dma_wait3A, %dma_wait3A_17] : memref<10000x128xf32, #tpu.memory_space<hbm>> -> memref<10000x128xf32, #tpu.memory_space<hbm>>
      tpu.wait_indirect_dma semaphore(%arg11 : memref<!tpu.dma_semaphore, #tpu.memory_space<semaphore_mem>>) src(%dma_wait3A_18 : memref<10000x128xf32, #tpu.memory_space<hbm>>) dst(%arg9 : memref<128x128xf32, #tpu.memory_space<vmem>>)
      "tpu.region"() ({
        %run_scoped3A = tpu.sem_alloc : memref<!tpu.dma_semaphore, #tpu.memory_space<semaphore_mem>>
        %dma_start3A_19 = arith.constant 0 : i32
        %dma_start3A_20 = arith.constant 0 : i32
        %dma_start3A_21 = tpu.memref_slice %arg10[%dma_start3A_19, %dma_start3A_20] : memref<10112x128xf32, #tpu.memory_space<vmem_shared>> -> memref<10112x128xf32, #tpu.memory_space<vmem_shared>>
        tpu.enqueue_indirect_dma source(%arg9 : memref<128x128xf32, #tpu.memory_space<vmem>>) target(%dma_start3A_21 : memref<10112x128xf32, #tpu.memory_space<vmem_shared>>) offsets(%arg8 : memref<128xi32, #tpu.memory_space<vmem>>) semaphore(%run_scoped3A : memref<!tpu.dma_semaphore, #tpu.memory_space<semaphore_mem>>) {add = true}
        %dma_wait3A_22 = arith.constant 0 : i32
        %dma_wait3A_23 = arith.constant 0 : i32
        %dma_wait3A_24 = tpu.memref_slice %arg10[%dma_wait3A_22, %dma_wait3A_23] : memref<10112x128xf32, #tpu.memory_space<vmem_shared>> -> memref<10112x128xf32, #tpu.memory_space<vmem_shared>>
        tpu.wait_indirect_dma semaphore(%run_scoped3A : memref<!tpu.dma_semaphore, #tpu.memory_space<semaphore_mem>>) src(%arg9 : memref<128x128xf32, #tpu.memory_space<vmem>>) dst(%dma_wait3A_24 : memref<10112x128xf32, #tpu.memory_space<vmem_shared>>)
        tpu.yield
      }) : () -> ()
    }
    %scan3A_9 = arith.constant 79 : i32
    %barrier3A_10 = arith.constant 0 : index
    tpu.barrier barrier_id(%barrier3A_10)
    "tpu.region"() ({
      %run_scoped3A = tpu.sem_alloc : memref<!tpu.dma_semaphore, #tpu.memory_space<semaphore_mem>>
      %dma_start3A = arith.constant 0 : i32
      %dma_start3A_11 = tpu.memref_slice %arg6[%arg0, %mul3A_0, %dma_start3A] : memref<2x10112x128xf32, #tpu.memory_space<hbm>> -> memref<1x632x128xf32, #tpu.memory_space<hbm>>
      %dma_start3A_12 = tpu.memref_squeeze %dma_start3A_11 : memref<1x632x128xf32, #tpu.memory_space<hbm>> -> memref<632x128xf32, #tpu.memory_space<hbm>>
      %dma_start3A_13 = arith.constant 0 : i32
      %dma_start3A_14 = tpu.memref_slice %arg10[%mul3A_0, %dma_start3A_13] : memref<10112x128xf32, #tpu.memory_space<vmem_shared>> -> memref<632x128xf32, #tpu.memory_space<vmem_shared>>
      tpu.enqueue_dma source(%dma_start3A_14 : memref<632x128xf32, #tpu.memory_space<vmem_shared>>) target(%dma_start3A_12 : memref<632x128xf32, #tpu.memory_space<hbm>>) target_semaphore(%run_scoped3A : memref<!tpu.dma_semaphore, #tpu.memory_space<semaphore_mem>>)
      %dma_wait3A = arith.constant 0 : i32
      %dma_wait3A_15 = tpu.memref_slice %arg6[%arg0, %mul3A_0, %dma_wait3A] : memref<2x10112x128xf32, #tpu.memory_space<hbm>> -> memref<1x632x128xf32, #tpu.memory_space<hbm>>
      %dma_wait3A_16 = tpu.memref_squeeze %dma_wait3A_15 : memref<1x632x128xf32, #tpu.memory_space<hbm>> -> memref<632x128xf32, #tpu.memory_space<hbm>>
      %dma_wait3A_17 = arith.constant 0 : i32
      %dma_wait3A_18 = tpu.memref_slice %arg10[%mul3A_0, %dma_wait3A_17] : memref<10112x128xf32, #tpu.memory_space<vmem_shared>> -> memref<632x128xf32, #tpu.memory_space<vmem_shared>>
      tpu.wait_dma2 semaphore(%run_scoped3A : memref<!tpu.dma_semaphore, #tpu.memory_space<semaphore_mem>>) src(%dma_wait3A_18 : memref<632x128xf32, #tpu.memory_space<vmem_shared>>) dst(%dma_wait3A_16 : memref<632x128xf32, #tpu.memory_space<hbm>>)
      tpu.yield
    }) : () -> ()
    return
  }
}

#map = affine_map<(d0, d1) -> (0, 0)>
#map1 = affine_map<(d0, d1) -> (0)>
#map2 = affine_map<(d0, d1) -> (0, 0, 0)>
module attributes {stable_mosaic.version = 14 : i64} {
  func.func @hop(%arg0: i32, %arg1: i32, %arg2: memref<10000x128xf32, #tpu.memory_space<hbm>>, %arg3: memref<323584xi32, #tpu.memory_space<hbm>>, %arg4: memref<2528x128xi32, #tpu.memory_space<hbm>>, %arg5: memref<10112x128xf32, #tpu.memory_space<hbm>>, %arg6: memref<2x10112x128xf32, #tpu.memory_space<hbm>>, %arg7: memref<128xi32, #tpu.memory_space<vmem>>, %arg8: memref<128xi32, #tpu.memory_space<vmem>>, %arg9: memref<128x128xf32, #tpu.memory_space<vmem>>, %arg10: memref<10112x128xf32, #tpu.memory_space<vmem_shared>>, %arg11: memref<!tpu.dma_semaphore, #tpu.memory_space<semaphore_mem>>) attributes {dimension_semantics = [#tpu.dimension_semantics<core_parallel>, #tpu.dimension_semantics<subcore_parallel>], iteration_bounds = array<i64: 2, 16>, scalar_prefetch = 0 : i64, scratch_operands = 5 : i64, tpu.core_type = #tpu.core_type<sc_vector_subcore>, window_params = [{transform_indices = #map}, {transform_indices = #map1}, {transform_indices = #map}, {transform_indices = #map}, {transform_indices = #map2}]} {
    %mul3A = arith.constant 632 : i32
    %mul3A_0 = arith.muli %arg1, %mul3A : i32
    "tpu.region"() ({
      %run_scoped3A = tpu.sem_alloc : memref<!tpu.dma_semaphore, #tpu.memory_space<semaphore_mem>>
      %dma_start3A = arith.constant 0 : i32
      %dma_start3A_11 = tpu.memref_slice %arg10[%mul3A_0, %dma_start3A] : memref<10112x128xf32, #tpu.memory_space<vmem_shared>> -> memref<632x128xf32, #tpu.memory_space<vmem_shared>>
      %dma_start3A_12 = arith.constant 0 : i32
      %dma_start3A_13 = tpu.memref_slice %arg5[%mul3A_0, %dma_start3A_12] : memref<10112x128xf32, #tpu.memory_space<hbm>> -> memref<632x128xf32, #tpu.memory_space<hbm>>
      tpu.enqueue_dma source(%dma_start3A_13 : memref<632x128xf32, #tpu.memory_space<hbm>>) target(%dma_start3A_11 : memref<632x128xf32, #tpu.memory_space<vmem_shared>>) target_semaphore(%run_scoped3A : memref<!tpu.dma_semaphore, #tpu.memory_space<semaphore_mem>>)
      %dma_wait3A = arith.constant 0 : i32
      %dma_wait3A_14 = tpu.memref_slice %arg10[%mul3A_0, %dma_wait3A] : memref<10112x128xf32, #tpu.memory_space<vmem_shared>> -> memref<632x128xf32, #tpu.memory_space<vmem_shared>>
      %dma_wait3A_15 = arith.constant 0 : i32
      %dma_wait3A_16 = tpu.memref_slice %arg5[%mul3A_0, %dma_wait3A_15] : memref<10112x128xf32, #tpu.memory_space<hbm>> -> memref<632x128xf32, #tpu.memory_space<hbm>>
      tpu.wait_dma2 semaphore(%run_scoped3A : memref<!tpu.dma_semaphore, #tpu.memory_space<semaphore_mem>>) src(%dma_wait3A_16 : memref<632x128xf32, #tpu.memory_space<hbm>>) dst(%dma_wait3A_14 : memref<632x128xf32, #tpu.memory_space<vmem_shared>>)
      tpu.yield
    }) : () -> ()
    %mul3A_1 = arith.constant 16 : i32
    %mul3A_2 = arith.muli %arg0, %mul3A_1 : i32
    %add3A = arith.addi %mul3A_2, %arg1 : i32
    %mul3A_3 = arith.constant 79 : i32
    %mul3A_4 = arith.muli %add3A, %mul3A_3 : i32
    %barrier3A = arith.constant 0 : index
    tpu.barrier barrier_id(%barrier3A)
    %scan3A = arith.constant 0 : i32
    %scan3A_5 = arith.constant 0 : i32
    %scan3A_6 = arith.constant 79 : i32
    %scan3A_7 = arith.addi %scan3A_5, %scan3A_6 : i32
    %scan3A_8 = arith.constant 1 : i32
    scf.for %scan3A_11 = %scan3A_5 to %scan3A_7 step %scan3A_8  : i32 {
      %add3A_12 = arith.addi %mul3A_4, %scan3A_11 : i32
      %mul3A_13 = arith.constant 128 : i32
      %mul3A_14 = arith.muli %add3A_12, %mul3A_13 : i32
      "tpu.region"() ({
        %run_scoped3A = tpu.sem_alloc : memref<!tpu.dma_semaphore, #tpu.memory_space<semaphore_mem>>
        %dma_start3A_19 = tpu.memref_slice %arg3[%mul3A_14] : memref<323584xi32, #tpu.memory_space<hbm>> -> memref<128xi32, #tpu.memory_space<hbm>>
        %dma_start3A_20 = tpu.memref_slice %arg3[%mul3A_14] : memref<323584xi32, #tpu.memory_space<hbm>> -> memref<128xi32, #tpu.memory_space<hbm>>
        tpu.enqueue_dma source(%dma_start3A_20 : memref<128xi32, #tpu.memory_space<hbm>>) target(%arg7 : memref<128xi32, #tpu.memory_space<vmem>>) target_semaphore(%run_scoped3A : memref<!tpu.dma_semaphore, #tpu.memory_space<semaphore_mem>>)
        %dma_wait3A_21 = tpu.memref_slice %arg3[%mul3A_14] : memref<323584xi32, #tpu.memory_space<hbm>> -> memref<128xi32, #tpu.memory_space<hbm>>
        %dma_wait3A_22 = tpu.memref_slice %arg3[%mul3A_14] : memref<323584xi32, #tpu.memory_space<hbm>> -> memref<128xi32, #tpu.memory_space<hbm>>
        tpu.wait_dma2 semaphore(%run_scoped3A : memref<!tpu.dma_semaphore, #tpu.memory_space<semaphore_mem>>) src(%dma_wait3A_22 : memref<128xi32, #tpu.memory_space<hbm>>) dst(%arg7 : memref<128xi32, #tpu.memory_space<vmem>>)
        tpu.yield
      }) : () -> ()
      "tpu.region"() ({
        %run_scoped3A = tpu.sem_alloc : memref<!tpu.dma_semaphore, #tpu.memory_space<semaphore_mem>>
        %dma_start3A_19 = arith.constant 0 : i32
        %dma_start3A_20 = tpu.memref_slice %arg4[%add3A_12, %dma_start3A_19] : memref<2528x128xi32, #tpu.memory_space<hbm>> -> memref<1x128xi32, #tpu.memory_space<hbm>>
        %dma_start3A_21 = tpu.memref_squeeze %dma_start3A_20 : memref<1x128xi32, #tpu.memory_space<hbm>> -> memref<128xi32, #tpu.memory_space<hbm>>
        %dma_start3A_22 = arith.constant 0 : i32
        %dma_start3A_23 = tpu.memref_slice %arg4[%add3A_12, %dma_start3A_22] : memref<2528x128xi32, #tpu.memory_space<hbm>> -> memref<1x128xi32, #tpu.memory_space<hbm>>
        %dma_start3A_24 = tpu.memref_squeeze %dma_start3A_23 : memref<1x128xi32, #tpu.memory_space<hbm>> -> memref<128xi32, #tpu.memory_space<hbm>>
        tpu.enqueue_dma source(%dma_start3A_24 : memref<128xi32, #tpu.memory_space<hbm>>) target(%arg8 : memref<128xi32, #tpu.memory_space<vmem>>) target_semaphore(%run_scoped3A : memref<!tpu.dma_semaphore, #tpu.memory_space<semaphore_mem>>)
        %dma_wait3A_25 = arith.constant 0 : i32
        %dma_wait3A_26 = tpu.memref_slice %arg4[%add3A_12, %dma_wait3A_25] : memref<2528x128xi32, #tpu.memory_space<hbm>> -> memref<1x128xi32, #tpu.memory_space<hbm>>
        %dma_wait3A_27 = tpu.memref_squeeze %dma_wait3A_26 : memref<1x128xi32, #tpu.memory_space<hbm>> -> memref<128xi32, #tpu.memory_space<hbm>>
        %dma_wait3A_28 = arith.constant 0 : i32
        %dma_wait3A_29 = tpu.memref_slice %arg4[%add3A_12, %dma_wait3A_28] : memref<2528x128xi32, #tpu.memory_space<hbm>> -> memref<1x128xi32, #tpu.memory_space<hbm>>
        %dma_wait3A_30 = tpu.memref_squeeze %dma_wait3A_29 : memref<1x128xi32, #tpu.memory_space<hbm>> -> memref<128xi32, #tpu.memory_space<hbm>>
        tpu.wait_dma2 semaphore(%run_scoped3A : memref<!tpu.dma_semaphore, #tpu.memory_space<semaphore_mem>>) src(%dma_wait3A_30 : memref<128xi32, #tpu.memory_space<hbm>>) dst(%arg8 : memref<128xi32, #tpu.memory_space<vmem>>)
        tpu.yield
      }) : () -> ()
      %dma_start3A = arith.constant 0 : i32
      %dma_start3A_15 = arith.constant 0 : i32
      %dma_start3A_16 = tpu.memref_slice %arg2[%dma_start3A, %dma_start3A_15] : memref<10000x128xf32, #tpu.memory_space<hbm>> -> memref<10000x128xf32, #tpu.memory_space<hbm>>
      tpu.enqueue_indirect_dma source(%dma_start3A_16 : memref<10000x128xf32, #tpu.memory_space<hbm>>) target(%arg9 : memref<128x128xf32, #tpu.memory_space<vmem>>) offsets(%arg7 : memref<128xi32, #tpu.memory_space<vmem>>) semaphore(%arg11 : memref<!tpu.dma_semaphore, #tpu.memory_space<semaphore_mem>>)
      %dma_wait3A = arith.constant 0 : i32
      %dma_wait3A_17 = arith.constant 0 : i32
      %dma_wait3A_18 = tpu.memref_slice %arg2[%dma_wait3A, %dma_wait3A_17] : memref<10000x128xf32, #tpu.memory_space<hbm>> -> memref<10000x128xf32, #tpu.memory_space<hbm>>
      tpu.wait_indirect_dma semaphore(%arg11 : memref<!tpu.dma_semaphore, #tpu.memory_space<semaphore_mem>>) src(%dma_wait3A_18 : memref<10000x128xf32, #tpu.memory_space<hbm>>) dst(%arg9 : memref<128x128xf32, #tpu.memory_space<vmem>>)
      "tpu.region"() ({
        %run_scoped3A = tpu.sem_alloc : memref<!tpu.dma_semaphore, #tpu.memory_space<semaphore_mem>>
        %dma_start3A_19 = arith.constant 0 : i32
        %dma_start3A_20 = arith.constant 0 : i32
        %dma_start3A_21 = tpu.memref_slice %arg10[%dma_start3A_19, %dma_start3A_20] : memref<10112x128xf32, #tpu.memory_space<vmem_shared>> -> memref<10112x128xf32, #tpu.memory_space<vmem_shared>>
        tpu.enqueue_indirect_dma source(%arg9 : memref<128x128xf32, #tpu.memory_space<vmem>>) target(%dma_start3A_21 : memref<10112x128xf32, #tpu.memory_space<vmem_shared>>) offsets(%arg8 : memref<128xi32, #tpu.memory_space<vmem>>) semaphore(%run_scoped3A : memref<!tpu.dma_semaphore, #tpu.memory_space<semaphore_mem>>) {add = true}
        %dma_wait3A_22 = arith.constant 0 : i32
        %dma_wait3A_23 = arith.constant 0 : i32
        %dma_wait3A_24 = tpu.memref_slice %arg10[%dma_wait3A_22, %dma_wait3A_23] : memref<10112x128xf32, #tpu.memory_space<vmem_shared>> -> memref<10112x128xf32, #tpu.memory_space<vmem_shared>>
        tpu.wait_indirect_dma semaphore(%run_scoped3A : memref<!tpu.dma_semaphore, #tpu.memory_space<semaphore_mem>>) src(%arg9 : memref<128x128xf32, #tpu.memory_space<vmem>>) dst(%dma_wait3A_24 : memref<10112x128xf32, #tpu.memory_space<vmem_shared>>)
        tpu.yield
      }) : () -> ()
    }
    %scan3A_9 = arith.constant 79 : i32
    %barrier3A_10 = arith.constant 0 : index
    tpu.barrier barrier_id(%barrier3A_10)
    "tpu.region"() ({
      %run_scoped3A = tpu.sem_alloc : memref<!tpu.dma_semaphore, #tpu.memory_space<semaphore_mem>>
      %dma_start3A = arith.constant 0 : i32
      %dma_start3A_11 = tpu.memref_slice %arg6[%arg0, %mul3A_0, %dma_start3A] : memref<2x10112x128xf32, #tpu.memory_space<hbm>> -> memref<1x632x128xf32, #tpu.memory_space<hbm>>
      %dma_start3A_12 = tpu.memref_squeeze %dma_start3A_11 : memref<1x632x128xf32, #tpu.memory_space<hbm>> -> memref<632x128xf32, #tpu.memory_space<hbm>>
      %dma_start3A_13 = arith.constant 0 : i32
      %dma_start3A_14 = tpu.memref_slice %arg10[%mul3A_0, %dma_start3A_13] : memref<10112x128xf32, #tpu.memory_space<vmem_shared>> -> memref<632x128xf32, #tpu.memory_space<vmem_shared>>
      tpu.enqueue_dma source(%dma_start3A_14 : memref<632x128xf32, #tpu.memory_space<vmem_shared>>) target(%dma_start3A_12 : memref<632x128xf32, #tpu.memory_space<hbm>>) target_semaphore(%run_scoped3A : memref<!tpu.dma_semaphore, #tpu.memory_space<semaphore_mem>>)
      %dma_wait3A = arith.constant 0 : i32
      %dma_wait3A_15 = tpu.memref_slice %arg6[%arg0, %mul3A_0, %dma_wait3A] : memref<2x10112x128xf32, #tpu.memory_space<hbm>> -> memref<1x632x128xf32, #tpu.memory_space<hbm>>
      %dma_wait3A_16 = tpu.memref_squeeze %dma_wait3A_15 : memref<1x632x128xf32, #tpu.memory_space<hbm>> -> memref<632x128xf32, #tpu.memory_space<hbm>>
      %dma_wait3A_17 = arith.constant 0 : i32
      %dma_wait3A_18 = tpu.memref_slice %arg10[%mul3A_0, %dma_wait3A_17] : memref<10112x128xf32, #tpu.memory_space<vmem_shared>> -> memref<632x128xf32, #tpu.memory_space<vmem_shared>>
      tpu.wait_dma2 semaphore(%run_scoped3A : memref<!tpu.dma_semaphore, #tpu.memory_space<semaphore_mem>>) src(%dma_wait3A_18 : memref<632x128xf32, #tpu.memory_space<vmem_shared>>) dst(%dma_wait3A_16 : memref<632x128xf32, #tpu.memory_space<hbm>>)
      tpu.yield
    }) : () -> ()
    return
  }
}

#map = affine_map<(d0, d1) -> (0, 0)>
#map1 = affine_map<(d0, d1) -> (0)>
#map2 = affine_map<(d0, d1) -> (0, 0, 0)>
module attributes {stable_mosaic.version = 14 : i64} {
  func.func @hop(%arg0: i32, %arg1: i32, %arg2: memref<10000x128xf32, #tpu.memory_space<hbm>>, %arg3: memref<323584xi32, #tpu.memory_space<hbm>>, %arg4: memref<2528x128xi32, #tpu.memory_space<hbm>>, %arg5: memref<10112x128xf32, #tpu.memory_space<hbm>>, %arg6: memref<2x10112x128xf32, #tpu.memory_space<hbm>>, %arg7: memref<128xi32, #tpu.memory_space<vmem>>, %arg8: memref<128xi32, #tpu.memory_space<vmem>>, %arg9: memref<128x128xf32, #tpu.memory_space<vmem>>, %arg10: memref<10112x128xf32, #tpu.memory_space<vmem_shared>>, %arg11: memref<!tpu.dma_semaphore, #tpu.memory_space<semaphore_mem>>) attributes {dimension_semantics = [#tpu.dimension_semantics<core_parallel>, #tpu.dimension_semantics<subcore_parallel>], iteration_bounds = array<i64: 2, 16>, scalar_prefetch = 0 : i64, scratch_operands = 5 : i64, tpu.core_type = #tpu.core_type<sc_vector_subcore>, window_params = [{transform_indices = #map}, {transform_indices = #map1}, {transform_indices = #map}, {transform_indices = #map}, {transform_indices = #map2}]} {
    %mul3A = arith.constant 632 : i32
    %mul3A_0 = arith.muli %arg1, %mul3A : i32
    "tpu.region"() ({
      %run_scoped3A = tpu.sem_alloc : memref<!tpu.dma_semaphore, #tpu.memory_space<semaphore_mem>>
      %dma_start3A = arith.constant 0 : i32
      %dma_start3A_11 = tpu.memref_slice %arg10[%mul3A_0, %dma_start3A] : memref<10112x128xf32, #tpu.memory_space<vmem_shared>> -> memref<632x128xf32, #tpu.memory_space<vmem_shared>>
      %dma_start3A_12 = arith.constant 0 : i32
      %dma_start3A_13 = tpu.memref_slice %arg5[%mul3A_0, %dma_start3A_12] : memref<10112x128xf32, #tpu.memory_space<hbm>> -> memref<632x128xf32, #tpu.memory_space<hbm>>
      tpu.enqueue_dma source(%dma_start3A_13 : memref<632x128xf32, #tpu.memory_space<hbm>>) target(%dma_start3A_11 : memref<632x128xf32, #tpu.memory_space<vmem_shared>>) target_semaphore(%run_scoped3A : memref<!tpu.dma_semaphore, #tpu.memory_space<semaphore_mem>>)
      %dma_wait3A = arith.constant 0 : i32
      %dma_wait3A_14 = tpu.memref_slice %arg10[%mul3A_0, %dma_wait3A] : memref<10112x128xf32, #tpu.memory_space<vmem_shared>> -> memref<632x128xf32, #tpu.memory_space<vmem_shared>>
      %dma_wait3A_15 = arith.constant 0 : i32
      %dma_wait3A_16 = tpu.memref_slice %arg5[%mul3A_0, %dma_wait3A_15] : memref<10112x128xf32, #tpu.memory_space<hbm>> -> memref<632x128xf32, #tpu.memory_space<hbm>>
      tpu.wait_dma2 semaphore(%run_scoped3A : memref<!tpu.dma_semaphore, #tpu.memory_space<semaphore_mem>>) src(%dma_wait3A_16 : memref<632x128xf32, #tpu.memory_space<hbm>>) dst(%dma_wait3A_14 : memref<632x128xf32, #tpu.memory_space<vmem_shared>>)
      tpu.yield
    }) : () -> ()
    %mul3A_1 = arith.constant 16 : i32
    %mul3A_2 = arith.muli %arg0, %mul3A_1 : i32
    %add3A = arith.addi %mul3A_2, %arg1 : i32
    %mul3A_3 = arith.constant 79 : i32
    %mul3A_4 = arith.muli %add3A, %mul3A_3 : i32
    %barrier3A = arith.constant 0 : index
    tpu.barrier barrier_id(%barrier3A)
    %scan3A = arith.constant 0 : i32
    %scan3A_5 = arith.constant 0 : i32
    %scan3A_6 = arith.constant 79 : i32
    %scan3A_7 = arith.addi %scan3A_5, %scan3A_6 : i32
    %scan3A_8 = arith.constant 1 : i32
    scf.for %scan3A_11 = %scan3A_5 to %scan3A_7 step %scan3A_8  : i32 {
      %add3A_12 = arith.addi %mul3A_4, %scan3A_11 : i32
      %mul3A_13 = arith.constant 128 : i32
      %mul3A_14 = arith.muli %add3A_12, %mul3A_13 : i32
      "tpu.region"() ({
        %run_scoped3A = tpu.sem_alloc : memref<!tpu.dma_semaphore, #tpu.memory_space<semaphore_mem>>
        %dma_start3A_19 = tpu.memref_slice %arg3[%mul3A_14] : memref<323584xi32, #tpu.memory_space<hbm>> -> memref<128xi32, #tpu.memory_space<hbm>>
        %dma_start3A_20 = tpu.memref_slice %arg3[%mul3A_14] : memref<323584xi32, #tpu.memory_space<hbm>> -> memref<128xi32, #tpu.memory_space<hbm>>
        tpu.enqueue_dma source(%dma_start3A_20 : memref<128xi32, #tpu.memory_space<hbm>>) target(%arg7 : memref<128xi32, #tpu.memory_space<vmem>>) target_semaphore(%run_scoped3A : memref<!tpu.dma_semaphore, #tpu.memory_space<semaphore_mem>>)
        %dma_wait3A_21 = tpu.memref_slice %arg3[%mul3A_14] : memref<323584xi32, #tpu.memory_space<hbm>> -> memref<128xi32, #tpu.memory_space<hbm>>
        %dma_wait3A_22 = tpu.memref_slice %arg3[%mul3A_14] : memref<323584xi32, #tpu.memory_space<hbm>> -> memref<128xi32, #tpu.memory_space<hbm>>
        tpu.wait_dma2 semaphore(%run_scoped3A : memref<!tpu.dma_semaphore, #tpu.memory_space<semaphore_mem>>) src(%dma_wait3A_22 : memref<128xi32, #tpu.memory_space<hbm>>) dst(%arg7 : memref<128xi32, #tpu.memory_space<vmem>>)
        tpu.yield
      }) : () -> ()
      "tpu.region"() ({
        %run_scoped3A = tpu.sem_alloc : memref<!tpu.dma_semaphore, #tpu.memory_space<semaphore_mem>>
        %dma_start3A_19 = arith.constant 0 : i32
        %dma_start3A_20 = tpu.memref_slice %arg4[%add3A_12, %dma_start3A_19] : memref<2528x128xi32, #tpu.memory_space<hbm>> -> memref<1x128xi32, #tpu.memory_space<hbm>>
        %dma_start3A_21 = tpu.memref_squeeze %dma_start3A_20 : memref<1x128xi32, #tpu.memory_space<hbm>> -> memref<128xi32, #tpu.memory_space<hbm>>
        %dma_start3A_22 = arith.constant 0 : i32
        %dma_start3A_23 = tpu.memref_slice %arg4[%add3A_12, %dma_start3A_22] : memref<2528x128xi32, #tpu.memory_space<hbm>> -> memref<1x128xi32, #tpu.memory_space<hbm>>
        %dma_start3A_24 = tpu.memref_squeeze %dma_start3A_23 : memref<1x128xi32, #tpu.memory_space<hbm>> -> memref<128xi32, #tpu.memory_space<hbm>>
        tpu.enqueue_dma source(%dma_start3A_24 : memref<128xi32, #tpu.memory_space<hbm>>) target(%arg8 : memref<128xi32, #tpu.memory_space<vmem>>) target_semaphore(%run_scoped3A : memref<!tpu.dma_semaphore, #tpu.memory_space<semaphore_mem>>)
        %dma_wait3A_25 = arith.constant 0 : i32
        %dma_wait3A_26 = tpu.memref_slice %arg4[%add3A_12, %dma_wait3A_25] : memref<2528x128xi32, #tpu.memory_space<hbm>> -> memref<1x128xi32, #tpu.memory_space<hbm>>
        %dma_wait3A_27 = tpu.memref_squeeze %dma_wait3A_26 : memref<1x128xi32, #tpu.memory_space<hbm>> -> memref<128xi32, #tpu.memory_space<hbm>>
        %dma_wait3A_28 = arith.constant 0 : i32
        %dma_wait3A_29 = tpu.memref_slice %arg4[%add3A_12, %dma_wait3A_28] : memref<2528x128xi32, #tpu.memory_space<hbm>> -> memref<1x128xi32, #tpu.memory_space<hbm>>
        %dma_wait3A_30 = tpu.memref_squeeze %dma_wait3A_29 : memref<1x128xi32, #tpu.memory_space<hbm>> -> memref<128xi32, #tpu.memory_space<hbm>>
        tpu.wait_dma2 semaphore(%run_scoped3A : memref<!tpu.dma_semaphore, #tpu.memory_space<semaphore_mem>>) src(%dma_wait3A_30 : memref<128xi32, #tpu.memory_space<hbm>>) dst(%arg8 : memref<128xi32, #tpu.memory_space<vmem>>)
        tpu.yield
      }) : () -> ()
      %dma_start3A = arith.constant 0 : i32
      %dma_start3A_15 = arith.constant 0 : i32
      %dma_start3A_16 = tpu.memref_slice %arg2[%dma_start3A, %dma_start3A_15] : memref<10000x128xf32, #tpu.memory_space<hbm>> -> memref<10000x128xf32, #tpu.memory_space<hbm>>
      tpu.enqueue_indirect_dma source(%dma_start3A_16 : memref<10000x128xf32, #tpu.memory_space<hbm>>) target(%arg9 : memref<128x128xf32, #tpu.memory_space<vmem>>) offsets(%arg7 : memref<128xi32, #tpu.memory_space<vmem>>) semaphore(%arg11 : memref<!tpu.dma_semaphore, #tpu.memory_space<semaphore_mem>>)
      %dma_wait3A = arith.constant 0 : i32
      %dma_wait3A_17 = arith.constant 0 : i32
      %dma_wait3A_18 = tpu.memref_slice %arg2[%dma_wait3A, %dma_wait3A_17] : memref<10000x128xf32, #tpu.memory_space<hbm>> -> memref<10000x128xf32, #tpu.memory_space<hbm>>
      tpu.wait_indirect_dma semaphore(%arg11 : memref<!tpu.dma_semaphore, #tpu.memory_space<semaphore_mem>>) src(%dma_wait3A_18 : memref<10000x128xf32, #tpu.memory_space<hbm>>) dst(%arg9 : memref<128x128xf32, #tpu.memory_space<vmem>>)
      "tpu.region"() ({
        %run_scoped3A = tpu.sem_alloc : memref<!tpu.dma_semaphore, #tpu.memory_space<semaphore_mem>>
        %dma_start3A_19 = arith.constant 0 : i32
        %dma_start3A_20 = arith.constant 0 : i32
        %dma_start3A_21 = tpu.memref_slice %arg10[%dma_start3A_19, %dma_start3A_20] : memref<10112x128xf32, #tpu.memory_space<vmem_shared>> -> memref<10112x128xf32, #tpu.memory_space<vmem_shared>>
        tpu.enqueue_indirect_dma source(%arg9 : memref<128x128xf32, #tpu.memory_space<vmem>>) target(%dma_start3A_21 : memref<10112x128xf32, #tpu.memory_space<vmem_shared>>) offsets(%arg8 : memref<128xi32, #tpu.memory_space<vmem>>) semaphore(%run_scoped3A : memref<!tpu.dma_semaphore, #tpu.memory_space<semaphore_mem>>) {add = true}
        %dma_wait3A_22 = arith.constant 0 : i32
        %dma_wait3A_23 = arith.constant 0 : i32
        %dma_wait3A_24 = tpu.memref_slice %arg10[%dma_wait3A_22, %dma_wait3A_23] : memref<10112x128xf32, #tpu.memory_space<vmem_shared>> -> memref<10112x128xf32, #tpu.memory_space<vmem_shared>>
        tpu.wait_indirect_dma semaphore(%run_scoped3A : memref<!tpu.dma_semaphore, #tpu.memory_space<semaphore_mem>>) src(%arg9 : memref<128x128xf32, #tpu.memory_space<vmem>>) dst(%dma_wait3A_24 : memref<10112x128xf32, #tpu.memory_space<vmem_shared>>)
        tpu.yield
      }) : () -> ()
    }
    %scan3A_9 = arith.constant 79 : i32
    %barrier3A_10 = arith.constant 0 : index
    tpu.barrier barrier_id(%barrier3A_10)
    "tpu.region"() ({
      %run_scoped3A = tpu.sem_alloc : memref<!tpu.dma_semaphore, #tpu.memory_space<semaphore_mem>>
      %dma_start3A = arith.constant 0 : i32
      %dma_start3A_11 = tpu.memref_slice %arg6[%arg0, %mul3A_0, %dma_start3A] : memref<2x10112x128xf32, #tpu.memory_space<hbm>> -> memref<1x632x128xf32, #tpu.memory_space<hbm>>
      %dma_start3A_12 = tpu.memref_squeeze %dma_start3A_11 : memref<1x632x128xf32, #tpu.memory_space<hbm>> -> memref<632x128xf32, #tpu.memory_space<hbm>>
      %dma_start3A_13 = arith.constant 0 : i32
      %dma_start3A_14 = tpu.memref_slice %arg10[%mul3A_0, %dma_start3A_13] : memref<10112x128xf32, #tpu.memory_space<vmem_shared>> -> memref<632x128xf32, #tpu.memory_space<vmem_shared>>
      tpu.enqueue_dma source(%dma_start3A_14 : memref<632x128xf32, #tpu.memory_space<vmem_shared>>) target(%dma_start3A_12 : memref<632x128xf32, #tpu.memory_space<hbm>>) target_semaphore(%run_scoped3A : memref<!tpu.dma_semaphore, #tpu.memory_space<semaphore_mem>>)
      %dma_wait3A = arith.constant 0 : i32
      %dma_wait3A_15 = tpu.memref_slice %arg6[%arg0, %mul3A_0, %dma_wait3A] : memref<2x10112x128xf32, #tpu.memory_space<hbm>> -> memref<1x632x128xf32, #tpu.memory_space<hbm>>
      %dma_wait3A_16 = tpu.memref_squeeze %dma_wait3A_15 : memref<1x632x128xf32, #tpu.memory_space<hbm>> -> memref<632x128xf32, #tpu.memory_space<hbm>>
      %dma_wait3A_17 = arith.constant 0 : i32
      %dma_wait3A_18 = tpu.memref_slice %arg10[%mul3A_0, %dma_wait3A_17] : memref<10112x128xf32, #tpu.memory_space<vmem_shared>> -> memref<632x128xf32, #tpu.memory_space<vmem_shared>>
      tpu.wait_dma2 semaphore(%run_scoped3A : memref<!tpu.dma_semaphore, #tpu.memory_space<semaphore_mem>>) src(%dma_wait3A_18 : memref<632x128xf32, #tpu.memory_space<vmem_shared>>) dst(%dma_wait3A_16 : memref<632x128xf32, #tpu.memory_space<hbm>>)
      tpu.yield
    }) : () -> ()
    return
  }
}

#map = affine_map<(d0, d1) -> (0, 0)>
#map1 = affine_map<(d0, d1) -> (0)>
#map2 = affine_map<(d0, d1) -> (0, 0, 0)>
module attributes {stable_mosaic.version = 14 : i64} {
  func.func @hop(%arg0: i32, %arg1: i32, %arg2: memref<10000x128xf32, #tpu.memory_space<hbm>>, %arg3: memref<323584xi32, #tpu.memory_space<hbm>>, %arg4: memref<2528x128xi32, #tpu.memory_space<hbm>>, %arg5: memref<10112x128xf32, #tpu.memory_space<hbm>>, %arg6: memref<2x10112x128xf32, #tpu.memory_space<hbm>>, %arg7: memref<128xi32, #tpu.memory_space<vmem>>, %arg8: memref<128xi32, #tpu.memory_space<vmem>>, %arg9: memref<128x128xf32, #tpu.memory_space<vmem>>, %arg10: memref<10112x128xf32, #tpu.memory_space<vmem_shared>>, %arg11: memref<!tpu.dma_semaphore, #tpu.memory_space<semaphore_mem>>) attributes {dimension_semantics = [#tpu.dimension_semantics<core_parallel>, #tpu.dimension_semantics<subcore_parallel>], iteration_bounds = array<i64: 2, 16>, scalar_prefetch = 0 : i64, scratch_operands = 5 : i64, tpu.core_type = #tpu.core_type<sc_vector_subcore>, window_params = [{transform_indices = #map}, {transform_indices = #map1}, {transform_indices = #map}, {transform_indices = #map}, {transform_indices = #map2}]} {
    %mul3A = arith.constant 632 : i32
    %mul3A_0 = arith.muli %arg1, %mul3A : i32
    "tpu.region"() ({
      %run_scoped3A = tpu.sem_alloc : memref<!tpu.dma_semaphore, #tpu.memory_space<semaphore_mem>>
      %dma_start3A = arith.constant 0 : i32
      %dma_start3A_11 = tpu.memref_slice %arg10[%mul3A_0, %dma_start3A] : memref<10112x128xf32, #tpu.memory_space<vmem_shared>> -> memref<632x128xf32, #tpu.memory_space<vmem_shared>>
      %dma_start3A_12 = arith.constant 0 : i32
      %dma_start3A_13 = tpu.memref_slice %arg5[%mul3A_0, %dma_start3A_12] : memref<10112x128xf32, #tpu.memory_space<hbm>> -> memref<632x128xf32, #tpu.memory_space<hbm>>
      tpu.enqueue_dma source(%dma_start3A_13 : memref<632x128xf32, #tpu.memory_space<hbm>>) target(%dma_start3A_11 : memref<632x128xf32, #tpu.memory_space<vmem_shared>>) target_semaphore(%run_scoped3A : memref<!tpu.dma_semaphore, #tpu.memory_space<semaphore_mem>>)
      %dma_wait3A = arith.constant 0 : i32
      %dma_wait3A_14 = tpu.memref_slice %arg10[%mul3A_0, %dma_wait3A] : memref<10112x128xf32, #tpu.memory_space<vmem_shared>> -> memref<632x128xf32, #tpu.memory_space<vmem_shared>>
      %dma_wait3A_15 = arith.constant 0 : i32
      %dma_wait3A_16 = tpu.memref_slice %arg5[%mul3A_0, %dma_wait3A_15] : memref<10112x128xf32, #tpu.memory_space<hbm>> -> memref<632x128xf32, #tpu.memory_space<hbm>>
      tpu.wait_dma2 semaphore(%run_scoped3A : memref<!tpu.dma_semaphore, #tpu.memory_space<semaphore_mem>>) src(%dma_wait3A_16 : memref<632x128xf32, #tpu.memory_space<hbm>>) dst(%dma_wait3A_14 : memref<632x128xf32, #tpu.memory_space<vmem_shared>>)
      tpu.yield
    }) : () -> ()
    %mul3A_1 = arith.constant 16 : i32
    %mul3A_2 = arith.muli %arg0, %mul3A_1 : i32
    %add3A = arith.addi %mul3A_2, %arg1 : i32
    %mul3A_3 = arith.constant 79 : i32
    %mul3A_4 = arith.muli %add3A, %mul3A_3 : i32
    %barrier3A = arith.constant 0 : index
    tpu.barrier barrier_id(%barrier3A)
    %scan3A = arith.constant 0 : i32
    %scan3A_5 = arith.constant 0 : i32
    %scan3A_6 = arith.constant 79 : i32
    %scan3A_7 = arith.addi %scan3A_5, %scan3A_6 : i32
    %scan3A_8 = arith.constant 1 : i32
    scf.for %scan3A_11 = %scan3A_5 to %scan3A_7 step %scan3A_8  : i32 {
      %add3A_12 = arith.addi %mul3A_4, %scan3A_11 : i32
      %mul3A_13 = arith.constant 128 : i32
      %mul3A_14 = arith.muli %add3A_12, %mul3A_13 : i32
      "tpu.region"() ({
        %run_scoped3A = tpu.sem_alloc : memref<!tpu.dma_semaphore, #tpu.memory_space<semaphore_mem>>
        %dma_start3A_19 = tpu.memref_slice %arg3[%mul3A_14] : memref<323584xi32, #tpu.memory_space<hbm>> -> memref<128xi32, #tpu.memory_space<hbm>>
        %dma_start3A_20 = tpu.memref_slice %arg3[%mul3A_14] : memref<323584xi32, #tpu.memory_space<hbm>> -> memref<128xi32, #tpu.memory_space<hbm>>
        tpu.enqueue_dma source(%dma_start3A_20 : memref<128xi32, #tpu.memory_space<hbm>>) target(%arg7 : memref<128xi32, #tpu.memory_space<vmem>>) target_semaphore(%run_scoped3A : memref<!tpu.dma_semaphore, #tpu.memory_space<semaphore_mem>>)
        %dma_wait3A_21 = tpu.memref_slice %arg3[%mul3A_14] : memref<323584xi32, #tpu.memory_space<hbm>> -> memref<128xi32, #tpu.memory_space<hbm>>
        %dma_wait3A_22 = tpu.memref_slice %arg3[%mul3A_14] : memref<323584xi32, #tpu.memory_space<hbm>> -> memref<128xi32, #tpu.memory_space<hbm>>
        tpu.wait_dma2 semaphore(%run_scoped3A : memref<!tpu.dma_semaphore, #tpu.memory_space<semaphore_mem>>) src(%dma_wait3A_22 : memref<128xi32, #tpu.memory_space<hbm>>) dst(%arg7 : memref<128xi32, #tpu.memory_space<vmem>>)
        tpu.yield
      }) : () -> ()
      "tpu.region"() ({
        %run_scoped3A = tpu.sem_alloc : memref<!tpu.dma_semaphore, #tpu.memory_space<semaphore_mem>>
        %dma_start3A_19 = arith.constant 0 : i32
        %dma_start3A_20 = tpu.memref_slice %arg4[%add3A_12, %dma_start3A_19] : memref<2528x128xi32, #tpu.memory_space<hbm>> -> memref<1x128xi32, #tpu.memory_space<hbm>>
        %dma_start3A_21 = tpu.memref_squeeze %dma_start3A_20 : memref<1x128xi32, #tpu.memory_space<hbm>> -> memref<128xi32, #tpu.memory_space<hbm>>
        %dma_start3A_22 = arith.constant 0 : i32
        %dma_start3A_23 = tpu.memref_slice %arg4[%add3A_12, %dma_start3A_22] : memref<2528x128xi32, #tpu.memory_space<hbm>> -> memref<1x128xi32, #tpu.memory_space<hbm>>
        %dma_start3A_24 = tpu.memref_squeeze %dma_start3A_23 : memref<1x128xi32, #tpu.memory_space<hbm>> -> memref<128xi32, #tpu.memory_space<hbm>>
        tpu.enqueue_dma source(%dma_start3A_24 : memref<128xi32, #tpu.memory_space<hbm>>) target(%arg8 : memref<128xi32, #tpu.memory_space<vmem>>) target_semaphore(%run_scoped3A : memref<!tpu.dma_semaphore, #tpu.memory_space<semaphore_mem>>)
        %dma_wait3A_25 = arith.constant 0 : i32
        %dma_wait3A_26 = tpu.memref_slice %arg4[%add3A_12, %dma_wait3A_25] : memref<2528x128xi32, #tpu.memory_space<hbm>> -> memref<1x128xi32, #tpu.memory_space<hbm>>
        %dma_wait3A_27 = tpu.memref_squeeze %dma_wait3A_26 : memref<1x128xi32, #tpu.memory_space<hbm>> -> memref<128xi32, #tpu.memory_space<hbm>>
        %dma_wait3A_28 = arith.constant 0 : i32
        %dma_wait3A_29 = tpu.memref_slice %arg4[%add3A_12, %dma_wait3A_28] : memref<2528x128xi32, #tpu.memory_space<hbm>> -> memref<1x128xi32, #tpu.memory_space<hbm>>
        %dma_wait3A_30 = tpu.memref_squeeze %dma_wait3A_29 : memref<1x128xi32, #tpu.memory_space<hbm>> -> memref<128xi32, #tpu.memory_space<hbm>>
        tpu.wait_dma2 semaphore(%run_scoped3A : memref<!tpu.dma_semaphore, #tpu.memory_space<semaphore_mem>>) src(%dma_wait3A_30 : memref<128xi32, #tpu.memory_space<hbm>>) dst(%arg8 : memref<128xi32, #tpu.memory_space<vmem>>)
        tpu.yield
      }) : () -> ()
      %dma_start3A = arith.constant 0 : i32
      %dma_start3A_15 = arith.constant 0 : i32
      %dma_start3A_16 = tpu.memref_slice %arg2[%dma_start3A, %dma_start3A_15] : memref<10000x128xf32, #tpu.memory_space<hbm>> -> memref<10000x128xf32, #tpu.memory_space<hbm>>
      tpu.enqueue_indirect_dma source(%dma_start3A_16 : memref<10000x128xf32, #tpu.memory_space<hbm>>) target(%arg9 : memref<128x128xf32, #tpu.memory_space<vmem>>) offsets(%arg7 : memref<128xi32, #tpu.memory_space<vmem>>) semaphore(%arg11 : memref<!tpu.dma_semaphore, #tpu.memory_space<semaphore_mem>>)
      %dma_wait3A = arith.constant 0 : i32
      %dma_wait3A_17 = arith.constant 0 : i32
      %dma_wait3A_18 = tpu.memref_slice %arg2[%dma_wait3A, %dma_wait3A_17] : memref<10000x128xf32, #tpu.memory_space<hbm>> -> memref<10000x128xf32, #tpu.memory_space<hbm>>
      tpu.wait_indirect_dma semaphore(%arg11 : memref<!tpu.dma_semaphore, #tpu.memory_space<semaphore_mem>>) src(%dma_wait3A_18 : memref<10000x128xf32, #tpu.memory_space<hbm>>) dst(%arg9 : memref<128x128xf32, #tpu.memory_space<vmem>>)
      "tpu.region"() ({
        %run_scoped3A = tpu.sem_alloc : memref<!tpu.dma_semaphore, #tpu.memory_space<semaphore_mem>>
        %dma_start3A_19 = arith.constant 0 : i32
        %dma_start3A_20 = arith.constant 0 : i32
        %dma_start3A_21 = tpu.memref_slice %arg10[%dma_start3A_19, %dma_start3A_20] : memref<10112x128xf32, #tpu.memory_space<vmem_shared>> -> memref<10112x128xf32, #tpu.memory_space<vmem_shared>>
        tpu.enqueue_indirect_dma source(%arg9 : memref<128x128xf32, #tpu.memory_space<vmem>>) target(%dma_start3A_21 : memref<10112x128xf32, #tpu.memory_space<vmem_shared>>) offsets(%arg8 : memref<128xi32, #tpu.memory_space<vmem>>) semaphore(%run_scoped3A : memref<!tpu.dma_semaphore, #tpu.memory_space<semaphore_mem>>) {add = true}
        %dma_wait3A_22 = arith.constant 0 : i32
        %dma_wait3A_23 = arith.constant 0 : i32
        %dma_wait3A_24 = tpu.memref_slice %arg10[%dma_wait3A_22, %dma_wait3A_23] : memref<10112x128xf32, #tpu.memory_space<vmem_shared>> -> memref<10112x128xf32, #tpu.memory_space<vmem_shared>>
        tpu.wait_indirect_dma semaphore(%run_scoped3A : memref<!tpu.dma_semaphore, #tpu.memory_space<semaphore_mem>>) src(%arg9 : memref<128x128xf32, #tpu.memory_space<vmem>>) dst(%dma_wait3A_24 : memref<10112x128xf32, #tpu.memory_space<vmem_shared>>)
        tpu.yield
      }) : () -> ()
    }
    %scan3A_9 = arith.constant 79 : i32
    %barrier3A_10 = arith.constant 0 : index
    tpu.barrier barrier_id(%barrier3A_10)
    "tpu.region"() ({
      %run_scoped3A = tpu.sem_alloc : memref<!tpu.dma_semaphore, #tpu.memory_space<semaphore_mem>>
      %dma_start3A = arith.constant 0 : i32
      %dma_start3A_11 = tpu.memref_slice %arg6[%arg0, %mul3A_0, %dma_start3A] : memref<2x10112x128xf32, #tpu.memory_space<hbm>> -> memref<1x632x128xf32, #tpu.memory_space<hbm>>
      %dma_start3A_12 = tpu.memref_squeeze %dma_start3A_11 : memref<1x632x128xf32, #tpu.memory_space<hbm>> -> memref<632x128xf32, #tpu.memory_space<hbm>>
      %dma_start3A_13 = arith.constant 0 : i32
      %dma_start3A_14 = tpu.memref_slice %arg10[%mul3A_0, %dma_start3A_13] : memref<10112x128xf32, #tpu.memory_space<vmem_shared>> -> memref<632x128xf32, #tpu.memory_space<vmem_shared>>
      tpu.enqueue_dma source(%dma_start3A_14 : memref<632x128xf32, #tpu.memory_space<vmem_shared>>) target(%dma_start3A_12 : memref<632x128xf32, #tpu.memory_space<hbm>>) target_semaphore(%run_scoped3A : memref<!tpu.dma_semaphore, #tpu.memory_space<semaphore_mem>>)
      %dma_wait3A = arith.constant 0 : i32
      %dma_wait3A_15 = tpu.memref_slice %arg6[%arg0, %mul3A_0, %dma_wait3A] : memref<2x10112x128xf32, #tpu.memory_space<hbm>> -> memref<1x632x128xf32, #tpu.memory_space<hbm>>
      %dma_wait3A_16 = tpu.memref_squeeze %dma_wait3A_15 : memref<1x632x128xf32, #tpu.memory_space<hbm>> -> memref<632x128xf32, #tpu.memory_space<hbm>>
      %dma_wait3A_17 = arith.constant 0 : i32
      %dma_wait3A_18 = tpu.memref_slice %arg10[%mul3A_0, %dma_wait3A_17] : memref<10112x128xf32, #tpu.memory_space<vmem_shared>> -> memref<632x128xf32, #tpu.memory_space<vmem_shared>>
      tpu.wait_dma2 semaphore(%run_scoped3A : memref<!tpu.dma_semaphore, #tpu.memory_space<semaphore_mem>>) src(%dma_wait3A_18 : memref<632x128xf32, #tpu.memory_space<vmem_shared>>) dst(%dma_wait3A_16 : memref<632x128xf32, #tpu.memory_space<hbm>>)
      tpu.yield
    }) : () -> ()
    return
  }
}

module attributes {stable_mosaic.version = 14 : i64} {
  func.func @_prep_body(%arg0: i32, %arg1: memref<2x200x128xf32, #tpu.memory_space<vmem>>, %arg2: memref<200x128xf32, #tpu.memory_space<vmem>>, %arg3: memref<200x128xf32, #tpu.memory_space<vmem>>, %arg4: memref<200x1xf32, #tpu.memory_space<vmem>>, %arg5: memref<200x1xf32, #tpu.memory_space<vmem>>) attributes {dimension_semantics = [#tpu.dimension_semantics<arbitrary>], iteration_bounds = array<i64: 50>, scalar_prefetch = 0 : i64, scratch_operands = 0 : i64, tpu.core_type = #tpu.core_type<tc>, window_params = [{transform_indices = @transform_0, window_bounds = array<i64: 2, 200, 128>}, {transform_indices = @transform_1, window_bounds = array<i64: 200, 128>}, {transform_indices = @transform_2, window_bounds = array<i64: 200, 128>}, {transform_indices = @transform_3, window_bounds = array<i64: 200, 1>}, {transform_indices = @transform_4, window_bounds = array<i64: 200, 1>}]} {
    %get3A = arith.constant 0 : index
    %get3A_0 = arith.constant 0 : index
    %get3A_1 = arith.constant 0 : index
    %get3A_2 = vector.load %arg1[%get3A, %get3A_0, %get3A_1] : memref<2x200x128xf32, #tpu.memory_space<vmem>>, vector<1x200x1xf32>
    %get3A_3 = vector.shape_cast %get3A_2 : vector<1x200x1xf32> to vector<200x1xf32>
    %get3A_4 = arith.constant 1 : index
    %get3A_5 = arith.constant 0 : index
    %get3A_6 = arith.constant 0 : index
    %get3A_7 = vector.load %arg1[%get3A_4, %get3A_5, %get3A_6] : memref<2x200x128xf32, #tpu.memory_space<vmem>>, vector<1x200x1xf32>
    %get3A_8 = vector.shape_cast %get3A_7 : vector<1x200x1xf32> to vector<200x1xf32>
    %add3A = arith.addf %get3A_3, %get3A_8 : vector<200x1xf32>
    %add3A_9 = arith.constant 1.000000e+00 : f32
    %add3A_10 = vector.broadcast %add3A_9 : f32 to vector<200x1xf32>
    %add3A_11 = arith.addf %add3A, %add3A_10 : vector<200x1xf32>
    %div3A = arith.constant 1.000000e+00 : f32
    %div3A_12 = vector.broadcast %div3A : f32 to vector<200x1xf32>
    %div3A_13 = arith.divf %div3A_12, %add3A_11 : vector<200x1xf32>
    %swap3A = arith.constant 0 : index
    %swap3A_14 = arith.constant 0 : index
    %swap3A_15 = vector.load %arg4[%swap3A, %swap3A_14] : memref<200x1xf32, #tpu.memory_space<vmem>>, vector<200x1xf32>
    tpu.vector_store %arg4[%swap3A, %swap3A_14], %div3A_13 {strides = array<i32>} : memref<200x1xf32, #tpu.memory_space<vmem>>, vector<200x1xf32>,
    %sqrt3A = math.sqrt %add3A_11 : vector<200x1xf32>
    %swap3A_16 = arith.constant 0 : index
    %swap3A_17 = arith.constant 0 : index
    %swap3A_18 = vector.load %arg5[%swap3A_16, %swap3A_17] : memref<200x1xf32, #tpu.memory_space<vmem>>, vector<200x1xf32>
    tpu.vector_store %arg5[%swap3A_16, %swap3A_17], %sqrt3A {strides = array<i32>} : memref<200x1xf32, #tpu.memory_space<vmem>>, vector<200x1xf32>,
    %get3A_19 = arith.constant 0 : index
    %get3A_20 = arith.constant 0 : index
    %get3A_21 = vector.load %arg2[%get3A_19, %get3A_20] : memref<200x128xf32, #tpu.memory_space<vmem>>, vector<200x128xf32>
    %div3A_22 = arith.divf %sqrt3A, %add3A_11 : vector<200x1xf32>
    %mul3A = vector.broadcast %div3A_22 : vector<200x1xf32> to vector<200x128xf32>
    %mul3A_23 = arith.mulf %get3A_21, %mul3A : vector<200x128xf32>
    %swap3A_24 = arith.constant 0 : index
    %swap3A_25 = arith.constant 0 : index
    %swap3A_26 = vector.load %arg3[%swap3A_24, %swap3A_25] : memref<200x128xf32, #tpu.memory_space<vmem>>, vector<200x128xf32>
    tpu.vector_store %arg3[%swap3A_24, %swap3A_25], %mul3A_23 {strides = array<i32>} : memref<200x128xf32, #tpu.memory_space<vmem>>, vector<200x128xf32>,
    return
  }
  func.func @transform_0(%arg0: i32) -> (i32, i32, i32) {
    %c0_i32 = arith.constant 0 : i32
    %c0_i32_0 = arith.constant 0 : i32
    %c0_i32_1 = arith.constant 0 : i32
    return %c0_i32, %arg0, %c0_i32_0 : i32, i32, i32
  }
  func.func @transform_1(%arg0: i32) -> (i32, i32) {
    %c0_i32 = arith.constant 0 : i32
    %c0_i32_0 = arith.constant 0 : i32
    return %arg0, %c0_i32 : i32, i32
  }
  func.func @transform_2(%arg0: i32) -> (i32, i32) {
    %c0_i32 = arith.constant 0 : i32
    %c0_i32_0 = arith.constant 0 : i32
    return %arg0, %c0_i32 : i32, i32
  }
  func.func @transform_3(%arg0: i32) -> (i32, i32) {
    %c0_i32 = arith.constant 0 : i32
    %c0_i32_0 = arith.constant 0 : i32
    return %arg0, %c0_i32 : i32, i32
  }
  func.func @transform_4(%arg0: i32) -> (i32, i32) {
    %c0_i32 = arith.constant 0 : i32
    %c0_i32_0 = arith.constant 0 : i32
    return %arg0, %c0_i32 : i32, i32
  }
}

module attributes {stable_mosaic.version = 14 : i64} {
  func.func @_comb_body(%arg0: i32, %arg1: memref<2x200x128xf32, #tpu.memory_space<vmem>>, %arg2: memref<200x128xf32, #tpu.memory_space<vmem>>, %arg3: memref<200x1xf32, #tpu.memory_space<vmem>>, %arg4: memref<200x128xf32, #tpu.memory_space<vmem>>) attributes {dimension_semantics = [#tpu.dimension_semantics<arbitrary>], iteration_bounds = array<i64: 50>, scalar_prefetch = 0 : i64, scratch_operands = 0 : i64, tpu.core_type = #tpu.core_type<tc>, window_params = [{transform_indices = @transform_0, window_bounds = array<i64: 2, 200, 128>}, {transform_indices = @transform_1, window_bounds = array<i64: 200, 128>}, {transform_indices = @transform_2, window_bounds = array<i64: 200, 1>}, {transform_indices = @transform_3, window_bounds = array<i64: 200, 128>}]} {
    %get3A = arith.constant 0 : index
    %get3A_0 = arith.constant 0 : index
    %get3A_1 = arith.constant 0 : index
    %get3A_2 = vector.load %arg1[%get3A, %get3A_0, %get3A_1] : memref<2x200x128xf32, #tpu.memory_space<vmem>>, vector<1x200x128xf32>
    %get3A_3 = vector.shape_cast %get3A_2 : vector<1x200x128xf32> to vector<200x128xf32>
    %get3A_4 = arith.constant 1 : index
    %get3A_5 = arith.constant 0 : index
    %get3A_6 = arith.constant 0 : index
    %get3A_7 = vector.load %arg1[%get3A_4, %get3A_5, %get3A_6] : memref<2x200x128xf32, #tpu.memory_space<vmem>>, vector<1x200x128xf32>
    %get3A_8 = vector.shape_cast %get3A_7 : vector<1x200x128xf32> to vector<200x128xf32>
    %add3A = arith.addf %get3A_3, %get3A_8 : vector<200x128xf32>
    %get3A_9 = arith.constant 0 : index
    %get3A_10 = arith.constant 0 : index
    %get3A_11 = vector.load %arg2[%get3A_9, %get3A_10] : memref<200x128xf32, #tpu.memory_space<vmem>>, vector<200x128xf32>
    %add3A_12 = arith.addf %add3A, %get3A_11 : vector<200x128xf32>
    %get3A_13 = arith.constant 0 : index
    %get3A_14 = arith.constant 0 : index
    %get3A_15 = vector.load %arg3[%get3A_13, %get3A_14] : memref<200x1xf32, #tpu.memory_space<vmem>>, vector<200x1xf32>
    %mul3A = vector.broadcast %get3A_15 : vector<200x1xf32> to vector<200x128xf32>
    %mul3A_16 = arith.mulf %add3A_12, %mul3A : vector<200x128xf32>
    %swap3A = arith.constant 0 : index
    %swap3A_17 = arith.constant 0 : index
    %swap3A_18 = vector.load %arg4[%swap3A, %swap3A_17] : memref<200x128xf32, #tpu.memory_space<vmem>>, vector<200x128xf32>
    tpu.vector_store %arg4[%swap3A, %swap3A_17], %mul3A_16 {strides = array<i32>} : memref<200x128xf32, #tpu.memory_space<vmem>>, vector<200x128xf32>,
    return
  }
  func.func @transform_0(%arg0: i32) -> (i32, i32, i32) {
    %c0_i32 = arith.constant 0 : i32
    %c0_i32_0 = arith.constant 0 : i32
    %c0_i32_1 = arith.constant 0 : i32
    return %c0_i32, %arg0, %c0_i32_0 : i32, i32, i32
  }
  func.func @transform_1(%arg0: i32) -> (i32, i32) {
    %c0_i32 = arith.constant 0 : i32
    %c0_i32_0 = arith.constant 0 : i32
    return %arg0, %c0_i32 : i32, i32
  }
  func.func @transform_2(%arg0: i32) -> (i32, i32) {
    %c0_i32 = arith.constant 0 : i32
    %c0_i32_0 = arith.constant 0 : i32
    return %arg0, %c0_i32 : i32, i32
  }
  func.func @transform_3(%arg0: i32) -> (i32, i32) {
    %c0_i32 = arith.constant 0 : i32
    %c0_i32_0 = arith.constant 0 : i32
    return %arg0, %c0_i32 : i32, i32
  }
}

module attributes {stable_mosaic.version = 14 : i64} {
  func.func @_final_body(%arg0: i32, %arg1: memref<200x128xf32, #tpu.memory_space<vmem>>, %arg2: memref<200x128xf32, #tpu.memory_space<vmem>>, %arg3: memref<200x128xf32, #tpu.memory_space<vmem>>, %arg4: memref<200x128xf32, #tpu.memory_space<vmem>>, %arg5: memref<200x128xf32, #tpu.memory_space<vmem>>, %arg6: memref<200x128xf32, #tpu.memory_space<vmem>>, %arg7: memref<200x128xf32, #tpu.memory_space<vmem>>, %arg8: memref<200x128xf32, #tpu.memory_space<vmem>>, %arg9: memref<200x128xf32, #tpu.memory_space<vmem>>, %arg10: memref<200x128xf32, #tpu.memory_space<vmem>>, %arg11: memref<200x128xf32, #tpu.memory_space<vmem>>, %arg12: memref<200x1xf32, #tpu.memory_space<vmem>>, %arg13: memref<128x1xf32, #tpu.memory_space<vmem>>, %arg14: memref<1x1xf32, #tpu.memory_space<vmem>>, %arg15: memref<200x128xf32, #tpu.memory_space<vmem>>) attributes {dimension_semantics = [#tpu.dimension_semantics<arbitrary>], iteration_bounds = array<i64: 50>, scalar_prefetch = 0 : i64, scratch_operands = 0 : i64, tpu.core_type = #tpu.core_type<tc>, window_params = [{transform_indices = @transform_0, window_bounds = array<i64: 200, 128>}, {transform_indices = @transform_1, window_bounds = array<i64: 200, 128>}, {transform_indices = @transform_2, window_bounds = array<i64: 200, 128>}, {transform_indices = @transform_3, window_bounds = array<i64: 200, 128>}, {transform_indices = @transform_4, window_bounds = array<i64: 200, 128>}, {transform_indices = @transform_5, window_bounds = array<i64: 200, 128>}, {transform_indices = @transform_6, window_bounds = array<i64: 200, 128>}, {transform_indices = @transform_7, window_bounds = array<i64: 200, 128>}, {transform_indices = @transform_8, window_bounds = array<i64: 200, 128>}, {transform_indices = @transform_9, window_bounds = array<i64: 200, 128>}, {transform_indices = @transform_10, window_bounds = array<i64: 200, 128>}, {transform_indices = @transform_11, window_bounds = array<i64: 200, 1>}, {pipeline_mode = #tpu.pipeline_mode<synchronous>, transform_indices = @transform_12, window_bounds = array<i64: 128, 1>}, {pipeline_mode = #tpu.pipeline_mode<synchronous>, transform_indices = @transform_13, window_bounds = array<i64: 1, 1>}, {transform_indices = @transform_14, window_bounds = array<i64: 200, 128>}]} {
    %get3A = arith.constant 0 : index
    %get3A_0 = arith.constant 0 : index
    %get3A_1 = vector.load %arg12[%get3A, %get3A_0] : memref<200x1xf32, #tpu.memory_space<vmem>>, vector<200x1xf32>
    %get3A_2 = arith.constant 0 : index
    %get3A_3 = arith.constant 0 : index
    %get3A_4 = vector.load %arg1[%get3A_2, %get3A_3] : memref<200x128xf32, #tpu.memory_space<vmem>>, vector<200x128xf32>
    %get3A_5 = arith.constant 0 : index
    %get3A_6 = arith.constant 0 : index
    %get3A_7 = vector.load %arg2[%get3A_5, %get3A_6] : memref<200x128xf32, #tpu.memory_space<vmem>>, vector<200x128xf32>
    %get3A_8 = arith.constant 0 : index
    %get3A_9 = arith.constant 0 : index
    %get3A_10 = vector.load %arg3[%get3A_8, %get3A_9] : memref<200x128xf32, #tpu.memory_space<vmem>>, vector<200x128xf32>
    %get3A_11 = arith.constant 0 : index
    %get3A_12 = arith.constant 0 : index
    %get3A_13 = vector.load %arg4[%get3A_11, %get3A_12] : memref<200x128xf32, #tpu.memory_space<vmem>>, vector<200x128xf32>
    %get3A_14 = arith.constant 0 : index
    %get3A_15 = arith.constant 0 : index
    %get3A_16 = vector.load %arg5[%get3A_14, %get3A_15] : memref<200x128xf32, #tpu.memory_space<vmem>>, vector<200x128xf32>
    %get3A_17 = arith.constant 0 : index
    %get3A_18 = arith.constant 0 : index
    %get3A_19 = vector.load %arg6[%get3A_17, %get3A_18] : memref<200x128xf32, #tpu.memory_space<vmem>>, vector<200x128xf32>
    %get3A_20 = arith.constant 0 : index
    %get3A_21 = arith.constant 0 : index
    %get3A_22 = vector.load %arg7[%get3A_20, %get3A_21] : memref<200x128xf32, #tpu.memory_space<vmem>>, vector<200x128xf32>
    %get3A_23 = arith.constant 0 : index
    %get3A_24 = arith.constant 0 : index
    %get3A_25 = vector.load %arg8[%get3A_23, %get3A_24] : memref<200x128xf32, #tpu.memory_space<vmem>>, vector<200x128xf32>
    %get3A_26 = arith.constant 0 : index
    %get3A_27 = arith.constant 0 : index
    %get3A_28 = vector.load %arg9[%get3A_26, %get3A_27] : memref<200x128xf32, #tpu.memory_space<vmem>>, vector<200x128xf32>
    %get3A_29 = arith.constant 0 : index
    %get3A_30 = arith.constant 0 : index
    %get3A_31 = vector.load %arg10[%get3A_29, %get3A_30] : memref<200x128xf32, #tpu.memory_space<vmem>>, vector<200x128xf32>
    %get3A_32 = arith.constant 0 : index
    %get3A_33 = arith.constant 0 : index
    %get3A_34 = vector.load %arg11[%get3A_32, %get3A_33] : memref<200x128xf32, #tpu.memory_space<vmem>>, vector<200x128xf32>
    %stack3A = vector.shape_cast %get3A_4 : vector<200x128xf32> to vector<1x200x128xf32>
    %stack3A_35 = vector.shape_cast %get3A_7 : vector<200x128xf32> to vector<1x200x128xf32>
    %stack3A_36 = vector.shape_cast %get3A_10 : vector<200x128xf32> to vector<1x200x128xf32>
    %stack3A_37 = vector.shape_cast %get3A_13 : vector<200x128xf32> to vector<1x200x128xf32>
    %stack3A_38 = vector.shape_cast %get3A_16 : vector<200x128xf32> to vector<1x200x128xf32>
    %stack3A_39 = vector.shape_cast %get3A_19 : vector<200x128xf32> to vector<1x200x128xf32>
    %stack3A_40 = vector.shape_cast %get3A_22 : vector<200x128xf32> to vector<1x200x128xf32>
    %stack3A_41 = vector.shape_cast %get3A_25 : vector<200x128xf32> to vector<1x200x128xf32>
    %stack3A_42 = vector.shape_cast %get3A_28 : vector<200x128xf32> to vector<1x200x128xf32>
    %stack3A_43 = vector.shape_cast %get3A_31 : vector<200x128xf32> to vector<1x200x128xf32>
    %stack3A_44 = vector.shape_cast %get3A_34 : vector<200x128xf32> to vector<1x200x128xf32>
    %stack3A_45 = tpu.concatenate %stack3A, %stack3A_35, %stack3A_36, %stack3A_37, %stack3A_38, %stack3A_39, %stack3A_40, %stack3A_41, %stack3A_42, %stack3A_43, %stack3A_44 in 0 : vector<1x200x128xf32>, vector<1x200x128xf32>, vector<1x200x128xf32>, vector<1x200x128xf32>, vector<1x200x128xf32>, vector<1x200x128xf32>, vector<1x200x128xf32>, vector<1x200x128xf32>, vector<1x200x128xf32>, vector<1x200x128xf32>, vector<1x200x128xf32> -> vector<11x200x128xf32>
    %reshape3A = vector.shape_cast %stack3A_45 : vector<11x200x128xf32> to vector<2200x128xf32>
    %get3A_46 = arith.constant 0 : index
    %get3A_47 = arith.constant 0 : index
    %get3A_48 = vector.load %arg13[%get3A_46, %get3A_47] : memref<128x1xf32, #tpu.memory_space<vmem>>, vector<128x1xf32>
    %dot_general3A = arith.constant dense<0.000000e+00> : vector<2200x1xf32>
    %dot_general3A_49 = tpu.matmul %reshape3A, %get3A_48, %dot_general3A {dimension_numbers = #tpu.dot_dimension_numbers<[1], [0], [0], [1], [0, 0, 1, 1], [], []>, transpose_lhs_hint = false} : vector<2200x128xf32>, vector<128x1xf32>, vector<2200x1xf32> -> vector<2200x1xf32>
    %reshape3A_50 = vector.shape_cast %dot_general3A_49 : vector<2200x1xf32> to vector<11x200x1xf32>
    %broadcast_in_dim3A = vector.shape_cast %get3A_1 : vector<200x1xf32> to vector<1x200x1xf32>
    %mul3A = vector.broadcast %broadcast_in_dim3A : vector<1x200x1xf32> to vector<11x200x1xf32>
    %mul3A_51 = arith.mulf %reshape3A_50, %mul3A : vector<11x200x1xf32>
    %get3A_52 = arith.constant 0 : index
    %get3A_53 = arith.constant 0 : index
    %get3A_54 = vector.load %arg14[%get3A_52, %get3A_53] : memref<1x1xf32, #tpu.memory_space<vmem>>, vector<1x1xf32>
    %get3A_55 = vector.extract %get3A_54[0, 0] : f32 from vector<1x1xf32>
    %add3A = vector.broadcast %get3A_55 : f32 to vector<11x200x1xf32>
    %add3A_56 = arith.addf %mul3A_51, %add3A : vector<11x200x1xf32>
    %logistic3A = arith.negf %add3A_56 : vector<11x200x1xf32>
    %logistic3A_57 = math.exp %logistic3A : vector<11x200x1xf32>
    %logistic3A_58 = arith.constant 1.000000e+00 : f32
    %logistic3A_59 = vector.broadcast %logistic3A_58 : f32 to vector<11x200x1xf32>
    %logistic3A_60 = arith.addf %logistic3A_59, %logistic3A_57 : vector<11x200x1xf32>
    %logistic3A_61 = arith.divf %logistic3A_59, %logistic3A_60 : vector<11x200x1xf32>
    %mul3A_62 = vector.broadcast %logistic3A_61 : vector<11x200x1xf32> to vector<11x200x128xf32>
    %mul3A_63 = arith.mulf %mul3A_62, %stack3A_45 : vector<11x200x128xf32>
    %reduce_sum3A = arith.constant dense<0.000000e+00> : vector<200x128xf32>
    %reduce_sum3A_64 = vector.multi_reduction <add>, %mul3A_63, %reduce_sum3A [0] : vector<11x200x128xf32> to vector<200x128xf32>
    %mul3A_65 = vector.broadcast %get3A_1 : vector<200x1xf32> to vector<200x128xf32>
    %mul3A_66 = arith.mulf %reduce_sum3A_64, %mul3A_65 : vector<200x128xf32>
    %swap3A = arith.constant 0 : index
    %swap3A_67 = arith.constant 0 : index
    %swap3A_68 = vector.load %arg15[%swap3A, %swap3A_67] : memref<200x128xf32, #tpu.memory_space<vmem>>, vector<200x128xf32>
    tpu.vector_store %arg15[%swap3A, %swap3A_67], %mul3A_66 {strides = array<i32>} : memref<200x128xf32, #tpu.memory_space<vmem>>, vector<200x128xf32>,
    return
  }
  func.func @transform_0(%arg0: i32) -> (i32, i32) {
    %c0_i32 = arith.constant 0 : i32
    %c0_i32_0 = arith.constant 0 : i32
    return %arg0, %c0_i32 : i32, i32
  }
  func.func @transform_1(%arg0: i32) -> (i32, i32) {
    %c0_i32 = arith.constant 0 : i32
    %c0_i32_0 = arith.constant 0 : i32
    return %arg0, %c0_i32 : i32, i32
  }
  func.func @transform_2(%arg0: i32) -> (i32, i32) {
    %c0_i32 = arith.constant 0 : i32
    %c0_i32_0 = arith.constant 0 : i32
    return %arg0, %c0_i32 : i32, i32
  }
  func.func @transform_3(%arg0: i32) -> (i32, i32) {
    %c0_i32 = arith.constant 0 : i32
    %c0_i32_0 = arith.constant 0 : i32
    return %arg0, %c0_i32 : i32, i32
  }
  func.func @transform_4(%arg0: i32) -> (i32, i32) {
    %c0_i32 = arith.constant 0 : i32
    %c0_i32_0 = arith.constant 0 : i32
    return %arg0, %c0_i32 : i32, i32
  }
  func.func @transform_5(%arg0: i32) -> (i32, i32) {
    %c0_i32 = arith.constant 0 : i32
    %c0_i32_0 = arith.constant 0 : i32
    return %arg0, %c0_i32 : i32, i32
  }
  func.func @transform_6(%arg0: i32) -> (i32, i32) {
    %c0_i32 = arith.constant 0 : i32
    %c0_i32_0 = arith.constant 0 : i32
    return %arg0, %c0_i32 : i32, i32
  }
  func.func @transform_7(%arg0: i32) -> (i32, i32) {
    %c0_i32 = arith.constant 0 : i32
    %c0_i32_0 = arith.constant 0 : i32
    return %arg0, %c0_i32 : i32, i32
  }
  func.func @transform_8(%arg0: i32) -> (i32, i32) {
    %c0_i32 = arith.constant 0 : i32
    %c0_i32_0 = arith.constant 0 : i32
    return %arg0, %c0_i32 : i32, i32
  }
  func.func @transform_9(%arg0: i32) -> (i32, i32) {
    %c0_i32 = arith.constant 0 : i32
    %c0_i32_0 = arith.constant 0 : i32
    return %arg0, %c0_i32 : i32, i32
  }
  func.func @transform_10(%arg0: i32) -> (i32, i32) {
    %c0_i32 = arith.constant 0 : i32
    %c0_i32_0 = arith.constant 0 : i32
    return %arg0, %c0_i32 : i32, i32
  }
  func.func @transform_11(%arg0: i32) -> (i32, i32) {
    %c0_i32 = arith.constant 0 : i32
    %c0_i32_0 = arith.constant 0 : i32
    return %arg0, %c0_i32 : i32, i32
  }
  func.func @transform_12(%arg0: i32) -> (i32, i32) {
    %c0_i32 = arith.constant 0 : i32
    %c0_i32_0 = arith.constant 0 : i32
    %c0_i32_1 = arith.constant 0 : i32
    return %c0_i32, %c0_i32_0 : i32, i32
  }
  func.func @transform_13(%arg0: i32) -> (i32, i32) {
    %c0_i32 = arith.constant 0 : i32
    %c0_i32_0 = arith.constant 0 : i32
    %c0_i32_1 = arith.constant 0 : i32
    return %c0_i32, %c0_i32_0 : i32, i32
  }
  func.func @transform_14(%arg0: i32) -> (i32, i32) {
    %c0_i32 = arith.constant 0 : i32
    %c0_i32_0 = arith.constant 0 : i32
    return %arg0, %c0_i32 : i32, i32
  }
}

</mosaic_0001>

<sc_bundles>
// kernel: kernel.25.cloned.1.call-start
scs
__scs_entry_jumppad:
0x0: {  	(pc) =	sbr.rel $0x88, $3  }
0x1: {  	(tag) =	ssettag $0x0;
	lr =	simm.s32 $0x1  }
0x2: {  	[smem:$0x3F9D] =	sst lr;
	_ =	strace $0xD0000000  }
0x3: {  	_ = 	snop  }
0x4: {  	_ = 	snop  }
0x5: {  	_ = 	snop  }
0x6: {  	_ = 	snop  }
0x7: {  	_ = 	snop  }
__scs_overlays_trampoline_lowered:
0x8: {  	[smem:$0x3FAC] =	sst s0  }
0x9: {  	[smem:$0x3FAD] =	sst s1  }
0xa: {  	[smem:$0x3FAE] =	sst s2  }
0xb: {  	[smem:$0x3FAF] =	sst s3  }
0xc: {  	[smem:$0x3FB0] =	sst s4  }
0xd: {  	[smem:$0x3FB1] =	sst s5  }
0xe: {  	[smem:$0x3FB2] =	sst s6  }
0xf: {  	[smem:$0x3FB3] =	sst s7  }
0x10: {  	[smem:$0x3FB4] =	sst s8  }
0x11: {  	[smem:$0x3FB5] =	sst s9;
	s0 =	simm.s32 @!p0 $0x0  }
0x12: {  	s1 =	sld [smem:$0x3F9B];
	s0 =	simm.s32 @p0 $0x1  }
0x13: {  	[smem:$0x3FB6] =	sst s0;
	s0 =	simm.s32 @!p1 $0x0  }
0x14: {  	s2 =	sld [smem:$0x3F9A];
	s0 =	simm.s32 @p1 $0x1  }
0x15: {  	[smem:$0x3FB7] =	sst s0;
	s0 =	simm.s32 @!p2 $0x0  }
0x16: {  	s3 =	sld [smem:$0x3FDB];
	s0 =	simm.s32 @p2 $0x1  }
0x17: {  	s4 =	simm.s32 $0x1BF5;
	[smem:$0x3FB9] =	sst s0  }
0x18: {  	s0 =	sld [smem:$0x3F9C];
	_ =	swait.ge [sflag:s4], $0x0  }
0x19: {  	s7 =	sld [smem:$0x3F9D]  }
0x1a: {  	s8 =	sadd.s32 $0xFFFFE003, lr  }
0x1b: {  	s9 =	sadd.s32 $0xFFFFFEF7, lr;
	s5 =	simm.s32 $0xFFFFFFFF;
	p2 =	slt.u32 s8, $0xFFFFF086  }
0x1c: {  	p1 =	slt.u32 s9, $0xF7A;
	s5 =	simm.s32 @!p2 $0x0  }
0x1d: {  	s5 =	simm.s32 @p1 $0x1;
	p0 =	seq.s32 s7, s2  }
0x1e: {  	s7 =	smul.u32 @!p0 $0xF7A, s2;
	p2 =	seq.s32 @!p0 s5, $0x0  }
0x1f: {  	s9 =	smul.u32 $0xF7A, s1;
	s8 =	simm.s32 @!p0 $0x1BF5;
	p2 =	por !p2, p0  }
0x20: {  	[sflag:s8] =	ssyncset.s32 @!p0 $0xFFFFF086;
	s6 =	sadd.s32 @!p0 s3, s7;
	s7 =	simm.s32 @!p0 $0x108  }
0x21: {  	s3 =	sadd.s32 s3, s9;
	s6 =	sadd.s32 @!p0 $0x88, s6;
	s7 =	simm.s32 @p2 $0x1082  }
0x22: {  	[simem:s7], [sflag:s8] =	dma.local @!p0 [hbm:s6], $0xF7A  }
0x23: {  	s9 =	sor.u32 $0xD0000000, s2;
	s6 =	simm.s32 $0x108;
	_ =	swait.ge @!p0 [sflag:s8], $0x0  }
0x24: {  	s3 =	sadd.s32 $0x88, s3;
	s6 =	simm.s32 @!p1 $0x1082;
	[sflag:s4] =	ssyncset.s32 $0xFFFFF086  }
0x25: {  	[simem:s6], [sflag:s4] =	dma.local [hbm:s3], $0xF7A  }
0x26: {  	[smem:$0x3F9D] =	sst s1;
	(tag) =	ssettag s2;
	_ =	strace s9  }
0x27: {  	s1 =	sld [smem:$0x3FAD]  }
0x28: {  	s2 =	sld [smem:$0x3FAE]  }
0x29: {  	s4 =	sld [smem:$0x3FB0]  }
0x2a: {  	p0 =	seq.s32 s5, $0x0;
	s5 =	sld [smem:$0x3FB1]  }
0x2b: {  	s6 =	sld [smem:$0x3FB2]  }
0x2c: {  	s7 =	sld [smem:$0x3FB3]  }
0x2d: {  	s3 =	simm.s32 $0x108;
	s8 =	sld [smem:$0x3FB4]  }
0x2e: {  	s3 =	simm.s32 @!p0 $0x1082;
	s9 =	sld [smem:$0x3FB5]  }
0x2f: {  	lr =	sadd.s32 s0, s3;
	s0 =	sld [smem:$0x3FAC]  }
0x30: {  	s3 =	sld [smem:$0x3FAF]  }
0x31: {  	[smem:$0x3FB8] =	sst s10  }
0x32: {  	s10 =	sld [smem:$0x3FB6];
	_ =	sdelay $0x3  }
0x33: {  	p0 =	seq.s32 s10, $0x1;
	s10 =	sld [smem:$0x3FB8];
	_ =	sdelay $0x3  }
0x34: {  	[smem:$0x3FB8] =	sst s10  }
0x35: {  	s10 =	sld [smem:$0x3FB7];
	_ =	sdelay $0x3  }
0x36: {  	p1 =	seq.s32 s10, $0x1;
	s10 =	sld [smem:$0x3FB8];
	_ =	sdelay $0x3  }
0x37: {  	[smem:$0x3FB8] =	sst s10  }
0x38: {  	s10 =	sld [smem:$0x3FB9]  }
0x39: {  	_ = 	snop;
	(pc) =	sbr.ind lr, $3  }
0x3a: {  	_ = 	snop  }
0x3b: {  	_ = 	snop  }
0x3c: {  	p2 =	seq.s32 s10, $0x1;
	s10 =	sld [smem:$0x3FB8]  }
0x3d: {  	_ =	shalt  }
0x3e: {  	_ =	shalt  }
0x3f: {  	_ =	shalt  }
0x40: {  	_ =	shalt  }
0x41: {  	_ =	shalt  }
0x42: {  	_ =	shalt  }
0x43: {  	_ =	shalt  }
0x44: {  	_ =	shalt  }
0x45: {  	_ =	shalt  }
0x46: {  	_ =	shalt  }
0x47: {  	_ =	shalt  }
0x48: {  	_ =	shalt  }
0x49: {  	_ =	shalt  }
0x4a: {  	_ =	shalt  }
0x4b: {  	_ =	shalt  }
0x4c: {  	_ =	shalt  }
0x4d: {  	_ =	shalt  }
0x4e: {  	_ =	shalt  }
0x4f: {  	_ =	shalt  }
0x50: {  	_ =	shalt  }
0x51: {  	_ =	shalt  }
0x52: {  	_ =	shalt  }
0x53: {  	_ =	shalt  }
0x54: {  	_ =	shalt  }
0x55: {  	_ =	shalt  }
0x56: {  	_ =	shalt  }
0x57: {  	_ =	shalt  }
0x58: {  	_ =	shalt  }
0x59: {  	_ =	shalt  }
0x5a: {  	_ =	shalt  }
0x5b: {  	_ =	shalt  }
0x5c: {  	_ =	shalt  }
0x5d: {  	_ =	shalt  }
0x5e: {  	_ =	shalt  }
0x5f: {  	_ =	shalt  }
0x60: {  	_ =	shalt  }
0x61: {  	_ =	shalt  }
0x62: {  	_ =	shalt  }
0x63: {  	_ =	shalt  }
0x64: {  	_ =	shalt  }
0x65: {  	_ =	shalt  }
0x66: {  	_ =	shalt  }
0x67: {  	_ =	shalt  }
0x68: {  	_ =	shalt  }
0x69: {  	_ =	shalt  }
0x6a: {  	_ =	shalt  }
0x6b: {  	_ =	shalt  }
0x6c: {  	_ =	shalt  }
0x6d: {  	_ =	shalt  }
0x6e: {  	_ =	shalt  }
0x6f: {  	_ =	shalt  }
0x70: {  	_ =	shalt  }
0x71: {  	_ =	shalt  }
0x72: {  	_ =	shalt  }
0x73: {  	_ =	shalt  }
0x74: {  	_ =	shalt  }
0x75: {  	_ =	shalt  }
0x76: {  	_ =	shalt  }
0x77: {  	_ =	shalt  }
0x78: {  	_ =	shalt  }
0x79: {  	_ =	shalt  }
0x7a: {  	_ =	shalt  }
0x7b: {  	_ =	shalt  }
0x7c: {  	_ =	shalt  }
0x7d: {  	_ =	shalt  }
0x7e: {  	_ =	shalt  }
0x7f: {  	_ =	shalt  }
0x80: {  	_ =	shalt  }
0x81: {  	_ =	shalt  }
0x82: {  	_ =	shalt  }
0x83: {  	_ =	shalt  }
0x84: {  	_ =	shalt  }
0x85: {  	_ =	shalt  }
0x86: {  	_ =	shalt  }
0x87: {  	_ =	shalt  }
.Lfunc_end0:
.L_simem_size_0:
called_computation_lowered:
.L_overlay_start_0:
0x88: {  	s2 =	sld [smem:$0x3FD9]  }
0x89: {  	s3 =	sld [smem:$0x3FFE];
	_ =	sdelay $0x1  }
0x8a: {  	s1 =	srdreg.scid  }
0x8b: {  	s0 =	sand.u32 $0x1, s1  }
0x8c: {  	s17 =	sshll.u32 s0, $0xA;
	s2 =	sadd.s32 s3, s2  }
0x8d: {  	s2 =	sadd.s32 s2, s17  }
0x8e: {  	[smem:$0x3FC4] =	sst s2  }
0x8f: {  	_ = 	snop  }
0x90: {  	s2 =	sld [smem:$0x3FD0];
	(tm) =	ssettm $0x1  }
0x91: {  	s18 =	sld [smem:$0x3FFB];
	_ =	sdelay $0x3  }
0x92: {  	_ =	strace s18  }
0x93: {  	s3 =	sld [smem:$0x3FFC];
	_ =	sdelay $0x3  }
0x94: {  	_ =	strace s3  }
0x95: {  	s3 =	sld [smem:$0x3FFD];
	_ =	sdelay $0x3  }
0x96: {  	_ =	strace s3  }
0x97: {  	_ =	strace $0x8FFFFFFF  }
0x98: {  	s19 =	sld [smem:$0x3FDB];
	_ =	sdelay $0x1  }
0x99: {  	s4 =	simm.s32 $_scs_section_size  }
0x9a: {  	s5 =	simm.s32 $_size__tile_overlayer_lowered;
	s6 =	simm.s32 $_tile_overlayer_lowered  }
0x9b: {  	s22 =	simm.s32 $0x1BFF;
	s21 =	sshll.u32 s6, $0x1;
	s3 =	sadd.s32 s4, s19  }
0x9c: {  	s7 =	simm.s32 $0x0;
	s20 =	sshll.u32 s5, $0x1;
	s5 =	sadd.s32 s21, s3  }
0x9d: {  	[timem:s7], [sflag:s22] =	dma.local [hbm:s5], s20  }
0x9e: {  	_ =	swait.ge [sflag:s22], s20  }
0x9f: {  	s4 =	ssub.s32 $0x0, s20;
	[sflag:s22] =	ssyncset.done $0x0  }
0xa0: {  	[sflag:s22] =	ssyncadd.s32 s4;
	_ =	sdelay $0x1  }
0xa1: {  	s23 =	simm.s32 $0x1B8B  }
0xa2: {  	_ =	swait.ge [sflag:s23], $0x1  }
0xa3: {  	[sflag:s23] =	ssyncset.done $0x0  }
0xa4: {  	s25 =	simm.s32 $0x1B8E;
	s24 =	sld [smem:$0x3FFE];
	[sflag:s23] =	ssyncadd.s32 $0xFFFFFFFF  }
0xa5: {  	s26 =	simm.s32 $execute0_lowered;
	[smem:$0x3FD2] =	sst s25  }
0xa6: {  	s5 =	sshll.u32 s26, $0x1;
	_ =	strace $0x80000046;
	[dreg:$0x1] =	wrdreg $0xFFFFFFFF  }
0xa7: {  	s28 =	simm.s32 $_size_execute0_lowered;
	s3 =	sadd.s32 s3, s5;
	[dreg:$0x0] =	wrdreg $0x0  }
0xa8: {  	s5 =	sshll.u32 s28, $0x1;
	[dreg:$0x2] =	wrdreg s3  }
0xa9: {  	[dreg:$0x3] =	wrdreg s5  }
0xaa: {  	[dreg:$0x4] =	wrdreg $0xC0  }
0xab: {  	_ =	task [dreg:s7], $0x5FFFF  }
0xac: {  	[dreg:$0x1] =	wrdreg $0xFFFFFFFF  }
0xad: {  	[dreg:$0x0] =	wrdreg $0x60  }
0xae: {  	[dreg:$0x2] =	wrdreg s2  }
0xaf: {  	[dreg:$0x3] =	wrdreg s24  }
0xb0: {  	[dreg:$0x4] =	wrdreg $0x41000  }
0xb1: {  	[dreg:$0x5] =	wrdreg $0x9  }
0xb2: {  	_ =	task.clear_ibuf [dreg:s7], $0x6FFFF;
	_ =	strace $0x90000046  }
0xb3: {  	s29 =	simm.s32 $0x9;
	_ =	strace $0x80000048  }
0xb4: {  	_ =	swait.ge [sflag:s29], $0x1  }
0xb5: {  	[sflag:s29] =	ssyncadd.s32 $0xFFFFFFFF  }
0xb6: {  	_ =	strace $0x90000048  }
0xb7: {  	_ =	sfence  }
0xb8: {  	s30 =	sld [smem:$0x0];
	_ =	sdelay $0x2  }
0xb9: {  	s31 =	sshll.u32 s1, $0xD;
	s1 =	sshrl.u32 s1, $0x2  }
0xba: {  	s3 =	sand.u32 $0x4000, s31;
	s1 =	sadd.s32 s1, s30  }
0xbb: {  	s0 =	sor.u32 s3, s0;
	s1 =	sshll.u32 s1, $0x11  }
0xbc: {  	s0 =	sor.u32 s1, s0  }
0xbd: {  	s0 =	sadd.s32 $0x8F2B, s0  }
0xbe: {  	[sflag:s0] =	ssyncadd.remote.s32 $0x1  }
0xbf: {  	_ =	sfence.sel $0xFFFF  }
0xc0: {  	[dreg:$0x0] =	wrdreg $0xFFFFFFFF;
	(pc) =	sbr.abs _section_cstart, $3  }
0xc1: {  	[dreg:$0x1] =	wrdreg $0xFFFFFFFF  }
0xc2: {  	_ =	task.clear_ibuf [dreg:s7], $0x2FFFF;
	_ =	strace $0x9FFFFFFF  }
0xc3: {  	(tm) =	ssettm $0x7FFFFFFF  }
tec
execute0_lowered:
.L_overlay_start_1:
0x0: {  	(tag) =	ssettag $0x1  }
0x1: {  	s0 =	rddreg [dreg:$0x0]  }
0x2: {  	s5 =	rddreg [dreg:$0x1]  }
0x3: {  	s1 =	srdreg.scid;
	s2 =	stileid.u32  }
0x4: {  	s3 =	rddreg [dreg:$0x2];
	s4 =	simm.s32 $0x0;
	s8 =	smul.u32 $0x13C00, s2  }
0x5: {  	s13 =	simm.s32 $0x80;
	s14 =	simm.s32 $0x100;
	s26 =	smul.u32 $0x4F000, s2  }
0x6: {  	s15 =	simm.s32 $0x1;
	s6 =	sand.u32 $0x1, s1;
	s30 =	smul.u32 $0x4F0, s2  }
0x7: {  	s16 =	simm.s32 $0x0;
	s1 =	rddreg [dreg:$0x3];
	s7 =	smul.u32 $0x4F00, s6  }
0x8: {  	[smem:$0x7FF] =	sst s4;
	s31 =	sshll.u32 s2, $0x6;
	s9 =	smul.u32 $0x13C000, s6  }
0x9: {  	_ =	strace $0x80000047;
	s6 =	ssub.s32 $0x2, s6;
	s25 =	sshrl.u32 s8, $0x3  }
0xa: {  	s28 =	sshrl.u32 s6, $0x1;
	s29 =	sshrl.u32 s26, $0x2;
	s10 =	sadd.s32 s7, s5  }
0xb: {  	s8 =	sadd.s32 s8, s9;
	s7 =	sadd.s32 s25, s5;
	s11 =	ssub.s32 s6, s28  }
0xc: {  	s12 =	sadd.s32 s29, s3;
	s6 =	sor.u32 $0x1C02, s31;
	s8 =	sshrl.u32 s8, $0x3  }
0xd: {  	s10 =	sadd.s32 s30, s10;
	s8 =	sadd.s32 s8, s5;
	s5 =	sadd.s32 $0x1B200, s7  }
0xe: {  	s9 =	sadd.s32 $0x7600, s10;
	s10 =	sadd.s32 $0x11400, s10;
	s7 =	sadd.s32 $0x42A00, s8  }
0xf: {  	s8 =	smax.u32 s11, $0x1;
	s11 =	sshrl.u32 s12, $0x3;
	s12 =	simm.s32 $0x2  }
.LBB2_1:
0x10: {  	[spmem:s11], [sflag:s6] =	dma.local [hbm:s5], $0x2780  }
0x11: {  	_ =	swait.ge [sflag:s12], $0x2780  }
0x12: {  	[sflag:s12] =	ssyncset.done $0x0  }
0x13: {  	[sflag:s12] =	ssyncadd.s32 $0xFFFFD880  }
0x14: {  	s17 =	sadd.s32 $0x0, s10;
	[bflag:$0x0] =	sbarrier.arrive $0xFFFF  }
0x15: {  	[tilespmem:s4], [sflag:$0x2] =	stream.linear.gather [hbm4b:s17+s4], $0x80, $0x38;
	[tilespmem:$0x17D00] =	vst v63  }
0x16: {  	_ =	swait.ge [sflag:s12], $0x80  }
0x17: {  	[sflag:s12] =	ssyncset.done $0x0  }
0x18: {  	s31 =	sadd.s32 $0x0, s9;
	[sflag:s12] =	ssyncadd.s32 $0xFFFFFF80  }
0x19: {  	[tilespmem:s13], [sflag:$0x2] =	stream.linear.gather [hbm4b:s31+s4], $0x80, $0x38;
	[tilespmem:$0x17D00] =	vst v63  }
0x1a: {  	_ =	swait.ge [sflag:s12], $0x80  }
0x1b: {  	[sflag:s12] =	ssyncset.done $0x0  }
0x1c: {  	[sflag:s12] =	ssyncadd.s32 $0xFFFFFF80  }
0x1d: {  	[tilespmem:s14], [sflag:$0x1] =	stream.indirect.gather [hbm4b:s0+s13], $0x80, s4, s13, $0xb8;
	[tilespmem:$0x17D00] =	vst v63  }
0x1e: {  	_ =	swait.ge [sflag:s15], $0x4000  }
0x1f: {  	[sflag:s15] =	ssyncset.done $0x0  }
0x20: {  	[sflag:s15] =	ssyncadd.s32 $0xFFFFC000  }
0x21: {  	[spmem:s3] =	stream.indirect.scatter.add.f32 [tilespmem:s14], [sflag:$0x2], $0x80, s13, s13, $0xb8;
	[tilespmem:$0x17D00] =	vst v63  }
0x22: {  	_ =	swait.ge [sflag:s12], $0x4000  }
0x23: {  	s18 =	simm.s32 $0x20;
	s17 =	simm.s32 $0x10;
	[sflag:s12] =	ssyncset.done $0x0  }
.LBB2_2:
0x24: {  	s19 =	sadd.s32 s17, s10  }
0x25: {  	[sflag:s12] =	ssyncadd.s32 $0xFFFFC000;
	s20 =	smov.u32 s18;
	s21 =	sadd.s32 $0x10, s18  }
0x26: {  	[tilespmem:s4], [sflag:$0x2] =	stream.linear.gather [hbm4b:s19+s4], $0x80, $0x38;
	[tilespmem:$0x17D00] =	vst v63  }
0x27: {  	p0 =	sne.s32 s18, $0x4E0;
	_ =	swait.ge [sflag:s12], $0x80  }
0x28: {  	[sflag:s12] =	ssyncset.done $0x0  }
0x29: {  	s18 =	sadd.s32 s17, s9;
	s17 =	smov.u32 s20;
	[sflag:s12] =	ssyncadd.s32 $0xFFFFFF80  }
0x2a: {  	[tilespmem:s13], [sflag:$0x2] =	stream.linear.gather [hbm4b:s18+s4], $0x80, $0x38;
	[tilespmem:$0x17D00] =	vst v63  }
0x2b: {  	_ =	swait.ge [sflag:s12], $0x80  }
0x2c: {  	[sflag:s12] =	ssyncset.done $0x0  }
0x2d: {  	[sflag:s12] =	ssyncadd.s32 $0xFFFFFF80  }
0x2e: {  	[tilespmem:s14], [sflag:$0x1] =	stream.indirect.gather [hbm4b:s0+s13], $0x80, s4, s13, $0xb8;
	[tilespmem:$0x17D00] =	vst v63  }
0x2f: {  	_ =	swait.ge [sflag:s15], $0x4000  }
.Ltmp0:
0x30: {  	[sflag:s15] =	ssyncset.done $0x0;
	(pc) =	sbr.rel @p0 .LBB2_2-.Ltmp0, $4  }
0x31: {  	[sflag:s15] =	ssyncadd.s32 $0xFFFFC000  }
0x32: {  	[spmem:s3] =	stream.indirect.scatter.add.f32 [tilespmem:s14], [sflag:$0x2], $0x80, s13, s13, $0xb8;
	[tilespmem:$0x17D00] =	vst v63  }
0x33: {  	_ =	swait.ge [sflag:s12], $0x4000  }
0x34: {  	s18 =	smov.u32 s21;
	[sflag:s12] =	ssyncset.done $0x0  }
0x35: {  	s18 =	sadd.s32 s17, s10;
	[sflag:s12] =	ssyncadd.s32 $0xFFFFC000  }
0x36: {  	[tilespmem:s4], [sflag:$0x2] =	stream.linear.gather [hbm4b:s18+s4], $0x80, $0x38;
	[tilespmem:$0x17D00] =	vst v63  }
0x37: {  	_ =	swait.ge [sflag:s12], $0x80  }
0x38: {  	[sflag:s12] =	ssyncset.done $0x0  }
0x39: {  	s31 =	sadd.s32 s17, s9;
	[sflag:s12] =	ssyncadd.s32 $0xFFFFFF80  }
0x3a: {  	[tilespmem:s13], [sflag:$0x2] =	stream.linear.gather [hbm4b:s31+s4], $0x80, $0x38;
	[tilespmem:$0x17D00] =	vst v63  }
0x3b: {  	_ =	swait.ge [sflag:s12], $0x80  }
0x3c: {  	[sflag:s12] =	ssyncset.done $0x0  }
0x3d: {  	[sflag:s12] =	ssyncadd.s32 $0xFFFFFF80  }
0x3e: {  	[tilespmem:s14], [sflag:$0x1] =	stream.indirect.gather [hbm4b:s0+s13], $0x80, s4, s13, $0xb8;
	[tilespmem:$0x17D00] =	vst v63  }
0x3f: {  	_ =	swait.ge [sflag:s15], $0x4000  }
0x40: {  	[sflag:s15] =	ssyncset.done $0x0  }
0x41: {  	[sflag:s15] =	ssyncadd.s32 $0xFFFFC000  }
0x42: {  	[spmem:s3] =	stream.indirect.scatter.add.f32 [tilespmem:s14], [sflag:$0x2], $0x80, s13, s13, $0xb8;
	[tilespmem:$0x17D00] =	vst v63  }
0x43: {  	_ =	swait.ge [sflag:s12], $0x4000  }
0x44: {  	s16 =	sadd.s32 $0x1, s16;
	[sflag:s12] =	ssyncset.done $0x0  }
0x45: {  	p0 =	sne.s32 s16, s8;
	[sflag:s12] =	ssyncadd.s32 $0xFFFFC000  }
.Ltmp1:
0x46: {  	[bflag:$0x0] =	sbarrier.arrive $0xFFFF;
	(pc) =	sbr.rel @p0 .LBB2_1-.Ltmp1, $4  }
0x47: {  	[hbm:s7], [sflag:s6] =	dma.local [spmem:s11], $0x2780  }
0x48: {  	_ =	swait.ge [sflag:s12], $0x2780  }
0x49: {  	[sflag:s12] =	ssyncset.done $0x0  }
0x4a: {  	[sflag:s12] =	ssyncadd.s32 $0xFFFFD880  }
0x4b: {  	_ =	sfence.sel $0x180000  }
0x4c: {  	[bflag:$0x0] =	sbarrier.arrive $0xFFFF  }
0x4d: {  	p0 =	sne.s32 s2, $0x0;
	_ =	strace $0x90000047  }
0x4e: {  	s0 =	sadd.s32 @!p0 $0x100000, s1;
	[bflag:$0x2] =	sbarrier.arrive $0xFFFF  }
0x4f: {  	[sflag:s0] =	ssyncadd.tile.s32 @!p0 $0x1;
	_ =	shalt  }
.Lfunc_end2:
_tile_overlayer_lowered:
.L_overlay_start_2:
0x50: {  	(tag) =	ssettag $0x2  }
0x51: {  	s0 =	rddreg [dreg:$0x0];
	s2 =	stileid.u32  }
0x52: {  	s1 =	rddreg [dreg:$0x1];
	p0 =	sne.s32 s2, $0x0  }
0x53: {  	s3 =	rddreg [dreg:$0x2];
	[bflag:$0x3] =	sbarrier.arrive $0xFFFF;
	s2 =	simm.s32 @!p0 $0x1C02  }
0x54: {  	[timem:s3], [sflag:s2] =	dma.local @!p0 [hbm:s0], s1  }
0x55: {  	s0 =	simm.s32 @!p0 $0x2  }
0x56: {  	_ =	swait.ge @!p0 [sflag:s0], s1  }
0x57: {  	s1 =	ssub.s32 @!p0 $0x0, s1;
	[sflag:s0] =	ssyncset.done @!p0 $0x0  }
0x58: {  	[sflag:s0] =	ssyncadd.s32 @!p0 s1  }
0x59: {  	[bflag:$0x3] =	sbarrier.arrive $0xFFFF  }
0x5a: {  	_ =	shalt  }

// kernel: kernel.28.cloned.1.call-start
scs
__scs_entry_jumppad:
0x0: {  	(pc) =	sbr.rel $0x88, $3  }
0x1: {  	(tag) =	ssettag $0x0;
	lr =	simm.s32 $0x1  }
0x2: {  	[smem:$0x3F9D] =	sst lr;
	_ =	strace $0xD0000000  }
0x3: {  	_ = 	snop  }
0x4: {  	_ = 	snop  }
0x5: {  	_ = 	snop  }
0x6: {  	_ = 	snop  }
0x7: {  	_ = 	snop  }
__scs_overlays_trampoline_lowered:
0x8: {  	[smem:$0x3FAC] =	sst s0  }
0x9: {  	[smem:$0x3FAD] =	sst s1  }
0xa: {  	[smem:$0x3FAE] =	sst s2  }
0xb: {  	[smem:$0x3FAF] =	sst s3  }
0xc: {  	[smem:$0x3FB0] =	sst s4  }
0xd: {  	[smem:$0x3FB1] =	sst s5  }
0xe: {  	[smem:$0x3FB2] =	sst s6  }
0xf: {  	[smem:$0x3FB3] =	sst s7  }
0x10: {  	[smem:$0x3FB4] =	sst s8  }
0x11: {  	[smem:$0x3FB5] =	sst s9;
	s0 =	simm.s32 @!p0 $0x0  }
0x12: {  	s1 =	sld [smem:$0x3F9B];
	s0 =	simm.s32 @p0 $0x1  }
0x13: {  	[smem:$0x3FB6] =	sst s0;
	s0 =	simm.s32 @!p1 $0x0  }
0x14: {  	s2 =	sld [smem:$0x3F9A];
	s0 =	simm.s32 @p1 $0x1  }
0x15: {  	[smem:$0x3FB7] =	sst s0;
	s0 =	simm.s32 @!p2 $0x0  }
0x16: {  	s3 =	sld [smem:$0x3FDB];
	s0 =	simm.s32 @p2 $0x1  }
0x17: {  	s4 =	simm.s32 $0x1BF5;
	[smem:$0x3FB9] =	sst s0  }
0x18: {  	s0 =	sld [smem:$0x3F9C];
	_ =	swait.ge [sflag:s4], $0x0  }
0x19: {  	s7 =	sld [smem:$0x3F9D]  }
0x1a: {  	s8 =	sadd.s32 $0xFFFFE003, lr  }
0x1b: {  	s9 =	sadd.s32 $0xFFFFFEF7, lr;
	s5 =	simm.s32 $0xFFFFFFFF;
	p2 =	slt.u32 s8, $0xFFFFF086  }
0x1c: {  	p1 =	slt.u32 s9, $0xF7A;
	s5 =	simm.s32 @!p2 $0x0  }
0x1d: {  	s5 =	simm.s32 @p1 $0x1;
	p0 =	seq.s32 s7, s2  }
0x1e: {  	s7 =	smul.u32 @!p0 $0xF7A, s2;
	p2 =	seq.s32 @!p0 s5, $0x0  }
0x1f: {  	s9 =	smul.u32 $0xF7A, s1;
	s8 =	simm.s32 @!p0 $0x1BF5;
	p2 =	por !p2, p0  }
0x20: {  	[sflag:s8] =	ssyncset.s32 @!p0 $0xFFFFF086;
	s6 =	sadd.s32 @!p0 s3, s7;
	s7 =	simm.s32 @!p0 $0x108  }
0x21: {  	s3 =	sadd.s32 s3, s9;
	s6 =	sadd.s32 @!p0 $0x88, s6;
	s7 =	simm.s32 @p2 $0x1082  }
0x22: {  	[simem:s7], [sflag:s8] =	dma.local @!p0 [hbm:s6], $0xF7A  }
0x23: {  	s9 =	sor.u32 $0xD0000000, s2;
	s6 =	simm.s32 $0x108;
	_ =	swait.ge @!p0 [sflag:s8], $0x0  }
0x24: {  	s3 =	sadd.s32 $0x88, s3;
	s6 =	simm.s32 @!p1 $0x1082;
	[sflag:s4] =	ssyncset.s32 $0xFFFFF086  }
0x25: {  	[simem:s6], [sflag:s4] =	dma.local [hbm:s3], $0xF7A  }
0x26: {  	[smem:$0x3F9D] =	sst s1;
	(tag) =	ssettag s2;
	_ =	strace s9  }
0x27: {  	s1 =	sld [smem:$0x3FAD]  }
0x28: {  	s2 =	sld [smem:$0x3FAE]  }
0x29: {  	s4 =	sld [smem:$0x3FB0]  }
0x2a: {  	p0 =	seq.s32 s5, $0x0;
	s5 =	sld [smem:$0x3FB1]  }
0x2b: {  	s6 =	sld [smem:$0x3FB2]  }
0x2c: {  	s7 =	sld [smem:$0x3FB3]  }
0x2d: {  	s3 =	simm.s32 $0x108;
	s8 =	sld [smem:$0x3FB4]  }
0x2e: {  	s3 =	simm.s32 @!p0 $0x1082;
	s9 =	sld [smem:$0x3FB5]  }
0x2f: {  	lr =	sadd.s32 s0, s3;
	s0 =	sld [smem:$0x3FAC]  }
0x30: {  	s3 =	sld [smem:$0x3FAF]  }
0x31: {  	[smem:$0x3FB8] =	sst s10  }
0x32: {  	s10 =	sld [smem:$0x3FB6];
	_ =	sdelay $0x3  }
0x33: {  	p0 =	seq.s32 s10, $0x1;
	s10 =	sld [smem:$0x3FB8];
	_ =	sdelay $0x3  }
0x34: {  	[smem:$0x3FB8] =	sst s10  }
0x35: {  	s10 =	sld [smem:$0x3FB7];
	_ =	sdelay $0x3  }
0x36: {  	p1 =	seq.s32 s10, $0x1;
	s10 =	sld [smem:$0x3FB8];
	_ =	sdelay $0x3  }
0x37: {  	[smem:$0x3FB8] =	sst s10  }
0x38: {  	s10 =	sld [smem:$0x3FB9]  }
0x39: {  	_ = 	snop;
	(pc) =	sbr.ind lr, $3  }
0x3a: {  	_ = 	snop  }
0x3b: {  	_ = 	snop  }
0x3c: {  	p2 =	seq.s32 s10, $0x1;
	s10 =	sld [smem:$0x3FB8]  }
0x3d: {  	_ =	shalt  }
0x3e: {  	_ =	shalt  }
0x3f: {  	_ =	shalt  }
0x40: {  	_ =	shalt  }
0x41: {  	_ =	shalt  }
0x42: {  	_ =	shalt  }
0x43: {  	_ =	shalt  }
0x44: {  	_ =	shalt  }
0x45: {  	_ =	shalt  }
0x46: {  	_ =	shalt  }
0x47: {  	_ =	shalt  }
0x48: {  	_ =	shalt  }
0x49: {  	_ =	shalt  }
0x4a: {  	_ =	shalt  }
0x4b: {  	_ =	shalt  }
0x4c: {  	_ =	shalt  }
0x4d: {  	_ =	shalt  }
0x4e: {  	_ =	shalt  }
0x4f: {  	_ =	shalt  }
0x50: {  	_ =	shalt  }
0x51: {  	_ =	shalt  }
0x52: {  	_ =	shalt  }
0x53: {  	_ =	shalt  }
0x54: {  	_ =	shalt  }
0x55: {  	_ =	shalt  }
0x56: {  	_ =	shalt  }
0x57: {  	_ =	shalt  }
0x58: {  	_ =	shalt  }
0x59: {  	_ =	shalt  }
0x5a: {  	_ =	shalt  }
0x5b: {  	_ =	shalt  }
0x5c: {  	_ =	shalt  }
0x5d: {  	_ =	shalt  }
0x5e: {  	_ =	shalt  }
0x5f: {  	_ =	shalt  }
0x60: {  	_ =	shalt  }
0x61: {  	_ =	shalt  }
0x62: {  	_ =	shalt  }
0x63: {  	_ =	shalt  }
0x64: {  	_ =	shalt  }
0x65: {  	_ =	shalt  }
0x66: {  	_ =	shalt  }
0x67: {  	_ =	shalt  }
0x68: {  	_ =	shalt  }
0x69: {  	_ =	shalt  }
0x6a: {  	_ =	shalt  }
0x6b: {  	_ =	shalt  }
0x6c: {  	_ =	shalt  }
0x6d: {  	_ =	shalt  }
0x6e: {  	_ =	shalt  }
0x6f: {  	_ =	shalt  }
0x70: {  	_ =	shalt  }
0x71: {  	_ =	shalt  }
0x72: {  	_ =	shalt  }
0x73: {  	_ =	shalt  }
0x74: {  	_ =	shalt  }
0x75: {  	_ =	shalt  }
0x76: {  	_ =	shalt  }
0x77: {  	_ =	shalt  }
0x78: {  	_ =	shalt  }
0x79: {  	_ =	shalt  }
0x7a: {  	_ =	shalt  }
0x7b: {  	_ =	shalt  }
0x7c: {  	_ =	shalt  }
0x7d: {  	_ =	shalt  }
0x7e: {  	_ =	shalt  }
0x7f: {  	_ =	shalt  }
0x80: {  	_ =	shalt  }
0x81: {  	_ =	shalt  }
0x82: {  	_ =	shalt  }
0x83: {  	_ =	shalt  }
0x84: {  	_ =	shalt  }
0x85: {  	_ =	shalt  }
0x86: {  	_ =	shalt  }
0x87: {  	_ =	shalt  }
.Lfunc_end0:
.L_simem_size_0:
called_computation.1_lowered:
.L_overlay_start_0:
0x88: {  	s2 =	sld [smem:$0x3FD9]  }
0x89: {  	s3 =	sld [smem:$0x3FFE];
	_ =	sdelay $0x1  }
0x8a: {  	s1 =	srdreg.scid  }
0x8b: {  	s0 =	sand.u32 $0x1, s1  }
0x8c: {  	s17 =	sshll.u32 s0, $0xA;
	s2 =	sadd.s32 s3, s2  }
0x8d: {  	s2 =	sadd.s32 s2, s17  }
0x8e: {  	[smem:$0x3FC4] =	sst s2  }
0x8f: {  	_ = 	snop  }
0x90: {  	s2 =	sld [smem:$0x3FD0];
	(tm) =	ssettm $0x1  }
0x91: {  	s18 =	sld [smem:$0x3FFB];
	_ =	sdelay $0x3  }
0x92: {  	_ =	strace s18  }
0x93: {  	s3 =	sld [smem:$0x3FFC];
	_ =	sdelay $0x3  }
0x94: {  	_ =	strace s3  }
0x95: {  	s3 =	sld [smem:$0x3FFD];
	_ =	sdelay $0x3  }
0x96: {  	_ =	strace s3  }
0x97: {  	_ =	strace $0x8FFFFFFF  }
0x98: {  	s19 =	sld [smem:$0x3FDB];
	_ =	sdelay $0x1  }
0x99: {  	s4 =	simm.s32 $_scs_section_size  }
0x9a: {  	s5 =	simm.s32 $_size__tile_overlayer_lowered;
	s6 =	simm.s32 $_tile_overlayer_lowered  }
0x9b: {  	s22 =	simm.s32 $0x1BFF;
	s21 =	sshll.u32 s6, $0x1;
	s3 =	sadd.s32 s4, s19  }
0x9c: {  	s7 =	simm.s32 $0x0;
	s20 =	sshll.u32 s5, $0x1;
	s5 =	sadd.s32 s21, s3  }
0x9d: {  	[timem:s7], [sflag:s22] =	dma.local [hbm:s5], s20  }
0x9e: {  	_ =	swait.ge [sflag:s22], s20  }
0x9f: {  	s4 =	ssub.s32 $0x0, s20;
	[sflag:s22] =	ssyncset.done $0x0  }
0xa0: {  	[sflag:s22] =	ssyncadd.s32 s4;
	_ =	sdelay $0x1  }
0xa1: {  	s23 =	simm.s32 $0x1B8B  }
0xa2: {  	_ =	swait.ge [sflag:s23], $0x1  }
0xa3: {  	[sflag:s23] =	ssyncset.done $0x0  }
0xa4: {  	s25 =	simm.s32 $0x1B8E;
	s24 =	sld [smem:$0x3FFE];
	[sflag:s23] =	ssyncadd.s32 $0xFFFFFFFF  }
0xa5: {  	s26 =	simm.s32 $execute0_lowered;
	[smem:$0x3FD2] =	sst s25  }
0xa6: {  	s5 =	sshll.u32 s26, $0x1;
	_ =	strace $0x80000049;
	[dreg:$0x1] =	wrdreg $0xFFFFFFFF  }
0xa7: {  	s28 =	simm.s32 $_size_execute0_lowered;
	s3 =	sadd.s32 s3, s5;
	[dreg:$0x0] =	wrdreg $0x0  }
0xa8: {  	s5 =	sshll.u32 s28, $0x1;
	[dreg:$0x2] =	wrdreg s3  }
0xa9: {  	[dreg:$0x3] =	wrdreg s5  }
0xaa: {  	[dreg:$0x4] =	wrdreg $0xC0  }
0xab: {  	_ =	task [dreg:s7], $0x5FFFF  }
0xac: {  	[dreg:$0x1] =	wrdreg $0xFFFFFFFF  }
0xad: {  	[dreg:$0x0] =	wrdreg $0x60  }
0xae: {  	[dreg:$0x2] =	wrdreg s2  }
0xaf: {  	[dreg:$0x3] =	wrdreg s24  }
0xb0: {  	[dreg:$0x4] =	wrdreg $0x41000  }
0xb1: {  	[dreg:$0x5] =	wrdreg $0x9  }
0xb2: {  	_ =	task.clear_ibuf [dreg:s7], $0x6FFFF;
	_ =	strace $0x90000049  }
0xb3: {  	s29 =	simm.s32 $0x9;
	_ =	strace $0x8000004B  }
0xb4: {  	_ =	swait.ge [sflag:s29], $0x1  }
0xb5: {  	[sflag:s29] =	ssyncadd.s32 $0xFFFFFFFF  }
0xb6: {  	_ =	strace $0x9000004B  }
0xb7: {  	_ =	sfence  }
0xb8: {  	s30 =	sld [smem:$0x0];
	_ =	sdelay $0x2  }
0xb9: {  	s31 =	sshll.u32 s1, $0xD;
	s1 =	sshrl.u32 s1, $0x2  }
0xba: {  	s3 =	sand.u32 $0x4000, s31;
	s1 =	sadd.s32 s1, s30  }
0xbb: {  	s0 =	sor.u32 s3, s0;
	s1 =	sshll.u32 s1, $0x11  }
0xbc: {  	s0 =	sor.u32 s1, s0  }
0xbd: {  	s0 =	sadd.s32 $0x8F2B, s0  }
0xbe: {  	[sflag:s0] =	ssyncadd.remote.s32 $0x1  }
0xbf: {  	_ =	sfence.sel $0xFFFF  }
0xc0: {  	[dreg:$0x0] =	wrdreg $0xFFFFFFFF;
	(pc) =	sbr.abs _section_cstart, $3  }
0xc1: {  	[dreg:$0x1] =	wrdreg $0xFFFFFFFF  }
0xc2: {  	_ =	task.clear_ibuf [dreg:s7], $0x2FFFF;
	_ =	strace $0x9FFFFFFF  }
0xc3: {  	(tm) =	ssettm $0x7FFFFFFF  }
tec
execute0_lowered:
.L_overlay_start_1:
0x0: {  	(tag) =	ssettag $0x1  }
0x1: {  	s0 =	rddreg [dreg:$0x0]  }
0x2: {  	s5 =	rddreg [dreg:$0x1]  }
0x3: {  	s1 =	srdreg.scid;
	s2 =	stileid.u32  }
0x4: {  	s3 =	rddreg [dreg:$0x2];
	s4 =	simm.s32 $0x0;
	s8 =	smul.u32 $0x13C00, s2  }
0x5: {  	s13 =	simm.s32 $0x80;
	s14 =	simm.s32 $0x100;
	s26 =	smul.u32 $0x4F000, s2  }
0x6: {  	s15 =	simm.s32 $0x1;
	s6 =	sand.u32 $0x1, s1;
	s30 =	smul.u32 $0x4F0, s2  }
0x7: {  	s16 =	simm.s32 $0x0;
	s1 =	rddreg [dreg:$0x3];
	s7 =	smul.u32 $0x4F00, s6  }
0x8: {  	[smem:$0x7FF] =	sst s4;
	s31 =	sshll.u32 s2, $0x6;
	s9 =	smul.u32 $0x13C000, s6  }
0x9: {  	_ =	strace $0x8000004A;
	s6 =	ssub.s32 $0x2, s6;
	s25 =	sshrl.u32 s8, $0x3  }
0xa: {  	s28 =	sshrl.u32 s6, $0x1;
	s29 =	sshrl.u32 s26, $0x2;
	s10 =	sadd.s32 s7, s5  }
0xb: {  	s8 =	sadd.s32 s8, s9;
	s7 =	sadd.s32 s25, s5;
	s11 =	ssub.s32 s6, s28  }
0xc: {  	s12 =	sadd.s32 s29, s3;
	s6 =	sor.u32 $0x1C02, s31;
	s8 =	sshrl.u32 s8, $0x3  }
0xd: {  	s10 =	sadd.s32 s30, s10;
	s8 =	sadd.s32 s8, s5;
	s5 =	sadd.s32 $0x1B200, s7  }
0xe: {  	s9 =	sadd.s32 $0x7600, s10;
	s10 =	sadd.s32 $0x11400, s10;
	s7 =	sadd.s32 $0x69C00, s8  }
0xf: {  	s8 =	smax.u32 s11, $0x1;
	s11 =	sshrl.u32 s12, $0x3;
	s12 =	simm.s32 $0x2  }
.LBB2_1:
0x10: {  	[spmem:s11], [sflag:s6] =	dma.local [hbm:s5], $0x2780  }
0x11: {  	_ =	swait.ge [sflag:s12], $0x2780  }
0x12: {  	[sflag:s12] =	ssyncset.done $0x0  }
0x13: {  	[sflag:s12] =	ssyncadd.s32 $0xFFFFD880  }
0x14: {  	s17 =	sadd.s32 $0x0, s10;
	[bflag:$0x0] =	sbarrier.arrive $0xFFFF  }
0x15: {  	[tilespmem:s4], [sflag:$0x2] =	stream.linear.gather [hbm4b:s17+s4], $0x80, $0x38;
	[tilespmem:$0x17D00] =	vst v63  }
0x16: {  	_ =	swait.ge [sflag:s12], $0x80  }
0x17: {  	[sflag:s12] =	ssyncset.done $0x0  }
0x18: {  	s31 =	sadd.s32 $0x0, s9;
	[sflag:s12] =	ssyncadd.s32 $0xFFFFFF80  }
0x19: {  	[tilespmem:s13], [sflag:$0x2] =	stream.linear.gather [hbm4b:s31+s4], $0x80, $0x38;
	[tilespmem:$0x17D00] =	vst v63  }
0x1a: {  	_ =	swait.ge [sflag:s12], $0x80  }
0x1b: {  	[sflag:s12] =	ssyncset.done $0x0  }
0x1c: {  	[sflag:s12] =	ssyncadd.s32 $0xFFFFFF80  }
0x1d: {  	[tilespmem:s14], [sflag:$0x1] =	stream.indirect.gather [hbm4b:s0+s13], $0x80, s4, s13, $0xb8;
	[tilespmem:$0x17D00] =	vst v63  }
0x1e: {  	_ =	swait.ge [sflag:s15], $0x4000  }
0x1f: {  	[sflag:s15] =	ssyncset.done $0x0  }
0x20: {  	[sflag:s15] =	ssyncadd.s32 $0xFFFFC000  }
0x21: {  	[spmem:s3] =	stream.indirect.scatter.add.f32 [tilespmem:s14], [sflag:$0x2], $0x80, s13, s13, $0xb8;
	[tilespmem:$0x17D00] =	vst v63  }
0x22: {  	_ =	swait.ge [sflag:s12], $0x4000  }
0x23: {  	s18 =	simm.s32 $0x20;
	s17 =	simm.s32 $0x10;
	[sflag:s12] =	ssyncset.done $0x0  }
.LBB2_2:
0x24: {  	s19 =	sadd.s32 s17, s10  }
0x25: {  	[sflag:s12] =	ssyncadd.s32 $0xFFFFC000;
	s20 =	smov.u32 s18;
	s21 =	sadd.s32 $0x10, s18  }
0x26: {  	[tilespmem:s4], [sflag:$0x2] =	stream.linear.gather [hbm4b:s19+s4], $0x80, $0x38;
	[tilespmem:$0x17D00] =	vst v63  }
0x27: {  	p0 =	sne.s32 s18, $0x4E0;
	_ =	swait.ge [sflag:s12], $0x80  }
0x28: {  	[sflag:s12] =	ssyncset.done $0x0  }
0x29: {  	s18 =	sadd.s32 s17, s9;
	s17 =	smov.u32 s20;
	[sflag:s12] =	ssyncadd.s32 $0xFFFFFF80  }
0x2a: {  	[tilespmem:s13], [sflag:$0x2] =	stream.linear.gather [hbm4b:s18+s4], $0x80, $0x38;
	[tilespmem:$0x17D00] =	vst v63  }
0x2b: {  	_ =	swait.ge [sflag:s12], $0x80  }
0x2c: {  	[sflag:s12] =	ssyncset.done $0x0  }
0x2d: {  	[sflag:s12] =	ssyncadd.s32 $0xFFFFFF80  }
0x2e: {  	[tilespmem:s14], [sflag:$0x1] =	stream.indirect.gather [hbm4b:s0+s13], $0x80, s4, s13, $0xb8;
	[tilespmem:$0x17D00] =	vst v63  }
0x2f: {  	_ =	swait.ge [sflag:s15], $0x4000  }
.Ltmp0:
0x30: {  	[sflag:s15] =	ssyncset.done $0x0;
	(pc) =	sbr.rel @p0 .LBB2_2-.Ltmp0, $4  }
0x31: {  	[sflag:s15] =	ssyncadd.s32 $0xFFFFC000  }
0x32: {  	[spmem:s3] =	stream.indirect.scatter.add.f32 [tilespmem:s14], [sflag:$0x2], $0x80, s13, s13, $0xb8;
	[tilespmem:$0x17D00] =	vst v63  }
0x33: {  	_ =	swait.ge [sflag:s12], $0x4000  }
0x34: {  	s18 =	smov.u32 s21;
	[sflag:s12] =	ssyncset.done $0x0  }
0x35: {  	s18 =	sadd.s32 s17, s10;
	[sflag:s12] =	ssyncadd.s32 $0xFFFFC000  }
0x36: {  	[tilespmem:s4], [sflag:$0x2] =	stream.linear.gather [hbm4b:s18+s4], $0x80, $0x38;
	[tilespmem:$0x17D00] =	vst v63  }
0x37: {  	_ =	swait.ge [sflag:s12], $0x80  }
0x38: {  	[sflag:s12] =	ssyncset.done $0x0  }
0x39: {  	s31 =	sadd.s32 s17, s9;
	[sflag:s12] =	ssyncadd.s32 $0xFFFFFF80  }
0x3a: {  	[tilespmem:s13], [sflag:$0x2] =	stream.linear.gather [hbm4b:s31+s4], $0x80, $0x38;
	[tilespmem:$0x17D00] =	vst v63  }
0x3b: {  	_ =	swait.ge [sflag:s12], $0x80  }
0x3c: {  	[sflag:s12] =	ssyncset.done $0x0  }
0x3d: {  	[sflag:s12] =	ssyncadd.s32 $0xFFFFFF80  }
0x3e: {  	[tilespmem:s14], [sflag:$0x1] =	stream.indirect.gather [hbm4b:s0+s13], $0x80, s4, s13, $0xb8;
	[tilespmem:$0x17D00] =	vst v63  }
0x3f: {  	_ =	swait.ge [sflag:s15], $0x4000  }
0x40: {  	[sflag:s15] =	ssyncset.done $0x0  }
0x41: {  	[sflag:s15] =	ssyncadd.s32 $0xFFFFC000  }
0x42: {  	[spmem:s3] =	stream.indirect.scatter.add.f32 [tilespmem:s14], [sflag:$0x2], $0x80, s13, s13, $0xb8;
	[tilespmem:$0x17D00] =	vst v63  }
0x43: {  	_ =	swait.ge [sflag:s12], $0x4000  }
0x44: {  	s16 =	sadd.s32 $0x1, s16;
	[sflag:s12] =	ssyncset.done $0x0  }
0x45: {  	p0 =	sne.s32 s16, s8;
	[sflag:s12] =	ssyncadd.s32 $0xFFFFC000  }
.Ltmp1:
0x46: {  	[bflag:$0x0] =	sbarrier.arrive $0xFFFF;
	(pc) =	sbr.rel @p0 .LBB2_1-.Ltmp1, $4  }
0x47: {  	[hbm:s7], [sflag:s6] =	dma.local [spmem:s11], $0x2780  }
0x48: {  	_ =	swait.ge [sflag:s12], $0x2780  }
0x49: {  	[sflag:s12] =	ssyncset.done $0x0  }
0x4a: {  	[sflag:s12] =	ssyncadd.s32 $0xFFFFD880  }
0x4b: {  	_ =	sfence.sel $0x180000  }
0x4c: {  	[bflag:$0x0] =	sbarrier.arrive $0xFFFF  }
0x4d: {  	p0 =	sne.s32 s2, $0x0;
	_ =	strace $0x9000004A  }
0x4e: {  	s0 =	sadd.s32 @!p0 $0x100000, s1;
	[bflag:$0x2] =	sbarrier.arrive $0xFFFF  }
0x4f: {  	[sflag:s0] =	ssyncadd.tile.s32 @!p0 $0x1;
	_ =	shalt  }
.Lfunc_end2:
_tile_overlayer_lowered:
.L_overlay_start_2:
0x50: {  	(tag) =	ssettag $0x2  }
0x51: {  	s0 =	rddreg [dreg:$0x0];
	s2 =	stileid.u32  }
0x52: {  	s1 =	rddreg [dreg:$0x1];
	p0 =	sne.s32 s2, $0x0  }
0x53: {  	s3 =	rddreg [dreg:$0x2];
	[bflag:$0x3] =	sbarrier.arrive $0xFFFF;
	s2 =	simm.s32 @!p0 $0x1C02  }
0x54: {  	[timem:s3], [sflag:s2] =	dma.local @!p0 [hbm:s0], s1  }
0x55: {  	s0 =	simm.s32 @!p0 $0x2  }
0x56: {  	_ =	swait.ge @!p0 [sflag:s0], s1  }
0x57: {  	s1 =	ssub.s32 @!p0 $0x0, s1;
	[sflag:s0] =	ssyncset.done @!p0 $0x0  }
0x58: {  	[sflag:s0] =	ssyncadd.s32 @!p0 s1  }
0x59: {  	[bflag:$0x3] =	sbarrier.arrive $0xFFFF  }
0x5a: {  	_ =	shalt  }

// kernel: kernel.31.cloned.1.call-start
scs
__scs_entry_jumppad:
0x0: {  	(pc) =	sbr.rel $0x88, $3  }
0x1: {  	(tag) =	ssettag $0x0;
	lr =	simm.s32 $0x1  }
0x2: {  	[smem:$0x3F9D] =	sst lr;
	_ =	strace $0xD0000000  }
0x3: {  	_ = 	snop  }
0x4: {  	_ = 	snop  }
0x5: {  	_ = 	snop  }
0x6: {  	_ = 	snop  }
0x7: {  	_ = 	snop  }
__scs_overlays_trampoline_lowered:
0x8: {  	[smem:$0x3FAC] =	sst s0  }
0x9: {  	[smem:$0x3FAD] =	sst s1  }
0xa: {  	[smem:$0x3FAE] =	sst s2  }
0xb: {  	[smem:$0x3FAF] =	sst s3  }
0xc: {  	[smem:$0x3FB0] =	sst s4  }
0xd: {  	[smem:$0x3FB1] =	sst s5  }
0xe: {  	[smem:$0x3FB2] =	sst s6  }
0xf: {  	[smem:$0x3FB3] =	sst s7  }
0x10: {  	[smem:$0x3FB4] =	sst s8  }
0x11: {  	[smem:$0x3FB5] =	sst s9;
	s0 =	simm.s32 @!p0 $0x0  }
0x12: {  	s1 =	sld [smem:$0x3F9B];
	s0 =	simm.s32 @p0 $0x1  }
0x13: {  	[smem:$0x3FB6] =	sst s0;
	s0 =	simm.s32 @!p1 $0x0  }
0x14: {  	s2 =	sld [smem:$0x3F9A];
	s0 =	simm.s32 @p1 $0x1  }
0x15: {  	[smem:$0x3FB7] =	sst s0;
	s0 =	simm.s32 @!p2 $0x0  }
0x16: {  	s3 =	sld [smem:$0x3FDB];
	s0 =	simm.s32 @p2 $0x1  }
0x17: {  	s4 =	simm.s32 $0x1BF5;
	[smem:$0x3FB9] =	sst s0  }
0x18: {  	s0 =	sld [smem:$0x3F9C];
	_ =	swait.ge [sflag:s4], $0x0  }
0x19: {  	s7 =	sld [smem:$0x3F9D]  }
0x1a: {  	s8 =	sadd.s32 $0xFFFFE003, lr  }
0x1b: {  	s9 =	sadd.s32 $0xFFFFFEF7, lr;
	s5 =	simm.s32 $0xFFFFFFFF;
	p2 =	slt.u32 s8, $0xFFFFF086  }
0x1c: {  	p1 =	slt.u32 s9, $0xF7A;
	s5 =	simm.s32 @!p2 $0x0  }
0x1d: {  	s5 =	simm.s32 @p1 $0x1;
	p0 =	seq.s32 s7, s2  }
0x1e: {  	s7 =	smul.u32 @!p0 $0xF7A, s2;
	p2 =	seq.s32 @!p0 s5, $0x0  }
0x1f: {  	s9 =	smul.u32 $0xF7A, s1;
	s8 =	simm.s32 @!p0 $0x1BF5;
	p2 =	por !p2, p0  }
0x20: {  	[sflag:s8] =	ssyncset.s32 @!p0 $0xFFFFF086;
	s6 =	sadd.s32 @!p0 s3, s7;
	s7 =	simm.s32 @!p0 $0x108  }
0x21: {  	s3 =	sadd.s32 s3, s9;
	s6 =	sadd.s32 @!p0 $0x88, s6;
	s7 =	simm.s32 @p2 $0x1082  }
0x22: {  	[simem:s7], [sflag:s8] =	dma.local @!p0 [hbm:s6], $0xF7A  }
0x23: {  	s9 =	sor.u32 $0xD0000000, s2;
	s6 =	simm.s32 $0x108;
	_ =	swait.ge @!p0 [sflag:s8], $0x0  }
0x24: {  	s3 =	sadd.s32 $0x88, s3;
	s6 =	simm.s32 @!p1 $0x1082;
	[sflag:s4] =	ssyncset.s32 $0xFFFFF086  }
0x25: {  	[simem:s6], [sflag:s4] =	dma.local [hbm:s3], $0xF7A  }
0x26: {  	[smem:$0x3F9D] =	sst s1;
	(tag) =	ssettag s2;
	_ =	strace s9  }
0x27: {  	s1 =	sld [smem:$0x3FAD]  }
0x28: {  	s2 =	sld [smem:$0x3FAE]  }
0x29: {  	s4 =	sld [smem:$0x3FB0]  }
0x2a: {  	p0 =	seq.s32 s5, $0x0;
	s5 =	sld [smem:$0x3FB1]  }
0x2b: {  	s6 =	sld [smem:$0x3FB2]  }
0x2c: {  	s7 =	sld [smem:$0x3FB3]  }
0x2d: {  	s3 =	simm.s32 $0x108;
	s8 =	sld [smem:$0x3FB4]  }
0x2e: {  	s3 =	simm.s32 @!p0 $0x1082;
	s9 =	sld [smem:$0x3FB5]  }
0x2f: {  	lr =	sadd.s32 s0, s3;
	s0 =	sld [smem:$0x3FAC]  }
0x30: {  	s3 =	sld [smem:$0x3FAF]  }
0x31: {  	[smem:$0x3FB8] =	sst s10  }
0x32: {  	s10 =	sld [smem:$0x3FB6];
	_ =	sdelay $0x3  }
0x33: {  	p0 =	seq.s32 s10, $0x1;
	s10 =	sld [smem:$0x3FB8];
	_ =	sdelay $0x3  }
0x34: {  	[smem:$0x3FB8] =	sst s10  }
0x35: {  	s10 =	sld [smem:$0x3FB7];
	_ =	sdelay $0x3  }
0x36: {  	p1 =	seq.s32 s10, $0x1;
	s10 =	sld [smem:$0x3FB8];
	_ =	sdelay $0x3  }
0x37: {  	[smem:$0x3FB8] =	sst s10  }
0x38: {  	s10 =	sld [smem:$0x3FB9]  }
0x39: {  	_ = 	snop;
	(pc) =	sbr.ind lr, $3  }
0x3a: {  	_ = 	snop  }
0x3b: {  	_ = 	snop  }
0x3c: {  	p2 =	seq.s32 s10, $0x1;
	s10 =	sld [smem:$0x3FB8]  }
0x3d: {  	_ =	shalt  }
0x3e: {  	_ =	shalt  }
0x3f: {  	_ =	shalt  }
0x40: {  	_ =	shalt  }
0x41: {  	_ =	shalt  }
0x42: {  	_ =	shalt  }
0x43: {  	_ =	shalt  }
0x44: {  	_ =	shalt  }
0x45: {  	_ =	shalt  }
0x46: {  	_ =	shalt  }
0x47: {  	_ =	shalt  }
0x48: {  	_ =	shalt  }
0x49: {  	_ =	shalt  }
0x4a: {  	_ =	shalt  }
0x4b: {  	_ =	shalt  }
0x4c: {  	_ =	shalt  }
0x4d: {  	_ =	shalt  }
0x4e: {  	_ =	shalt  }
0x4f: {  	_ =	shalt  }
0x50: {  	_ =	shalt  }
0x51: {  	_ =	shalt  }
0x52: {  	_ =	shalt  }
0x53: {  	_ =	shalt  }
0x54: {  	_ =	shalt  }
0x55: {  	_ =	shalt  }
0x56: {  	_ =	shalt  }
0x57: {  	_ =	shalt  }
0x58: {  	_ =	shalt  }
0x59: {  	_ =	shalt  }
0x5a: {  	_ =	shalt  }
0x5b: {  	_ =	shalt  }
0x5c: {  	_ =	shalt  }
0x5d: {  	_ =	shalt  }
0x5e: {  	_ =	shalt  }
0x5f: {  	_ =	shalt  }
0x60: {  	_ =	shalt  }
0x61: {  	_ =	shalt  }
0x62: {  	_ =	shalt  }
0x63: {  	_ =	shalt  }
0x64: {  	_ =	shalt  }
0x65: {  	_ =	shalt  }
0x66: {  	_ =	shalt  }
0x67: {  	_ =	shalt  }
0x68: {  	_ =	shalt  }
0x69: {  	_ =	shalt  }
0x6a: {  	_ =	shalt  }
0x6b: {  	_ =	shalt  }
0x6c: {  	_ =	shalt  }
0x6d: {  	_ =	shalt  }
0x6e: {  	_ =	shalt  }
0x6f: {  	_ =	shalt  }
0x70: {  	_ =	shalt  }
0x71: {  	_ =	shalt  }
0x72: {  	_ =	shalt  }
0x73: {  	_ =	shalt  }
0x74: {  	_ =	shalt  }
0x75: {  	_ =	shalt  }
0x76: {  	_ =	shalt  }
0x77: {  	_ =	shalt  }
0x78: {  	_ =	shalt  }
0x79: {  	_ =	shalt  }
0x7a: {  	_ =	shalt  }
0x7b: {  	_ =	shalt  }
0x7c: {  	_ =	shalt  }
0x7d: {  	_ =	shalt  }
0x7e: {  	_ =	shalt  }
0x7f: {  	_ =	shalt  }
0x80: {  	_ =	shalt  }
0x81: {  	_ =	shalt  }
0x82: {  	_ =	shalt  }
0x83: {  	_ =	shalt  }
0x84: {  	_ =	shalt  }
0x85: {  	_ =	shalt  }
0x86: {  	_ =	shalt  }
0x87: {  	_ =	shalt  }
.Lfunc_end0:
.L_simem_size_0:
called_computation.2_lowered:
.L_overlay_start_0:
0x88: {  	s2 =	sld [smem:$0x3FD9]  }
0x89: {  	s3 =	sld [smem:$0x3FFE];
	_ =	sdelay $0x1  }
0x8a: {  	s1 =	srdreg.scid  }
0x8b: {  	s0 =	sand.u32 $0x1, s1  }
0x8c: {  	s16 =	sshll.u32 s0, $0xA;
	s2 =	sadd.s32 s3, s2  }
0x8d: {  	s2 =	sadd.s32 s2, s16  }
0x8e: {  	[smem:$0x3FC4] =	sst s2  }
0x8f: {  	_ = 	snop  }
0x90: {  	(tm) =	ssettm $0x1  }
0x91: {  	s17 =	sld [smem:$0x3FFB];
	_ =	sdelay $0x3  }
0x92: {  	_ =	strace s17  }
0x93: {  	s2 =	sld [smem:$0x3FFC];
	_ =	sdelay $0x3  }
0x94: {  	_ =	strace s2  }
0x95: {  	s2 =	sld [smem:$0x3FFD];
	_ =	sdelay $0x3  }
0x96: {  	_ =	strace s2  }
0x97: {  	_ =	strace $0x8FFFFFFF  }
0x98: {  	s18 =	sld [smem:$0x3FDB];
	_ =	sdelay $0x1  }
0x99: {  	s19 =	simm.s32 $_scs_section_size  }
0x9a: {  	s4 =	simm.s32 $_size__tile_overlayer_lowered;
	s5 =	simm.s32 $_tile_overlayer_lowered  }
0x9b: {  	s22 =	simm.s32 $0x1BFF;
	s21 =	sshll.u32 s5, $0x1;
	s2 =	sadd.s32 s19, s18  }
0x9c: {  	s6 =	simm.s32 $0x0;
	s20 =	sshll.u32 s4, $0x1;
	s4 =	sadd.s32 s21, s2  }
0x9d: {  	[timem:s6], [sflag:s22] =	dma.local [hbm:s4], s20  }
0x9e: {  	_ =	swait.ge [sflag:s22], s20  }
0x9f: {  	s3 =	ssub.s32 $0x0, s20;
	[sflag:s22] =	ssyncset.done $0x0  }
0xa0: {  	[sflag:s22] =	ssyncadd.s32 s3;
	_ =	sdelay $0x1  }
0xa1: {  	s23 =	simm.s32 $0x1B8B  }
0xa2: {  	_ =	swait.ge [sflag:s23], $0x1  }
0xa3: {  	[sflag:s23] =	ssyncset.done $0x0  }
0xa4: {  	s25 =	simm.s32 $0x1B8E;
	s24 =	sld [smem:$0x3FFE];
	[sflag:s23] =	ssyncadd.s32 $0xFFFFFFFF  }
0xa5: {  	s26 =	simm.s32 $execute0_lowered;
	[smem:$0x3FD2] =	sst s25  }
0xa6: {  	s4 =	sshll.u32 s26, $0x1;
	_ =	strace $0x8000004C;
	[dreg:$0x1] =	wrdreg $0xFFFFFFFF  }
0xa7: {  	s28 =	simm.s32 $_size_execute0_lowered;
	s2 =	sadd.s32 s2, s4;
	[dreg:$0x0] =	wrdreg $0x0  }
0xa8: {  	s4 =	sshll.u32 s28, $0x1;
	[dreg:$0x2] =	wrdreg s2  }
0xa9: {  	[dreg:$0x3] =	wrdreg s4  }
0xaa: {  	[dreg:$0x4] =	wrdreg $0xC0  }
0xab: {  	_ =	task [dreg:s6], $0x5FFFF  }
0xac: {  	[dreg:$0x1] =	wrdreg $0xFFFFFFFF  }
0xad: {  	[dreg:$0x0] =	wrdreg $0x60  }
0xae: {  	[dreg:$0x2] =	wrdreg s24  }
0xaf: {  	[dreg:$0x3] =	wrdreg $0x41000  }
0xb0: {  	[dreg:$0x4] =	wrdreg $0x9  }
0xb1: {  	_ =	task.clear_ibuf [dreg:s6], $0x5FFFF;
	_ =	strace $0x9000004C  }
0xb2: {  	s29 =	simm.s32 $0x9;
	_ =	strace $0x8000004E  }
0xb3: {  	_ =	swait.ge [sflag:s29], $0x1  }
0xb4: {  	[sflag:s29] =	ssyncadd.s32 $0xFFFFFFFF  }
0xb5: {  	_ =	strace $0x9000004E  }
0xb6: {  	_ =	sfence  }
0xb7: {  	s30 =	sld [smem:$0x0];
	_ =	sdelay $0x2  }
0xb8: {  	s31 =	sshll.u32 s1, $0xD;
	s1 =	sshrl.u32 s1, $0x2  }
0xb9: {  	s3 =	sand.u32 $0x4000, s31;
	s1 =	sadd.s32 s1, s30  }
0xba: {  	s0 =	sor.u32 s3, s0;
	s1 =	sshll.u32 s1, $0x11  }
0xbb: {  	s0 =	sor.u32 s1, s0  }
0xbc: {  	s0 =	sadd.s32 $0x8F2B, s0  }
0xbd: {  	[sflag:s0] =	ssyncadd.remote.s32 $0x1  }
0xbe: {  	_ =	sfence.sel $0xFFFF  }
0xbf: {  	[dreg:$0x0] =	wrdreg $0xFFFFFFFF;
	(pc) =	sbr.abs _section_cstart, $3  }
0xc0: {  	[dreg:$0x1] =	wrdreg $0xFFFFFFFF  }
0xc1: {  	_ =	task.clear_ibuf [dreg:s6], $0x2FFFF;
	_ =	strace $0x9FFFFFFF  }
0xc2: {  	(tm) =	ssettm $0x7FFFFFFF  }
0xc3: {  	_ =	shalt  }
tec
execute0_lowered:
.L_overlay_start_1:
0x0: {  	(tag) =	ssettag $0x1  }
0x1: {  	s5 =	rddreg [dreg:$0x0];
	s0 =	srdreg.scid  }
0x2: {  	s2 =	rddreg [dreg:$0x1];
	s1 =	stileid.u32  }
0x3: {  	s3 =	simm.s32 $0x0;
	s13 =	simm.s32 $0x80;
	s8 =	smul.u32 $0x13C00, s1  }
0x4: {  	s14 =	simm.s32 $0x100;
	s15 =	simm.s32 $0x1;
	s26 =	smul.u32 $0x4F000, s1  }
0x5: {  	s6 =	sand.u32 $0x1, s0;
	s0 =	rddreg [dreg:$0x2];
	s30 =	smul.u32 $0x4F0, s1  }
0x6: {  	s16 =	simm.s32 $0x0;
	[smem:$0x7FF] =	sst s3;
	s7 =	smul.u32 $0x4F00, s6  }
0x7: {  	s4 =	sadd.s32 $0x69C00, s5;
	s31 =	sshll.u32 s1, $0x6;
	s9 =	smul.u32 $0x13C000, s6  }
0x8: {  	_ =	strace $0x8000004D;
	s6 =	ssub.s32 $0x2, s6;
	s25 =	sshrl.u32 s8, $0x3  }
0x9: {  	s28 =	sshrl.u32 s6, $0x1;
	s29 =	sshrl.u32 s26, $0x2;
	s10 =	sadd.s32 s7, s5  }
0xa: {  	s8 =	sadd.s32 s8, s9;
	s7 =	sadd.s32 s25, s5;
	s11 =	ssub.s32 s6, s28  }
0xb: {  	s12 =	sadd.s32 s29, s2;
	s6 =	sor.u32 $0x1C02, s31;
	s8 =	sshrl.u32 s8, $0x3  }
0xc: {  	s10 =	sadd.s32 s30, s10;
	s8 =	sadd.s32 s8, s5;
	s5 =	sadd.s32 $0x1B200, s7  }
0xd: {  	s9 =	sadd.s32 $0x7600, s10;
	s10 =	sadd.s32 $0x11400, s10;
	s7 =	sadd.s32 $0x90E00, s8  }
0xe: {  	s8 =	smax.u32 s11, $0x1;
	s11 =	sshrl.u32 s12, $0x3;
	s12 =	simm.s32 $0x2  }
.LBB2_1:
0xf: {  	[spmem:s11], [sflag:s6] =	dma.local [hbm:s5], $0x2780  }
0x10: {  	_ =	swait.ge [sflag:s12], $0x2780  }
0x11: {  	[sflag:s12] =	ssyncset.done $0x0  }
0x12: {  	[sflag:s12] =	ssyncadd.s32 $0xFFFFD880  }
0x13: {  	s17 =	sadd.s32 $0x0, s10;
	[bflag:$0x0] =	sbarrier.arrive $0xFFFF  }
0x14: {  	[tilespmem:s3], [sflag:$0x2] =	stream.linear.gather [hbm4b:s17+s3], $0x80, $0x38;
	[tilespmem:$0x17D00] =	vst v63  }
0x15: {  	_ =	swait.ge [sflag:s12], $0x80  }
0x16: {  	[sflag:s12] =	ssyncset.done $0x0  }
0x17: {  	s31 =	sadd.s32 $0x0, s9;
	[sflag:s12] =	ssyncadd.s32 $0xFFFFFF80  }
0x18: {  	[tilespmem:s13], [sflag:$0x2] =	stream.linear.gather [hbm4b:s31+s3], $0x80, $0x38;
	[tilespmem:$0x17D00] =	vst v63  }
0x19: {  	_ =	swait.ge [sflag:s12], $0x80  }
0x1a: {  	[sflag:s12] =	ssyncset.done $0x0  }
0x1b: {  	[sflag:s12] =	ssyncadd.s32 $0xFFFFFF80  }
0x1c: {  	[tilespmem:s14], [sflag:$0x1] =	stream.indirect.gather [hbm4b:s4+s13], $0x80, s3, s13, $0xb8;
	[tilespmem:$0x17D00] =	vst v63  }
0x1d: {  	_ =	swait.ge [sflag:s15], $0x4000  }
0x1e: {  	[sflag:s15] =	ssyncset.done $0x0  }
0x1f: {  	[sflag:s15] =	ssyncadd.s32 $0xFFFFC000  }
0x20: {  	[spmem:s2] =	stream.indirect.scatter.add.f32 [tilespmem:s14], [sflag:$0x2], $0x80, s13, s13, $0xb8;
	[tilespmem:$0x17D00] =	vst v63  }
0x21: {  	_ =	swait.ge [sflag:s12], $0x4000  }
0x22: {  	s18 =	simm.s32 $0x20;
	s17 =	simm.s32 $0x10;
	[sflag:s12] =	ssyncset.done $0x0  }
.LBB2_2:
0x23: {  	s19 =	sadd.s32 s17, s10  }
0x24: {  	[sflag:s12] =	ssyncadd.s32 $0xFFFFC000;
	s20 =	smov.u32 s18;
	s21 =	sadd.s32 $0x10, s18  }
0x25: {  	[tilespmem:s3], [sflag:$0x2] =	stream.linear.gather [hbm4b:s19+s3], $0x80, $0x38;
	[tilespmem:$0x17D00] =	vst v63  }
0x26: {  	p0 =	sne.s32 s18, $0x4E0;
	_ =	swait.ge [sflag:s12], $0x80  }
0x27: {  	[sflag:s12] =	ssyncset.done $0x0  }
0x28: {  	s18 =	sadd.s32 s17, s9;
	s17 =	smov.u32 s20;
	[sflag:s12] =	ssyncadd.s32 $0xFFFFFF80  }
0x29: {  	[tilespmem:s13], [sflag:$0x2] =	stream.linear.gather [hbm4b:s18+s3], $0x80, $0x38;
	[tilespmem:$0x17D00] =	vst v63  }
0x2a: {  	_ =	swait.ge [sflag:s12], $0x80  }
0x2b: {  	[sflag:s12] =	ssyncset.done $0x0  }
0x2c: {  	[sflag:s12] =	ssyncadd.s32 $0xFFFFFF80  }
0x2d: {  	[tilespmem:s14], [sflag:$0x1] =	stream.indirect.gather [hbm4b:s4+s13], $0x80, s3, s13, $0xb8;
	[tilespmem:$0x17D00] =	vst v63  }
0x2e: {  	_ =	swait.ge [sflag:s15], $0x4000  }
.Ltmp0:
0x2f: {  	[sflag:s15] =	ssyncset.done $0x0;
	(pc) =	sbr.rel @p0 .LBB2_2-.Ltmp0, $4  }
0x30: {  	[sflag:s15] =	ssyncadd.s32 $0xFFFFC000  }
0x31: {  	[spmem:s2] =	stream.indirect.scatter.add.f32 [tilespmem:s14], [sflag:$0x2], $0x80, s13, s13, $0xb8;
	[tilespmem:$0x17D00] =	vst v63  }
0x32: {  	_ =	swait.ge [sflag:s12], $0x4000  }
0x33: {  	s18 =	smov.u32 s21;
	[sflag:s12] =	ssyncset.done $0x0  }
0x34: {  	s18 =	sadd.s32 s17, s10;
	[sflag:s12] =	ssyncadd.s32 $0xFFFFC000  }
0x35: {  	[tilespmem:s3], [sflag:$0x2] =	stream.linear.gather [hbm4b:s18+s3], $0x80, $0x38;
	[tilespmem:$0x17D00] =	vst v63  }
0x36: {  	_ =	swait.ge [sflag:s12], $0x80  }
0x37: {  	[sflag:s12] =	ssyncset.done $0x0  }
0x38: {  	s31 =	sadd.s32 s17, s9;
	[sflag:s12] =	ssyncadd.s32 $0xFFFFFF80  }
0x39: {  	[tilespmem:s13], [sflag:$0x2] =	stream.linear.gather [hbm4b:s31+s3], $0x80, $0x38;
	[tilespmem:$0x17D00] =	vst v63  }
0x3a: {  	_ =	swait.ge [sflag:s12], $0x80  }
0x3b: {  	[sflag:s12] =	ssyncset.done $0x0  }
0x3c: {  	[sflag:s12] =	ssyncadd.s32 $0xFFFFFF80  }
0x3d: {  	[tilespmem:s14], [sflag:$0x1] =	stream.indirect.gather [hbm4b:s4+s13], $0x80, s3, s13, $0xb8;
	[tilespmem:$0x17D00] =	vst v63  }
0x3e: {  	_ =	swait.ge [sflag:s15], $0x4000  }
0x3f: {  	[sflag:s15] =	ssyncset.done $0x0  }
0x40: {  	[sflag:s15] =	ssyncadd.s32 $0xFFFFC000  }
0x41: {  	[spmem:s2] =	stream.indirect.scatter.add.f32 [tilespmem:s14], [sflag:$0x2], $0x80, s13, s13, $0xb8;
	[tilespmem:$0x17D00] =	vst v63  }
0x42: {  	_ =	swait.ge [sflag:s12], $0x4000  }
0x43: {  	s16 =	sadd.s32 $0x1, s16;
	[sflag:s12] =	ssyncset.done $0x0  }
0x44: {  	p0 =	sne.s32 s16, s8;
	[sflag:s12] =	ssyncadd.s32 $0xFFFFC000  }
.Ltmp1:
0x45: {  	[bflag:$0x0] =	sbarrier.arrive $0xFFFF;
	(pc) =	sbr.rel @p0 .LBB2_1-.Ltmp1, $4  }
0x46: {  	[hbm:s7], [sflag:s6] =	dma.local [spmem:s11], $0x2780  }
0x47: {  	_ =	swait.ge [sflag:s12], $0x2780  }
0x48: {  	[sflag:s12] =	ssyncset.done $0x0  }
0x49: {  	[sflag:s12] =	ssyncadd.s32 $0xFFFFD880  }
0x4a: {  	_ =	sfence.sel $0x180000  }
0x4b: {  	[bflag:$0x0] =	sbarrier.arrive $0xFFFF  }
0x4c: {  	p0 =	sne.s32 s1, $0x0;
	_ =	strace $0x9000004D  }
0x4d: {  	s0 =	sadd.s32 @!p0 $0x100000, s0;
	[bflag:$0x2] =	sbarrier.arrive $0xFFFF  }
0x4e: {  	[sflag:s0] =	ssyncadd.tile.s32 @!p0 $0x1;
	_ =	shalt  }
.Lfunc_end2:
_tile_overlayer_lowered:
.L_overlay_start_2:
0x4f: {  	(tag) =	ssettag $0x2  }
0x50: {  	s0 =	rddreg [dreg:$0x0];
	s2 =	stileid.u32  }
0x51: {  	s1 =	rddreg [dreg:$0x1];
	p0 =	sne.s32 s2, $0x0  }
0x52: {  	s3 =	rddreg [dreg:$0x2];
	[bflag:$0x3] =	sbarrier.arrive $0xFFFF;
	s2 =	simm.s32 @!p0 $0x1C02  }
0x53: {  	[timem:s3], [sflag:s2] =	dma.local @!p0 [hbm:s0], s1  }
0x54: {  	s0 =	simm.s32 @!p0 $0x2  }
0x55: {  	_ =	swait.ge @!p0 [sflag:s0], s1  }
0x56: {  	s1 =	ssub.s32 @!p0 $0x0, s1;
	[sflag:s0] =	ssyncset.done @!p0 $0x0  }
0x57: {  	[sflag:s0] =	ssyncadd.s32 @!p0 s1  }
0x58: {  	[bflag:$0x3] =	sbarrier.arrive $0xFFFF  }
0x59: {  	_ =	shalt  }

// kernel: kernel.34.cloned.1.call-start
scs
__scs_entry_jumppad:
0x0: {  	(pc) =	sbr.rel $0x88, $3  }
0x1: {  	(tag) =	ssettag $0x0;
	lr =	simm.s32 $0x1  }
0x2: {  	[smem:$0x3F9D] =	sst lr;
	_ =	strace $0xD0000000  }
0x3: {  	_ = 	snop  }
0x4: {  	_ = 	snop  }
0x5: {  	_ = 	snop  }
0x6: {  	_ = 	snop  }
0x7: {  	_ = 	snop  }
__scs_overlays_trampoline_lowered:
0x8: {  	[smem:$0x3FAC] =	sst s0  }
0x9: {  	[smem:$0x3FAD] =	sst s1  }
0xa: {  	[smem:$0x3FAE] =	sst s2  }
0xb: {  	[smem:$0x3FAF] =	sst s3  }
0xc: {  	[smem:$0x3FB0] =	sst s4  }
0xd: {  	[smem:$0x3FB1] =	sst s5  }
0xe: {  	[smem:$0x3FB2] =	sst s6  }
0xf: {  	[smem:$0x3FB3] =	sst s7  }
0x10: {  	[smem:$0x3FB4] =	sst s8  }
0x11: {  	[smem:$0x3FB5] =	sst s9;
	s0 =	simm.s32 @!p0 $0x0  }
0x12: {  	s1 =	sld [smem:$0x3F9B];
	s0 =	simm.s32 @p0 $0x1  }
0x13: {  	[smem:$0x3FB6] =	sst s0;
	s0 =	simm.s32 @!p1 $0x0  }
0x14: {  	s2 =	sld [smem:$0x3F9A];
	s0 =	simm.s32 @p1 $0x1  }
0x15: {  	[smem:$0x3FB7] =	sst s0;
	s0 =	simm.s32 @!p2 $0x0  }
0x16: {  	s3 =	sld [smem:$0x3FDB];
	s0 =	simm.s32 @p2 $0x1  }
0x17: {  	s4 =	simm.s32 $0x1BF5;
	[smem:$0x3FB9] =	sst s0  }
0x18: {  	s0 =	sld [smem:$0x3F9C];
	_ =	swait.ge [sflag:s4], $0x0  }
0x19: {  	s7 =	sld [smem:$0x3F9D]  }
0x1a: {  	s8 =	sadd.s32 $0xFFFFE003, lr  }
0x1b: {  	s9 =	sadd.s32 $0xFFFFFEF7, lr;
	s5 =	simm.s32 $0xFFFFFFFF;
	p2 =	slt.u32 s8, $0xFFFFF086  }
0x1c: {  	p1 =	slt.u32 s9, $0xF7A;
	s5 =	simm.s32 @!p2 $0x0  }
0x1d: {  	s5 =	simm.s32 @p1 $0x1;
	p0 =	seq.s32 s7, s2  }
0x1e: {  	s7 =	smul.u32 @!p0 $0xF7A, s2;
	p2 =	seq.s32 @!p0 s5, $0x0  }
0x1f: {  	s9 =	smul.u32 $0xF7A, s1;
	s8 =	simm.s32 @!p0 $0x1BF5;
	p2 =	por !p2, p0  }
0x20: {  	[sflag:s8] =	ssyncset.s32 @!p0 $0xFFFFF086;
	s6 =	sadd.s32 @!p0 s3, s7;
	s7 =	simm.s32 @!p0 $0x108  }
0x21: {  	s3 =	sadd.s32 s3, s9;
	s6 =	sadd.s32 @!p0 $0x88, s6;
	s7 =	simm.s32 @p2 $0x1082  }
0x22: {  	[simem:s7], [sflag:s8] =	dma.local @!p0 [hbm:s6], $0xF7A  }
0x23: {  	s9 =	sor.u32 $0xD0000000, s2;
	s6 =	simm.s32 $0x108;
	_ =	swait.ge @!p0 [sflag:s8], $0x0  }
0x24: {  	s3 =	sadd.s32 $0x88, s3;
	s6 =	simm.s32 @!p1 $0x1082;
	[sflag:s4] =	ssyncset.s32 $0xFFFFF086  }
0x25: {  	[simem:s6], [sflag:s4] =	dma.local [hbm:s3], $0xF7A  }
0x26: {  	[smem:$0x3F9D] =	sst s1;
	(tag) =	ssettag s2;
	_ =	strace s9  }
0x27: {  	s1 =	sld [smem:$0x3FAD]  }
0x28: {  	s2 =	sld [smem:$0x3FAE]  }
0x29: {  	s4 =	sld [smem:$0x3FB0]  }
0x2a: {  	p0 =	seq.s32 s5, $0x0;
	s5 =	sld [smem:$0x3FB1]  }
0x2b: {  	s6 =	sld [smem:$0x3FB2]  }
0x2c: {  	s7 =	sld [smem:$0x3FB3]  }
0x2d: {  	s3 =	simm.s32 $0x108;
	s8 =	sld [smem:$0x3FB4]  }
0x2e: {  	s3 =	simm.s32 @!p0 $0x1082;
	s9 =	sld [smem:$0x3FB5]  }
0x2f: {  	lr =	sadd.s32 s0, s3;
	s0 =	sld [smem:$0x3FAC]  }
0x30: {  	s3 =	sld [smem:$0x3FAF]  }
0x31: {  	[smem:$0x3FB8] =	sst s10  }
0x32: {  	s10 =	sld [smem:$0x3FB6];
	_ =	sdelay $0x3  }
0x33: {  	p0 =	seq.s32 s10, $0x1;
	s10 =	sld [smem:$0x3FB8];
	_ =	sdelay $0x3  }
0x34: {  	[smem:$0x3FB8] =	sst s10  }
0x35: {  	s10 =	sld [smem:$0x3FB7];
	_ =	sdelay $0x3  }
0x36: {  	p1 =	seq.s32 s10, $0x1;
	s10 =	sld [smem:$0x3FB8];
	_ =	sdelay $0x3  }
0x37: {  	[smem:$0x3FB8] =	sst s10  }
0x38: {  	s10 =	sld [smem:$0x3FB9]  }
0x39: {  	_ = 	snop;
	(pc) =	sbr.ind lr, $3  }
0x3a: {  	_ = 	snop  }
0x3b: {  	_ = 	snop  }
0x3c: {  	p2 =	seq.s32 s10, $0x1;
	s10 =	sld [smem:$0x3FB8]  }
0x3d: {  	_ =	shalt  }
0x3e: {  	_ =	shalt  }
0x3f: {  	_ =	shalt  }
0x40: {  	_ =	shalt  }
0x41: {  	_ =	shalt  }
0x42: {  	_ =	shalt  }
0x43: {  	_ =	shalt  }
0x44: {  	_ =	shalt  }
0x45: {  	_ =	shalt  }
0x46: {  	_ =	shalt  }
0x47: {  	_ =	shalt  }
0x48: {  	_ =	shalt  }
0x49: {  	_ =	shalt  }
0x4a: {  	_ =	shalt  }
0x4b: {  	_ =	shalt  }
0x4c: {  	_ =	shalt  }
0x4d: {  	_ =	shalt  }
0x4e: {  	_ =	shalt  }
0x4f: {  	_ =	shalt  }
0x50: {  	_ =	shalt  }
0x51: {  	_ =	shalt  }
0x52: {  	_ =	shalt  }
0x53: {  	_ =	shalt  }
0x54: {  	_ =	shalt  }
0x55: {  	_ =	shalt  }
0x56: {  	_ =	shalt  }
0x57: {  	_ =	shalt  }
0x58: {  	_ =	shalt  }
0x59: {  	_ =	shalt  }
0x5a: {  	_ =	shalt  }
0x5b: {  	_ =	shalt  }
0x5c: {  	_ =	shalt  }
0x5d: {  	_ =	shalt  }
0x5e: {  	_ =	shalt  }
0x5f: {  	_ =	shalt  }
0x60: {  	_ =	shalt  }
0x61: {  	_ =	shalt  }
0x62: {  	_ =	shalt  }
0x63: {  	_ =	shalt  }
0x64: {  	_ =	shalt  }
0x65: {  	_ =	shalt  }
0x66: {  	_ =	shalt  }
0x67: {  	_ =	shalt  }
0x68: {  	_ =	shalt  }
0x69: {  	_ =	shalt  }
0x6a: {  	_ =	shalt  }
0x6b: {  	_ =	shalt  }
0x6c: {  	_ =	shalt  }
0x6d: {  	_ =	shalt  }
0x6e: {  	_ =	shalt  }
0x6f: {  	_ =	shalt  }
0x70: {  	_ =	shalt  }
0x71: {  	_ =	shalt  }
0x72: {  	_ =	shalt  }
0x73: {  	_ =	shalt  }
0x74: {  	_ =	shalt  }
0x75: {  	_ =	shalt  }
0x76: {  	_ =	shalt  }
0x77: {  	_ =	shalt  }
0x78: {  	_ =	shalt  }
0x79: {  	_ =	shalt  }
0x7a: {  	_ =	shalt  }
0x7b: {  	_ =	shalt  }
0x7c: {  	_ =	shalt  }
0x7d: {  	_ =	shalt  }
0x7e: {  	_ =	shalt  }
0x7f: {  	_ =	shalt  }
0x80: {  	_ =	shalt  }
0x81: {  	_ =	shalt  }
0x82: {  	_ =	shalt  }
0x83: {  	_ =	shalt  }
0x84: {  	_ =	shalt  }
0x85: {  	_ =	shalt  }
0x86: {  	_ =	shalt  }
0x87: {  	_ =	shalt  }
.Lfunc_end0:
.L_simem_size_0:
called_computation.3_lowered:
.L_overlay_start_0:
0x88: {  	s2 =	sld [smem:$0x3FD9]  }
0x89: {  	s3 =	sld [smem:$0x3FFE];
	_ =	sdelay $0x1  }
0x8a: {  	s1 =	srdreg.scid  }
0x8b: {  	s0 =	sand.u32 $0x1, s1  }
0x8c: {  	s16 =	sshll.u32 s0, $0xA;
	s2 =	sadd.s32 s3, s2  }
0x8d: {  	s2 =	sadd.s32 s2, s16  }
0x8e: {  	[smem:$0x3FC4] =	sst s2  }
0x8f: {  	_ = 	snop  }
0x90: {  	(tm) =	ssettm $0x1  }
0x91: {  	s17 =	sld [smem:$0x3FFB];
	_ =	sdelay $0x3  }
0x92: {  	_ =	strace s17  }
0x93: {  	s2 =	sld [smem:$0x3FFC];
	_ =	sdelay $0x3  }
0x94: {  	_ =	strace s2  }
0x95: {  	s2 =	sld [smem:$0x3FFD];
	_ =	sdelay $0x3  }
0x96: {  	_ =	strace s2  }
0x97: {  	_ =	strace $0x8FFFFFFF  }
0x98: {  	s18 =	sld [smem:$0x3FDB];
	_ =	sdelay $0x1  }
0x99: {  	s19 =	simm.s32 $_scs_section_size  }
0x9a: {  	s4 =	simm.s32 $_size__tile_overlayer_lowered;
	s5 =	simm.s32 $_tile_overlayer_lowered  }
0x9b: {  	s22 =	simm.s32 $0x1BFF;
	s21 =	sshll.u32 s5, $0x1;
	s2 =	sadd.s32 s19, s18  }
0x9c: {  	s6 =	simm.s32 $0x0;
	s20 =	sshll.u32 s4, $0x1;
	s4 =	sadd.s32 s21, s2  }
0x9d: {  	[timem:s6], [sflag:s22] =	dma.local [hbm:s4], s20  }
0x9e: {  	_ =	swait.ge [sflag:s22], s20  }
0x9f: {  	s3 =	ssub.s32 $0x0, s20;
	[sflag:s22] =	ssyncset.done $0x0  }
0xa0: {  	[sflag:s22] =	ssyncadd.s32 s3;
	_ =	sdelay $0x1  }
0xa1: {  	s23 =	simm.s32 $0x1B8B  }
0xa2: {  	_ =	swait.ge [sflag:s23], $0x1  }
0xa3: {  	[sflag:s23] =	ssyncset.done $0x0  }
0xa4: {  	s25 =	simm.s32 $0x1B8E;
	s24 =	sld [smem:$0x3FFE];
	[sflag:s23] =	ssyncadd.s32 $0xFFFFFFFF  }
0xa5: {  	s26 =	simm.s32 $execute0_lowered;
	[smem:$0x3FD2] =	sst s25  }
0xa6: {  	s4 =	sshll.u32 s26, $0x1;
	_ =	strace $0x8000004F;
	[dreg:$0x1] =	wrdreg $0xFFFFFFFF  }
0xa7: {  	s28 =	simm.s32 $_size_execute0_lowered;
	s2 =	sadd.s32 s2, s4;
	[dreg:$0x0] =	wrdreg $0x0  }
0xa8: {  	s4 =	sshll.u32 s28, $0x1;
	[dreg:$0x2] =	wrdreg s2  }
0xa9: {  	[dreg:$0x3] =	wrdreg s4  }
0xaa: {  	[dreg:$0x4] =	wrdreg $0xC0  }
0xab: {  	_ =	task [dreg:s6], $0x5FFFF  }
0xac: {  	[dreg:$0x1] =	wrdreg $0xFFFFFFFF  }
0xad: {  	[dreg:$0x0] =	wrdreg $0x60  }
0xae: {  	[dreg:$0x2] =	wrdreg s24  }
0xaf: {  	[dreg:$0x3] =	wrdreg $0x41000  }
0xb0: {  	[dreg:$0x4] =	wrdreg $0x9  }
0xb1: {  	_ =	task.clear_ibuf [dreg:s6], $0x5FFFF;
	_ =	strace $0x9000004F  }
0xb2: {  	s29 =	simm.s32 $0x9;
	_ =	strace $0x80000051  }
0xb3: {  	_ =	swait.ge [sflag:s29], $0x1  }
0xb4: {  	[sflag:s29] =	ssyncadd.s32 $0xFFFFFFFF  }
0xb5: {  	_ =	strace $0x90000051  }
0xb6: {  	_ =	sfence  }
0xb7: {  	s30 =	sld [smem:$0x0];
	_ =	sdelay $0x2  }
0xb8: {  	s31 =	sshll.u32 s1, $0xD;
	s1 =	sshrl.u32 s1, $0x2  }
0xb9: {  	s3 =	sand.u32 $0x4000, s31;
	s1 =	sadd.s32 s1, s30  }
0xba: {  	s0 =	sor.u32 s3, s0;
	s1 =	sshll.u32 s1, $0x11  }
0xbb: {  	s0 =	sor.u32 s1, s0  }
0xbc: {  	s0 =	sadd.s32 $0x8F2B, s0  }
0xbd: {  	[sflag:s0] =	ssyncadd.remote.s32 $0x1  }
0xbe: {  	_ =	sfence.sel $0xFFFF  }
0xbf: {  	[dreg:$0x0] =	wrdreg $0xFFFFFFFF;
	(pc) =	sbr.abs _section_cstart, $3  }
0xc0: {  	[dreg:$0x1] =	wrdreg $0xFFFFFFFF  }
0xc1: {  	_ =	task.clear_ibuf [dreg:s6], $0x2FFFF;
	_ =	strace $0x9FFFFFFF  }
0xc2: {  	(tm) =	ssettm $0x7FFFFFFF  }
0xc3: {  	_ =	shalt  }
tec
execute0_lowered:
.L_overlay_start_1:
0x0: {  	(tag) =	ssettag $0x1  }
0x1: {  	s5 =	rddreg [dreg:$0x0];
	s0 =	srdreg.scid  }
0x2: {  	s2 =	rddreg [dreg:$0x1];
	s1 =	stileid.u32  }
0x3: {  	s3 =	simm.s32 $0x0;
	s13 =	simm.s32 $0x80;
	s8 =	smul.u32 $0x13C00, s1  }
0x4: {  	s14 =	simm.s32 $0x100;
	s15 =	simm.s32 $0x1;
	s26 =	smul.u32 $0x4F000, s1  }
0x5: {  	s6 =	sand.u32 $0x1, s0;
	s0 =	rddreg [dreg:$0x2];
	s30 =	smul.u32 $0x4F0, s1  }
0x6: {  	s16 =	simm.s32 $0x0;
	[smem:$0x7FF] =	sst s3;
	s7 =	smul.u32 $0x4F00, s6  }
0x7: {  	s4 =	sadd.s32 $0x90E00, s5;
	s31 =	sshll.u32 s1, $0x6;
	s9 =	smul.u32 $0x13C000, s6  }
0x8: {  	_ =	strace $0x80000050;
	s6 =	ssub.s32 $0x2, s6;
	s25 =	sshrl.u32 s8, $0x3  }
0x9: {  	s28 =	sshrl.u32 s6, $0x1;
	s29 =	sshrl.u32 s26, $0x2;
	s10 =	sadd.s32 s7, s5  }
0xa: {  	s8 =	sadd.s32 s8, s9;
	s7 =	sadd.s32 s25, s5;
	s11 =	ssub.s32 s6, s28  }
0xb: {  	s12 =	sadd.s32 s29, s2;
	s6 =	sor.u32 $0x1C02, s31;
	s8 =	sshrl.u32 s8, $0x3  }
0xc: {  	s10 =	sadd.s32 s30, s10;
	s8 =	sadd.s32 s8, s5;
	s5 =	sadd.s32 $0x1B200, s7  }
0xd: {  	s9 =	sadd.s32 $0x7600, s10;
	s10 =	sadd.s32 $0x11400, s10;
	s7 =	sadd.s32 $0xB8000, s8  }
0xe: {  	s8 =	smax.u32 s11, $0x1;
	s11 =	sshrl.u32 s12, $0x3;
	s12 =	simm.s32 $0x2  }
.LBB2_1:
0xf: {  	[spmem:s11], [sflag:s6] =	dma.local [hbm:s5], $0x2780  }
0x10: {  	_ =	swait.ge [sflag:s12], $0x2780  }
0x11: {  	[sflag:s12] =	ssyncset.done $0x0  }
0x12: {  	[sflag:s12] =	ssyncadd.s32 $0xFFFFD880  }
0x13: {  	s17 =	sadd.s32 $0x0, s10;
	[bflag:$0x0] =	sbarrier.arrive $0xFFFF  }
0x14: {  	[tilespmem:s3], [sflag:$0x2] =	stream.linear.gather [hbm4b:s17+s3], $0x80, $0x38;
	[tilespmem:$0x17D00] =	vst v63  }
0x15: {  	_ =	swait.ge [sflag:s12], $0x80  }
0x16: {  	[sflag:s12] =	ssyncset.done $0x0  }
0x17: {  	s31 =	sadd.s32 $0x0, s9;
	[sflag:s12] =	ssyncadd.s32 $0xFFFFFF80  }
0x18: {  	[tilespmem:s13], [sflag:$0x2] =	stream.linear.gather [hbm4b:s31+s3], $0x80, $0x38;
	[tilespmem:$0x17D00] =	vst v63  }
0x19: {  	_ =	swait.ge [sflag:s12], $0x80  }
0x1a: {  	[sflag:s12] =	ssyncset.done $0x0  }
0x1b: {  	[sflag:s12] =	ssyncadd.s32 $0xFFFFFF80  }
0x1c: {  	[tilespmem:s14], [sflag:$0x1] =	stream.indirect.gather [hbm4b:s4+s13], $0x80, s3, s13, $0xb8;
	[tilespmem:$0x17D00] =	vst v63  }
0x1d: {  	_ =	swait.ge [sflag:s15], $0x4000  }
0x1e: {  	[sflag:s15] =	ssyncset.done $0x0  }
0x1f: {  	[sflag:s15] =	ssyncadd.s32 $0xFFFFC000  }
0x20: {  	[spmem:s2] =	stream.indirect.scatter.add.f32 [tilespmem:s14], [sflag:$0x2], $0x80, s13, s13, $0xb8;
	[tilespmem:$0x17D00] =	vst v63  }
0x21: {  	_ =	swait.ge [sflag:s12], $0x4000  }
0x22: {  	s18 =	simm.s32 $0x20;
	s17 =	simm.s32 $0x10;
	[sflag:s12] =	ssyncset.done $0x0  }
.LBB2_2:
0x23: {  	s19 =	sadd.s32 s17, s10  }
0x24: {  	[sflag:s12] =	ssyncadd.s32 $0xFFFFC000;
	s20 =	smov.u32 s18;
	s21 =	sadd.s32 $0x10, s18  }
0x25: {  	[tilespmem:s3], [sflag:$0x2] =	stream.linear.gather [hbm4b:s19+s3], $0x80, $0x38;
	[tilespmem:$0x17D00] =	vst v63  }
0x26: {  	p0 =	sne.s32 s18, $0x4E0;
	_ =	swait.ge [sflag:s12], $0x80  }
0x27: {  	[sflag:s12] =	ssyncset.done $0x0  }
0x28: {  	s18 =	sadd.s32 s17, s9;
	s17 =	smov.u32 s20;
	[sflag:s12] =	ssyncadd.s32 $0xFFFFFF80  }
0x29: {  	[tilespmem:s13], [sflag:$0x2] =	stream.linear.gather [hbm4b:s18+s3], $0x80, $0x38;
	[tilespmem:$0x17D00] =	vst v63  }
0x2a: {  	_ =	swait.ge [sflag:s12], $0x80  }
0x2b: {  	[sflag:s12] =	ssyncset.done $0x0  }
0x2c: {  	[sflag:s12] =	ssyncadd.s32 $0xFFFFFF80  }
0x2d: {  	[tilespmem:s14], [sflag:$0x1] =	stream.indirect.gather [hbm4b:s4+s13], $0x80, s3, s13, $0xb8;
	[tilespmem:$0x17D00] =	vst v63  }
0x2e: {  	_ =	swait.ge [sflag:s15], $0x4000  }
.Ltmp0:
0x2f: {  	[sflag:s15] =	ssyncset.done $0x0;
	(pc) =	sbr.rel @p0 .LBB2_2-.Ltmp0, $4  }
0x30: {  	[sflag:s15] =	ssyncadd.s32 $0xFFFFC000  }
0x31: {  	[spmem:s2] =	stream.indirect.scatter.add.f32 [tilespmem:s14], [sflag:$0x2], $0x80, s13, s13, $0xb8;
	[tilespmem:$0x17D00] =	vst v63  }
0x32: {  	_ =	swait.ge [sflag:s12], $0x4000  }
0x33: {  	s18 =	smov.u32 s21;
	[sflag:s12] =	ssyncset.done $0x0  }
0x34: {  	s18 =	sadd.s32 s17, s10;
	[sflag:s12] =	ssyncadd.s32 $0xFFFFC000  }
0x35: {  	[tilespmem:s3], [sflag:$0x2] =	stream.linear.gather [hbm4b:s18+s3], $0x80, $0x38;
	[tilespmem:$0x17D00] =	vst v63  }
0x36: {  	_ =	swait.ge [sflag:s12], $0x80  }
0x37: {  	[sflag:s12] =	ssyncset.done $0x0  }
0x38: {  	s31 =	sadd.s32 s17, s9;
	[sflag:s12] =	ssyncadd.s32 $0xFFFFFF80  }
0x39: {  	[tilespmem:s13], [sflag:$0x2] =	stream.linear.gather [hbm4b:s31+s3], $0x80, $0x38;
	[tilespmem:$0x17D00] =	vst v63  }
0x3a: {  	_ =	swait.ge [sflag:s12], $0x80  }
0x3b: {  	[sflag:s12] =	ssyncset.done $0x0  }
0x3c: {  	[sflag:s12] =	ssyncadd.s32 $0xFFFFFF80  }
0x3d: {  	[tilespmem:s14], [sflag:$0x1] =	stream.indirect.gather [hbm4b:s4+s13], $0x80, s3, s13, $0xb8;
	[tilespmem:$0x17D00] =	vst v63  }
0x3e: {  	_ =	swait.ge [sflag:s15], $0x4000  }
0x3f: {  	[sflag:s15] =	ssyncset.done $0x0  }
0x40: {  	[sflag:s15] =	ssyncadd.s32 $0xFFFFC000  }
0x41: {  	[spmem:s2] =	stream.indirect.scatter.add.f32 [tilespmem:s14], [sflag:$0x2], $0x80, s13, s13, $0xb8;
	[tilespmem:$0x17D00] =	vst v63  }
0x42: {  	_ =	swait.ge [sflag:s12], $0x4000  }
0x43: {  	s16 =	sadd.s32 $0x1, s16;
	[sflag:s12] =	ssyncset.done $0x0  }
0x44: {  	p0 =	sne.s32 s16, s8;
	[sflag:s12] =	ssyncadd.s32 $0xFFFFC000  }
.Ltmp1:
0x45: {  	[bflag:$0x0] =	sbarrier.arrive $0xFFFF;
	(pc) =	sbr.rel @p0 .LBB2_1-.Ltmp1, $4  }
0x46: {  	[hbm:s7], [sflag:s6] =	dma.local [spmem:s11], $0x2780  }
0x47: {  	_ =	swait.ge [sflag:s12], $0x2780  }
0x48: {  	[sflag:s12] =	ssyncset.done $0x0  }
0x49: {  	[sflag:s12] =	ssyncadd.s32 $0xFFFFD880  }
0x4a: {  	_ =	sfence.sel $0x180000  }
0x4b: {  	[bflag:$0x0] =	sbarrier.arrive $0xFFFF  }
0x4c: {  	p0 =	sne.s32 s1, $0x0;
	_ =	strace $0x90000050  }
0x4d: {  	s0 =	sadd.s32 @!p0 $0x100000, s0;
	[bflag:$0x2] =	sbarrier.arrive $0xFFFF  }
0x4e: {  	[sflag:s0] =	ssyncadd.tile.s32 @!p0 $0x1;
	_ =	shalt  }
.Lfunc_end2:
_tile_overlayer_lowered:
.L_overlay_start_2:
0x4f: {  	(tag) =	ssettag $0x2  }
0x50: {  	s0 =	rddreg [dreg:$0x0];
	s2 =	stileid.u32  }
0x51: {  	s1 =	rddreg [dreg:$0x1];
	p0 =	sne.s32 s2, $0x0  }
0x52: {  	s3 =	rddreg [dreg:$0x2];
	[bflag:$0x3] =	sbarrier.arrive $0xFFFF;
	s2 =	simm.s32 @!p0 $0x1C02  }
0x53: {  	[timem:s3], [sflag:s2] =	dma.local @!p0 [hbm:s0], s1  }
0x54: {  	s0 =	simm.s32 @!p0 $0x2  }
0x55: {  	_ =	swait.ge @!p0 [sflag:s0], s1  }
0x56: {  	s1 =	ssub.s32 @!p0 $0x0, s1;
	[sflag:s0] =	ssyncset.done @!p0 $0x0  }
0x57: {  	[sflag:s0] =	ssyncadd.s32 @!p0 s1  }
0x58: {  	[bflag:$0x3] =	sbarrier.arrive $0xFFFF  }
0x59: {  	_ =	shalt  }

// kernel: kernel.37.cloned.1.call-start
scs
__scs_entry_jumppad:
0x0: {  	(pc) =	sbr.rel $0x88, $3  }
0x1: {  	(tag) =	ssettag $0x0;
	lr =	simm.s32 $0x1  }
0x2: {  	[smem:$0x3F9D] =	sst lr;
	_ =	strace $0xD0000000  }
0x3: {  	_ = 	snop  }
0x4: {  	_ = 	snop  }
0x5: {  	_ = 	snop  }
0x6: {  	_ = 	snop  }
0x7: {  	_ = 	snop  }
__scs_overlays_trampoline_lowered:
0x8: {  	[smem:$0x3FAC] =	sst s0  }
0x9: {  	[smem:$0x3FAD] =	sst s1  }
0xa: {  	[smem:$0x3FAE] =	sst s2  }
0xb: {  	[smem:$0x3FAF] =	sst s3  }
0xc: {  	[smem:$0x3FB0] =	sst s4  }
0xd: {  	[smem:$0x3FB1] =	sst s5  }
0xe: {  	[smem:$0x3FB2] =	sst s6  }
0xf: {  	[smem:$0x3FB3] =	sst s7  }
0x10: {  	[smem:$0x3FB4] =	sst s8  }
0x11: {  	[smem:$0x3FB5] =	sst s9;
	s0 =	simm.s32 @!p0 $0x0  }
0x12: {  	s1 =	sld [smem:$0x3F9B];
	s0 =	simm.s32 @p0 $0x1  }
0x13: {  	[smem:$0x3FB6] =	sst s0;
	s0 =	simm.s32 @!p1 $0x0  }
0x14: {  	s2 =	sld [smem:$0x3F9A];
	s0 =	simm.s32 @p1 $0x1  }
0x15: {  	[smem:$0x3FB7] =	sst s0;
	s0 =	simm.s32 @!p2 $0x0  }
0x16: {  	s3 =	sld [smem:$0x3FDB];
	s0 =	simm.s32 @p2 $0x1  }
0x17: {  	s4 =	simm.s32 $0x1BF5;
	[smem:$0x3FB9] =	sst s0  }
0x18: {  	s0 =	sld [smem:$0x3F9C];
	_ =	swait.ge [sflag:s4], $0x0  }
0x19: {  	s7 =	sld [smem:$0x3F9D]  }
0x1a: {  	s8 =	sadd.s32 $0xFFFFE003, lr  }
0x1b: {  	s9 =	sadd.s32 $0xFFFFFEF7, lr;
	s5 =	simm.s32 $0xFFFFFFFF;
	p2 =	slt.u32 s8, $0xFFFFF086  }
0x1c: {  	p1 =	slt.u32 s9, $0xF7A;
	s5 =	simm.s32 @!p2 $0x0  }
0x1d: {  	s5 =	simm.s32 @p1 $0x1;
	p0 =	seq.s32 s7, s2  }
0x1e: {  	s7 =	smul.u32 @!p0 $0xF7A, s2;
	p2 =	seq.s32 @!p0 s5, $0x0  }
0x1f: {  	s9 =	smul.u32 $0xF7A, s1;
	s8 =	simm.s32 @!p0 $0x1BF5;
	p2 =	por !p2, p0  }
0x20: {  	[sflag:s8] =	ssyncset.s32 @!p0 $0xFFFFF086;
	s6 =	sadd.s32 @!p0 s3, s7;
	s7 =	simm.s32 @!p0 $0x108  }
0x21: {  	s3 =	sadd.s32 s3, s9;
	s6 =	sadd.s32 @!p0 $0x88, s6;
	s7 =	simm.s32 @p2 $0x1082  }
0x22: {  	[simem:s7], [sflag:s8] =	dma.local @!p0 [hbm:s6], $0xF7A  }
0x23: {  	s9 =	sor.u32 $0xD0000000, s2;
	s6 =	simm.s32 $0x108;
	_ =	swait.ge @!p0 [sflag:s8], $0x0  }
0x24: {  	s3 =	sadd.s32 $0x88, s3;
	s6 =	simm.s32 @!p1 $0x1082;
	[sflag:s4] =	ssyncset.s32 $0xFFFFF086  }
0x25: {  	[simem:s6], [sflag:s4] =	dma.local [hbm:s3], $0xF7A  }
0x26: {  	[smem:$0x3F9D] =	sst s1;
	(tag) =	ssettag s2;
	_ =	strace s9  }
0x27: {  	s1 =	sld [smem:$0x3FAD]  }
0x28: {  	s2 =	sld [smem:$0x3FAE]  }
0x29: {  	s4 =	sld [smem:$0x3FB0]  }
0x2a: {  	p0 =	seq.s32 s5, $0x0;
	s5 =	sld [smem:$0x3FB1]  }
0x2b: {  	s6 =	sld [smem:$0x3FB2]  }
0x2c: {  	s7 =	sld [smem:$0x3FB3]  }
0x2d: {  	s3 =	simm.s32 $0x108;
	s8 =	sld [smem:$0x3FB4]  }
0x2e: {  	s3 =	simm.s32 @!p0 $0x1082;
	s9 =	sld [smem:$0x3FB5]  }
0x2f: {  	lr =	sadd.s32 s0, s3;
	s0 =	sld [smem:$0x3FAC]  }
0x30: {  	s3 =	sld [smem:$0x3FAF]  }
0x31: {  	[smem:$0x3FB8] =	sst s10  }
0x32: {  	s10 =	sld [smem:$0x3FB6];
	_ =	sdelay $0x3  }
0x33: {  	p0 =	seq.s32 s10, $0x1;
	s10 =	sld [smem:$0x3FB8];
	_ =	sdelay $0x3  }
0x34: {  	[smem:$0x3FB8] =	sst s10  }
0x35: {  	s10 =	sld [smem:$0x3FB7];
	_ =	sdelay $0x3  }
0x36: {  	p1 =	seq.s32 s10, $0x1;
	s10 =	sld [smem:$0x3FB8];
	_ =	sdelay $0x3  }
0x37: {  	[smem:$0x3FB8] =	sst s10  }
0x38: {  	s10 =	sld [smem:$0x3FB9]  }
0x39: {  	_ = 	snop;
	(pc) =	sbr.ind lr, $3  }
0x3a: {  	_ = 	snop  }
0x3b: {  	_ = 	snop  }
0x3c: {  	p2 =	seq.s32 s10, $0x1;
	s10 =	sld [smem:$0x3FB8]  }
0x3d: {  	_ =	shalt  }
0x3e: {  	_ =	shalt  }
0x3f: {  	_ =	shalt  }
0x40: {  	_ =	shalt  }
0x41: {  	_ =	shalt  }
0x42: {  	_ =	shalt  }
0x43: {  	_ =	shalt  }
0x44: {  	_ =	shalt  }
0x45: {  	_ =	shalt  }
0x46: {  	_ =	shalt  }
0x47: {  	_ =	shalt  }
0x48: {  	_ =	shalt  }
0x49: {  	_ =	shalt  }
0x4a: {  	_ =	shalt  }
0x4b: {  	_ =	shalt  }
0x4c: {  	_ =	shalt  }
0x4d: {  	_ =	shalt  }
0x4e: {  	_ =	shalt  }
0x4f: {  	_ =	shalt  }
0x50: {  	_ =	shalt  }
0x51: {  	_ =	shalt  }
0x52: {  	_ =	shalt  }
0x53: {  	_ =	shalt  }
0x54: {  	_ =	shalt  }
0x55: {  	_ =	shalt  }
0x56: {  	_ =	shalt  }
0x57: {  	_ =	shalt  }
0x58: {  	_ =	shalt  }
0x59: {  	_ =	shalt  }
0x5a: {  	_ =	shalt  }
0x5b: {  	_ =	shalt  }
0x5c: {  	_ =	shalt  }
0x5d: {  	_ =	shalt  }
0x5e: {  	_ =	shalt  }
0x5f: {  	_ =	shalt  }
0x60: {  	_ =	shalt  }
0x61: {  	_ =	shalt  }
0x62: {  	_ =	shalt  }
0x63: {  	_ =	shalt  }
0x64: {  	_ =	shalt  }
0x65: {  	_ =	shalt  }
0x66: {  	_ =	shalt  }
0x67: {  	_ =	shalt  }
0x68: {  	_ =	shalt  }
0x69: {  	_ =	shalt  }
0x6a: {  	_ =	shalt  }
0x6b: {  	_ =	shalt  }
0x6c: {  	_ =	shalt  }
0x6d: {  	_ =	shalt  }
0x6e: {  	_ =	shalt  }
0x6f: {  	_ =	shalt  }
0x70: {  	_ =	shalt  }
0x71: {  	_ =	shalt  }
0x72: {  	_ =	shalt  }
0x73: {  	_ =	shalt  }
0x74: {  	_ =	shalt  }
0x75: {  	_ =	shalt  }
0x76: {  	_ =	shalt  }
0x77: {  	_ =	shalt  }
0x78: {  	_ =	shalt  }
0x79: {  	_ =	shalt  }
0x7a: {  	_ =	shalt  }
0x7b: {  	_ =	shalt  }
0x7c: {  	_ =	shalt  }
0x7d: {  	_ =	shalt  }
0x7e: {  	_ =	shalt  }
0x7f: {  	_ =	shalt  }
0x80: {  	_ =	shalt  }
0x81: {  	_ =	shalt  }
0x82: {  	_ =	shalt  }
0x83: {  	_ =	shalt  }
0x84: {  	_ =	shalt  }
0x85: {  	_ =	shalt  }
0x86: {  	_ =	shalt  }
0x87: {  	_ =	shalt  }
.Lfunc_end0:
.L_simem_size_0:
called_computation.4_lowered:
.L_overlay_start_0:
0x88: {  	s2 =	sld [smem:$0x3FD9]  }
0x89: {  	s3 =	sld [smem:$0x3FFE];
	_ =	sdelay $0x1  }
0x8a: {  	s1 =	srdreg.scid  }
0x8b: {  	s0 =	sand.u32 $0x1, s1  }
0x8c: {  	s16 =	sshll.u32 s0, $0xA;
	s2 =	sadd.s32 s3, s2  }
0x8d: {  	s2 =	sadd.s32 s2, s16  }
0x8e: {  	[smem:$0x3FC4] =	sst s2  }
0x8f: {  	_ = 	snop  }
0x90: {  	(tm) =	ssettm $0x1  }
0x91: {  	s17 =	sld [smem:$0x3FFB];
	_ =	sdelay $0x3  }
0x92: {  	_ =	strace s17  }
0x93: {  	s2 =	sld [smem:$0x3FFC];
	_ =	sdelay $0x3  }
0x94: {  	_ =	strace s2  }
0x95: {  	s2 =	sld [smem:$0x3FFD];
	_ =	sdelay $0x3  }
0x96: {  	_ =	strace s2  }
0x97: {  	_ =	strace $0x8FFFFFFF  }
0x98: {  	s18 =	sld [smem:$0x3FDB];
	_ =	sdelay $0x1  }
0x99: {  	s19 =	simm.s32 $_scs_section_size  }
0x9a: {  	s4 =	simm.s32 $_size__tile_overlayer_lowered;
	s5 =	simm.s32 $_tile_overlayer_lowered  }
0x9b: {  	s22 =	simm.s32 $0x1BFF;
	s21 =	sshll.u32 s5, $0x1;
	s2 =	sadd.s32 s19, s18  }
0x9c: {  	s6 =	simm.s32 $0x0;
	s20 =	sshll.u32 s4, $0x1;
	s4 =	sadd.s32 s21, s2  }
0x9d: {  	[timem:s6], [sflag:s22] =	dma.local [hbm:s4], s20  }
0x9e: {  	_ =	swait.ge [sflag:s22], s20  }
0x9f: {  	s3 =	ssub.s32 $0x0, s20;
	[sflag:s22] =	ssyncset.done $0x0  }
0xa0: {  	[sflag:s22] =	ssyncadd.s32 s3;
	_ =	sdelay $0x1  }
0xa1: {  	s23 =	simm.s32 $0x1B8B  }
0xa2: {  	_ =	swait.ge [sflag:s23], $0x1  }
0xa3: {  	[sflag:s23] =	ssyncset.done $0x0  }
0xa4: {  	s25 =	simm.s32 $0x1B8E;
	s24 =	sld [smem:$0x3FFE];
	[sflag:s23] =	ssyncadd.s32 $0xFFFFFFFF  }
0xa5: {  	s26 =	simm.s32 $execute0_lowered;
	[smem:$0x3FD2] =	sst s25  }
0xa6: {  	s4 =	sshll.u32 s26, $0x1;
	_ =	strace $0x80000052;
	[dreg:$0x1] =	wrdreg $0xFFFFFFFF  }
0xa7: {  	s28 =	simm.s32 $_size_execute0_lowered;
	s2 =	sadd.s32 s2, s4;
	[dreg:$0x0] =	wrdreg $0x0  }
0xa8: {  	s4 =	sshll.u32 s28, $0x1;
	[dreg:$0x2] =	wrdreg s2  }
0xa9: {  	[dreg:$0x3] =	wrdreg s4  }
0xaa: {  	[dreg:$0x4] =	wrdreg $0xC0  }
0xab: {  	_ =	task [dreg:s6], $0x5FFFF  }
0xac: {  	[dreg:$0x1] =	wrdreg $0xFFFFFFFF  }
0xad: {  	[dreg:$0x0] =	wrdreg $0x60  }
0xae: {  	[dreg:$0x2] =	wrdreg s24  }
0xaf: {  	[dreg:$0x3] =	wrdreg $0x41000  }
0xb0: {  	[dreg:$0x4] =	wrdreg $0x9  }
0xb1: {  	_ =	task.clear_ibuf [dreg:s6], $0x5FFFF;
	_ =	strace $0x90000052  }
0xb2: {  	s29 =	simm.s32 $0x9;
	_ =	strace $0x80000054  }
0xb3: {  	_ =	swait.ge [sflag:s29], $0x1  }
0xb4: {  	[sflag:s29] =	ssyncadd.s32 $0xFFFFFFFF  }
0xb5: {  	_ =	strace $0x90000054  }
0xb6: {  	_ =	sfence  }
0xb7: {  	s30 =	sld [smem:$0x0];
	_ =	sdelay $0x2  }
0xb8: {  	s31 =	sshll.u32 s1, $0xD;
	s1 =	sshrl.u32 s1, $0x2  }
0xb9: {  	s3 =	sand.u32 $0x4000, s31;
	s1 =	sadd.s32 s1, s30  }
0xba: {  	s0 =	sor.u32 s3, s0;
	s1 =	sshll.u32 s1, $0x11  }
0xbb: {  	s0 =	sor.u32 s1, s0  }
0xbc: {  	s0 =	sadd.s32 $0x8F2B, s0  }
0xbd: {  	[sflag:s0] =	ssyncadd.remote.s32 $0x1  }
0xbe: {  	_ =	sfence.sel $0xFFFF  }
0xbf: {  	[dreg:$0x0] =	wrdreg $0xFFFFFFFF;
	(pc) =	sbr.abs _section_cstart, $3  }
0xc0: {  	[dreg:$0x1] =	wrdreg $0xFFFFFFFF  }
0xc1: {  	_ =	task.clear_ibuf [dreg:s6], $0x2FFFF;
	_ =	strace $0x9FFFFFFF  }
0xc2: {  	(tm) =	ssettm $0x7FFFFFFF  }
0xc3: {  	_ =	shalt  }
tec
execute0_lowered:
.L_overlay_start_1:
0x0: {  	(tag) =	ssettag $0x1  }
0x1: {  	s5 =	rddreg [dreg:$0x0];
	s0 =	srdreg.scid  }
0x2: {  	s2 =	rddreg [dreg:$0x1];
	s1 =	stileid.u32  }
0x3: {  	s3 =	simm.s32 $0x0;
	s13 =	simm.s32 $0x80;
	s8 =	smul.u32 $0x13C00, s1  }
0x4: {  	s14 =	simm.s32 $0x100;
	s15 =	simm.s32 $0x1;
	s26 =	smul.u32 $0x4F000, s1  }
0x5: {  	s6 =	sand.u32 $0x1, s0;
	s0 =	rddreg [dreg:$0x2];
	s30 =	smul.u32 $0x4F0, s1  }
0x6: {  	s16 =	simm.s32 $0x0;
	[smem:$0x7FF] =	sst s3;
	s7 =	smul.u32 $0x4F00, s6  }
0x7: {  	s4 =	sadd.s32 $0xB8000, s5;
	s31 =	sshll.u32 s1, $0x6;
	s9 =	smul.u32 $0x13C000, s6  }
0x8: {  	_ =	strace $0x80000053;
	s6 =	ssub.s32 $0x2, s6;
	s25 =	sshrl.u32 s8, $0x3  }
0x9: {  	s28 =	sshrl.u32 s6, $0x1;
	s29 =	sshrl.u32 s26, $0x2;
	s10 =	sadd.s32 s7, s5  }
0xa: {  	s8 =	sadd.s32 s8, s9;
	s7 =	sadd.s32 s25, s5;
	s11 =	ssub.s32 s6, s28  }
0xb: {  	s12 =	sadd.s32 s29, s2;
	s6 =	sor.u32 $0x1C02, s31;
	s8 =	sshrl.u32 s8, $0x3  }
0xc: {  	s10 =	sadd.s32 s30, s10;
	s8 =	sadd.s32 s8, s5;
	s5 =	sadd.s32 $0x1B200, s7  }
0xd: {  	s9 =	sadd.s32 $0x7600, s10;
	s10 =	sadd.s32 $0x11400, s10;
	s7 =	sadd.s32 $0xDF200, s8  }
0xe: {  	s8 =	smax.u32 s11, $0x1;
	s11 =	sshrl.u32 s12, $0x3;
	s12 =	simm.s32 $0x2  }
.LBB2_1:
0xf: {  	[spmem:s11], [sflag:s6] =	dma.local [hbm:s5], $0x2780  }
0x10: {  	_ =	swait.ge [sflag:s12], $0x2780  }
0x11: {  	[sflag:s12] =	ssyncset.done $0x0  }
0x12: {  	[sflag:s12] =	ssyncadd.s32 $0xFFFFD880  }
0x13: {  	s17 =	sadd.s32 $0x0, s10;
	[bflag:$0x0] =	sbarrier.arrive $0xFFFF  }
0x14: {  	[tilespmem:s3], [sflag:$0x2] =	stream.linear.gather [hbm4b:s17+s3], $0x80, $0x38;
	[tilespmem:$0x17D00] =	vst v63  }
0x15: {  	_ =	swait.ge [sflag:s12], $0x80  }
0x16: {  	[sflag:s12] =	ssyncset.done $0x0  }
0x17: {  	s31 =	sadd.s32 $0x0, s9;
	[sflag:s12] =	ssyncadd.s32 $0xFFFFFF80  }
0x18: {  	[tilespmem:s13], [sflag:$0x2] =	stream.linear.gather [hbm4b:s31+s3], $0x80, $0x38;
	[tilespmem:$0x17D00] =	vst v63  }
0x19: {  	_ =	swait.ge [sflag:s12], $0x80  }
0x1a: {  	[sflag:s12] =	ssyncset.done $0x0  }
0x1b: {  	[sflag:s12] =	ssyncadd.s32 $0xFFFFFF80  }
0x1c: {  	[tilespmem:s14], [sflag:$0x1] =	stream.indirect.gather [hbm4b:s4+s13], $0x80, s3, s13, $0xb8;
	[tilespmem:$0x17D00] =	vst v63  }
0x1d: {  	_ =	swait.ge [sflag:s15], $0x4000  }
0x1e: {  	[sflag:s15] =	ssyncset.done $0x0  }
0x1f: {  	[sflag:s15] =	ssyncadd.s32 $0xFFFFC000  }
0x20: {  	[spmem:s2] =	stream.indirect.scatter.add.f32 [tilespmem:s14], [sflag:$0x2], $0x80, s13, s13, $0xb8;
	[tilespmem:$0x17D00] =	vst v63  }
0x21: {  	_ =	swait.ge [sflag:s12], $0x4000  }
0x22: {  	s18 =	simm.s32 $0x20;
	s17 =	simm.s32 $0x10;
	[sflag:s12] =	ssyncset.done $0x0  }
.LBB2_2:
0x23: {  	s19 =	sadd.s32 s17, s10  }
0x24: {  	[sflag:s12] =	ssyncadd.s32 $0xFFFFC000;
	s20 =	smov.u32 s18;
	s21 =	sadd.s32 $0x10, s18  }
0x25: {  	[tilespmem:s3], [sflag:$0x2] =	stream.linear.gather [hbm4b:s19+s3], $0x80, $0x38;
	[tilespmem:$0x17D00] =	vst v63  }
0x26: {  	p0 =	sne.s32 s18, $0x4E0;
	_ =	swait.ge [sflag:s12], $0x80  }
0x27: {  	[sflag:s12] =	ssyncset.done $0x0  }
0x28: {  	s18 =	sadd.s32 s17, s9;
	s17 =	smov.u32 s20;
	[sflag:s12] =	ssyncadd.s32 $0xFFFFFF80  }
0x29: {  	[tilespmem:s13], [sflag:$0x2] =	stream.linear.gather [hbm4b:s18+s3], $0x80, $0x38;
	[tilespmem:$0x17D00] =	vst v63  }
0x2a: {  	_ =	swait.ge [sflag:s12], $0x80  }
0x2b: {  	[sflag:s12] =	ssyncset.done $0x0  }
0x2c: {  	[sflag:s12] =	ssyncadd.s32 $0xFFFFFF80  }
0x2d: {  	[tilespmem:s14], [sflag:$0x1] =	stream.indirect.gather [hbm4b:s4+s13], $0x80, s3, s13, $0xb8;
	[tilespmem:$0x17D00] =	vst v63  }
0x2e: {  	_ =	swait.ge [sflag:s15], $0x4000  }
.Ltmp0:
0x2f: {  	[sflag:s15] =	ssyncset.done $0x0;
	(pc) =	sbr.rel @p0 .LBB2_2-.Ltmp0, $4  }
0x30: {  	[sflag:s15] =	ssyncadd.s32 $0xFFFFC000  }
0x31: {  	[spmem:s2] =	stream.indirect.scatter.add.f32 [tilespmem:s14], [sflag:$0x2], $0x80, s13, s13, $0xb8;
	[tilespmem:$0x17D00] =	vst v63  }
0x32: {  	_ =	swait.ge [sflag:s12], $0x4000  }
0x33: {  	s18 =	smov.u32 s21;
	[sflag:s12] =	ssyncset.done $0x0  }
0x34: {  	s18 =	sadd.s32 s17, s10;
	[sflag:s12] =	ssyncadd.s32 $0xFFFFC000  }
0x35: {  	[tilespmem:s3], [sflag:$0x2] =	stream.linear.gather [hbm4b:s18+s3], $0x80, $0x38;
	[tilespmem:$0x17D00] =	vst v63  }
0x36: {  	_ =	swait.ge [sflag:s12], $0x80  }
0x37: {  	[sflag:s12] =	ssyncset.done $0x0  }
0x38: {  	s31 =	sadd.s32 s17, s9;
	[sflag:s12] =	ssyncadd.s32 $0xFFFFFF80  }
0x39: {  	[tilespmem:s13], [sflag:$0x2] =	stream.linear.gather [hbm4b:s31+s3], $0x80, $0x38;
	[tilespmem:$0x17D00] =	vst v63  }
0x3a: {  	_ =	swait.ge [sflag:s12], $0x80  }
0x3b: {  	[sflag:s12] =	ssyncset.done $0x0  }
0x3c: {  	[sflag:s12] =	ssyncadd.s32 $0xFFFFFF80  }
0x3d: {  	[tilespmem:s14], [sflag:$0x1] =	stream.indirect.gather [hbm4b:s4+s13], $0x80, s3, s13, $0xb8;
	[tilespmem:$0x17D00] =	vst v63  }
0x3e: {  	_ =	swait.ge [sflag:s15], $0x4000  }
0x3f: {  	[sflag:s15] =	ssyncset.done $0x0  }
0x40: {  	[sflag:s15] =	ssyncadd.s32 $0xFFFFC000  }
0x41: {  	[spmem:s2] =	stream.indirect.scatter.add.f32 [tilespmem:s14], [sflag:$0x2], $0x80, s13, s13, $0xb8;
	[tilespmem:$0x17D00] =	vst v63  }
0x42: {  	_ =	swait.ge [sflag:s12], $0x4000  }
0x43: {  	s16 =	sadd.s32 $0x1, s16;
	[sflag:s12] =	ssyncset.done $0x0  }
0x44: {  	p0 =	sne.s32 s16, s8;
	[sflag:s12] =	ssyncadd.s32 $0xFFFFC000  }
.Ltmp1:
0x45: {  	[bflag:$0x0] =	sbarrier.arrive $0xFFFF;
	(pc) =	sbr.rel @p0 .LBB2_1-.Ltmp1, $4  }
0x46: {  	[hbm:s7], [sflag:s6] =	dma.local [spmem:s11], $0x2780  }
0x47: {  	_ =	swait.ge [sflag:s12], $0x2780  }
0x48: {  	[sflag:s12] =	ssyncset.done $0x0  }
0x49: {  	[sflag:s12] =	ssyncadd.s32 $0xFFFFD880  }
0x4a: {  	_ =	sfence.sel $0x180000  }
0x4b: {  	[bflag:$0x0] =	sbarrier.arrive $0xFFFF  }
0x4c: {  	p0 =	sne.s32 s1, $0x0;
	_ =	strace $0x90000053  }
0x4d: {  	s0 =	sadd.s32 @!p0 $0x100000, s0;
	[bflag:$0x2] =	sbarrier.arrive $0xFFFF  }
0x4e: {  	[sflag:s0] =	ssyncadd.tile.s32 @!p0 $0x1;
	_ =	shalt  }
.Lfunc_end2:
_tile_overlayer_lowered:
.L_overlay_start_2:
0x4f: {  	(tag) =	ssettag $0x2  }
0x50: {  	s0 =	rddreg [dreg:$0x0];
	s2 =	stileid.u32  }
0x51: {  	s1 =	rddreg [dreg:$0x1];
	p0 =	sne.s32 s2, $0x0  }
0x52: {  	s3 =	rddreg [dreg:$0x2];
	[bflag:$0x3] =	sbarrier.arrive $0xFFFF;
	s2 =	simm.s32 @!p0 $0x1C02  }
0x53: {  	[timem:s3], [sflag:s2] =	dma.local @!p0 [hbm:s0], s1  }
0x54: {  	s0 =	simm.s32 @!p0 $0x2  }
0x55: {  	_ =	swait.ge @!p0 [sflag:s0], s1  }
0x56: {  	s1 =	ssub.s32 @!p0 $0x0, s1;
	[sflag:s0] =	ssyncset.done @!p0 $0x0  }
0x57: {  	[sflag:s0] =	ssyncadd.s32 @!p0 s1  }
0x58: {  	[bflag:$0x3] =	sbarrier.arrive $0xFFFF  }
0x59: {  	_ =	shalt  }

// kernel: kernel.40.cloned.1.call-start
scs
__scs_entry_jumppad:
0x0: {  	(pc) =	sbr.rel $0x88, $3  }
0x1: {  	(tag) =	ssettag $0x0;
	lr =	simm.s32 $0x1  }
0x2: {  	[smem:$0x3F9D] =	sst lr;
	_ =	strace $0xD0000000  }
0x3: {  	_ = 	snop  }
0x4: {  	_ = 	snop  }
0x5: {  	_ = 	snop  }
0x6: {  	_ = 	snop  }
0x7: {  	_ = 	snop  }
__scs_overlays_trampoline_lowered:
0x8: {  	[smem:$0x3FAC] =	sst s0  }
0x9: {  	[smem:$0x3FAD] =	sst s1  }
0xa: {  	[smem:$0x3FAE] =	sst s2  }
0xb: {  	[smem:$0x3FAF] =	sst s3  }
0xc: {  	[smem:$0x3FB0] =	sst s4  }
0xd: {  	[smem:$0x3FB1] =	sst s5  }
0xe: {  	[smem:$0x3FB2] =	sst s6  }
0xf: {  	[smem:$0x3FB3] =	sst s7  }
0x10: {  	[smem:$0x3FB4] =	sst s8  }
0x11: {  	[smem:$0x3FB5] =	sst s9;
	s0 =	simm.s32 @!p0 $0x0  }
0x12: {  	s1 =	sld [smem:$0x3F9B];
	s0 =	simm.s32 @p0 $0x1  }
0x13: {  	[smem:$0x3FB6] =	sst s0;
	s0 =	simm.s32 @!p1 $0x0  }
0x14: {  	s2 =	sld [smem:$0x3F9A];
	s0 =	simm.s32 @p1 $0x1  }
0x15: {  	[smem:$0x3FB7] =	sst s0;
	s0 =	simm.s32 @!p2 $0x0  }
0x16: {  	s3 =	sld [smem:$0x3FDB];
	s0 =	simm.s32 @p2 $0x1  }
0x17: {  	s4 =	simm.s32 $0x1BF5;
	[smem:$0x3FB9] =	sst s0  }
0x18: {  	s0 =	sld [smem:$0x3F9C];
	_ =	swait.ge [sflag:s4], $0x0  }
0x19: {  	s7 =	sld [smem:$0x3F9D]  }
0x1a: {  	s8 =	sadd.s32 $0xFFFFE003, lr  }
0x1b: {  	s9 =	sadd.s32 $0xFFFFFEF7, lr;
	s5 =	simm.s32 $0xFFFFFFFF;
	p2 =	slt.u32 s8, $0xFFFFF086  }
0x1c: {  	p1 =	slt.u32 s9, $0xF7A;
	s5 =	simm.s32 @!p2 $0x0  }
0x1d: {  	s5 =	simm.s32 @p1 $0x1;
	p0 =	seq.s32 s7, s2  }
0x1e: {  	s7 =	smul.u32 @!p0 $0xF7A, s2;
	p2 =	seq.s32 @!p0 s5, $0x0  }
0x1f: {  	s9 =	smul.u32 $0xF7A, s1;
	s8 =	simm.s32 @!p0 $0x1BF5;
	p2 =	por !p2, p0  }
0x20: {  	[sflag:s8] =	ssyncset.s32 @!p0 $0xFFFFF086;
	s6 =	sadd.s32 @!p0 s3, s7;
	s7 =	simm.s32 @!p0 $0x108  }
0x21: {  	s3 =	sadd.s32 s3, s9;
	s6 =	sadd.s32 @!p0 $0x88, s6;
	s7 =	simm.s32 @p2 $0x1082  }
0x22: {  	[simem:s7], [sflag:s8] =	dma.local @!p0 [hbm:s6], $0xF7A  }
0x23: {  	s9 =	sor.u32 $0xD0000000, s2;
	s6 =	simm.s32 $0x108;
	_ =	swait.ge @!p0 [sflag:s8], $0x0  }
0x24: {  	s3 =	sadd.s32 $0x88, s3;
	s6 =	simm.s32 @!p1 $0x1082;
	[sflag:s4] =	ssyncset.s32 $0xFFFFF086  }
0x25: {  	[simem:s6], [sflag:s4] =	dma.local [hbm:s3], $0xF7A  }
0x26: {  	[smem:$0x3F9D] =	sst s1;
	(tag) =	ssettag s2;
	_ =	strace s9  }
0x27: {  	s1 =	sld [smem:$0x3FAD]  }
0x28: {  	s2 =	sld [smem:$0x3FAE]  }
0x29: {  	s4 =	sld [smem:$0x3FB0]  }
0x2a: {  	p0 =	seq.s32 s5, $0x0;
	s5 =	sld [smem:$0x3FB1]  }
0x2b: {  	s6 =	sld [smem:$0x3FB2]  }
0x2c: {  	s7 =	sld [smem:$0x3FB3]  }
0x2d: {  	s3 =	simm.s32 $0x108;
	s8 =	sld [smem:$0x3FB4]  }
0x2e: {  	s3 =	simm.s32 @!p0 $0x1082;
	s9 =	sld [smem:$0x3FB5]  }
0x2f: {  	lr =	sadd.s32 s0, s3;
	s0 =	sld [smem:$0x3FAC]  }
0x30: {  	s3 =	sld [smem:$0x3FAF]  }
0x31: {  	[smem:$0x3FB8] =	sst s10  }
0x32: {  	s10 =	sld [smem:$0x3FB6];
	_ =	sdelay $0x3  }
0x33: {  	p0 =	seq.s32 s10, $0x1;
	s10 =	sld [smem:$0x3FB8];
	_ =	sdelay $0x3  }
0x34: {  	[smem:$0x3FB8] =	sst s10  }
0x35: {  	s10 =	sld [smem:$0x3FB7];
	_ =	sdelay $0x3  }
0x36: {  	p1 =	seq.s32 s10, $0x1;
	s10 =	sld [smem:$0x3FB8];
	_ =	sdelay $0x3  }
0x37: {  	[smem:$0x3FB8] =	sst s10  }
0x38: {  	s10 =	sld [smem:$0x3FB9]  }
0x39: {  	_ = 	snop;
	(pc) =	sbr.ind lr, $3  }
0x3a: {  	_ = 	snop  }
0x3b: {  	_ = 	snop  }
0x3c: {  	p2 =	seq.s32 s10, $0x1;
	s10 =	sld [smem:$0x3FB8]  }
0x3d: {  	_ =	shalt  }
0x3e: {  	_ =	shalt  }
0x3f: {  	_ =	shalt  }
0x40: {  	_ =	shalt  }
0x41: {  	_ =	shalt  }
0x42: {  	_ =	shalt  }
0x43: {  	_ =	shalt  }
0x44: {  	_ =	shalt  }
0x45: {  	_ =	shalt  }
0x46: {  	_ =	shalt  }
0x47: {  	_ =	shalt  }
0x48: {  	_ =	shalt  }
0x49: {  	_ =	shalt  }
0x4a: {  	_ =	shalt  }
0x4b: {  	_ =	shalt  }
0x4c: {  	_ =	shalt  }
0x4d: {  	_ =	shalt  }
0x4e: {  	_ =	shalt  }
0x4f: {  	_ =	shalt  }
0x50: {  	_ =	shalt  }
0x51: {  	_ =	shalt  }
0x52: {  	_ =	shalt  }
0x53: {  	_ =	shalt  }
0x54: {  	_ =	shalt  }
0x55: {  	_ =	shalt  }
0x56: {  	_ =	shalt  }
0x57: {  	_ =	shalt  }
0x58: {  	_ =	shalt  }
0x59: {  	_ =	shalt  }
0x5a: {  	_ =	shalt  }
0x5b: {  	_ =	shalt  }
0x5c: {  	_ =	shalt  }
0x5d: {  	_ =	shalt  }
0x5e: {  	_ =	shalt  }
0x5f: {  	_ =	shalt  }
0x60: {  	_ =	shalt  }
0x61: {  	_ =	shalt  }
0x62: {  	_ =	shalt  }
0x63: {  	_ =	shalt  }
0x64: {  	_ =	shalt  }
0x65: {  	_ =	shalt  }
0x66: {  	_ =	shalt  }
0x67: {  	_ =	shalt  }
0x68: {  	_ =	shalt  }
0x69: {  	_ =	shalt  }
0x6a: {  	_ =	shalt  }
0x6b: {  	_ =	shalt  }
0x6c: {  	_ =	shalt  }
0x6d: {  	_ =	shalt  }
0x6e: {  	_ =	shalt  }
0x6f: {  	_ =	shalt  }
0x70: {  	_ =	shalt  }
0x71: {  	_ =	shalt  }
0x72: {  	_ =	shalt  }
0x73: {  	_ =	shalt  }
0x74: {  	_ =	shalt  }
0x75: {  	_ =	shalt  }
0x76: {  	_ =	shalt  }
0x77: {  	_ =	shalt  }
0x78: {  	_ =	shalt  }
0x79: {  	_ =	shalt  }
0x7a: {  	_ =	shalt  }
0x7b: {  	_ =	shalt  }
0x7c: {  	_ =	shalt  }
0x7d: {  	_ =	shalt  }
0x7e: {  	_ =	shalt  }
0x7f: {  	_ =	shalt  }
0x80: {  	_ =	shalt  }
0x81: {  	_ =	shalt  }
0x82: {  	_ =	shalt  }
0x83: {  	_ =	shalt  }
0x84: {  	_ =	shalt  }
0x85: {  	_ =	shalt  }
0x86: {  	_ =	shalt  }
0x87: {  	_ =	shalt  }
.Lfunc_end0:
.L_simem_size_0:
called_computation.5_lowered:
.L_overlay_start_0:
0x88: {  	s2 =	sld [smem:$0x3FD9]  }
0x89: {  	s3 =	sld [smem:$0x3FFE];
	_ =	sdelay $0x1  }
0x8a: {  	s1 =	srdreg.scid  }
0x8b: {  	s0 =	sand.u32 $0x1, s1  }
0x8c: {  	s16 =	sshll.u32 s0, $0xA;
	s2 =	sadd.s32 s3, s2  }
0x8d: {  	s2 =	sadd.s32 s2, s16  }
0x8e: {  	[smem:$0x3FC4] =	sst s2  }
0x8f: {  	_ = 	snop  }
0x90: {  	(tm) =	ssettm $0x1  }
0x91: {  	s17 =	sld [smem:$0x3FFB];
	_ =	sdelay $0x3  }
0x92: {  	_ =	strace s17  }
0x93: {  	s2 =	sld [smem:$0x3FFC];
	_ =	sdelay $0x3  }
0x94: {  	_ =	strace s2  }
0x95: {  	s2 =	sld [smem:$0x3FFD];
	_ =	sdelay $0x3  }
0x96: {  	_ =	strace s2  }
0x97: {  	_ =	strace $0x8FFFFFFF  }
0x98: {  	s18 =	sld [smem:$0x3FDB];
	_ =	sdelay $0x1  }
0x99: {  	s19 =	simm.s32 $_scs_section_size  }
0x9a: {  	s4 =	simm.s32 $_size__tile_overlayer_lowered;
	s5 =	simm.s32 $_tile_overlayer_lowered  }
0x9b: {  	s22 =	simm.s32 $0x1BFF;
	s21 =	sshll.u32 s5, $0x1;
	s2 =	sadd.s32 s19, s18  }
0x9c: {  	s6 =	simm.s32 $0x0;
	s20 =	sshll.u32 s4, $0x1;
	s4 =	sadd.s32 s21, s2  }
0x9d: {  	[timem:s6], [sflag:s22] =	dma.local [hbm:s4], s20  }
0x9e: {  	_ =	swait.ge [sflag:s22], s20  }
0x9f: {  	s3 =	ssub.s32 $0x0, s20;
	[sflag:s22] =	ssyncset.done $0x0  }
0xa0: {  	[sflag:s22] =	ssyncadd.s32 s3;
	_ =	sdelay $0x1  }
0xa1: {  	s23 =	simm.s32 $0x1B8B  }
0xa2: {  	_ =	swait.ge [sflag:s23], $0x1  }
0xa3: {  	[sflag:s23] =	ssyncset.done $0x0  }
0xa4: {  	s25 =	simm.s32 $0x1B8E;
	s24 =	sld [smem:$0x3FFE];
	[sflag:s23] =	ssyncadd.s32 $0xFFFFFFFF  }
0xa5: {  	s26 =	simm.s32 $execute0_lowered;
	[smem:$0x3FD2] =	sst s25  }
0xa6: {  	s4 =	sshll.u32 s26, $0x1;
	_ =	strace $0x80000055;
	[dreg:$0x1] =	wrdreg $0xFFFFFFFF  }
0xa7: {  	s28 =	simm.s32 $_size_execute0_lowered;
	s2 =	sadd.s32 s2, s4;
	[dreg:$0x0] =	wrdreg $0x0  }
0xa8: {  	s4 =	sshll.u32 s28, $0x1;
	[dreg:$0x2] =	wrdreg s2  }
0xa9: {  	[dreg:$0x3] =	wrdreg s4  }
0xaa: {  	[dreg:$0x4] =	wrdreg $0xC0  }
0xab: {  	_ =	task [dreg:s6], $0x5FFFF  }
0xac: {  	[dreg:$0x1] =	wrdreg $0xFFFFFFFF  }
0xad: {  	[dreg:$0x0] =	wrdreg $0x60  }
0xae: {  	[dreg:$0x2] =	wrdreg s24  }
0xaf: {  	[dreg:$0x3] =	wrdreg $0x41000  }
0xb0: {  	[dreg:$0x4] =	wrdreg $0x9  }
0xb1: {  	_ =	task.clear_ibuf [dreg:s6], $0x5FFFF;
	_ =	strace $0x90000055  }
0xb2: {  	s29 =	simm.s32 $0x9;
	_ =	strace $0x80000057  }
0xb3: {  	_ =	swait.ge [sflag:s29], $0x1  }
0xb4: {  	[sflag:s29] =	ssyncadd.s32 $0xFFFFFFFF  }
0xb5: {  	_ =	strace $0x90000057  }
0xb6: {  	_ =	sfence  }
0xb7: {  	s30 =	sld [smem:$0x0];
	_ =	sdelay $0x2  }
0xb8: {  	s31 =	sshll.u32 s1, $0xD;
	s1 =	sshrl.u32 s1, $0x2  }
0xb9: {  	s3 =	sand.u32 $0x4000, s31;
	s1 =	sadd.s32 s1, s30  }
0xba: {  	s0 =	sor.u32 s3, s0;
	s1 =	sshll.u32 s1, $0x11  }
0xbb: {  	s0 =	sor.u32 s1, s0  }
0xbc: {  	s0 =	sadd.s32 $0x8F2B, s0  }
0xbd: {  	[sflag:s0] =	ssyncadd.remote.s32 $0x1  }
0xbe: {  	_ =	sfence.sel $0xFFFF  }
0xbf: {  	[dreg:$0x0] =	wrdreg $0xFFFFFFFF;
	(pc) =	sbr.abs _section_cstart, $3  }
0xc0: {  	[dreg:$0x1] =	wrdreg $0xFFFFFFFF  }
0xc1: {  	_ =	task.clear_ibuf [dreg:s6], $0x2FFFF;
	_ =	strace $0x9FFFFFFF  }
0xc2: {  	(tm) =	ssettm $0x7FFFFFFF  }
0xc3: {  	_ =	shalt  }
tec
execute0_lowered:
.L_overlay_start_1:
0x0: {  	(tag) =	ssettag $0x1  }
0x1: {  	s5 =	rddreg [dreg:$0x0];
	s0 =	srdreg.scid  }
0x2: {  	s2 =	rddreg [dreg:$0x1];
	s1 =	stileid.u32  }
0x3: {  	s3 =	simm.s32 $0x0;
	s13 =	simm.s32 $0x80;
	s8 =	smul.u32 $0x13C00, s1  }
0x4: {  	s14 =	simm.s32 $0x100;
	s15 =	simm.s32 $0x1;
	s26 =	smul.u32 $0x4F000, s1  }
0x5: {  	s6 =	sand.u32 $0x1, s0;
	s0 =	rddreg [dreg:$0x2];
	s30 =	smul.u32 $0x4F0, s1  }
0x6: {  	s16 =	simm.s32 $0x0;
	[smem:$0x7FF] =	sst s3;
	s7 =	smul.u32 $0x4F00, s6  }
0x7: {  	s4 =	sadd.s32 $0xDF200, s5;
	s31 =	sshll.u32 s1, $0x6;
	s9 =	smul.u32 $0x13C000, s6  }
0x8: {  	_ =	strace $0x80000056;
	s6 =	ssub.s32 $0x2, s6;
	s25 =	sshrl.u32 s8, $0x3  }
0x9: {  	s28 =	sshrl.u32 s6, $0x1;
	s29 =	sshrl.u32 s26, $0x2;
	s10 =	sadd.s32 s7, s5  }
0xa: {  	s8 =	sadd.s32 s8, s9;
	s7 =	sadd.s32 s25, s5;
	s11 =	ssub.s32 s6, s28  }
0xb: {  	s12 =	sadd.s32 s29, s2;
	s6 =	sor.u32 $0x1C02, s31;
	s8 =	sshrl.u32 s8, $0x3  }
0xc: {  	s10 =	sadd.s32 s30, s10;
	s8 =	sadd.s32 s8, s5;
	s5 =	sadd.s32 $0x1B200, s7  }
0xd: {  	s9 =	sadd.s32 $0x7600, s10;
	s10 =	sadd.s32 $0x11400, s10;
	s7 =	sadd.s32 $0x106400, s8  }
0xe: {  	s8 =	smax.u32 s11, $0x1;
	s11 =	sshrl.u32 s12, $0x3;
	s12 =	simm.s32 $0x2  }
.LBB2_1:
0xf: {  	[spmem:s11], [sflag:s6] =	dma.local [hbm:s5], $0x2780  }
0x10: {  	_ =	swait.ge [sflag:s12], $0x2780  }
0x11: {  	[sflag:s12] =	ssyncset.done $0x0  }
0x12: {  	[sflag:s12] =	ssyncadd.s32 $0xFFFFD880  }
0x13: {  	s17 =	sadd.s32 $0x0, s10;
	[bflag:$0x0] =	sbarrier.arrive $0xFFFF  }
0x14: {  	[tilespmem:s3], [sflag:$0x2] =	stream.linear.gather [hbm4b:s17+s3], $0x80, $0x38;
	[tilespmem:$0x17D00] =	vst v63  }
0x15: {  	_ =	swait.ge [sflag:s12], $0x80  }
0x16: {  	[sflag:s12] =	ssyncset.done $0x0  }
0x17: {  	s31 =	sadd.s32 $0x0, s9;
	[sflag:s12] =	ssyncadd.s32 $0xFFFFFF80  }
0x18: {  	[tilespmem:s13], [sflag:$0x2] =	stream.linear.gather [hbm4b:s31+s3], $0x80, $0x38;
	[tilespmem:$0x17D00] =	vst v63  }
0x19: {  	_ =	swait.ge [sflag:s12], $0x80  }
0x1a: {  	[sflag:s12] =	ssyncset.done $0x0  }
0x1b: {  	[sflag:s12] =	ssyncadd.s32 $0xFFFFFF80  }
0x1c: {  	[tilespmem:s14], [sflag:$0x1] =	stream.indirect.gather [hbm4b:s4+s13], $0x80, s3, s13, $0xb8;
	[tilespmem:$0x17D00] =	vst v63  }
0x1d: {  	_ =	swait.ge [sflag:s15], $0x4000  }
0x1e: {  	[sflag:s15] =	ssyncset.done $0x0  }
0x1f: {  	[sflag:s15] =	ssyncadd.s32 $0xFFFFC000  }
0x20: {  	[spmem:s2] =	stream.indirect.scatter.add.f32 [tilespmem:s14], [sflag:$0x2], $0x80, s13, s13, $0xb8;
	[tilespmem:$0x17D00] =	vst v63  }
0x21: {  	_ =	swait.ge [sflag:s12], $0x4000  }
0x22: {  	s18 =	simm.s32 $0x20;
	s17 =	simm.s32 $0x10;
	[sflag:s12] =	ssyncset.done $0x0  }
.LBB2_2:
0x23: {  	s19 =	sadd.s32 s17, s10  }
0x24: {  	[sflag:s12] =	ssyncadd.s32 $0xFFFFC000;
	s20 =	smov.u32 s18;
	s21 =	sadd.s32 $0x10, s18  }
0x25: {  	[tilespmem:s3], [sflag:$0x2] =	stream.linear.gather [hbm4b:s19+s3], $0x80, $0x38;
	[tilespmem:$0x17D00] =	vst v63  }
0x26: {  	p0 =	sne.s32 s18, $0x4E0;
	_ =	swait.ge [sflag:s12], $0x80  }
0x27: {  	[sflag:s12] =	ssyncset.done $0x0  }
0x28: {  	s18 =	sadd.s32 s17, s9;
	s17 =	smov.u32 s20;
	[sflag:s12] =	ssyncadd.s32 $0xFFFFFF80  }
0x29: {  	[tilespmem:s13], [sflag:$0x2] =	stream.linear.gather [hbm4b:s18+s3], $0x80, $0x38;
	[tilespmem:$0x17D00] =	vst v63  }
0x2a: {  	_ =	swait.ge [sflag:s12], $0x80  }
0x2b: {  	[sflag:s12] =	ssyncset.done $0x0  }
0x2c: {  	[sflag:s12] =	ssyncadd.s32 $0xFFFFFF80  }
0x2d: {  	[tilespmem:s14], [sflag:$0x1] =	stream.indirect.gather [hbm4b:s4+s13], $0x80, s3, s13, $0xb8;
	[tilespmem:$0x17D00] =	vst v63  }
0x2e: {  	_ =	swait.ge [sflag:s15], $0x4000  }
.Ltmp0:
0x2f: {  	[sflag:s15] =	ssyncset.done $0x0;
	(pc) =	sbr.rel @p0 .LBB2_2-.Ltmp0, $4  }
0x30: {  	[sflag:s15] =	ssyncadd.s32 $0xFFFFC000  }
0x31: {  	[spmem:s2] =	stream.indirect.scatter.add.f32 [tilespmem:s14], [sflag:$0x2], $0x80, s13, s13, $0xb8;
	[tilespmem:$0x17D00] =	vst v63  }
0x32: {  	_ =	swait.ge [sflag:s12], $0x4000  }
0x33: {  	s18 =	smov.u32 s21;
	[sflag:s12] =	ssyncset.done $0x0  }
0x34: {  	s18 =	sadd.s32 s17, s10;
	[sflag:s12] =	ssyncadd.s32 $0xFFFFC000  }
0x35: {  	[tilespmem:s3], [sflag:$0x2] =	stream.linear.gather [hbm4b:s18+s3], $0x80, $0x38;
	[tilespmem:$0x17D00] =	vst v63  }
0x36: {  	_ =	swait.ge [sflag:s12], $0x80  }
0x37: {  	[sflag:s12] =	ssyncset.done $0x0  }
0x38: {  	s31 =	sadd.s32 s17, s9;
	[sflag:s12] =	ssyncadd.s32 $0xFFFFFF80  }
0x39: {  	[tilespmem:s13], [sflag:$0x2] =	stream.linear.gather [hbm4b:s31+s3], $0x80, $0x38;
	[tilespmem:$0x17D00] =	vst v63  }
0x3a: {  	_ =	swait.ge [sflag:s12], $0x80  }
0x3b: {  	[sflag:s12] =	ssyncset.done $0x0  }
0x3c: {  	[sflag:s12] =	ssyncadd.s32 $0xFFFFFF80  }
0x3d: {  	[tilespmem:s14], [sflag:$0x1] =	stream.indirect.gather [hbm4b:s4+s13], $0x80, s3, s13, $0xb8;
	[tilespmem:$0x17D00] =	vst v63  }
0x3e: {  	_ =	swait.ge [sflag:s15], $0x4000  }
0x3f: {  	[sflag:s15] =	ssyncset.done $0x0  }
0x40: {  	[sflag:s15] =	ssyncadd.s32 $0xFFFFC000  }
0x41: {  	[spmem:s2] =	stream.indirect.scatter.add.f32 [tilespmem:s14], [sflag:$0x2], $0x80, s13, s13, $0xb8;
	[tilespmem:$0x17D00] =	vst v63  }
0x42: {  	_ =	swait.ge [sflag:s12], $0x4000  }
0x43: {  	s16 =	sadd.s32 $0x1, s16;
	[sflag:s12] =	ssyncset.done $0x0  }
0x44: {  	p0 =	sne.s32 s16, s8;
	[sflag:s12] =	ssyncadd.s32 $0xFFFFC000  }
.Ltmp1:
0x45: {  	[bflag:$0x0] =	sbarrier.arrive $0xFFFF;
	(pc) =	sbr.rel @p0 .LBB2_1-.Ltmp1, $4  }
0x46: {  	[hbm:s7], [sflag:s6] =	dma.local [spmem:s11], $0x2780  }
0x47: {  	_ =	swait.ge [sflag:s12], $0x2780  }
0x48: {  	[sflag:s12] =	ssyncset.done $0x0  }
0x49: {  	[sflag:s12] =	ssyncadd.s32 $0xFFFFD880  }
0x4a: {  	_ =	sfence.sel $0x180000  }
0x4b: {  	[bflag:$0x0] =	sbarrier.arrive $0xFFFF  }
0x4c: {  	p0 =	sne.s32 s1, $0x0;
	_ =	strace $0x90000056  }
0x4d: {  	s0 =	sadd.s32 @!p0 $0x100000, s0;
	[bflag:$0x2] =	sbarrier.arrive $0xFFFF  }
0x4e: {  	[sflag:s0] =	ssyncadd.tile.s32 @!p0 $0x1;
	_ =	shalt  }
.Lfunc_end2:
_tile_overlayer_lowered:
.L_overlay_start_2:
0x4f: {  	(tag) =	ssettag $0x2  }
0x50: {  	s0 =	rddreg [dreg:$0x0];
	s2 =	stileid.u32  }
0x51: {  	s1 =	rddreg [dreg:$0x1];
	p0 =	sne.s32 s2, $0x0  }
0x52: {  	s3 =	rddreg [dreg:$0x2];
	[bflag:$0x3] =	sbarrier.arrive $0xFFFF;
	s2 =	simm.s32 @!p0 $0x1C02  }
0x53: {  	[timem:s3], [sflag:s2] =	dma.local @!p0 [hbm:s0], s1  }
0x54: {  	s0 =	simm.s32 @!p0 $0x2  }
0x55: {  	_ =	swait.ge @!p0 [sflag:s0], s1  }
0x56: {  	s1 =	ssub.s32 @!p0 $0x0, s1;
	[sflag:s0] =	ssyncset.done @!p0 $0x0  }
0x57: {  	[sflag:s0] =	ssyncadd.s32 @!p0 s1  }
0x58: {  	[bflag:$0x3] =	sbarrier.arrive $0xFFFF  }
0x59: {  	_ =	shalt  }

// kernel: kernel.43.cloned.1.call-start
scs
__scs_entry_jumppad:
0x0: {  	(pc) =	sbr.rel $0x88, $3  }
0x1: {  	(tag) =	ssettag $0x0;
	lr =	simm.s32 $0x1  }
0x2: {  	[smem:$0x3F9D] =	sst lr;
	_ =	strace $0xD0000000  }
0x3: {  	_ = 	snop  }
0x4: {  	_ = 	snop  }
0x5: {  	_ = 	snop  }
0x6: {  	_ = 	snop  }
0x7: {  	_ = 	snop  }
__scs_overlays_trampoline_lowered:
0x8: {  	[smem:$0x3FAC] =	sst s0  }
0x9: {  	[smem:$0x3FAD] =	sst s1  }
0xa: {  	[smem:$0x3FAE] =	sst s2  }
0xb: {  	[smem:$0x3FAF] =	sst s3  }
0xc: {  	[smem:$0x3FB0] =	sst s4  }
0xd: {  	[smem:$0x3FB1] =	sst s5  }
0xe: {  	[smem:$0x3FB2] =	sst s6  }
0xf: {  	[smem:$0x3FB3] =	sst s7  }
0x10: {  	[smem:$0x3FB4] =	sst s8  }
0x11: {  	[smem:$0x3FB5] =	sst s9;
	s0 =	simm.s32 @!p0 $0x0  }
0x12: {  	s1 =	sld [smem:$0x3F9B];
	s0 =	simm.s32 @p0 $0x1  }
0x13: {  	[smem:$0x3FB6] =	sst s0;
	s0 =	simm.s32 @!p1 $0x0  }
0x14: {  	s2 =	sld [smem:$0x3F9A];
	s0 =	simm.s32 @p1 $0x1  }
0x15: {  	[smem:$0x3FB7] =	sst s0;
	s0 =	simm.s32 @!p2 $0x0  }
0x16: {  	s3 =	sld [smem:$0x3FDB];
	s0 =	simm.s32 @p2 $0x1  }
0x17: {  	s4 =	simm.s32 $0x1BF5;
	[smem:$0x3FB9] =	sst s0  }
0x18: {  	s0 =	sld [smem:$0x3F9C];
	_ =	swait.ge [sflag:s4], $0x0  }
0x19: {  	s7 =	sld [smem:$0x3F9D]  }
0x1a: {  	s8 =	sadd.s32 $0xFFFFE003, lr  }
0x1b: {  	s9 =	sadd.s32 $0xFFFFFEF7, lr;
	s5 =	simm.s32 $0xFFFFFFFF;
	p2 =	slt.u32 s8, $0xFFFFF086  }
0x1c: {  	p1 =	slt.u32 s9, $0xF7A;
	s5 =	simm.s32 @!p2 $0x0  }
0x1d: {  	s5 =	simm.s32 @p1 $0x1;
	p0 =	seq.s32 s7, s2  }
0x1e: {  	s7 =	smul.u32 @!p0 $0xF7A, s2;
	p2 =	seq.s32 @!p0 s5, $0x0  }
0x1f: {  	s9 =	smul.u32 $0xF7A, s1;
	s8 =	simm.s32 @!p0 $0x1BF5;
	p2 =	por !p2, p0  }
0x20: {  	[sflag:s8] =	ssyncset.s32 @!p0 $0xFFFFF086;
	s6 =	sadd.s32 @!p0 s3, s7;
	s7 =	simm.s32 @!p0 $0x108  }
0x21: {  	s3 =	sadd.s32 s3, s9;
	s6 =	sadd.s32 @!p0 $0x88, s6;
	s7 =	simm.s32 @p2 $0x1082  }
0x22: {  	[simem:s7], [sflag:s8] =	dma.local @!p0 [hbm:s6], $0xF7A  }
0x23: {  	s9 =	sor.u32 $0xD0000000, s2;
	s6 =	simm.s32 $0x108;
	_ =	swait.ge @!p0 [sflag:s8], $0x0  }
0x24: {  	s3 =	sadd.s32 $0x88, s3;
	s6 =	simm.s32 @!p1 $0x1082;
	[sflag:s4] =	ssyncset.s32 $0xFFFFF086  }
0x25: {  	[simem:s6], [sflag:s4] =	dma.local [hbm:s3], $0xF7A  }
0x26: {  	[smem:$0x3F9D] =	sst s1;
	(tag) =	ssettag s2;
	_ =	strace s9  }
0x27: {  	s1 =	sld [smem:$0x3FAD]  }
0x28: {  	s2 =	sld [smem:$0x3FAE]  }
0x29: {  	s4 =	sld [smem:$0x3FB0]  }
0x2a: {  	p0 =	seq.s32 s5, $0x0;
	s5 =	sld [smem:$0x3FB1]  }
0x2b: {  	s6 =	sld [smem:$0x3FB2]  }
0x2c: {  	s7 =	sld [smem:$0x3FB3]  }
0x2d: {  	s3 =	simm.s32 $0x108;
	s8 =	sld [smem:$0x3FB4]  }
0x2e: {  	s3 =	simm.s32 @!p0 $0x1082;
	s9 =	sld [smem:$0x3FB5]  }
0x2f: {  	lr =	sadd.s32 s0, s3;
	s0 =	sld [smem:$0x3FAC]  }
0x30: {  	s3 =	sld [smem:$0x3FAF]  }
0x31: {  	[smem:$0x3FB8] =	sst s10  }
0x32: {  	s10 =	sld [smem:$0x3FB6];
	_ =	sdelay $0x3  }
0x33: {  	p0 =	seq.s32 s10, $0x1;
	s10 =	sld [smem:$0x3FB8];
	_ =	sdelay $0x3  }
0x34: {  	[smem:$0x3FB8] =	sst s10  }
0x35: {  	s10 =	sld [smem:$0x3FB7];
	_ =	sdelay $0x3  }
0x36: {  	p1 =	seq.s32 s10, $0x1;
	s10 =	sld [smem:$0x3FB8];
	_ =	sdelay $0x3  }
0x37: {  	[smem:$0x3FB8] =	sst s10  }
0x38: {  	s10 =	sld [smem:$0x3FB9]  }
0x39: {  	_ = 	snop;
	(pc) =	sbr.ind lr, $3  }
0x3a: {  	_ = 	snop  }
0x3b: {  	_ = 	snop  }
0x3c: {  	p2 =	seq.s32 s10, $0x1;
	s10 =	sld [smem:$0x3FB8]  }
0x3d: {  	_ =	shalt  }
0x3e: {  	_ =	shalt  }
0x3f: {  	_ =	shalt  }
0x40: {  	_ =	shalt  }
0x41: {  	_ =	shalt  }
0x42: {  	_ =	shalt  }
0x43: {  	_ =	shalt  }
0x44: {  	_ =	shalt  }
0x45: {  	_ =	shalt  }
0x46: {  	_ =	shalt  }
0x47: {  	_ =	shalt  }
0x48: {  	_ =	shalt  }
0x49: {  	_ =	shalt  }
0x4a: {  	_ =	shalt  }
0x4b: {  	_ =	shalt  }
0x4c: {  	_ =	shalt  }
0x4d: {  	_ =	shalt  }
0x4e: {  	_ =	shalt  }
0x4f: {  	_ =	shalt  }
0x50: {  	_ =	shalt  }
0x51: {  	_ =	shalt  }
0x52: {  	_ =	shalt  }
0x53: {  	_ =	shalt  }
0x54: {  	_ =	shalt  }
0x55: {  	_ =	shalt  }
0x56: {  	_ =	shalt  }
0x57: {  	_ =	shalt  }
0x58: {  	_ =	shalt  }
0x59: {  	_ =	shalt  }
0x5a: {  	_ =	shalt  }
0x5b: {  	_ =	shalt  }
0x5c: {  	_ =	shalt  }
0x5d: {  	_ =	shalt  }
0x5e: {  	_ =	shalt  }
0x5f: {  	_ =	shalt  }
0x60: {  	_ =	shalt  }
0x61: {  	_ =	shalt  }
0x62: {  	_ =	shalt  }
0x63: {  	_ =	shalt  }
0x64: {  	_ =	shalt  }
0x65: {  	_ =	shalt  }
0x66: {  	_ =	shalt  }
0x67: {  	_ =	shalt  }
0x68: {  	_ =	shalt  }
0x69: {  	_ =	shalt  }
0x6a: {  	_ =	shalt  }
0x6b: {  	_ =	shalt  }
0x6c: {  	_ =	shalt  }
0x6d: {  	_ =	shalt  }
0x6e: {  	_ =	shalt  }
0x6f: {  	_ =	shalt  }
0x70: {  	_ =	shalt  }
0x71: {  	_ =	shalt  }
0x72: {  	_ =	shalt  }
0x73: {  	_ =	shalt  }
0x74: {  	_ =	shalt  }
0x75: {  	_ =	shalt  }
0x76: {  	_ =	shalt  }
0x77: {  	_ =	shalt  }
0x78: {  	_ =	shalt  }
0x79: {  	_ =	shalt  }
0x7a: {  	_ =	shalt  }
0x7b: {  	_ =	shalt  }
0x7c: {  	_ =	shalt  }
0x7d: {  	_ =	shalt  }
0x7e: {  	_ =	shalt  }
0x7f: {  	_ =	shalt  }
0x80: {  	_ =	shalt  }
0x81: {  	_ =	shalt  }
0x82: {  	_ =	shalt  }
0x83: {  	_ =	shalt  }
0x84: {  	_ =	shalt  }
0x85: {  	_ =	shalt  }
0x86: {  	_ =	shalt  }
0x87: {  	_ =	shalt  }
.Lfunc_end0:
.L_simem_size_0:
called_computation.6_lowered:
.L_overlay_start_0:
0x88: {  	s2 =	sld [smem:$0x3FD9]  }
0x89: {  	s3 =	sld [smem:$0x3FFE];
	_ =	sdelay $0x1  }
0x8a: {  	s1 =	srdreg.scid  }
0x8b: {  	s0 =	sand.u32 $0x1, s1  }
0x8c: {  	s16 =	sshll.u32 s0, $0xA;
	s2 =	sadd.s32 s3, s2  }
0x8d: {  	s2 =	sadd.s32 s2, s16  }
0x8e: {  	[smem:$0x3FC4] =	sst s2  }
0x8f: {  	_ = 	snop  }
0x90: {  	(tm) =	ssettm $0x1  }
0x91: {  	s17 =	sld [smem:$0x3FFB];
	_ =	sdelay $0x3  }
0x92: {  	_ =	strace s17  }
0x93: {  	s2 =	sld [smem:$0x3FFC];
	_ =	sdelay $0x3  }
0x94: {  	_ =	strace s2  }
0x95: {  	s2 =	sld [smem:$0x3FFD];
	_ =	sdelay $0x3  }
0x96: {  	_ =	strace s2  }
0x97: {  	_ =	strace $0x8FFFFFFF  }
0x98: {  	s18 =	sld [smem:$0x3FDB];
	_ =	sdelay $0x1  }
0x99: {  	s19 =	simm.s32 $_scs_section_size  }
0x9a: {  	s4 =	simm.s32 $_size__tile_overlayer_lowered;
	s5 =	simm.s32 $_tile_overlayer_lowered  }
0x9b: {  	s22 =	simm.s32 $0x1BFF;
	s21 =	sshll.u32 s5, $0x1;
	s2 =	sadd.s32 s19, s18  }
0x9c: {  	s6 =	simm.s32 $0x0;
	s20 =	sshll.u32 s4, $0x1;
	s4 =	sadd.s32 s21, s2  }
0x9d: {  	[timem:s6], [sflag:s22] =	dma.local [hbm:s4], s20  }
0x9e: {  	_ =	swait.ge [sflag:s22], s20  }
0x9f: {  	s3 =	ssub.s32 $0x0, s20;
	[sflag:s22] =	ssyncset.done $0x0  }
0xa0: {  	[sflag:s22] =	ssyncadd.s32 s3;
	_ =	sdelay $0x1  }
0xa1: {  	s23 =	simm.s32 $0x1B8B  }
0xa2: {  	_ =	swait.ge [sflag:s23], $0x1  }
0xa3: {  	[sflag:s23] =	ssyncset.done $0x0  }
0xa4: {  	s25 =	simm.s32 $0x1B8E;
	s24 =	sld [smem:$0x3FFE];
	[sflag:s23] =	ssyncadd.s32 $0xFFFFFFFF  }
0xa5: {  	s26 =	simm.s32 $execute0_lowered;
	[smem:$0x3FD2] =	sst s25  }
0xa6: {  	s4 =	sshll.u32 s26, $0x1;
	_ =	strace $0x80000058;
	[dreg:$0x1] =	wrdreg $0xFFFFFFFF  }
0xa7: {  	s28 =	simm.s32 $_size_execute0_lowered;
	s2 =	sadd.s32 s2, s4;
	[dreg:$0x0] =	wrdreg $0x0  }
0xa8: {  	s4 =	sshll.u32 s28, $0x1;
	[dreg:$0x2] =	wrdreg s2  }
0xa9: {  	[dreg:$0x3] =	wrdreg s4  }
0xaa: {  	[dreg:$0x4] =	wrdreg $0xC0  }
0xab: {  	_ =	task [dreg:s6], $0x5FFFF  }
0xac: {  	[dreg:$0x1] =	wrdreg $0xFFFFFFFF  }
0xad: {  	[dreg:$0x0] =	wrdreg $0x60  }
0xae: {  	[dreg:$0x2] =	wrdreg s24  }
0xaf: {  	[dreg:$0x3] =	wrdreg $0x41000  }
0xb0: {  	[dreg:$0x4] =	wrdreg $0x9  }
0xb1: {  	_ =	task.clear_ibuf [dreg:s6], $0x5FFFF;
	_ =	strace $0x90000058  }
0xb2: {  	s29 =	simm.s32 $0x9;
	_ =	strace $0x8000005A  }
0xb3: {  	_ =	swait.ge [sflag:s29], $0x1  }
0xb4: {  	[sflag:s29] =	ssyncadd.s32 $0xFFFFFFFF  }
0xb5: {  	_ =	strace $0x9000005A  }
0xb6: {  	_ =	sfence  }
0xb7: {  	s30 =	sld [smem:$0x0];
	_ =	sdelay $0x2  }
0xb8: {  	s31 =	sshll.u32 s1, $0xD;
	s1 =	sshrl.u32 s1, $0x2  }
0xb9: {  	s3 =	sand.u32 $0x4000, s31;
	s1 =	sadd.s32 s1, s30  }
0xba: {  	s0 =	sor.u32 s3, s0;
	s1 =	sshll.u32 s1, $0x11  }
0xbb: {  	s0 =	sor.u32 s1, s0  }
0xbc: {  	s0 =	sadd.s32 $0x8F2B, s0  }
0xbd: {  	[sflag:s0] =	ssyncadd.remote.s32 $0x1  }
0xbe: {  	_ =	sfence.sel $0xFFFF  }
0xbf: {  	[dreg:$0x0] =	wrdreg $0xFFFFFFFF;
	(pc) =	sbr.abs _section_cstart, $3  }
0xc0: {  	[dreg:$0x1] =	wrdreg $0xFFFFFFFF  }
0xc1: {  	_ =	task.clear_ibuf [dreg:s6], $0x2FFFF;
	_ =	strace $0x9FFFFFFF  }
0xc2: {  	(tm) =	ssettm $0x7FFFFFFF  }
0xc3: {  	_ =	shalt  }
tec
execute0_lowered:
.L_overlay_start_1:
0x0: {  	(tag) =	ssettag $0x1  }
0x1: {  	s5 =	rddreg [dreg:$0x0];
	s0 =	srdreg.scid  }
0x2: {  	s2 =	rddreg [dreg:$0x1];
	s1 =	stileid.u32  }
0x3: {  	s3 =	simm.s32 $0x0;
	s13 =	simm.s32 $0x80;
	s8 =	smul.u32 $0x13C00, s1  }
0x4: {  	s14 =	simm.s32 $0x100;
	s15 =	simm.s32 $0x1;
	s26 =	smul.u32 $0x4F000, s1  }
0x5: {  	s6 =	sand.u32 $0x1, s0;
	s0 =	rddreg [dreg:$0x2];
	s30 =	smul.u32 $0x4F0, s1  }
0x6: {  	s16 =	simm.s32 $0x0;
	[smem:$0x7FF] =	sst s3;
	s7 =	smul.u32 $0x4F00, s6  }
0x7: {  	s4 =	sadd.s32 $0x106400, s5;
	s31 =	sshll.u32 s1, $0x6;
	s9 =	smul.u32 $0x13C000, s6  }
0x8: {  	_ =	strace $0x80000059;
	s6 =	ssub.s32 $0x2, s6;
	s25 =	sshrl.u32 s8, $0x3  }
0x9: {  	s28 =	sshrl.u32 s6, $0x1;
	s29 =	sshrl.u32 s26, $0x2;
	s10 =	sadd.s32 s7, s5  }
0xa: {  	s8 =	sadd.s32 s8, s9;
	s7 =	sadd.s32 s25, s5;
	s11 =	ssub.s32 s6, s28  }
0xb: {  	s12 =	sadd.s32 s29, s2;
	s6 =	sor.u32 $0x1C02, s31;
	s8 =	sshrl.u32 s8, $0x3  }
0xc: {  	s10 =	sadd.s32 s30, s10;
	s8 =	sadd.s32 s8, s5;
	s5 =	sadd.s32 $0x1B200, s7  }
0xd: {  	s9 =	sadd.s32 $0x7600, s10;
	s10 =	sadd.s32 $0x11400, s10;
	s7 =	sadd.s32 $0x12D600, s8  }
0xe: {  	s8 =	smax.u32 s11, $0x1;
	s11 =	sshrl.u32 s12, $0x3;
	s12 =	simm.s32 $0x2  }
.LBB2_1:
0xf: {  	[spmem:s11], [sflag:s6] =	dma.local [hbm:s5], $0x2780  }
0x10: {  	_ =	swait.ge [sflag:s12], $0x2780  }
0x11: {  	[sflag:s12] =	ssyncset.done $0x0  }
0x12: {  	[sflag:s12] =	ssyncadd.s32 $0xFFFFD880  }
0x13: {  	s17 =	sadd.s32 $0x0, s10;
	[bflag:$0x0] =	sbarrier.arrive $0xFFFF  }
0x14: {  	[tilespmem:s3], [sflag:$0x2] =	stream.linear.gather [hbm4b:s17+s3], $0x80, $0x38;
	[tilespmem:$0x17D00] =	vst v63  }
0x15: {  	_ =	swait.ge [sflag:s12], $0x80  }
0x16: {  	[sflag:s12] =	ssyncset.done $0x0  }
0x17: {  	s31 =	sadd.s32 $0x0, s9;
	[sflag:s12] =	ssyncadd.s32 $0xFFFFFF80  }
0x18: {  	[tilespmem:s13], [sflag:$0x2] =	stream.linear.gather [hbm4b:s31+s3], $0x80, $0x38;
	[tilespmem:$0x17D00] =	vst v63  }
0x19: {  	_ =	swait.ge [sflag:s12], $0x80  }
0x1a: {  	[sflag:s12] =	ssyncset.done $0x0  }
0x1b: {  	[sflag:s12] =	ssyncadd.s32 $0xFFFFFF80  }
0x1c: {  	[tilespmem:s14], [sflag:$0x1] =	stream.indirect.gather [hbm4b:s4+s13], $0x80, s3, s13, $0xb8;
	[tilespmem:$0x17D00] =	vst v63  }
0x1d: {  	_ =	swait.ge [sflag:s15], $0x4000  }
0x1e: {  	[sflag:s15] =	ssyncset.done $0x0  }
0x1f: {  	[sflag:s15] =	ssyncadd.s32 $0xFFFFC000  }
0x20: {  	[spmem:s2] =	stream.indirect.scatter.add.f32 [tilespmem:s14], [sflag:$0x2], $0x80, s13, s13, $0xb8;
	[tilespmem:$0x17D00] =	vst v63  }
0x21: {  	_ =	swait.ge [sflag:s12], $0x4000  }
0x22: {  	s18 =	simm.s32 $0x20;
	s17 =	simm.s32 $0x10;
	[sflag:s12] =	ssyncset.done $0x0  }
.LBB2_2:
0x23: {  	s19 =	sadd.s32 s17, s10  }
0x24: {  	[sflag:s12] =	ssyncadd.s32 $0xFFFFC000;
	s20 =	smov.u32 s18;
	s21 =	sadd.s32 $0x10, s18  }
0x25: {  	[tilespmem:s3], [sflag:$0x2] =	stream.linear.gather [hbm4b:s19+s3], $0x80, $0x38;
	[tilespmem:$0x17D00] =	vst v63  }
0x26: {  	p0 =	sne.s32 s18, $0x4E0;
	_ =	swait.ge [sflag:s12], $0x80  }
0x27: {  	[sflag:s12] =	ssyncset.done $0x0  }
0x28: {  	s18 =	sadd.s32 s17, s9;
	s17 =	smov.u32 s20;
	[sflag:s12] =	ssyncadd.s32 $0xFFFFFF80  }
0x29: {  	[tilespmem:s13], [sflag:$0x2] =	stream.linear.gather [hbm4b:s18+s3], $0x80, $0x38;
	[tilespmem:$0x17D00] =	vst v63  }
0x2a: {  	_ =	swait.ge [sflag:s12], $0x80  }
0x2b: {  	[sflag:s12] =	ssyncset.done $0x0  }
0x2c: {  	[sflag:s12] =	ssyncadd.s32 $0xFFFFFF80  }
0x2d: {  	[tilespmem:s14], [sflag:$0x1] =	stream.indirect.gather [hbm4b:s4+s13], $0x80, s3, s13, $0xb8;
	[tilespmem:$0x17D00] =	vst v63  }
0x2e: {  	_ =	swait.ge [sflag:s15], $0x4000  }
.Ltmp0:
0x2f: {  	[sflag:s15] =	ssyncset.done $0x0;
	(pc) =	sbr.rel @p0 .LBB2_2-.Ltmp0, $4  }
0x30: {  	[sflag:s15] =	ssyncadd.s32 $0xFFFFC000  }
0x31: {  	[spmem:s2] =	stream.indirect.scatter.add.f32 [tilespmem:s14], [sflag:$0x2], $0x80, s13, s13, $0xb8;
	[tilespmem:$0x17D00] =	vst v63  }
0x32: {  	_ =	swait.ge [sflag:s12], $0x4000  }
0x33: {  	s18 =	smov.u32 s21;
	[sflag:s12] =	ssyncset.done $0x0  }
0x34: {  	s18 =	sadd.s32 s17, s10;
	[sflag:s12] =	ssyncadd.s32 $0xFFFFC000  }
0x35: {  	[tilespmem:s3], [sflag:$0x2] =	stream.linear.gather [hbm4b:s18+s3], $0x80, $0x38;
	[tilespmem:$0x17D00] =	vst v63  }
0x36: {  	_ =	swait.ge [sflag:s12], $0x80  }
0x37: {  	[sflag:s12] =	ssyncset.done $0x0  }
0x38: {  	s31 =	sadd.s32 s17, s9;
	[sflag:s12] =	ssyncadd.s32 $0xFFFFFF80  }
0x39: {  	[tilespmem:s13], [sflag:$0x2] =	stream.linear.gather [hbm4b:s31+s3], $0x80, $0x38;
	[tilespmem:$0x17D00] =	vst v63  }
0x3a: {  	_ =	swait.ge [sflag:s12], $0x80  }
0x3b: {  	[sflag:s12] =	ssyncset.done $0x0  }
0x3c: {  	[sflag:s12] =	ssyncadd.s32 $0xFFFFFF80  }
0x3d: {  	[tilespmem:s14], [sflag:$0x1] =	stream.indirect.gather [hbm4b:s4+s13], $0x80, s3, s13, $0xb8;
	[tilespmem:$0x17D00] =	vst v63  }
0x3e: {  	_ =	swait.ge [sflag:s15], $0x4000  }
0x3f: {  	[sflag:s15] =	ssyncset.done $0x0  }
0x40: {  	[sflag:s15] =	ssyncadd.s32 $0xFFFFC000  }
0x41: {  	[spmem:s2] =	stream.indirect.scatter.add.f32 [tilespmem:s14], [sflag:$0x2], $0x80, s13, s13, $0xb8;
	[tilespmem:$0x17D00] =	vst v63  }
0x42: {  	_ =	swait.ge [sflag:s12], $0x4000  }
0x43: {  	s16 =	sadd.s32 $0x1, s16;
	[sflag:s12] =	ssyncset.done $0x0  }
0x44: {  	p0 =	sne.s32 s16, s8;
	[sflag:s12] =	ssyncadd.s32 $0xFFFFC000  }
.Ltmp1:
0x45: {  	[bflag:$0x0] =	sbarrier.arrive $0xFFFF;
	(pc) =	sbr.rel @p0 .LBB2_1-.Ltmp1, $4  }
0x46: {  	[hbm:s7], [sflag:s6] =	dma.local [spmem:s11], $0x2780  }
0x47: {  	_ =	swait.ge [sflag:s12], $0x2780  }
0x48: {  	[sflag:s12] =	ssyncset.done $0x0  }
0x49: {  	[sflag:s12] =	ssyncadd.s32 $0xFFFFD880  }
0x4a: {  	_ =	sfence.sel $0x180000  }
0x4b: {  	[bflag:$0x0] =	sbarrier.arrive $0xFFFF  }
0x4c: {  	p0 =	sne.s32 s1, $0x0;
	_ =	strace $0x90000059  }
0x4d: {  	s0 =	sadd.s32 @!p0 $0x100000, s0;
	[bflag:$0x2] =	sbarrier.arrive $0xFFFF  }
0x4e: {  	[sflag:s0] =	ssyncadd.tile.s32 @!p0 $0x1;
	_ =	shalt  }
.Lfunc_end2:
_tile_overlayer_lowered:
.L_overlay_start_2:
0x4f: {  	(tag) =	ssettag $0x2  }
0x50: {  	s0 =	rddreg [dreg:$0x0];
	s2 =	stileid.u32  }
0x51: {  	s1 =	rddreg [dreg:$0x1];
	p0 =	sne.s32 s2, $0x0  }
0x52: {  	s3 =	rddreg [dreg:$0x2];
	[bflag:$0x3] =	sbarrier.arrive $0xFFFF;
	s2 =	simm.s32 @!p0 $0x1C02  }
0x53: {  	[timem:s3], [sflag:s2] =	dma.local @!p0 [hbm:s0], s1  }
0x54: {  	s0 =	simm.s32 @!p0 $0x2  }
0x55: {  	_ =	swait.ge @!p0 [sflag:s0], s1  }
0x56: {  	s1 =	ssub.s32 @!p0 $0x0, s1;
	[sflag:s0] =	ssyncset.done @!p0 $0x0  }
0x57: {  	[sflag:s0] =	ssyncadd.s32 @!p0 s1  }
0x58: {  	[bflag:$0x3] =	sbarrier.arrive $0xFFFF  }
0x59: {  	_ =	shalt  }

// kernel: kernel.46.cloned.1.call-start
scs
__scs_entry_jumppad:
0x0: {  	(pc) =	sbr.rel $0x88, $3  }
0x1: {  	(tag) =	ssettag $0x0;
	lr =	simm.s32 $0x1  }
0x2: {  	[smem:$0x3F9D] =	sst lr;
	_ =	strace $0xD0000000  }
0x3: {  	_ = 	snop  }
0x4: {  	_ = 	snop  }
0x5: {  	_ = 	snop  }
0x6: {  	_ = 	snop  }
0x7: {  	_ = 	snop  }
__scs_overlays_trampoline_lowered:
0x8: {  	[smem:$0x3FAC] =	sst s0  }
0x9: {  	[smem:$0x3FAD] =	sst s1  }
0xa: {  	[smem:$0x3FAE] =	sst s2  }
0xb: {  	[smem:$0x3FAF] =	sst s3  }
0xc: {  	[smem:$0x3FB0] =	sst s4  }
0xd: {  	[smem:$0x3FB1] =	sst s5  }
0xe: {  	[smem:$0x3FB2] =	sst s6  }
0xf: {  	[smem:$0x3FB3] =	sst s7  }
0x10: {  	[smem:$0x3FB4] =	sst s8  }
0x11: {  	[smem:$0x3FB5] =	sst s9;
	s0 =	simm.s32 @!p0 $0x0  }
0x12: {  	s1 =	sld [smem:$0x3F9B];
	s0 =	simm.s32 @p0 $0x1  }
0x13: {  	[smem:$0x3FB6] =	sst s0;
	s0 =	simm.s32 @!p1 $0x0  }
0x14: {  	s2 =	sld [smem:$0x3F9A];
	s0 =	simm.s32 @p1 $0x1  }
0x15: {  	[smem:$0x3FB7] =	sst s0;
	s0 =	simm.s32 @!p2 $0x0  }
0x16: {  	s3 =	sld [smem:$0x3FDB];
	s0 =	simm.s32 @p2 $0x1  }
0x17: {  	s4 =	simm.s32 $0x1BF5;
	[smem:$0x3FB9] =	sst s0  }
0x18: {  	s0 =	sld [smem:$0x3F9C];
	_ =	swait.ge [sflag:s4], $0x0  }
0x19: {  	s7 =	sld [smem:$0x3F9D]  }
0x1a: {  	s8 =	sadd.s32 $0xFFFFE003, lr  }
0x1b: {  	s9 =	sadd.s32 $0xFFFFFEF7, lr;
	s5 =	simm.s32 $0xFFFFFFFF;
	p2 =	slt.u32 s8, $0xFFFFF086  }
0x1c: {  	p1 =	slt.u32 s9, $0xF7A;
	s5 =	simm.s32 @!p2 $0x0  }
0x1d: {  	s5 =	simm.s32 @p1 $0x1;
	p0 =	seq.s32 s7, s2  }
0x1e: {  	s7 =	smul.u32 @!p0 $0xF7A, s2;
	p2 =	seq.s32 @!p0 s5, $0x0  }
0x1f: {  	s9 =	smul.u32 $0xF7A, s1;
	s8 =	simm.s32 @!p0 $0x1BF5;
	p2 =	por !p2, p0  }
0x20: {  	[sflag:s8] =	ssyncset.s32 @!p0 $0xFFFFF086;
	s6 =	sadd.s32 @!p0 s3, s7;
	s7 =	simm.s32 @!p0 $0x108  }
0x21: {  	s3 =	sadd.s32 s3, s9;
	s6 =	sadd.s32 @!p0 $0x88, s6;
	s7 =	simm.s32 @p2 $0x1082  }
0x22: {  	[simem:s7], [sflag:s8] =	dma.local @!p0 [hbm:s6], $0xF7A  }
0x23: {  	s9 =	sor.u32 $0xD0000000, s2;
	s6 =	simm.s32 $0x108;
	_ =	swait.ge @!p0 [sflag:s8], $0x0  }
0x24: {  	s3 =	sadd.s32 $0x88, s3;
	s6 =	simm.s32 @!p1 $0x1082;
	[sflag:s4] =	ssyncset.s32 $0xFFFFF086  }
0x25: {  	[simem:s6], [sflag:s4] =	dma.local [hbm:s3], $0xF7A  }
0x26: {  	[smem:$0x3F9D] =	sst s1;
	(tag) =	ssettag s2;
	_ =	strace s9  }
0x27: {  	s1 =	sld [smem:$0x3FAD]  }
0x28: {  	s2 =	sld [smem:$0x3FAE]  }
0x29: {  	s4 =	sld [smem:$0x3FB0]  }
0x2a: {  	p0 =	seq.s32 s5, $0x0;
	s5 =	sld [smem:$0x3FB1]  }
0x2b: {  	s6 =	sld [smem:$0x3FB2]  }
0x2c: {  	s7 =	sld [smem:$0x3FB3]  }
0x2d: {  	s3 =	simm.s32 $0x108;
	s8 =	sld [smem:$0x3FB4]  }
0x2e: {  	s3 =	simm.s32 @!p0 $0x1082;
	s9 =	sld [smem:$0x3FB5]  }
0x2f: {  	lr =	sadd.s32 s0, s3;
	s0 =	sld [smem:$0x3FAC]  }
0x30: {  	s3 =	sld [smem:$0x3FAF]  }
0x31: {  	[smem:$0x3FB8] =	sst s10  }
0x32: {  	s10 =	sld [smem:$0x3FB6];
	_ =	sdelay $0x3  }
0x33: {  	p0 =	seq.s32 s10, $0x1;
	s10 =	sld [smem:$0x3FB8];
	_ =	sdelay $0x3  }
0x34: {  	[smem:$0x3FB8] =	sst s10  }
0x35: {  	s10 =	sld [smem:$0x3FB7];
	_ =	sdelay $0x3  }
0x36: {  	p1 =	seq.s32 s10, $0x1;
	s10 =	sld [smem:$0x3FB8];
	_ =	sdelay $0x3  }
0x37: {  	[smem:$0x3FB8] =	sst s10  }
0x38: {  	s10 =	sld [smem:$0x3FB9]  }
0x39: {  	_ = 	snop;
	(pc) =	sbr.ind lr, $3  }
0x3a: {  	_ = 	snop  }
0x3b: {  	_ = 	snop  }
0x3c: {  	p2 =	seq.s32 s10, $0x1;
	s10 =	sld [smem:$0x3FB8]  }
0x3d: {  	_ =	shalt  }
0x3e: {  	_ =	shalt  }
0x3f: {  	_ =	shalt  }
0x40: {  	_ =	shalt  }
0x41: {  	_ =	shalt  }
0x42: {  	_ =	shalt  }
0x43: {  	_ =	shalt  }
0x44: {  	_ =	shalt  }
0x45: {  	_ =	shalt  }
0x46: {  	_ =	shalt  }
0x47: {  	_ =	shalt  }
0x48: {  	_ =	shalt  }
0x49: {  	_ =	shalt  }
0x4a: {  	_ =	shalt  }
0x4b: {  	_ =	shalt  }
0x4c: {  	_ =	shalt  }
0x4d: {  	_ =	shalt  }
0x4e: {  	_ =	shalt  }
0x4f: {  	_ =	shalt  }
0x50: {  	_ =	shalt  }
0x51: {  	_ =	shalt  }
0x52: {  	_ =	shalt  }
0x53: {  	_ =	shalt  }
0x54: {  	_ =	shalt  }
0x55: {  	_ =	shalt  }
0x56: {  	_ =	shalt  }
0x57: {  	_ =	shalt  }
0x58: {  	_ =	shalt  }
0x59: {  	_ =	shalt  }
0x5a: {  	_ =	shalt  }
0x5b: {  	_ =	shalt  }
0x5c: {  	_ =	shalt  }
0x5d: {  	_ =	shalt  }
0x5e: {  	_ =	shalt  }
0x5f: {  	_ =	shalt  }
0x60: {  	_ =	shalt  }
0x61: {  	_ =	shalt  }
0x62: {  	_ =	shalt  }
0x63: {  	_ =	shalt  }
0x64: {  	_ =	shalt  }
0x65: {  	_ =	shalt  }
0x66: {  	_ =	shalt  }
0x67: {  	_ =	shalt  }
0x68: {  	_ =	shalt  }
0x69: {  	_ =	shalt  }
0x6a: {  	_ =	shalt  }
0x6b: {  	_ =	shalt  }
0x6c: {  	_ =	shalt  }
0x6d: {  	_ =	shalt  }
0x6e: {  	_ =	shalt  }
0x6f: {  	_ =	shalt  }
0x70: {  	_ =	shalt  }
0x71: {  	_ =	shalt  }
0x72: {  	_ =	shalt  }
0x73: {  	_ =	shalt  }
0x74: {  	_ =	shalt  }
0x75: {  	_ =	shalt  }
0x76: {  	_ =	shalt  }
0x77: {  	_ =	shalt  }
0x78: {  	_ =	shalt  }
0x79: {  	_ =	shalt  }
0x7a: {  	_ =	shalt  }
0x7b: {  	_ =	shalt  }
0x7c: {  	_ =	shalt  }
0x7d: {  	_ =	shalt  }
0x7e: {  	_ =	shalt  }
0x7f: {  	_ =	shalt  }
0x80: {  	_ =	shalt  }
0x81: {  	_ =	shalt  }
0x82: {  	_ =	shalt  }
0x83: {  	_ =	shalt  }
0x84: {  	_ =	shalt  }
0x85: {  	_ =	shalt  }
0x86: {  	_ =	shalt  }
0x87: {  	_ =	shalt  }
.Lfunc_end0:
.L_simem_size_0:
called_computation.7_lowered:
.L_overlay_start_0:
0x88: {  	s2 =	sld [smem:$0x3FD9]  }
0x89: {  	s3 =	sld [smem:$0x3FFE];
	_ =	sdelay $0x1  }
0x8a: {  	s1 =	srdreg.scid  }
0x8b: {  	s0 =	sand.u32 $0x1, s1  }
0x8c: {  	s16 =	sshll.u32 s0, $0xA;
	s2 =	sadd.s32 s3, s2  }
0x8d: {  	s2 =	sadd.s32 s2, s16  }
0x8e: {  	[smem:$0x3FC4] =	sst s2  }
0x8f: {  	_ = 	snop  }
0x90: {  	(tm) =	ssettm $0x1  }
0x91: {  	s17 =	sld [smem:$0x3FFB];
	_ =	sdelay $0x3  }
0x92: {  	_ =	strace s17  }
0x93: {  	s2 =	sld [smem:$0x3FFC];
	_ =	sdelay $0x3  }
0x94: {  	_ =	strace s2  }
0x95: {  	s2 =	sld [smem:$0x3FFD];
	_ =	sdelay $0x3  }
0x96: {  	_ =	strace s2  }
0x97: {  	_ =	strace $0x8FFFFFFF  }
0x98: {  	s18 =	sld [smem:$0x3FDB];
	_ =	sdelay $0x1  }
0x99: {  	s19 =	simm.s32 $_scs_section_size  }
0x9a: {  	s4 =	simm.s32 $_size__tile_overlayer_lowered;
	s5 =	simm.s32 $_tile_overlayer_lowered  }
0x9b: {  	s22 =	simm.s32 $0x1BFF;
	s21 =	sshll.u32 s5, $0x1;
	s2 =	sadd.s32 s19, s18  }
0x9c: {  	s6 =	simm.s32 $0x0;
	s20 =	sshll.u32 s4, $0x1;
	s4 =	sadd.s32 s21, s2  }
0x9d: {  	[timem:s6], [sflag:s22] =	dma.local [hbm:s4], s20  }
0x9e: {  	_ =	swait.ge [sflag:s22], s20  }
0x9f: {  	s3 =	ssub.s32 $0x0, s20;
	[sflag:s22] =	ssyncset.done $0x0  }
0xa0: {  	[sflag:s22] =	ssyncadd.s32 s3;
	_ =	sdelay $0x1  }
0xa1: {  	s23 =	simm.s32 $0x1B8B  }
0xa2: {  	_ =	swait.ge [sflag:s23], $0x1  }
0xa3: {  	[sflag:s23] =	ssyncset.done $0x0  }
0xa4: {  	s25 =	simm.s32 $0x1B8E;
	s24 =	sld [smem:$0x3FFE];
	[sflag:s23] =	ssyncadd.s32 $0xFFFFFFFF  }
0xa5: {  	s26 =	simm.s32 $execute0_lowered;
	[smem:$0x3FD2] =	sst s25  }
0xa6: {  	s4 =	sshll.u32 s26, $0x1;
	_ =	strace $0x8000005B;
	[dreg:$0x1] =	wrdreg $0xFFFFFFFF  }
0xa7: {  	s28 =	simm.s32 $_size_execute0_lowered;
	s2 =	sadd.s32 s2, s4;
	[dreg:$0x0] =	wrdreg $0x0  }
0xa8: {  	s4 =	sshll.u32 s28, $0x1;
	[dreg:$0x2] =	wrdreg s2  }
0xa9: {  	[dreg:$0x3] =	wrdreg s4  }
0xaa: {  	[dreg:$0x4] =	wrdreg $0xC0  }
0xab: {  	_ =	task [dreg:s6], $0x5FFFF  }
0xac: {  	[dreg:$0x1] =	wrdreg $0xFFFFFFFF  }
0xad: {  	[dreg:$0x0] =	wrdreg $0x60  }
0xae: {  	[dreg:$0x2] =	wrdreg s24  }
0xaf: {  	[dreg:$0x3] =	wrdreg $0x41000  }
0xb0: {  	[dreg:$0x4] =	wrdreg $0x9  }
0xb1: {  	_ =	task.clear_ibuf [dreg:s6], $0x5FFFF;
	_ =	strace $0x9000005B  }
0xb2: {  	s29 =	simm.s32 $0x9;
	_ =	strace $0x8000005D  }
0xb3: {  	_ =	swait.ge [sflag:s29], $0x1  }
0xb4: {  	[sflag:s29] =	ssyncadd.s32 $0xFFFFFFFF  }
0xb5: {  	_ =	strace $0x9000005D  }
0xb6: {  	_ =	sfence  }
0xb7: {  	s30 =	sld [smem:$0x0];
	_ =	sdelay $0x2  }
0xb8: {  	s31 =	sshll.u32 s1, $0xD;
	s1 =	sshrl.u32 s1, $0x2  }
0xb9: {  	s3 =	sand.u32 $0x4000, s31;
	s1 =	sadd.s32 s1, s30  }
0xba: {  	s0 =	sor.u32 s3, s0;
	s1 =	sshll.u32 s1, $0x11  }
0xbb: {  	s0 =	sor.u32 s1, s0  }
0xbc: {  	s0 =	sadd.s32 $0x8F2B, s0  }
0xbd: {  	[sflag:s0] =	ssyncadd.remote.s32 $0x1  }
0xbe: {  	_ =	sfence.sel $0xFFFF  }
0xbf: {  	[dreg:$0x0] =	wrdreg $0xFFFFFFFF;
	(pc) =	sbr.abs _section_cstart, $3  }
0xc0: {  	[dreg:$0x1] =	wrdreg $0xFFFFFFFF  }
0xc1: {  	_ =	task.clear_ibuf [dreg:s6], $0x2FFFF;
	_ =	strace $0x9FFFFFFF  }
0xc2: {  	(tm) =	ssettm $0x7FFFFFFF  }
0xc3: {  	_ =	shalt  }
tec
execute0_lowered:
.L_overlay_start_1:
0x0: {  	(tag) =	ssettag $0x1  }
0x1: {  	s5 =	rddreg [dreg:$0x0];
	s0 =	srdreg.scid  }
0x2: {  	s2 =	rddreg [dreg:$0x1];
	s1 =	stileid.u32  }
0x3: {  	s3 =	simm.s32 $0x0;
	s13 =	simm.s32 $0x80;
	s8 =	smul.u32 $0x13C00, s1  }
0x4: {  	s14 =	simm.s32 $0x100;
	s15 =	simm.s32 $0x1;
	s26 =	smul.u32 $0x4F000, s1  }
0x5: {  	s6 =	sand.u32 $0x1, s0;
	s0 =	rddreg [dreg:$0x2];
	s30 =	smul.u32 $0x4F0, s1  }
0x6: {  	s16 =	simm.s32 $0x0;
	[smem:$0x7FF] =	sst s3;
	s7 =	smul.u32 $0x4F00, s6  }
0x7: {  	s4 =	sadd.s32 $0x12D600, s5;
	s31 =	sshll.u32 s1, $0x6;
	s9 =	smul.u32 $0x13C000, s6  }
0x8: {  	_ =	strace $0x8000005C;
	s6 =	ssub.s32 $0x2, s6;
	s25 =	sshrl.u32 s8, $0x3  }
0x9: {  	s28 =	sshrl.u32 s6, $0x1;
	s29 =	sshrl.u32 s26, $0x2;
	s10 =	sadd.s32 s7, s5  }
0xa: {  	s8 =	sadd.s32 s8, s9;
	s7 =	sadd.s32 s25, s5;
	s11 =	ssub.s32 s6, s28  }
0xb: {  	s12 =	sadd.s32 s29, s2;
	s6 =	sor.u32 $0x1C02, s31;
	s8 =	sshrl.u32 s8, $0x3  }
0xc: {  	s10 =	sadd.s32 s30, s10;
	s8 =	sadd.s32 s8, s5;
	s5 =	sadd.s32 $0x1B200, s7  }
0xd: {  	s9 =	sadd.s32 $0x7600, s10;
	s10 =	sadd.s32 $0x11400, s10;
	s7 =	sadd.s32 $0x154800, s8  }
0xe: {  	s8 =	smax.u32 s11, $0x1;
	s11 =	sshrl.u32 s12, $0x3;
	s12 =	simm.s32 $0x2  }
.LBB2_1:
0xf: {  	[spmem:s11], [sflag:s6] =	dma.local [hbm:s5], $0x2780  }
0x10: {  	_ =	swait.ge [sflag:s12], $0x2780  }
0x11: {  	[sflag:s12] =	ssyncset.done $0x0  }
0x12: {  	[sflag:s12] =	ssyncadd.s32 $0xFFFFD880  }
0x13: {  	s17 =	sadd.s32 $0x0, s10;
	[bflag:$0x0] =	sbarrier.arrive $0xFFFF  }
0x14: {  	[tilespmem:s3], [sflag:$0x2] =	stream.linear.gather [hbm4b:s17+s3], $0x80, $0x38;
	[tilespmem:$0x17D00] =	vst v63  }
0x15: {  	_ =	swait.ge [sflag:s12], $0x80  }
0x16: {  	[sflag:s12] =	ssyncset.done $0x0  }
0x17: {  	s31 =	sadd.s32 $0x0, s9;
	[sflag:s12] =	ssyncadd.s32 $0xFFFFFF80  }
0x18: {  	[tilespmem:s13], [sflag:$0x2] =	stream.linear.gather [hbm4b:s31+s3], $0x80, $0x38;
	[tilespmem:$0x17D00] =	vst v63  }
0x19: {  	_ =	swait.ge [sflag:s12], $0x80  }
0x1a: {  	[sflag:s12] =	ssyncset.done $0x0  }
0x1b: {  	[sflag:s12] =	ssyncadd.s32 $0xFFFFFF80  }
0x1c: {  	[tilespmem:s14], [sflag:$0x1] =	stream.indirect.gather [hbm4b:s4+s13], $0x80, s3, s13, $0xb8;
	[tilespmem:$0x17D00] =	vst v63  }
0x1d: {  	_ =	swait.ge [sflag:s15], $0x4000  }
0x1e: {  	[sflag:s15] =	ssyncset.done $0x0  }
0x1f: {  	[sflag:s15] =	ssyncadd.s32 $0xFFFFC000  }
0x20: {  	[spmem:s2] =	stream.indirect.scatter.add.f32 [tilespmem:s14], [sflag:$0x2], $0x80, s13, s13, $0xb8;
	[tilespmem:$0x17D00] =	vst v63  }
0x21: {  	_ =	swait.ge [sflag:s12], $0x4000  }
0x22: {  	s18 =	simm.s32 $0x20;
	s17 =	simm.s32 $0x10;
	[sflag:s12] =	ssyncset.done $0x0  }
.LBB2_2:
0x23: {  	s19 =	sadd.s32 s17, s10  }
0x24: {  	[sflag:s12] =	ssyncadd.s32 $0xFFFFC000;
	s20 =	smov.u32 s18;
	s21 =	sadd.s32 $0x10, s18  }
0x25: {  	[tilespmem:s3], [sflag:$0x2] =	stream.linear.gather [hbm4b:s19+s3], $0x80, $0x38;
	[tilespmem:$0x17D00] =	vst v63  }
0x26: {  	p0 =	sne.s32 s18, $0x4E0;
	_ =	swait.ge [sflag:s12], $0x80  }
0x27: {  	[sflag:s12] =	ssyncset.done $0x0  }
0x28: {  	s18 =	sadd.s32 s17, s9;
	s17 =	smov.u32 s20;
	[sflag:s12] =	ssyncadd.s32 $0xFFFFFF80  }
0x29: {  	[tilespmem:s13], [sflag:$0x2] =	stream.linear.gather [hbm4b:s18+s3], $0x80, $0x38;
	[tilespmem:$0x17D00] =	vst v63  }
0x2a: {  	_ =	swait.ge [sflag:s12], $0x80  }
0x2b: {  	[sflag:s12] =	ssyncset.done $0x0  }
0x2c: {  	[sflag:s12] =	ssyncadd.s32 $0xFFFFFF80  }
0x2d: {  	[tilespmem:s14], [sflag:$0x1] =	stream.indirect.gather [hbm4b:s4+s13], $0x80, s3, s13, $0xb8;
	[tilespmem:$0x17D00] =	vst v63  }
0x2e: {  	_ =	swait.ge [sflag:s15], $0x4000  }
.Ltmp0:
0x2f: {  	[sflag:s15] =	ssyncset.done $0x0;
	(pc) =	sbr.rel @p0 .LBB2_2-.Ltmp0, $4  }
0x30: {  	[sflag:s15] =	ssyncadd.s32 $0xFFFFC000  }
0x31: {  	[spmem:s2] =	stream.indirect.scatter.add.f32 [tilespmem:s14], [sflag:$0x2], $0x80, s13, s13, $0xb8;
	[tilespmem:$0x17D00] =	vst v63  }
0x32: {  	_ =	swait.ge [sflag:s12], $0x4000  }
0x33: {  	s18 =	smov.u32 s21;
	[sflag:s12] =	ssyncset.done $0x0  }
0x34: {  	s18 =	sadd.s32 s17, s10;
	[sflag:s12] =	ssyncadd.s32 $0xFFFFC000  }
0x35: {  	[tilespmem:s3], [sflag:$0x2] =	stream.linear.gather [hbm4b:s18+s3], $0x80, $0x38;
	[tilespmem:$0x17D00] =	vst v63  }
0x36: {  	_ =	swait.ge [sflag:s12], $0x80  }
0x37: {  	[sflag:s12] =	ssyncset.done $0x0  }
0x38: {  	s31 =	sadd.s32 s17, s9;
	[sflag:s12] =	ssyncadd.s32 $0xFFFFFF80  }
0x39: {  	[tilespmem:s13], [sflag:$0x2] =	stream.linear.gather [hbm4b:s31+s3], $0x80, $0x38;
	[tilespmem:$0x17D00] =	vst v63  }
0x3a: {  	_ =	swait.ge [sflag:s12], $0x80  }
0x3b: {  	[sflag:s12] =	ssyncset.done $0x0  }
0x3c: {  	[sflag:s12] =	ssyncadd.s32 $0xFFFFFF80  }
0x3d: {  	[tilespmem:s14], [sflag:$0x1] =	stream.indirect.gather [hbm4b:s4+s13], $0x80, s3, s13, $0xb8;
	[tilespmem:$0x17D00] =	vst v63  }
0x3e: {  	_ =	swait.ge [sflag:s15], $0x4000  }
0x3f: {  	[sflag:s15] =	ssyncset.done $0x0  }
0x40: {  	[sflag:s15] =	ssyncadd.s32 $0xFFFFC000  }
0x41: {  	[spmem:s2] =	stream.indirect.scatter.add.f32 [tilespmem:s14], [sflag:$0x2], $0x80, s13, s13, $0xb8;
	[tilespmem:$0x17D00] =	vst v63  }
0x42: {  	_ =	swait.ge [sflag:s12], $0x4000  }
0x43: {  	s16 =	sadd.s32 $0x1, s16;
	[sflag:s12] =	ssyncset.done $0x0  }
0x44: {  	p0 =	sne.s32 s16, s8;
	[sflag:s12] =	ssyncadd.s32 $0xFFFFC000  }
.Ltmp1:
0x45: {  	[bflag:$0x0] =	sbarrier.arrive $0xFFFF;
	(pc) =	sbr.rel @p0 .LBB2_1-.Ltmp1, $4  }
0x46: {  	[hbm:s7], [sflag:s6] =	dma.local [spmem:s11], $0x2780  }
0x47: {  	_ =	swait.ge [sflag:s12], $0x2780  }
0x48: {  	[sflag:s12] =	ssyncset.done $0x0  }
0x49: {  	[sflag:s12] =	ssyncadd.s32 $0xFFFFD880  }
0x4a: {  	_ =	sfence.sel $0x180000  }
0x4b: {  	[bflag:$0x0] =	sbarrier.arrive $0xFFFF  }
0x4c: {  	p0 =	sne.s32 s1, $0x0;
	_ =	strace $0x9000005C  }
0x4d: {  	s0 =	sadd.s32 @!p0 $0x100000, s0;
	[bflag:$0x2] =	sbarrier.arrive $0xFFFF  }
0x4e: {  	[sflag:s0] =	ssyncadd.tile.s32 @!p0 $0x1;
	_ =	shalt  }
.Lfunc_end2:
_tile_overlayer_lowered:
.L_overlay_start_2:
0x4f: {  	(tag) =	ssettag $0x2  }
0x50: {  	s0 =	rddreg [dreg:$0x0];
	s2 =	stileid.u32  }
0x51: {  	s1 =	rddreg [dreg:$0x1];
	p0 =	sne.s32 s2, $0x0  }
0x52: {  	s3 =	rddreg [dreg:$0x2];
	[bflag:$0x3] =	sbarrier.arrive $0xFFFF;
	s2 =	simm.s32 @!p0 $0x1C02  }
0x53: {  	[timem:s3], [sflag:s2] =	dma.local @!p0 [hbm:s0], s1  }
0x54: {  	s0 =	simm.s32 @!p0 $0x2  }
0x55: {  	_ =	swait.ge @!p0 [sflag:s0], s1  }
0x56: {  	s1 =	ssub.s32 @!p0 $0x0, s1;
	[sflag:s0] =	ssyncset.done @!p0 $0x0  }
0x57: {  	[sflag:s0] =	ssyncadd.s32 @!p0 s1  }
0x58: {  	[bflag:$0x3] =	sbarrier.arrive $0xFFFF  }
0x59: {  	_ =	shalt  }

// kernel: kernel.49.cloned.1.call-start
scs
__scs_entry_jumppad:
0x0: {  	(pc) =	sbr.rel $0x88, $3  }
0x1: {  	(tag) =	ssettag $0x0;
	lr =	simm.s32 $0x1  }
0x2: {  	[smem:$0x3F9D] =	sst lr;
	_ =	strace $0xD0000000  }
0x3: {  	_ = 	snop  }
0x4: {  	_ = 	snop  }
0x5: {  	_ = 	snop  }
0x6: {  	_ = 	snop  }
0x7: {  	_ = 	snop  }
__scs_overlays_trampoline_lowered:
0x8: {  	[smem:$0x3FAC] =	sst s0  }
0x9: {  	[smem:$0x3FAD] =	sst s1  }
0xa: {  	[smem:$0x3FAE] =	sst s2  }
0xb: {  	[smem:$0x3FAF] =	sst s3  }
0xc: {  	[smem:$0x3FB0] =	sst s4  }
0xd: {  	[smem:$0x3FB1] =	sst s5  }
0xe: {  	[smem:$0x3FB2] =	sst s6  }
0xf: {  	[smem:$0x3FB3] =	sst s7  }
0x10: {  	[smem:$0x3FB4] =	sst s8  }
0x11: {  	[smem:$0x3FB5] =	sst s9;
	s0 =	simm.s32 @!p0 $0x0  }
0x12: {  	s1 =	sld [smem:$0x3F9B];
	s0 =	simm.s32 @p0 $0x1  }
0x13: {  	[smem:$0x3FB6] =	sst s0;
	s0 =	simm.s32 @!p1 $0x0  }
0x14: {  	s2 =	sld [smem:$0x3F9A];
	s0 =	simm.s32 @p1 $0x1  }
0x15: {  	[smem:$0x3FB7] =	sst s0;
	s0 =	simm.s32 @!p2 $0x0  }
0x16: {  	s3 =	sld [smem:$0x3FDB];
	s0 =	simm.s32 @p2 $0x1  }
0x17: {  	s4 =	simm.s32 $0x1BF5;
	[smem:$0x3FB9] =	sst s0  }
0x18: {  	s0 =	sld [smem:$0x3F9C];
	_ =	swait.ge [sflag:s4], $0x0  }
0x19: {  	s7 =	sld [smem:$0x3F9D]  }
0x1a: {  	s8 =	sadd.s32 $0xFFFFE003, lr  }
0x1b: {  	s9 =	sadd.s32 $0xFFFFFEF7, lr;
	s5 =	simm.s32 $0xFFFFFFFF;
	p2 =	slt.u32 s8, $0xFFFFF086  }
0x1c: {  	p1 =	slt.u32 s9, $0xF7A;
	s5 =	simm.s32 @!p2 $0x0  }
0x1d: {  	s5 =	simm.s32 @p1 $0x1;
	p0 =	seq.s32 s7, s2  }
0x1e: {  	s7 =	smul.u32 @!p0 $0xF7A, s2;
	p2 =	seq.s32 @!p0 s5, $0x0  }
0x1f: {  	s9 =	smul.u32 $0xF7A, s1;
	s8 =	simm.s32 @!p0 $0x1BF5;
	p2 =	por !p2, p0  }
0x20: {  	[sflag:s8] =	ssyncset.s32 @!p0 $0xFFFFF086;
	s6 =	sadd.s32 @!p0 s3, s7;
	s7 =	simm.s32 @!p0 $0x108  }
0x21: {  	s3 =	sadd.s32 s3, s9;
	s6 =	sadd.s32 @!p0 $0x88, s6;
	s7 =	simm.s32 @p2 $0x1082  }
0x22: {  	[simem:s7], [sflag:s8] =	dma.local @!p0 [hbm:s6], $0xF7A  }
0x23: {  	s9 =	sor.u32 $0xD0000000, s2;
	s6 =	simm.s32 $0x108;
	_ =	swait.ge @!p0 [sflag:s8], $0x0  }
0x24: {  	s3 =	sadd.s32 $0x88, s3;
	s6 =	simm.s32 @!p1 $0x1082;
	[sflag:s4] =	ssyncset.s32 $0xFFFFF086  }
0x25: {  	[simem:s6], [sflag:s4] =	dma.local [hbm:s3], $0xF7A  }
0x26: {  	[smem:$0x3F9D] =	sst s1;
	(tag) =	ssettag s2;
	_ =	strace s9  }
0x27: {  	s1 =	sld [smem:$0x3FAD]  }
0x28: {  	s2 =	sld [smem:$0x3FAE]  }
0x29: {  	s4 =	sld [smem:$0x3FB0]  }
0x2a: {  	p0 =	seq.s32 s5, $0x0;
	s5 =	sld [smem:$0x3FB1]  }
0x2b: {  	s6 =	sld [smem:$0x3FB2]  }
0x2c: {  	s7 =	sld [smem:$0x3FB3]  }
0x2d: {  	s3 =	simm.s32 $0x108;
	s8 =	sld [smem:$0x3FB4]  }
0x2e: {  	s3 =	simm.s32 @!p0 $0x1082;
	s9 =	sld [smem:$0x3FB5]  }
0x2f: {  	lr =	sadd.s32 s0, s3;
	s0 =	sld [smem:$0x3FAC]  }
0x30: {  	s3 =	sld [smem:$0x3FAF]  }
0x31: {  	[smem:$0x3FB8] =	sst s10  }
0x32: {  	s10 =	sld [smem:$0x3FB6];
	_ =	sdelay $0x3  }
0x33: {  	p0 =	seq.s32 s10, $0x1;
	s10 =	sld [smem:$0x3FB8];
	_ =	sdelay $0x3  }
0x34: {  	[smem:$0x3FB8] =	sst s10  }
0x35: {  	s10 =	sld [smem:$0x3FB7];
	_ =	sdelay $0x3  }
0x36: {  	p1 =	seq.s32 s10, $0x1;
	s10 =	sld [smem:$0x3FB8];
	_ =	sdelay $0x3  }
0x37: {  	[smem:$0x3FB8] =	sst s10  }
0x38: {  	s10 =	sld [smem:$0x3FB9]  }
0x39: {  	_ = 	snop;
	(pc) =	sbr.ind lr, $3  }
0x3a: {  	_ = 	snop  }
0x3b: {  	_ = 	snop  }
0x3c: {  	p2 =	seq.s32 s10, $0x1;
	s10 =	sld [smem:$0x3FB8]  }
0x3d: {  	_ =	shalt  }
0x3e: {  	_ =	shalt  }
0x3f: {  	_ =	shalt  }
0x40: {  	_ =	shalt  }
0x41: {  	_ =	shalt  }
0x42: {  	_ =	shalt  }
0x43: {  	_ =	shalt  }
0x44: {  	_ =	shalt  }
0x45: {  	_ =	shalt  }
0x46: {  	_ =	shalt  }
0x47: {  	_ =	shalt  }
0x48: {  	_ =	shalt  }
0x49: {  	_ =	shalt  }
0x4a: {  	_ =	shalt  }
0x4b: {  	_ =	shalt  }
0x4c: {  	_ =	shalt  }
0x4d: {  	_ =	shalt  }
0x4e: {  	_ =	shalt  }
0x4f: {  	_ =	shalt  }
0x50: {  	_ =	shalt  }
0x51: {  	_ =	shalt  }
0x52: {  	_ =	shalt  }
0x53: {  	_ =	shalt  }
0x54: {  	_ =	shalt  }
0x55: {  	_ =	shalt  }
0x56: {  	_ =	shalt  }
0x57: {  	_ =	shalt  }
0x58: {  	_ =	shalt  }
0x59: {  	_ =	shalt  }
0x5a: {  	_ =	shalt  }
0x5b: {  	_ =	shalt  }
0x5c: {  	_ =	shalt  }
0x5d: {  	_ =	shalt  }
0x5e: {  	_ =	shalt  }
0x5f: {  	_ =	shalt  }
0x60: {  	_ =	shalt  }
0x61: {  	_ =	shalt  }
0x62: {  	_ =	shalt  }
0x63: {  	_ =	shalt  }
0x64: {  	_ =	shalt  }
0x65: {  	_ =	shalt  }
0x66: {  	_ =	shalt  }
0x67: {  	_ =	shalt  }
0x68: {  	_ =	shalt  }
0x69: {  	_ =	shalt  }
0x6a: {  	_ =	shalt  }
0x6b: {  	_ =	shalt  }
0x6c: {  	_ =	shalt  }
0x6d: {  	_ =	shalt  }
0x6e: {  	_ =	shalt  }
0x6f: {  	_ =	shalt  }
0x70: {  	_ =	shalt  }
0x71: {  	_ =	shalt  }
0x72: {  	_ =	shalt  }
0x73: {  	_ =	shalt  }
0x74: {  	_ =	shalt  }
0x75: {  	_ =	shalt  }
0x76: {  	_ =	shalt  }
0x77: {  	_ =	shalt  }
0x78: {  	_ =	shalt  }
0x79: {  	_ =	shalt  }
0x7a: {  	_ =	shalt  }
0x7b: {  	_ =	shalt  }
0x7c: {  	_ =	shalt  }
0x7d: {  	_ =	shalt  }
0x7e: {  	_ =	shalt  }
0x7f: {  	_ =	shalt  }
0x80: {  	_ =	shalt  }
0x81: {  	_ =	shalt  }
0x82: {  	_ =	shalt  }
0x83: {  	_ =	shalt  }
0x84: {  	_ =	shalt  }
0x85: {  	_ =	shalt  }
0x86: {  	_ =	shalt  }
0x87: {  	_ =	shalt  }
.Lfunc_end0:
.L_simem_size_0:
called_computation.8_lowered:
.L_overlay_start_0:
0x88: {  	s2 =	sld [smem:$0x3FD9]  }
0x89: {  	s3 =	sld [smem:$0x3FFE];
	_ =	sdelay $0x1  }
0x8a: {  	s1 =	srdreg.scid  }
0x8b: {  	s0 =	sand.u32 $0x1, s1  }
0x8c: {  	s16 =	sshll.u32 s0, $0xA;
	s2 =	sadd.s32 s3, s2  }
0x8d: {  	s2 =	sadd.s32 s2, s16  }
0x8e: {  	[smem:$0x3FC4] =	sst s2  }
0x8f: {  	_ = 	snop  }
0x90: {  	(tm) =	ssettm $0x1  }
0x91: {  	s17 =	sld [smem:$0x3FFB];
	_ =	sdelay $0x3  }
0x92: {  	_ =	strace s17  }
0x93: {  	s2 =	sld [smem:$0x3FFC];
	_ =	sdelay $0x3  }
0x94: {  	_ =	strace s2  }
0x95: {  	s2 =	sld [smem:$0x3FFD];
	_ =	sdelay $0x3  }
0x96: {  	_ =	strace s2  }
0x97: {  	_ =	strace $0x8FFFFFFF  }
0x98: {  	s18 =	sld [smem:$0x3FDB];
	_ =	sdelay $0x1  }
0x99: {  	s19 =	simm.s32 $_scs_section_size  }
0x9a: {  	s4 =	simm.s32 $_size__tile_overlayer_lowered;
	s5 =	simm.s32 $_tile_overlayer_lowered  }
0x9b: {  	s22 =	simm.s32 $0x1BFF;
	s21 =	sshll.u32 s5, $0x1;
	s2 =	sadd.s32 s19, s18  }
0x9c: {  	s6 =	simm.s32 $0x0;
	s20 =	sshll.u32 s4, $0x1;
	s4 =	sadd.s32 s21, s2  }
0x9d: {  	[timem:s6], [sflag:s22] =	dma.local [hbm:s4], s20  }
0x9e: {  	_ =	swait.ge [sflag:s22], s20  }
0x9f: {  	s3 =	ssub.s32 $0x0, s20;
	[sflag:s22] =	ssyncset.done $0x0  }
0xa0: {  	[sflag:s22] =	ssyncadd.s32 s3;
	_ =	sdelay $0x1  }
0xa1: {  	s23 =	simm.s32 $0x1B8B  }
0xa2: {  	_ =	swait.ge [sflag:s23], $0x1  }
0xa3: {  	[sflag:s23] =	ssyncset.done $0x0  }
0xa4: {  	s25 =	simm.s32 $0x1B8E;
	s24 =	sld [smem:$0x3FFE];
	[sflag:s23] =	ssyncadd.s32 $0xFFFFFFFF  }
0xa5: {  	s26 =	simm.s32 $execute0_lowered;
	[smem:$0x3FD2] =	sst s25  }
0xa6: {  	s4 =	sshll.u32 s26, $0x1;
	_ =	strace $0x8000005E;
	[dreg:$0x1] =	wrdreg $0xFFFFFFFF  }
0xa7: {  	s28 =	simm.s32 $_size_execute0_lowered;
	s2 =	sadd.s32 s2, s4;
	[dreg:$0x0] =	wrdreg $0x0  }
0xa8: {  	s4 =	sshll.u32 s28, $0x1;
	[dreg:$0x2] =	wrdreg s2  }
0xa9: {  	[dreg:$0x3] =	wrdreg s4  }
0xaa: {  	[dreg:$0x4] =	wrdreg $0xC0  }
0xab: {  	_ =	task [dreg:s6], $0x5FFFF  }
0xac: {  	[dreg:$0x1] =	wrdreg $0xFFFFFFFF  }
0xad: {  	[dreg:$0x0] =	wrdreg $0x60  }
0xae: {  	[dreg:$0x2] =	wrdreg s24  }
0xaf: {  	[dreg:$0x3] =	wrdreg $0x41000  }
0xb0: {  	[dreg:$0x4] =	wrdreg $0x9  }
0xb1: {  	_ =	task.clear_ibuf [dreg:s6], $0x5FFFF;
	_ =	strace $0x9000005E  }
0xb2: {  	s29 =	simm.s32 $0x9;
	_ =	strace $0x80000060  }
0xb3: {  	_ =	swait.ge [sflag:s29], $0x1  }
0xb4: {  	[sflag:s29] =	ssyncadd.s32 $0xFFFFFFFF  }
0xb5: {  	_ =	strace $0x90000060  }
0xb6: {  	_ =	sfence  }
0xb7: {  	s30 =	sld [smem:$0x0];
	_ =	sdelay $0x2  }
0xb8: {  	s31 =	sshll.u32 s1, $0xD;
	s1 =	sshrl.u32 s1, $0x2  }
0xb9: {  	s3 =	sand.u32 $0x4000, s31;
	s1 =	sadd.s32 s1, s30  }
0xba: {  	s0 =	sor.u32 s3, s0;
	s1 =	sshll.u32 s1, $0x11  }
0xbb: {  	s0 =	sor.u32 s1, s0  }
0xbc: {  	s0 =	sadd.s32 $0x8F2B, s0  }
0xbd: {  	[sflag:s0] =	ssyncadd.remote.s32 $0x1  }
0xbe: {  	_ =	sfence.sel $0xFFFF  }
0xbf: {  	[dreg:$0x0] =	wrdreg $0xFFFFFFFF;
	(pc) =	sbr.abs _section_cstart, $3  }
0xc0: {  	[dreg:$0x1] =	wrdreg $0xFFFFFFFF  }
0xc1: {  	_ =	task.clear_ibuf [dreg:s6], $0x2FFFF;
	_ =	strace $0x9FFFFFFF  }
0xc2: {  	(tm) =	ssettm $0x7FFFFFFF  }
0xc3: {  	_ =	shalt  }
tec
execute0_lowered:
.L_overlay_start_1:
0x0: {  	(tag) =	ssettag $0x1  }
0x1: {  	s5 =	rddreg [dreg:$0x0];
	s0 =	srdreg.scid  }
0x2: {  	s2 =	rddreg [dreg:$0x1];
	s1 =	stileid.u32  }
0x3: {  	s3 =	simm.s32 $0x0;
	s13 =	simm.s32 $0x80;
	s8 =	smul.u32 $0x13C00, s1  }
0x4: {  	s14 =	simm.s32 $0x100;
	s15 =	simm.s32 $0x1;
	s26 =	smul.u32 $0x4F000, s1  }
0x5: {  	s6 =	sand.u32 $0x1, s0;
	s0 =	rddreg [dreg:$0x2];
	s30 =	smul.u32 $0x4F0, s1  }
0x6: {  	s16 =	simm.s32 $0x0;
	[smem:$0x7FF] =	sst s3;
	s7 =	smul.u32 $0x4F00, s6  }
0x7: {  	s4 =	sadd.s32 $0x154800, s5;
	s31 =	sshll.u32 s1, $0x6;
	s9 =	smul.u32 $0x13C000, s6  }
0x8: {  	_ =	strace $0x8000005F;
	s6 =	ssub.s32 $0x2, s6;
	s25 =	sshrl.u32 s8, $0x3  }
0x9: {  	s28 =	sshrl.u32 s6, $0x1;
	s29 =	sshrl.u32 s26, $0x2;
	s10 =	sadd.s32 s7, s5  }
0xa: {  	s8 =	sadd.s32 s8, s9;
	s7 =	sadd.s32 s25, s5;
	s11 =	ssub.s32 s6, s28  }
0xb: {  	s12 =	sadd.s32 s29, s2;
	s6 =	sor.u32 $0x1C02, s31;
	s8 =	sshrl.u32 s8, $0x3  }
0xc: {  	s10 =	sadd.s32 s30, s10;
	s8 =	sadd.s32 s8, s5;
	s5 =	sadd.s32 $0x1B200, s7  }
0xd: {  	s9 =	sadd.s32 $0x7600, s10;
	s10 =	sadd.s32 $0x11400, s10;
	s7 =	sadd.s32 $0x17BA00, s8  }
0xe: {  	s8 =	smax.u32 s11, $0x1;
	s11 =	sshrl.u32 s12, $0x3;
	s12 =	simm.s32 $0x2  }
.LBB2_1:
0xf: {  	[spmem:s11], [sflag:s6] =	dma.local [hbm:s5], $0x2780  }
0x10: {  	_ =	swait.ge [sflag:s12], $0x2780  }
0x11: {  	[sflag:s12] =	ssyncset.done $0x0  }
0x12: {  	[sflag:s12] =	ssyncadd.s32 $0xFFFFD880  }
0x13: {  	s17 =	sadd.s32 $0x0, s10;
	[bflag:$0x0] =	sbarrier.arrive $0xFFFF  }
0x14: {  	[tilespmem:s3], [sflag:$0x2] =	stream.linear.gather [hbm4b:s17+s3], $0x80, $0x38;
	[tilespmem:$0x17D00] =	vst v63  }
0x15: {  	_ =	swait.ge [sflag:s12], $0x80  }
0x16: {  	[sflag:s12] =	ssyncset.done $0x0  }
0x17: {  	s31 =	sadd.s32 $0x0, s9;
	[sflag:s12] =	ssyncadd.s32 $0xFFFFFF80  }
0x18: {  	[tilespmem:s13], [sflag:$0x2] =	stream.linear.gather [hbm4b:s31+s3], $0x80, $0x38;
	[tilespmem:$0x17D00] =	vst v63  }
0x19: {  	_ =	swait.ge [sflag:s12], $0x80  }
0x1a: {  	[sflag:s12] =	ssyncset.done $0x0  }
0x1b: {  	[sflag:s12] =	ssyncadd.s32 $0xFFFFFF80  }
0x1c: {  	[tilespmem:s14], [sflag:$0x1] =	stream.indirect.gather [hbm4b:s4+s13], $0x80, s3, s13, $0xb8;
	[tilespmem:$0x17D00] =	vst v63  }
0x1d: {  	_ =	swait.ge [sflag:s15], $0x4000  }
0x1e: {  	[sflag:s15] =	ssyncset.done $0x0  }
0x1f: {  	[sflag:s15] =	ssyncadd.s32 $0xFFFFC000  }
0x20: {  	[spmem:s2] =	stream.indirect.scatter.add.f32 [tilespmem:s14], [sflag:$0x2], $0x80, s13, s13, $0xb8;
	[tilespmem:$0x17D00] =	vst v63  }
0x21: {  	_ =	swait.ge [sflag:s12], $0x4000  }
0x22: {  	s18 =	simm.s32 $0x20;
	s17 =	simm.s32 $0x10;
	[sflag:s12] =	ssyncset.done $0x0  }
.LBB2_2:
0x23: {  	s19 =	sadd.s32 s17, s10  }
0x24: {  	[sflag:s12] =	ssyncadd.s32 $0xFFFFC000;
	s20 =	smov.u32 s18;
	s21 =	sadd.s32 $0x10, s18  }
0x25: {  	[tilespmem:s3], [sflag:$0x2] =	stream.linear.gather [hbm4b:s19+s3], $0x80, $0x38;
	[tilespmem:$0x17D00] =	vst v63  }
0x26: {  	p0 =	sne.s32 s18, $0x4E0;
	_ =	swait.ge [sflag:s12], $0x80  }
0x27: {  	[sflag:s12] =	ssyncset.done $0x0  }
0x28: {  	s18 =	sadd.s32 s17, s9;
	s17 =	smov.u32 s20;
	[sflag:s12] =	ssyncadd.s32 $0xFFFFFF80  }
0x29: {  	[tilespmem:s13], [sflag:$0x2] =	stream.linear.gather [hbm4b:s18+s3], $0x80, $0x38;
	[tilespmem:$0x17D00] =	vst v63  }
0x2a: {  	_ =	swait.ge [sflag:s12], $0x80  }
0x2b: {  	[sflag:s12] =	ssyncset.done $0x0  }
0x2c: {  	[sflag:s12] =	ssyncadd.s32 $0xFFFFFF80  }
0x2d: {  	[tilespmem:s14], [sflag:$0x1] =	stream.indirect.gather [hbm4b:s4+s13], $0x80, s3, s13, $0xb8;
	[tilespmem:$0x17D00] =	vst v63  }
0x2e: {  	_ =	swait.ge [sflag:s15], $0x4000  }
.Ltmp0:
0x2f: {  	[sflag:s15] =	ssyncset.done $0x0;
	(pc) =	sbr.rel @p0 .LBB2_2-.Ltmp0, $4  }
0x30: {  	[sflag:s15] =	ssyncadd.s32 $0xFFFFC000  }
0x31: {  	[spmem:s2] =	stream.indirect.scatter.add.f32 [tilespmem:s14], [sflag:$0x2], $0x80, s13, s13, $0xb8;
	[tilespmem:$0x17D00] =	vst v63  }
0x32: {  	_ =	swait.ge [sflag:s12], $0x4000  }
0x33: {  	s18 =	smov.u32 s21;
	[sflag:s12] =	ssyncset.done $0x0  }
0x34: {  	s18 =	sadd.s32 s17, s10;
	[sflag:s12] =	ssyncadd.s32 $0xFFFFC000  }
0x35: {  	[tilespmem:s3], [sflag:$0x2] =	stream.linear.gather [hbm4b:s18+s3], $0x80, $0x38;
	[tilespmem:$0x17D00] =	vst v63  }
0x36: {  	_ =	swait.ge [sflag:s12], $0x80  }
0x37: {  	[sflag:s12] =	ssyncset.done $0x0  }
0x38: {  	s31 =	sadd.s32 s17, s9;
	[sflag:s12] =	ssyncadd.s32 $0xFFFFFF80  }
0x39: {  	[tilespmem:s13], [sflag:$0x2] =	stream.linear.gather [hbm4b:s31+s3], $0x80, $0x38;
	[tilespmem:$0x17D00] =	vst v63  }
0x3a: {  	_ =	swait.ge [sflag:s12], $0x80  }
0x3b: {  	[sflag:s12] =	ssyncset.done $0x0  }
0x3c: {  	[sflag:s12] =	ssyncadd.s32 $0xFFFFFF80  }
0x3d: {  	[tilespmem:s14], [sflag:$0x1] =	stream.indirect.gather [hbm4b:s4+s13], $0x80, s3, s13, $0xb8;
	[tilespmem:$0x17D00] =	vst v63  }
0x3e: {  	_ =	swait.ge [sflag:s15], $0x4000  }
0x3f: {  	[sflag:s15] =	ssyncset.done $0x0  }
0x40: {  	[sflag:s15] =	ssyncadd.s32 $0xFFFFC000  }
0x41: {  	[spmem:s2] =	stream.indirect.scatter.add.f32 [tilespmem:s14], [sflag:$0x2], $0x80, s13, s13, $0xb8;
	[tilespmem:$0x17D00] =	vst v63  }
0x42: {  	_ =	swait.ge [sflag:s12], $0x4000  }
0x43: {  	s16 =	sadd.s32 $0x1, s16;
	[sflag:s12] =	ssyncset.done $0x0  }
0x44: {  	p0 =	sne.s32 s16, s8;
	[sflag:s12] =	ssyncadd.s32 $0xFFFFC000  }
.Ltmp1:
0x45: {  	[bflag:$0x0] =	sbarrier.arrive $0xFFFF;
	(pc) =	sbr.rel @p0 .LBB2_1-.Ltmp1, $4  }
0x46: {  	[hbm:s7], [sflag:s6] =	dma.local [spmem:s11], $0x2780  }
0x47: {  	_ =	swait.ge [sflag:s12], $0x2780  }
0x48: {  	[sflag:s12] =	ssyncset.done $0x0  }
0x49: {  	[sflag:s12] =	ssyncadd.s32 $0xFFFFD880  }
0x4a: {  	_ =	sfence.sel $0x180000  }
0x4b: {  	[bflag:$0x0] =	sbarrier.arrive $0xFFFF  }
0x4c: {  	p0 =	sne.s32 s1, $0x0;
	_ =	strace $0x9000005F  }
0x4d: {  	s0 =	sadd.s32 @!p0 $0x100000, s0;
	[bflag:$0x2] =	sbarrier.arrive $0xFFFF  }
0x4e: {  	[sflag:s0] =	ssyncadd.tile.s32 @!p0 $0x1;
	_ =	shalt  }
.Lfunc_end2:
_tile_overlayer_lowered:
.L_overlay_start_2:
0x4f: {  	(tag) =	ssettag $0x2  }
0x50: {  	s0 =	rddreg [dreg:$0x0];
	s2 =	stileid.u32  }
0x51: {  	s1 =	rddreg [dreg:$0x1];
	p0 =	sne.s32 s2, $0x0  }
0x52: {  	s3 =	rddreg [dreg:$0x2];
	[bflag:$0x3] =	sbarrier.arrive $0xFFFF;
	s2 =	simm.s32 @!p0 $0x1C02  }
0x53: {  	[timem:s3], [sflag:s2] =	dma.local @!p0 [hbm:s0], s1  }
0x54: {  	s0 =	simm.s32 @!p0 $0x2  }
0x55: {  	_ =	swait.ge @!p0 [sflag:s0], s1  }
0x56: {  	s1 =	ssub.s32 @!p0 $0x0, s1;
	[sflag:s0] =	ssyncset.done @!p0 $0x0  }
0x57: {  	[sflag:s0] =	ssyncadd.s32 @!p0 s1  }
0x58: {  	[bflag:$0x3] =	sbarrier.arrive $0xFFFF  }
0x59: {  	_ =	shalt  }

// kernel: kernel.52.cloned.1.call-start
scs
__scs_entry_jumppad:
0x0: {  	(pc) =	sbr.rel $0x88, $3  }
0x1: {  	(tag) =	ssettag $0x0;
	lr =	simm.s32 $0x1  }
0x2: {  	[smem:$0x3F9D] =	sst lr;
	_ =	strace $0xD0000000  }
0x3: {  	_ = 	snop  }
0x4: {  	_ = 	snop  }
0x5: {  	_ = 	snop  }
0x6: {  	_ = 	snop  }
0x7: {  	_ = 	snop  }
__scs_overlays_trampoline_lowered:
0x8: {  	[smem:$0x3FAC] =	sst s0  }
0x9: {  	[smem:$0x3FAD] =	sst s1  }
0xa: {  	[smem:$0x3FAE] =	sst s2  }
0xb: {  	[smem:$0x3FAF] =	sst s3  }
0xc: {  	[smem:$0x3FB0] =	sst s4  }
0xd: {  	[smem:$0x3FB1] =	sst s5  }
0xe: {  	[smem:$0x3FB2] =	sst s6  }
0xf: {  	[smem:$0x3FB3] =	sst s7  }
0x10: {  	[smem:$0x3FB4] =	sst s8  }
0x11: {  	[smem:$0x3FB5] =	sst s9;
	s0 =	simm.s32 @!p0 $0x0  }
0x12: {  	s1 =	sld [smem:$0x3F9B];
	s0 =	simm.s32 @p0 $0x1  }
0x13: {  	[smem:$0x3FB6] =	sst s0;
	s0 =	simm.s32 @!p1 $0x0  }
0x14: {  	s2 =	sld [smem:$0x3F9A];
	s0 =	simm.s32 @p1 $0x1  }
0x15: {  	[smem:$0x3FB7] =	sst s0;
	s0 =	simm.s32 @!p2 $0x0  }
0x16: {  	s3 =	sld [smem:$0x3FDB];
	s0 =	simm.s32 @p2 $0x1  }
0x17: {  	s4 =	simm.s32 $0x1BF5;
	[smem:$0x3FB9] =	sst s0  }
0x18: {  	s0 =	sld [smem:$0x3F9C];
	_ =	swait.ge [sflag:s4], $0x0  }
0x19: {  	s7 =	sld [smem:$0x3F9D]  }
0x1a: {  	s8 =	sadd.s32 $0xFFFFE003, lr  }
0x1b: {  	s9 =	sadd.s32 $0xFFFFFEF7, lr;
	s5 =	simm.s32 $0xFFFFFFFF;
	p2 =	slt.u32 s8, $0xFFFFF086  }
0x1c: {  	p1 =	slt.u32 s9, $0xF7A;
	s5 =	simm.s32 @!p2 $0x0  }
0x1d: {  	s5 =	simm.s32 @p1 $0x1;
	p0 =	seq.s32 s7, s2  }
0x1e: {  	s7 =	smul.u32 @!p0 $0xF7A, s2;
	p2 =	seq.s32 @!p0 s5, $0x0  }
0x1f: {  	s9 =	smul.u32 $0xF7A, s1;
	s8 =	simm.s32 @!p0 $0x1BF5;
	p2 =	por !p2, p0  }
0x20: {  	[sflag:s8] =	ssyncset.s32 @!p0 $0xFFFFF086;
	s6 =	sadd.s32 @!p0 s3, s7;
	s7 =	simm.s32 @!p0 $0x108  }
0x21: {  	s3 =	sadd.s32 s3, s9;
	s6 =	sadd.s32 @!p0 $0x88, s6;
	s7 =	simm.s32 @p2 $0x1082  }
0x22: {  	[simem:s7], [sflag:s8] =	dma.local @!p0 [hbm:s6], $0xF7A  }
0x23: {  	s9 =	sor.u32 $0xD0000000, s2;
	s6 =	simm.s32 $0x108;
	_ =	swait.ge @!p0 [sflag:s8], $0x0  }
0x24: {  	s3 =	sadd.s32 $0x88, s3;
	s6 =	simm.s32 @!p1 $0x1082;
	[sflag:s4] =	ssyncset.s32 $0xFFFFF086  }
0x25: {  	[simem:s6], [sflag:s4] =	dma.local [hbm:s3], $0xF7A  }
0x26: {  	[smem:$0x3F9D] =	sst s1;
	(tag) =	ssettag s2;
	_ =	strace s9  }
0x27: {  	s1 =	sld [smem:$0x3FAD]  }
0x28: {  	s2 =	sld [smem:$0x3FAE]  }
0x29: {  	s4 =	sld [smem:$0x3FB0]  }
0x2a: {  	p0 =	seq.s32 s5, $0x0;
	s5 =	sld [smem:$0x3FB1]  }
0x2b: {  	s6 =	sld [smem:$0x3FB2]  }
0x2c: {  	s7 =	sld [smem:$0x3FB3]  }
0x2d: {  	s3 =	simm.s32 $0x108;
	s8 =	sld [smem:$0x3FB4]  }
0x2e: {  	s3 =	simm.s32 @!p0 $0x1082;
	s9 =	sld [smem:$0x3FB5]  }
0x2f: {  	lr =	sadd.s32 s0, s3;
	s0 =	sld [smem:$0x3FAC]  }
0x30: {  	s3 =	sld [smem:$0x3FAF]  }
0x31: {  	[smem:$0x3FB8] =	sst s10  }
0x32: {  	s10 =	sld [smem:$0x3FB6];
	_ =	sdelay $0x3  }
0x33: {  	p0 =	seq.s32 s10, $0x1;
	s10 =	sld [smem:$0x3FB8];
	_ =	sdelay $0x3  }
0x34: {  	[smem:$0x3FB8] =	sst s10  }
0x35: {  	s10 =	sld [smem:$0x3FB7];
	_ =	sdelay $0x3  }
0x36: {  	p1 =	seq.s32 s10, $0x1;
	s10 =	sld [smem:$0x3FB8];
	_ =	sdelay $0x3  }
0x37: {  	[smem:$0x3FB8] =	sst s10  }
0x38: {  	s10 =	sld [smem:$0x3FB9]  }
0x39: {  	_ = 	snop;
	(pc) =	sbr.ind lr, $3  }
0x3a: {  	_ = 	snop  }
0x3b: {  	_ = 	snop  }
0x3c: {  	p2 =	seq.s32 s10, $0x1;
	s10 =	sld [smem:$0x3FB8]  }
0x3d: {  	_ =	shalt  }
0x3e: {  	_ =	shalt  }
0x3f: {  	_ =	shalt  }
0x40: {  	_ =	shalt  }
0x41: {  	_ =	shalt  }
0x42: {  	_ =	shalt  }
0x43: {  	_ =	shalt  }
0x44: {  	_ =	shalt  }
0x45: {  	_ =	shalt  }
0x46: {  	_ =	shalt  }
0x47: {  	_ =	shalt  }
0x48: {  	_ =	shalt  }
0x49: {  	_ =	shalt  }
0x4a: {  	_ =	shalt  }
0x4b: {  	_ =	shalt  }
0x4c: {  	_ =	shalt  }
0x4d: {  	_ =	shalt  }
0x4e: {  	_ =	shalt  }
0x4f: {  	_ =	shalt  }
0x50: {  	_ =	shalt  }
0x51: {  	_ =	shalt  }
0x52: {  	_ =	shalt  }
0x53: {  	_ =	shalt  }
0x54: {  	_ =	shalt  }
0x55: {  	_ =	shalt  }
0x56: {  	_ =	shalt  }
0x57: {  	_ =	shalt  }
0x58: {  	_ =	shalt  }
0x59: {  	_ =	shalt  }
0x5a: {  	_ =	shalt  }
0x5b: {  	_ =	shalt  }
0x5c: {  	_ =	shalt  }
0x5d: {  	_ =	shalt  }
0x5e: {  	_ =	shalt  }
0x5f: {  	_ =	shalt  }
0x60: {  	_ =	shalt  }
0x61: {  	_ =	shalt  }
0x62: {  	_ =	shalt  }
0x63: {  	_ =	shalt  }
0x64: {  	_ =	shalt  }
0x65: {  	_ =	shalt  }
0x66: {  	_ =	shalt  }
0x67: {  	_ =	shalt  }
0x68: {  	_ =	shalt  }
0x69: {  	_ =	shalt  }
0x6a: {  	_ =	shalt  }
0x6b: {  	_ =	shalt  }
0x6c: {  	_ =	shalt  }
0x6d: {  	_ =	shalt  }
0x6e: {  	_ =	shalt  }
0x6f: {  	_ =	shalt  }
0x70: {  	_ =	shalt  }
0x71: {  	_ =	shalt  }
0x72: {  	_ =	shalt  }
0x73: {  	_ =	shalt  }
0x74: {  	_ =	shalt  }
0x75: {  	_ =	shalt  }
0x76: {  	_ =	shalt  }
0x77: {  	_ =	shalt  }
0x78: {  	_ =	shalt  }
0x79: {  	_ =	shalt  }
0x7a: {  	_ =	shalt  }
0x7b: {  	_ =	shalt  }
0x7c: {  	_ =	shalt  }
0x7d: {  	_ =	shalt  }
0x7e: {  	_ =	shalt  }
0x7f: {  	_ =	shalt  }
0x80: {  	_ =	shalt  }
0x81: {  	_ =	shalt  }
0x82: {  	_ =	shalt  }
0x83: {  	_ =	shalt  }
0x84: {  	_ =	shalt  }
0x85: {  	_ =	shalt  }
0x86: {  	_ =	shalt  }
0x87: {  	_ =	shalt  }
.Lfunc_end0:
.L_simem_size_0:
called_computation.9_lowered:
.L_overlay_start_0:
0x88: {  	s2 =	sld [smem:$0x3FD9]  }
0x89: {  	s3 =	sld [smem:$0x3FFE];
	_ =	sdelay $0x1  }
0x8a: {  	s1 =	srdreg.scid  }
0x8b: {  	s0 =	sand.u32 $0x1, s1  }
0x8c: {  	s16 =	sshll.u32 s0, $0xA;
	s2 =	sadd.s32 s3, s2  }
0x8d: {  	s2 =	sadd.s32 s2, s16  }
0x8e: {  	[smem:$0x3FC4] =	sst s2  }
0x8f: {  	_ = 	snop  }
0x90: {  	(tm) =	ssettm $0x1  }
0x91: {  	s17 =	sld [smem:$0x3FFB];
	_ =	sdelay $0x3  }
0x92: {  	_ =	strace s17  }
0x93: {  	s2 =	sld [smem:$0x3FFC];
	_ =	sdelay $0x3  }
0x94: {  	_ =	strace s2  }
0x95: {  	s2 =	sld [smem:$0x3FFD];
	_ =	sdelay $0x3  }
0x96: {  	_ =	strace s2  }
0x97: {  	_ =	strace $0x8FFFFFFF  }
0x98: {  	s18 =	sld [smem:$0x3FDB];
	_ =	sdelay $0x1  }
0x99: {  	s19 =	simm.s32 $_scs_section_size  }
0x9a: {  	s4 =	simm.s32 $_size__tile_overlayer_lowered;
	s5 =	simm.s32 $_tile_overlayer_lowered  }
0x9b: {  	s22 =	simm.s32 $0x1BFF;
	s21 =	sshll.u32 s5, $0x1;
	s2 =	sadd.s32 s19, s18  }
0x9c: {  	s6 =	simm.s32 $0x0;
	s20 =	sshll.u32 s4, $0x1;
	s4 =	sadd.s32 s21, s2  }
0x9d: {  	[timem:s6], [sflag:s22] =	dma.local [hbm:s4], s20  }
0x9e: {  	_ =	swait.ge [sflag:s22], s20  }
0x9f: {  	s3 =	ssub.s32 $0x0, s20;
	[sflag:s22] =	ssyncset.done $0x0  }
0xa0: {  	[sflag:s22] =	ssyncadd.s32 s3;
	_ =	sdelay $0x1  }
0xa1: {  	s23 =	simm.s32 $0x1B8B  }
0xa2: {  	_ =	swait.ge [sflag:s23], $0x1  }
0xa3: {  	[sflag:s23] =	ssyncset.done $0x0  }
0xa4: {  	s25 =	simm.s32 $0x1B8E;
	s24 =	sld [smem:$0x3FFE];
	[sflag:s23] =	ssyncadd.s32 $0xFFFFFFFF  }
0xa5: {  	s26 =	simm.s32 $execute0_lowered;
	[smem:$0x3FD2] =	sst s25  }
0xa6: {  	s4 =	sshll.u32 s26, $0x1;
	_ =	strace $0x80000061;
	[dreg:$0x1] =	wrdreg $0xFFFFFFFF  }
0xa7: {  	s28 =	simm.s32 $_size_execute0_lowered;
	s2 =	sadd.s32 s2, s4;
	[dreg:$0x0] =	wrdreg $0x0  }
0xa8: {  	s4 =	sshll.u32 s28, $0x1;
	[dreg:$0x2] =	wrdreg s2  }
0xa9: {  	[dreg:$0x3] =	wrdreg s4  }
0xaa: {  	[dreg:$0x4] =	wrdreg $0xC0  }
0xab: {  	_ =	task [dreg:s6], $0x5FFFF  }
0xac: {  	[dreg:$0x1] =	wrdreg $0xFFFFFFFF  }
0xad: {  	[dreg:$0x0] =	wrdreg $0x60  }
0xae: {  	[dreg:$0x2] =	wrdreg s24  }
0xaf: {  	[dreg:$0x3] =	wrdreg $0x41000  }
0xb0: {  	[dreg:$0x4] =	wrdreg $0x9  }
0xb1: {  	_ =	task.clear_ibuf [dreg:s6], $0x5FFFF;
	_ =	strace $0x90000061  }
0xb2: {  	s29 =	simm.s32 $0x9;
	_ =	strace $0x80000063  }
0xb3: {  	_ =	swait.ge [sflag:s29], $0x1  }
0xb4: {  	[sflag:s29] =	ssyncadd.s32 $0xFFFFFFFF  }
0xb5: {  	_ =	strace $0x90000063  }
0xb6: {  	_ =	sfence  }
0xb7: {  	s30 =	sld [smem:$0x0];
	_ =	sdelay $0x2  }
0xb8: {  	s31 =	sshll.u32 s1, $0xD;
	s1 =	sshrl.u32 s1, $0x2  }
0xb9: {  	s3 =	sand.u32 $0x4000, s31;
	s1 =	sadd.s32 s1, s30  }
0xba: {  	s0 =	sor.u32 s3, s0;
	s1 =	sshll.u32 s1, $0x11  }
0xbb: {  	s0 =	sor.u32 s1, s0  }
0xbc: {  	s0 =	sadd.s32 $0x8F2B, s0  }
0xbd: {  	[sflag:s0] =	ssyncadd.remote.s32 $0x1  }
0xbe: {  	_ =	sfence.sel $0xFFFF  }
0xbf: {  	[dreg:$0x0] =	wrdreg $0xFFFFFFFF;
	(pc) =	sbr.abs _section_cstart, $3  }
0xc0: {  	[dreg:$0x1] =	wrdreg $0xFFFFFFFF  }
0xc1: {  	_ =	task.clear_ibuf [dreg:s6], $0x2FFFF;
	_ =	strace $0x9FFFFFFF  }
0xc2: {  	(tm) =	ssettm $0x7FFFFFFF  }
0xc3: {  	_ =	shalt  }
tec
execute0_lowered:
.L_overlay_start_1:
0x0: {  	(tag) =	ssettag $0x1  }
0x1: {  	s5 =	rddreg [dreg:$0x0];
	s0 =	srdreg.scid  }
0x2: {  	s2 =	rddreg [dreg:$0x1];
	s1 =	stileid.u32  }
0x3: {  	s3 =	simm.s32 $0x0;
	s13 =	simm.s32 $0x80;
	s8 =	smul.u32 $0x13C00, s1  }
0x4: {  	s14 =	simm.s32 $0x100;
	s15 =	simm.s32 $0x1;
	s26 =	smul.u32 $0x4F000, s1  }
0x5: {  	s6 =	sand.u32 $0x1, s0;
	s0 =	rddreg [dreg:$0x2];
	s30 =	smul.u32 $0x4F0, s1  }
0x6: {  	s16 =	simm.s32 $0x0;
	[smem:$0x7FF] =	sst s3;
	s7 =	smul.u32 $0x4F00, s6  }
0x7: {  	s4 =	sadd.s32 $0x17BA00, s5;
	s31 =	sshll.u32 s1, $0x6;
	s9 =	smul.u32 $0x13C000, s6  }
0x8: {  	_ =	strace $0x80000062;
	s6 =	ssub.s32 $0x2, s6;
	s25 =	sshrl.u32 s8, $0x3  }
0x9: {  	s28 =	sshrl.u32 s6, $0x1;
	s29 =	sshrl.u32 s26, $0x2;
	s10 =	sadd.s32 s7, s5  }
0xa: {  	s8 =	sadd.s32 s8, s9;
	s7 =	sadd.s32 s25, s5;
	s11 =	ssub.s32 s6, s28  }
0xb: {  	s12 =	sadd.s32 s29, s2;
	s6 =	sor.u32 $0x1C02, s31;
	s8 =	sshrl.u32 s8, $0x3  }
0xc: {  	s10 =	sadd.s32 s30, s10;
	s8 =	sadd.s32 s8, s5;
	s5 =	sadd.s32 $0x1B200, s7  }
0xd: {  	s9 =	sadd.s32 $0x7600, s10;
	s10 =	sadd.s32 $0x11400, s10;
	s7 =	sadd.s32 $0x1A2C00, s8  }
0xe: {  	s8 =	smax.u32 s11, $0x1;
	s11 =	sshrl.u32 s12, $0x3;
	s12 =	simm.s32 $0x2  }
.LBB2_1:
0xf: {  	[spmem:s11], [sflag:s6] =	dma.local [hbm:s5], $0x2780  }
0x10: {  	_ =	swait.ge [sflag:s12], $0x2780  }
0x11: {  	[sflag:s12] =	ssyncset.done $0x0  }
0x12: {  	[sflag:s12] =	ssyncadd.s32 $0xFFFFD880  }
0x13: {  	s17 =	sadd.s32 $0x0, s10;
	[bflag:$0x0] =	sbarrier.arrive $0xFFFF  }
0x14: {  	[tilespmem:s3], [sflag:$0x2] =	stream.linear.gather [hbm4b:s17+s3], $0x80, $0x38;
	[tilespmem:$0x17D00] =	vst v63  }
0x15: {  	_ =	swait.ge [sflag:s12], $0x80  }
0x16: {  	[sflag:s12] =	ssyncset.done $0x0  }
0x17: {  	s31 =	sadd.s32 $0x0, s9;
	[sflag:s12] =	ssyncadd.s32 $0xFFFFFF80  }
0x18: {  	[tilespmem:s13], [sflag:$0x2] =	stream.linear.gather [hbm4b:s31+s3], $0x80, $0x38;
	[tilespmem:$0x17D00] =	vst v63  }
0x19: {  	_ =	swait.ge [sflag:s12], $0x80  }
0x1a: {  	[sflag:s12] =	ssyncset.done $0x0  }
0x1b: {  	[sflag:s12] =	ssyncadd.s32 $0xFFFFFF80  }
0x1c: {  	[tilespmem:s14], [sflag:$0x1] =	stream.indirect.gather [hbm4b:s4+s13], $0x80, s3, s13, $0xb8;
	[tilespmem:$0x17D00] =	vst v63  }
0x1d: {  	_ =	swait.ge [sflag:s15], $0x4000  }
0x1e: {  	[sflag:s15] =	ssyncset.done $0x0  }
0x1f: {  	[sflag:s15] =	ssyncadd.s32 $0xFFFFC000  }
0x20: {  	[spmem:s2] =	stream.indirect.scatter.add.f32 [tilespmem:s14], [sflag:$0x2], $0x80, s13, s13, $0xb8;
	[tilespmem:$0x17D00] =	vst v63  }
0x21: {  	_ =	swait.ge [sflag:s12], $0x4000  }
0x22: {  	s18 =	simm.s32 $0x20;
	s17 =	simm.s32 $0x10;
	[sflag:s12] =	ssyncset.done $0x0  }
.LBB2_2:
0x23: {  	s19 =	sadd.s32 s17, s10  }
0x24: {  	[sflag:s12] =	ssyncadd.s32 $0xFFFFC000;
	s20 =	smov.u32 s18;
	s21 =	sadd.s32 $0x10, s18  }
0x25: {  	[tilespmem:s3], [sflag:$0x2] =	stream.linear.gather [hbm4b:s19+s3], $0x80, $0x38;
	[tilespmem:$0x17D00] =	vst v63  }
0x26: {  	p0 =	sne.s32 s18, $0x4E0;
	_ =	swait.ge [sflag:s12], $0x80  }
0x27: {  	[sflag:s12] =	ssyncset.done $0x0  }
0x28: {  	s18 =	sadd.s32 s17, s9;
	s17 =	smov.u32 s20;
	[sflag:s12] =	ssyncadd.s32 $0xFFFFFF80  }
0x29: {  	[tilespmem:s13], [sflag:$0x2] =	stream.linear.gather [hbm4b:s18+s3], $0x80, $0x38;
	[tilespmem:$0x17D00] =	vst v63  }
0x2a: {  	_ =	swait.ge [sflag:s12], $0x80  }
0x2b: {  	[sflag:s12] =	ssyncset.done $0x0  }
0x2c: {  	[sflag:s12] =	ssyncadd.s32 $0xFFFFFF80  }
0x2d: {  	[tilespmem:s14], [sflag:$0x1] =	stream.indirect.gather [hbm4b:s4+s13], $0x80, s3, s13, $0xb8;
	[tilespmem:$0x17D00] =	vst v63  }
0x2e: {  	_ =	swait.ge [sflag:s15], $0x4000  }
.Ltmp0:
0x2f: {  	[sflag:s15] =	ssyncset.done $0x0;
	(pc) =	sbr.rel @p0 .LBB2_2-.Ltmp0, $4  }
0x30: {  	[sflag:s15] =	ssyncadd.s32 $0xFFFFC000  }
0x31: {  	[spmem:s2] =	stream.indirect.scatter.add.f32 [tilespmem:s14], [sflag:$0x2], $0x80, s13, s13, $0xb8;
	[tilespmem:$0x17D00] =	vst v63  }
0x32: {  	_ =	swait.ge [sflag:s12], $0x4000  }
0x33: {  	s18 =	smov.u32 s21;
	[sflag:s12] =	ssyncset.done $0x0  }
0x34: {  	s18 =	sadd.s32 s17, s10;
	[sflag:s12] =	ssyncadd.s32 $0xFFFFC000  }
0x35: {  	[tilespmem:s3], [sflag:$0x2] =	stream.linear.gather [hbm4b:s18+s3], $0x80, $0x38;
	[tilespmem:$0x17D00] =	vst v63  }
0x36: {  	_ =	swait.ge [sflag:s12], $0x80  }
0x37: {  	[sflag:s12] =	ssyncset.done $0x0  }
0x38: {  	s31 =	sadd.s32 s17, s9;
	[sflag:s12] =	ssyncadd.s32 $0xFFFFFF80  }
0x39: {  	[tilespmem:s13], [sflag:$0x2] =	stream.linear.gather [hbm4b:s31+s3], $0x80, $0x38;
	[tilespmem:$0x17D00] =	vst v63  }
0x3a: {  	_ =	swait.ge [sflag:s12], $0x80  }
0x3b: {  	[sflag:s12] =	ssyncset.done $0x0  }
0x3c: {  	[sflag:s12] =	ssyncadd.s32 $0xFFFFFF80  }
0x3d: {  	[tilespmem:s14], [sflag:$0x1] =	stream.indirect.gather [hbm4b:s4+s13], $0x80, s3, s13, $0xb8;
	[tilespmem:$0x17D00] =	vst v63  }
0x3e: {  	_ =	swait.ge [sflag:s15], $0x4000  }
0x3f: {  	[sflag:s15] =	ssyncset.done $0x0  }
0x40: {  	[sflag:s15] =	ssyncadd.s32 $0xFFFFC000  }
0x41: {  	[spmem:s2] =	stream.indirect.scatter.add.f32 [tilespmem:s14], [sflag:$0x2], $0x80, s13, s13, $0xb8;
	[tilespmem:$0x17D00] =	vst v63  }
0x42: {  	_ =	swait.ge [sflag:s12], $0x4000  }
0x43: {  	s16 =	sadd.s32 $0x1, s16;
	[sflag:s12] =	ssyncset.done $0x0  }
0x44: {  	p0 =	sne.s32 s16, s8;
	[sflag:s12] =	ssyncadd.s32 $0xFFFFC000  }
.Ltmp1:
0x45: {  	[bflag:$0x0] =	sbarrier.arrive $0xFFFF;
	(pc) =	sbr.rel @p0 .LBB2_1-.Ltmp1, $4  }
0x46: {  	[hbm:s7], [sflag:s6] =	dma.local [spmem:s11], $0x2780  }
0x47: {  	_ =	swait.ge [sflag:s12], $0x2780  }
0x48: {  	[sflag:s12] =	ssyncset.done $0x0  }
0x49: {  	[sflag:s12] =	ssyncadd.s32 $0xFFFFD880  }
0x4a: {  	_ =	sfence.sel $0x180000  }
0x4b: {  	[bflag:$0x0] =	sbarrier.arrive $0xFFFF  }
0x4c: {  	p0 =	sne.s32 s1, $0x0;
	_ =	strace $0x90000062  }
0x4d: {  	s0 =	sadd.s32 @!p0 $0x100000, s0;
	[bflag:$0x2] =	sbarrier.arrive $0xFFFF  }
0x4e: {  	[sflag:s0] =	ssyncadd.tile.s32 @!p0 $0x1;
	_ =	shalt  }
.Lfunc_end2:
_tile_overlayer_lowered:
.L_overlay_start_2:
0x4f: {  	(tag) =	ssettag $0x2  }
0x50: {  	s0 =	rddreg [dreg:$0x0];
	s2 =	stileid.u32  }
0x51: {  	s1 =	rddreg [dreg:$0x1];
	p0 =	sne.s32 s2, $0x0  }
0x52: {  	s3 =	rddreg [dreg:$0x2];
	[bflag:$0x3] =	sbarrier.arrive $0xFFFF;
	s2 =	simm.s32 @!p0 $0x1C02  }
0x53: {  	[timem:s3], [sflag:s2] =	dma.local @!p0 [hbm:s0], s1  }
0x54: {  	s0 =	simm.s32 @!p0 $0x2  }
0x55: {  	_ =	swait.ge @!p0 [sflag:s0], s1  }
0x56: {  	s1 =	ssub.s32 @!p0 $0x0, s1;
	[sflag:s0] =	ssyncset.done @!p0 $0x0  }
0x57: {  	[sflag:s0] =	ssyncadd.s32 @!p0 s1  }
0x58: {  	[bflag:$0x3] =	sbarrier.arrive $0xFFFF  }
0x59: {  	_ =	shalt  }

// kernel: kernel.55.cloned.1.call-start
scs
__scs_entry_jumppad:
0x0: {  	(pc) =	sbr.rel $0x88, $3  }
0x1: {  	(tag) =	ssettag $0x0;
	lr =	simm.s32 $0x1  }
0x2: {  	[smem:$0x3F9D] =	sst lr;
	_ =	strace $0xD0000000  }
0x3: {  	_ = 	snop  }
0x4: {  	_ = 	snop  }
0x5: {  	_ = 	snop  }
0x6: {  	_ = 	snop  }
0x7: {  	_ = 	snop  }
__scs_overlays_trampoline_lowered:
0x8: {  	[smem:$0x3FAC] =	sst s0  }
0x9: {  	[smem:$0x3FAD] =	sst s1  }
0xa: {  	[smem:$0x3FAE] =	sst s2  }
0xb: {  	[smem:$0x3FAF] =	sst s3  }
0xc: {  	[smem:$0x3FB0] =	sst s4  }
0xd: {  	[smem:$0x3FB1] =	sst s5  }
0xe: {  	[smem:$0x3FB2] =	sst s6  }
0xf: {  	[smem:$0x3FB3] =	sst s7  }
0x10: {  	[smem:$0x3FB4] =	sst s8  }
0x11: {  	[smem:$0x3FB5] =	sst s9;
	s0 =	simm.s32 @!p0 $0x0  }
0x12: {  	s1 =	sld [smem:$0x3F9B];
	s0 =	simm.s32 @p0 $0x1  }
0x13: {  	[smem:$0x3FB6] =	sst s0;
	s0 =	simm.s32 @!p1 $0x0  }
0x14: {  	s2 =	sld [smem:$0x3F9A];
	s0 =	simm.s32 @p1 $0x1  }
0x15: {  	[smem:$0x3FB7] =	sst s0;
	s0 =	simm.s32 @!p2 $0x0  }
0x16: {  	s3 =	sld [smem:$0x3FDB];
	s0 =	simm.s32 @p2 $0x1  }
0x17: {  	s4 =	simm.s32 $0x1BF5;
	[smem:$0x3FB9] =	sst s0  }
0x18: {  	s0 =	sld [smem:$0x3F9C];
	_ =	swait.ge [sflag:s4], $0x0  }
0x19: {  	s7 =	sld [smem:$0x3F9D]  }
0x1a: {  	s8 =	sadd.s32 $0xFFFFE003, lr  }
0x1b: {  	s9 =	sadd.s32 $0xFFFFFEF7, lr;
	s5 =	simm.s32 $0xFFFFFFFF;
	p2 =	slt.u32 s8, $0xFFFFF086  }
0x1c: {  	p1 =	slt.u32 s9, $0xF7A;
	s5 =	simm.s32 @!p2 $0x0  }
0x1d: {  	s5 =	simm.s32 @p1 $0x1;
	p0 =	seq.s32 s7, s2  }
0x1e: {  	s7 =	smul.u32 @!p0 $0xF7A, s2;
	p2 =	seq.s32 @!p0 s5, $0x0  }
0x1f: {  	s9 =	smul.u32 $0xF7A, s1;
	s8 =	simm.s32 @!p0 $0x1BF5;
	p2 =	por !p2, p0  }
0x20: {  	[sflag:s8] =	ssyncset.s32 @!p0 $0xFFFFF086;
	s6 =	sadd.s32 @!p0 s3, s7;
	s7 =	simm.s32 @!p0 $0x108  }
0x21: {  	s3 =	sadd.s32 s3, s9;
	s6 =	sadd.s32 @!p0 $0x88, s6;
	s7 =	simm.s32 @p2 $0x1082  }
0x22: {  	[simem:s7], [sflag:s8] =	dma.local @!p0 [hbm:s6], $0xF7A  }
0x23: {  	s9 =	sor.u32 $0xD0000000, s2;
	s6 =	simm.s32 $0x108;
	_ =	swait.ge @!p0 [sflag:s8], $0x0  }
0x24: {  	s3 =	sadd.s32 $0x88, s3;
	s6 =	simm.s32 @!p1 $0x1082;
	[sflag:s4] =	ssyncset.s32 $0xFFFFF086  }
0x25: {  	[simem:s6], [sflag:s4] =	dma.local [hbm:s3], $0xF7A  }
0x26: {  	[smem:$0x3F9D] =	sst s1;
	(tag) =	ssettag s2;
	_ =	strace s9  }
0x27: {  	s1 =	sld [smem:$0x3FAD]  }
0x28: {  	s2 =	sld [smem:$0x3FAE]  }
0x29: {  	s4 =	sld [smem:$0x3FB0]  }
0x2a: {  	p0 =	seq.s32 s5, $0x0;
	s5 =	sld [smem:$0x3FB1]  }
0x2b: {  	s6 =	sld [smem:$0x3FB2]  }
0x2c: {  	s7 =	sld [smem:$0x3FB3]  }
0x2d: {  	s3 =	simm.s32 $0x108;
	s8 =	sld [smem:$0x3FB4]  }
0x2e: {  	s3 =	simm.s32 @!p0 $0x1082;
	s9 =	sld [smem:$0x3FB5]  }
0x2f: {  	lr =	sadd.s32 s0, s3;
	s0 =	sld [smem:$0x3FAC]  }
0x30: {  	s3 =	sld [smem:$0x3FAF]  }
0x31: {  	[smem:$0x3FB8] =	sst s10  }
0x32: {  	s10 =	sld [smem:$0x3FB6];
	_ =	sdelay $0x3  }
0x33: {  	p0 =	seq.s32 s10, $0x1;
	s10 =	sld [smem:$0x3FB8];
	_ =	sdelay $0x3  }
0x34: {  	[smem:$0x3FB8] =	sst s10  }
0x35: {  	s10 =	sld [smem:$0x3FB7];
	_ =	sdelay $0x3  }
0x36: {  	p1 =	seq.s32 s10, $0x1;
	s10 =	sld [smem:$0x3FB8];
	_ =	sdelay $0x3  }
0x37: {  	[smem:$0x3FB8] =	sst s10  }
0x38: {  	s10 =	sld [smem:$0x3FB9]  }
0x39: {  	_ = 	snop;
	(pc) =	sbr.ind lr, $3  }
0x3a: {  	_ = 	snop  }
0x3b: {  	_ = 	snop  }
0x3c: {  	p2 =	seq.s32 s10, $0x1;
	s10 =	sld [smem:$0x3FB8]  }
0x3d: {  	_ =	shalt  }
0x3e: {  	_ =	shalt  }
0x3f: {  	_ =	shalt  }
0x40: {  	_ =	shalt  }
0x41: {  	_ =	shalt  }
0x42: {  	_ =	shalt  }
0x43: {  	_ =	shalt  }
0x44: {  	_ =	shalt  }
0x45: {  	_ =	shalt  }
0x46: {  	_ =	shalt  }
0x47: {  	_ =	shalt  }
0x48: {  	_ =	shalt  }
0x49: {  	_ =	shalt  }
0x4a: {  	_ =	shalt  }
0x4b: {  	_ =	shalt  }
0x4c: {  	_ =	shalt  }
0x4d: {  	_ =	shalt  }
0x4e: {  	_ =	shalt  }
0x4f: {  	_ =	shalt  }
0x50: {  	_ =	shalt  }
0x51: {  	_ =	shalt  }
0x52: {  	_ =	shalt  }
0x53: {  	_ =	shalt  }
0x54: {  	_ =	shalt  }
0x55: {  	_ =	shalt  }
0x56: {  	_ =	shalt  }
0x57: {  	_ =	shalt  }
0x58: {  	_ =	shalt  }
0x59: {  	_ =	shalt  }
0x5a: {  	_ =	shalt  }
0x5b: {  	_ =	shalt  }
0x5c: {  	_ =	shalt  }
0x5d: {  	_ =	shalt  }
0x5e: {  	_ =	shalt  }
0x5f: {  	_ =	shalt  }
0x60: {  	_ =	shalt  }
0x61: {  	_ =	shalt  }
0x62: {  	_ =	shalt  }
0x63: {  	_ =	shalt  }
0x64: {  	_ =	shalt  }
0x65: {  	_ =	shalt  }
0x66: {  	_ =	shalt  }
0x67: {  	_ =	shalt  }
0x68: {  	_ =	shalt  }
0x69: {  	_ =	shalt  }
0x6a: {  	_ =	shalt  }
0x6b: {  	_ =	shalt  }
0x6c: {  	_ =	shalt  }
0x6d: {  	_ =	shalt  }
0x6e: {  	_ =	shalt  }
0x6f: {  	_ =	shalt  }
0x70: {  	_ =	shalt  }
0x71: {  	_ =	shalt  }
0x72: {  	_ =	shalt  }
0x73: {  	_ =	shalt  }
0x74: {  	_ =	shalt  }
0x75: {  	_ =	shalt  }
0x76: {  	_ =	shalt  }
0x77: {  	_ =	shalt  }
0x78: {  	_ =	shalt  }
0x79: {  	_ =	shalt  }
0x7a: {  	_ =	shalt  }
0x7b: {  	_ =	shalt  }
0x7c: {  	_ =	shalt  }
0x7d: {  	_ =	shalt  }
0x7e: {  	_ =	shalt  }
0x7f: {  	_ =	shalt  }
0x80: {  	_ =	shalt  }
0x81: {  	_ =	shalt  }
0x82: {  	_ =	shalt  }
0x83: {  	_ =	shalt  }
0x84: {  	_ =	shalt  }
0x85: {  	_ =	shalt  }
0x86: {  	_ =	shalt  }
0x87: {  	_ =	shalt  }
.Lfunc_end0:
.L_simem_size_0:
called_computation.10_lowered:
.L_overlay_start_0:
0x88: {  	s2 =	sld [smem:$0x3FD9]  }
0x89: {  	s3 =	sld [smem:$0x3FFE];
	_ =	sdelay $0x1  }
0x8a: {  	s1 =	srdreg.scid  }
0x8b: {  	s0 =	sand.u32 $0x1, s1  }
0x8c: {  	s16 =	sshll.u32 s0, $0xA;
	s2 =	sadd.s32 s3, s2  }
0x8d: {  	s2 =	sadd.s32 s2, s16  }
0x8e: {  	[smem:$0x3FC4] =	sst s2  }
0x8f: {  	_ = 	snop  }
0x90: {  	(tm) =	ssettm $0x1  }
0x91: {  	s17 =	sld [smem:$0x3FFB];
	_ =	sdelay $0x3  }
0x92: {  	_ =	strace s17  }
0x93: {  	s2 =	sld [smem:$0x3FFC];
	_ =	sdelay $0x3  }
0x94: {  	_ =	strace s2  }
0x95: {  	s2 =	sld [smem:$0x3FFD];
	_ =	sdelay $0x3  }
0x96: {  	_ =	strace s2  }
0x97: {  	_ =	strace $0x8FFFFFFF  }
0x98: {  	s18 =	sld [smem:$0x3FDB];
	_ =	sdelay $0x1  }
0x99: {  	s19 =	simm.s32 $_scs_section_size  }
0x9a: {  	s4 =	simm.s32 $_size__tile_overlayer_lowered;
	s5 =	simm.s32 $_tile_overlayer_lowered  }
0x9b: {  	s22 =	simm.s32 $0x1BFF;
	s21 =	sshll.u32 s5, $0x1;
	s2 =	sadd.s32 s19, s18  }
0x9c: {  	s6 =	simm.s32 $0x0;
	s20 =	sshll.u32 s4, $0x1;
	s4 =	sadd.s32 s21, s2  }
0x9d: {  	[timem:s6], [sflag:s22] =	dma.local [hbm:s4], s20  }
0x9e: {  	_ =	swait.ge [sflag:s22], s20  }
0x9f: {  	s3 =	ssub.s32 $0x0, s20;
	[sflag:s22] =	ssyncset.done $0x0  }
0xa0: {  	[sflag:s22] =	ssyncadd.s32 s3;
	_ =	sdelay $0x1  }
0xa1: {  	s23 =	simm.s32 $0x1B8B  }
0xa2: {  	_ =	swait.ge [sflag:s23], $0x1  }
0xa3: {  	[sflag:s23] =	ssyncset.done $0x0  }
0xa4: {  	s25 =	simm.s32 $0x1B8E;
	s24 =	sld [smem:$0x3FFE];
	[sflag:s23] =	ssyncadd.s32 $0xFFFFFFFF  }
0xa5: {  	s26 =	simm.s32 $execute0_lowered;
	[smem:$0x3FD2] =	sst s25  }
0xa6: {  	s4 =	sshll.u32 s26, $0x1;
	_ =	strace $0x80000064;
	[dreg:$0x1] =	wrdreg $0xFFFFFFFF  }
0xa7: {  	s28 =	simm.s32 $_size_execute0_lowered;
	s2 =	sadd.s32 s2, s4;
	[dreg:$0x0] =	wrdreg $0x0  }
0xa8: {  	s4 =	sshll.u32 s28, $0x1;
	[dreg:$0x2] =	wrdreg s2  }
0xa9: {  	[dreg:$0x3] =	wrdreg s4  }
0xaa: {  	[dreg:$0x4] =	wrdreg $0xC0  }
0xab: {  	_ =	task [dreg:s6], $0x5FFFF  }
0xac: {  	[dreg:$0x1] =	wrdreg $0xFFFFFFFF  }
0xad: {  	[dreg:$0x0] =	wrdreg $0x60  }
0xae: {  	[dreg:$0x2] =	wrdreg s24  }
0xaf: {  	[dreg:$0x3] =	wrdreg $0x41000  }
0xb0: {  	[dreg:$0x4] =	wrdreg $0x9  }
0xb1: {  	_ =	task.clear_ibuf [dreg:s6], $0x5FFFF;
	_ =	strace $0x90000064  }
0xb2: {  	s29 =	simm.s32 $0x9;
	_ =	strace $0x80000066  }
0xb3: {  	_ =	swait.ge [sflag:s29], $0x1  }
0xb4: {  	[sflag:s29] =	ssyncadd.s32 $0xFFFFFFFF  }
0xb5: {  	_ =	strace $0x90000066  }
0xb6: {  	_ =	sfence  }
0xb7: {  	s30 =	sld [smem:$0x0];
	_ =	sdelay $0x2  }
0xb8: {  	s31 =	sshll.u32 s1, $0xD;
	s1 =	sshrl.u32 s1, $0x2  }
0xb9: {  	s3 =	sand.u32 $0x4000, s31;
	s1 =	sadd.s32 s1, s30  }
0xba: {  	s0 =	sor.u32 s3, s0;
	s1 =	sshll.u32 s1, $0x11  }
0xbb: {  	s0 =	sor.u32 s1, s0  }
0xbc: {  	s0 =	sadd.s32 $0x8F2B, s0  }
0xbd: {  	[sflag:s0] =	ssyncadd.remote.s32 $0x1  }
0xbe: {  	_ =	sfence.sel $0xFFFF  }
0xbf: {  	[dreg:$0x0] =	wrdreg $0xFFFFFFFF;
	(pc) =	sbr.abs _section_cstart, $3  }
0xc0: {  	[dreg:$0x1] =	wrdreg $0xFFFFFFFF  }
0xc1: {  	_ =	task.clear_ibuf [dreg:s6], $0x2FFFF;
	_ =	strace $0x9FFFFFFF  }
0xc2: {  	(tm) =	ssettm $0x7FFFFFFF  }
0xc3: {  	_ =	shalt  }
tec
execute0_lowered:
.L_overlay_start_1:
0x0: {  	(tag) =	ssettag $0x1  }
0x1: {  	s5 =	rddreg [dreg:$0x0];
	s0 =	srdreg.scid  }
0x2: {  	s2 =	rddreg [dreg:$0x1];
	s1 =	stileid.u32  }
0x3: {  	s3 =	simm.s32 $0x0;
	s13 =	simm.s32 $0x80;
	s8 =	smul.u32 $0x13C00, s1  }
0x4: {  	s14 =	simm.s32 $0x100;
	s15 =	simm.s32 $0x1;
	s26 =	smul.u32 $0x4F000, s1  }
0x5: {  	s6 =	sand.u32 $0x1, s0;
	s0 =	rddreg [dreg:$0x2];
	s30 =	smul.u32 $0x4F0, s1  }
0x6: {  	s16 =	simm.s32 $0x0;
	[smem:$0x7FF] =	sst s3;
	s7 =	smul.u32 $0x4F00, s6  }
0x7: {  	s4 =	sadd.s32 $0x1A2C00, s5;
	s31 =	sshll.u32 s1, $0x6;
	s9 =	smul.u32 $0x13C000, s6  }
0x8: {  	_ =	strace $0x80000065;
	s6 =	ssub.s32 $0x2, s6;
	s25 =	sshrl.u32 s8, $0x3  }
0x9: {  	s28 =	sshrl.u32 s6, $0x1;
	s29 =	sshrl.u32 s26, $0x2;
	s10 =	sadd.s32 s7, s5  }
0xa: {  	s8 =	sadd.s32 s8, s9;
	s7 =	sadd.s32 s25, s5;
	s11 =	ssub.s32 s6, s28  }
0xb: {  	s12 =	sadd.s32 s29, s2;
	s6 =	sor.u32 $0x1C02, s31;
	s8 =	sshrl.u32 s8, $0x3  }
0xc: {  	s10 =	sadd.s32 s30, s10;
	s8 =	sadd.s32 s8, s5;
	s5 =	sadd.s32 $0x1B200, s7  }
0xd: {  	s9 =	sadd.s32 $0x7600, s10;
	s10 =	sadd.s32 $0x11400, s10;
	s7 =	sadd.s32 $0x1C9E00, s8  }
0xe: {  	s8 =	smax.u32 s11, $0x1;
	s11 =	sshrl.u32 s12, $0x3;
	s12 =	simm.s32 $0x2  }
.LBB2_1:
0xf: {  	[spmem:s11], [sflag:s6] =	dma.local [hbm:s5], $0x2780  }
0x10: {  	_ =	swait.ge [sflag:s12], $0x2780  }
0x11: {  	[sflag:s12] =	ssyncset.done $0x0  }
0x12: {  	[sflag:s12] =	ssyncadd.s32 $0xFFFFD880  }
0x13: {  	s17 =	sadd.s32 $0x0, s10;
	[bflag:$0x0] =	sbarrier.arrive $0xFFFF  }
0x14: {  	[tilespmem:s3], [sflag:$0x2] =	stream.linear.gather [hbm4b:s17+s3], $0x80, $0x38;
	[tilespmem:$0x17D00] =	vst v63  }
0x15: {  	_ =	swait.ge [sflag:s12], $0x80  }
0x16: {  	[sflag:s12] =	ssyncset.done $0x0  }
0x17: {  	s31 =	sadd.s32 $0x0, s9;
	[sflag:s12] =	ssyncadd.s32 $0xFFFFFF80  }
0x18: {  	[tilespmem:s13], [sflag:$0x2] =	stream.linear.gather [hbm4b:s31+s3], $0x80, $0x38;
	[tilespmem:$0x17D00] =	vst v63  }
0x19: {  	_ =	swait.ge [sflag:s12], $0x80  }
0x1a: {  	[sflag:s12] =	ssyncset.done $0x0  }
0x1b: {  	[sflag:s12] =	ssyncadd.s32 $0xFFFFFF80  }
0x1c: {  	[tilespmem:s14], [sflag:$0x1] =	stream.indirect.gather [hbm4b:s4+s13], $0x80, s3, s13, $0xb8;
	[tilespmem:$0x17D00] =	vst v63  }
0x1d: {  	_ =	swait.ge [sflag:s15], $0x4000  }
0x1e: {  	[sflag:s15] =	ssyncset.done $0x0  }
0x1f: {  	[sflag:s15] =	ssyncadd.s32 $0xFFFFC000  }
0x20: {  	[spmem:s2] =	stream.indirect.scatter.add.f32 [tilespmem:s14], [sflag:$0x2], $0x80, s13, s13, $0xb8;
	[tilespmem:$0x17D00] =	vst v63  }
0x21: {  	_ =	swait.ge [sflag:s12], $0x4000  }
0x22: {  	s18 =	simm.s32 $0x20;
	s17 =	simm.s32 $0x10;
	[sflag:s12] =	ssyncset.done $0x0  }
.LBB2_2:
0x23: {  	s19 =	sadd.s32 s17, s10  }
0x24: {  	[sflag:s12] =	ssyncadd.s32 $0xFFFFC000;
	s20 =	smov.u32 s18;
	s21 =	sadd.s32 $0x10, s18  }
0x25: {  	[tilespmem:s3], [sflag:$0x2] =	stream.linear.gather [hbm4b:s19+s3], $0x80, $0x38;
	[tilespmem:$0x17D00] =	vst v63  }
0x26: {  	p0 =	sne.s32 s18, $0x4E0;
	_ =	swait.ge [sflag:s12], $0x80  }
0x27: {  	[sflag:s12] =	ssyncset.done $0x0  }
0x28: {  	s18 =	sadd.s32 s17, s9;
	s17 =	smov.u32 s20;
	[sflag:s12] =	ssyncadd.s32 $0xFFFFFF80  }
0x29: {  	[tilespmem:s13], [sflag:$0x2] =	stream.linear.gather [hbm4b:s18+s3], $0x80, $0x38;
	[tilespmem:$0x17D00] =	vst v63  }
0x2a: {  	_ =	swait.ge [sflag:s12], $0x80  }
0x2b: {  	[sflag:s12] =	ssyncset.done $0x0  }
0x2c: {  	[sflag:s12] =	ssyncadd.s32 $0xFFFFFF80  }
0x2d: {  	[tilespmem:s14], [sflag:$0x1] =	stream.indirect.gather [hbm4b:s4+s13], $0x80, s3, s13, $0xb8;
	[tilespmem:$0x17D00] =	vst v63  }
0x2e: {  	_ =	swait.ge [sflag:s15], $0x4000  }
.Ltmp0:
0x2f: {  	[sflag:s15] =	ssyncset.done $0x0;
	(pc) =	sbr.rel @p0 .LBB2_2-.Ltmp0, $4  }
0x30: {  	[sflag:s15] =	ssyncadd.s32 $0xFFFFC000  }
0x31: {  	[spmem:s2] =	stream.indirect.scatter.add.f32 [tilespmem:s14], [sflag:$0x2], $0x80, s13, s13, $0xb8;
	[tilespmem:$0x17D00] =	vst v63  }
0x32: {  	_ =	swait.ge [sflag:s12], $0x4000  }
0x33: {  	s18 =	smov.u32 s21;
	[sflag:s12] =	ssyncset.done $0x0  }
0x34: {  	s18 =	sadd.s32 s17, s10;
	[sflag:s12] =	ssyncadd.s32 $0xFFFFC000  }
0x35: {  	[tilespmem:s3], [sflag:$0x2] =	stream.linear.gather [hbm4b:s18+s3], $0x80, $0x38;
	[tilespmem:$0x17D00] =	vst v63  }
0x36: {  	_ =	swait.ge [sflag:s12], $0x80  }
0x37: {  	[sflag:s12] =	ssyncset.done $0x0  }
0x38: {  	s31 =	sadd.s32 s17, s9;
	[sflag:s12] =	ssyncadd.s32 $0xFFFFFF80  }
0x39: {  	[tilespmem:s13], [sflag:$0x2] =	stream.linear.gather [hbm4b:s31+s3], $0x80, $0x38;
	[tilespmem:$0x17D00] =	vst v63  }
0x3a: {  	_ =	swait.ge [sflag:s12], $0x80  }
0x3b: {  	[sflag:s12] =	ssyncset.done $0x0  }
0x3c: {  	[sflag:s12] =	ssyncadd.s32 $0xFFFFFF80  }
0x3d: {  	[tilespmem:s14], [sflag:$0x1] =	stream.indirect.gather [hbm4b:s4+s13], $0x80, s3, s13, $0xb8;
	[tilespmem:$0x17D00] =	vst v63  }
0x3e: {  	_ =	swait.ge [sflag:s15], $0x4000  }
0x3f: {  	[sflag:s15] =	ssyncset.done $0x0  }
0x40: {  	[sflag:s15] =	ssyncadd.s32 $0xFFFFC000  }
0x41: {  	[spmem:s2] =	stream.indirect.scatter.add.f32 [tilespmem:s14], [sflag:$0x2], $0x80, s13, s13, $0xb8;
	[tilespmem:$0x17D00] =	vst v63  }
0x42: {  	_ =	swait.ge [sflag:s12], $0x4000  }
0x43: {  	s16 =	sadd.s32 $0x1, s16;
	[sflag:s12] =	ssyncset.done $0x0  }
0x44: {  	p0 =	sne.s32 s16, s8;
	[sflag:s12] =	ssyncadd.s32 $0xFFFFC000  }
.Ltmp1:
0x45: {  	[bflag:$0x0] =	sbarrier.arrive $0xFFFF;
	(pc) =	sbr.rel @p0 .LBB2_1-.Ltmp1, $4  }
0x46: {  	[hbm:s7], [sflag:s6] =	dma.local [spmem:s11], $0x2780  }
0x47: {  	_ =	swait.ge [sflag:s12], $0x2780  }
0x48: {  	[sflag:s12] =	ssyncset.done $0x0  }
0x49: {  	[sflag:s12] =	ssyncadd.s32 $0xFFFFD880  }
0x4a: {  	_ =	sfence.sel $0x180000  }
0x4b: {  	[bflag:$0x0] =	sbarrier.arrive $0xFFFF  }
0x4c: {  	p0 =	sne.s32 s1, $0x0;
	_ =	strace $0x90000065  }
0x4d: {  	s0 =	sadd.s32 @!p0 $0x100000, s0;
	[bflag:$0x2] =	sbarrier.arrive $0xFFFF  }
0x4e: {  	[sflag:s0] =	ssyncadd.tile.s32 @!p0 $0x1;
	_ =	shalt  }
.Lfunc_end2:
_tile_overlayer_lowered:
.L_overlay_start_2:
0x4f: {  	(tag) =	ssettag $0x2  }
0x50: {  	s0 =	rddreg [dreg:$0x0];
	s2 =	stileid.u32  }
0x51: {  	s1 =	rddreg [dreg:$0x1];
	p0 =	sne.s32 s2, $0x0  }
0x52: {  	s3 =	rddreg [dreg:$0x2];
	[bflag:$0x3] =	sbarrier.arrive $0xFFFF;
	s2 =	simm.s32 @!p0 $0x1C02  }
0x53: {  	[timem:s3], [sflag:s2] =	dma.local @!p0 [hbm:s0], s1  }
0x54: {  	s0 =	simm.s32 @!p0 $0x2  }
0x55: {  	_ =	swait.ge @!p0 [sflag:s0], s1  }
0x56: {  	s1 =	ssub.s32 @!p0 $0x0, s1;
	[sflag:s0] =	ssyncset.done @!p0 $0x0  }
0x57: {  	[sflag:s0] =	ssyncadd.s32 @!p0 s1  }
0x58: {  	[bflag:$0x3] =	sbarrier.arrive $0xFFFF  }
0x59: {  	_ =	shalt  }

</sc_bundles>
